<compile_context>
chip_gen: v7x
topology: tpu7x:2x2x1
jax: 0.10.2.dev20260603
libtpu: 0.0.44.dev20260713+nightly
codegen_flags: <defaults>
</compile_context>

<pallas_src>
import functools

import jax
import jax.numpy as jnp
from jax import lax
from jax.experimental import pallas as pl
from jax.experimental.pallas import tpu as pltpu
from jax.experimental.pallas import tpu_sc as plsc

H = 2048
W = 2048
NCH = 10
NOUT = 8
LANES = 16

_info = plsc.get_sparse_core_info()
NC = _info.num_cores
NS = _info.num_subcores
NW = NC * NS
ROWS_PER_W = H // NW

CW = W // 2
NCHUNK = ROWS_PER_W * 2
NBUF = 4


def _magnitude(dx, dy):
    s = dx * dx + dy * dy
    bits = lax.bitcast_convert_type(s, jnp.int32)
    seed = jnp.int32(0x5F3759DF) - (bits >> 1)
    y = lax.bitcast_convert_type(seed, jnp.float32)
    hs = s * jnp.float32(0.5)
    for _ in range(2):
        y = y * (jnp.float32(1.5) - hs * y * y)
    return s * y


def _compute_chunk(in_v, out_v):
    @plsc.parallel_loop(0, CW // LANES, unroll=2)
    def vec_body(i):
        sl = pl.ds(i * LANES, LANES)
        c = [in_v[ch, sl] for ch in range(NOUT)]
        m01 = jnp.maximum(c[0], c[1])
        m23 = jnp.maximum(c[2], c[3])
        m45 = jnp.maximum(c[4], c[5])
        m67 = jnp.maximum(c[6], c[7])
        m = jnp.maximum(jnp.maximum(m01, m23), jnp.maximum(m45, m67))
        one = jnp.ones((LANES,), jnp.int32)
        nil = jnp.zeros((LANES,), jnp.int32)
        e = [jnp.where(ci == m, one, nil) for ci in c]
        o01 = e[0] | e[1]
        o23 = e[2] | e[3]
        o45 = e[4] | e[5]
        o03 = o01 | o23
        p = [None, e[0], o01, o01 | e[2], o03, o03 | e[4], o03 | o45,
             o03 | o45 | e[6]]
        mag = _magnitude(in_v[8, sl], in_v[9, sl])
        zero = jnp.zeros((LANES,), jnp.float32)
        out_v[0, sl] = jnp.where(e[0] > nil, mag, zero)
        for ch in range(1, NOUT):
            out_v[ch, sl] = jnp.where(e[ch] > p[ch], mag, zero)


def _sc_kernel(x_hbm, out_hbm, *refs):
    ins = refs[0:NBUF]
    outs = refs[NBUF : 2 * NBUF]
    sems_i = refs[2 * NBUF : 3 * NBUF]
    sems_o = refs[3 * NBUF : 4 * NBUF]

    wid = lax.axis_index("s") * NC + lax.axis_index("c")
    chunk0 = wid * NCHUNK

    def in_cp(q, b):
        r = q // 2
        col = (q % 2) * CW
        return pltpu.make_async_copy(
            x_hbm.at[0, :, r, pl.ds(col, CW)], ins[b], sems_i[b]
        )

    def out_cp(q, b):
        r = q // 2
        col = (q % 2) * CW
        return pltpu.make_async_copy(
            outs[b], out_hbm.at[0, :, r, pl.ds(col, CW)], sems_o[b]
        )

    for b in range(NBUF):
        in_cp(chunk0 + b, b).start()

    for b in range(NBUF):
        q = chunk0 + b
        in_cp(q, b).wait()
        _compute_chunk(ins[b], outs[b])
        out_cp(q, b).start()
        in_cp(q + NBUF, b).start()

    def group_body(g, _):
        q0 = chunk0 + NBUF * g
        for b in range(NBUF):
            q = q0 + b
            in_cp(q, b).wait()
            out_cp(q, b).wait()
            _compute_chunk(ins[b], outs[b])
            out_cp(q, b).start()

            @pl.when(g < NCHUNK // NBUF - 1)
            def _():
                in_cp(q + NBUF, b).start()

        return 0

    lax.fori_loop(1, NCHUNK // NBUF, group_body, 0)

    for b in range(NBUF):
        out_cp(chunk0, b).wait()


@jax.jit
def kernel(x):
    mesh = plsc.VectorSubcoreMesh(core_axis_name="c", subcore_axis_name="s")
    scratch = (
        [pltpu.VMEM((NCH, CW), jnp.float32) for _ in range(NBUF)]
        + [pltpu.VMEM((NOUT, CW), jnp.float32) for _ in range(NBUF)]
        + [pltpu.SemaphoreType.DMA for _ in range(NBUF)]
        + [pltpu.SemaphoreType.DMA for _ in range(NBUF)]
    )
    f = functools.partial(
        pl.kernel,
        mesh=mesh,
        out_type=jax.ShapeDtypeStruct((1, NOUT, H, W), jnp.float32),
        scratch_types=scratch,
    )(_sc_kernel)
    return f(x)

# --- scband reference (transcript-rebuilt; emitter-appended) ---
"""Pipeline reference for scband-histogram-layer-91087666413575 (READ-ONLY COPY).

The authoritative reference and input builder live on the scoring server;
editing this copy changes nothing except your own understanding.
"""

import jax, jax.numpy as jnp
import numpy as np


def setup_inputs(seed: int = 0) -> dict:
    key = jax.random.key(seed)
    x = jax.random.normal(key, (1, 10, 2048, 2048), dtype=jnp.float32)
    return {"x": x}


def reference(x):
    # Split input: first 8 channels are cosines, last 2 are (dx, dy) gradients.
    cosines = x[:, :8, :, :]
    im_grads = x[:, 8:, :, :]
    # Per-pixel argmax over the 8 cosine channels (the 'fibre').
    orientation = jnp.argmax(cosines, axis=1)  # (1, M, N), int
    # Binary occupancy tensor: 1 at the argmax channel, else 0.
    occupancy_mask = jax.nn.one_hot(orientation, 8, axis=1, dtype=x.dtype)  # (1, 8, M, N)
    # Gradient magnitude at each pixel, broadcast across the 8 channels
    # (equivalent to torch repeat(1, 8, 1, 1)).
    magnitude = jnp.sqrt(im_grads[:, 0, :, :] ** 2 + im_grads[:, 1, :, :] ** 2)  # (1, M, N)
    magnitude = magnitude[:, None, :, :]  # (1, 1, M, N) broadcasts to (1, 8, M, N)
    per_px_histogram = occupancy_mask * magnitude
    return per_px_histogram

if __name__ == "__main__":
    import jax
    _d = setup_inputs()
    print(jax.jit(kernel)(*tuple(_d.values())))

</pallas_src>

<mosaic_0001>
#map = affine_map<(d0, d1) -> (0, 0, 0, 0)>
module attributes {stable_mosaic.version = 14 : i64} {
  func.func @_sc_kernel(%arg0: i32, %arg1: i32, %arg2: memref<1x10x2048x2048xf32, #tpu.memory_space<hbm>>, %arg3: memref<1x8x2048x2048xf32, #tpu.memory_space<hbm>>, %arg4: memref<10x1024xf32, #tpu.memory_space<vmem>>, %arg5: memref<10x1024xf32, #tpu.memory_space<vmem>>, %arg6: memref<10x1024xf32, #tpu.memory_space<vmem>>, %arg7: memref<10x1024xf32, #tpu.memory_space<vmem>>, %arg8: memref<8x1024xf32, #tpu.memory_space<vmem>>, %arg9: memref<8x1024xf32, #tpu.memory_space<vmem>>, %arg10: memref<8x1024xf32, #tpu.memory_space<vmem>>, %arg11: memref<8x1024xf32, #tpu.memory_space<vmem>>, %arg12: memref<!tpu.dma_semaphore, #tpu.memory_space<semaphore_mem>>, %arg13: memref<!tpu.dma_semaphore, #tpu.memory_space<semaphore_mem>>, %arg14: memref<!tpu.dma_semaphore, #tpu.memory_space<semaphore_mem>>, %arg15: memref<!tpu.dma_semaphore, #tpu.memory_space<semaphore_mem>>, %arg16: memref<!tpu.dma_semaphore, #tpu.memory_space<semaphore_mem>>, %arg17: memref<!tpu.dma_semaphore, #tpu.memory_space<semaphore_mem>>, %arg18: memref<!tpu.dma_semaphore, #tpu.memory_space<semaphore_mem>>, %arg19: memref<!tpu.dma_semaphore, #tpu.memory_space<semaphore_mem>>) attributes {dimension_semantics = [#tpu.dimension_semantics<core_parallel>, #tpu.dimension_semantics<subcore_parallel>], iteration_bounds = array<i64: 2, 16>, scalar_prefetch = 0 : i64, scratch_operands = 16 : i64, tpu.core_type = #tpu.core_type<sc_vector_subcore>, window_params = [{transform_indices = #map}, {transform_indices = #map}]} {
    %mul3A = arith.constant 2 : i32
    %mul3A_0 = arith.muli %arg1, %mul3A : i32
    %add3A = arith.addi %mul3A_0, %arg0 : i32
    %mul3A_1 = arith.constant 128 : i32
    %mul3A_2 = arith.muli %add3A, %mul3A_1 : i32
    %add3A_3 = arith.constant 0 : i32
    %add3A_4 = arith.addi %mul3A_2, %add3A_3 : i32
    %jit3A = arith.constant 2 : i32
    %div3A = arith.divsi %add3A_4, %jit3A : i32
    %sign3A = arith.constant 0 : i32
    %sign3A_5 = arith.cmpi sgt, %add3A_4, %sign3A : i32
    %sign3A_6 = arith.extui %sign3A_5 : i1 to i32
    %sign3A_7 = arith.constant 0 : i32
    %sign3A_8 = arith.cmpi slt, %add3A_4, %sign3A_7 : i32
    %sign3A_9 = arith.extui %sign3A_8 : i1 to i32
    %sign3A_10 = arith.subi %sign3A_6, %sign3A_9 : i32
    %sign3A_11 = arith.constant 0 : i32
    %sign3A_12 = arith.cmpi sgt, %jit3A, %sign3A_11 : i32
    %sign3A_13 = arith.extui %sign3A_12 : i1 to i32
    %sign3A_14 = arith.constant 0 : i32
    %sign3A_15 = arith.cmpi slt, %jit3A, %sign3A_14 : i32
    %sign3A_16 = arith.extui %sign3A_15 : i1 to i32
    %sign3A_17 = arith.subi %sign3A_13, %sign3A_16 : i32
    %ne3A = arith.cmpi ne, %sign3A_10, %sign3A_17 : i32
    %rem3A = arith.remsi %add3A_4, %jit3A : i32
    %ne3A_18 = arith.constant 0 : i32
    %ne3A_19 = arith.cmpi ne, %rem3A, %ne3A_18 : i32
    %and3A = arith.andi %ne3A, %ne3A_19 : i1
    %sub3A = arith.constant 1 : i32
    %sub3A_20 = arith.subi %div3A, %sub3A : i32
    %select_n3A = arith.select %and3A, %sub3A_20, %div3A : i32
    %jit3A_21 = arith.constant 2 : i32
    %eq3A = arith.constant 0 : i32
    %eq3A_22 = arith.cmpi eq, %jit3A_21, %eq3A : i32
    %jit3A_23 = arith.constant 1 : i32
    %select_n3A_24 = arith.select %eq3A_22, %jit3A_23, %jit3A_21 : i32
    %rem3A_25 = arith.remsi %add3A_4, %select_n3A_24 : i32
    %ne3A_26 = arith.constant 0 : i32
    %ne3A_27 = arith.cmpi ne, %rem3A_25, %ne3A_26 : i32
    %lt3A = arith.constant 0 : i32
    %lt3A_28 = arith.cmpi slt, %rem3A_25, %lt3A : i32
    %lt3A_29 = arith.constant 0 : i32
    %lt3A_30 = arith.cmpi slt, %select_n3A_24, %lt3A_29 : i32
    %ne3A_31 = arith.xori %lt3A_28, %lt3A_30 : i1
    %and3A_32 = arith.andi %ne3A_31, %ne3A_27 : i1
    %add3A_33 = arith.addi %rem3A_25, %select_n3A_24 : i32
    %select_n3A_34 = arith.select %and3A_32, %add3A_33, %rem3A_25 : i32
    %mul3A_35 = arith.constant 1024 : i32
    %mul3A_36 = arith.muli %select_n3A_34, %mul3A_35 : i32
    %dma_start3A = arith.constant 0 : i32
    %dma_start3A_37 = arith.constant 0 : i32
    %dma_start3A_38 = tpu.memref_slice %arg2[%dma_start3A, %dma_start3A_37, %select_n3A, %mul3A_36] : memref<1x10x2048x2048xf32, #tpu.memory_space<hbm>> -> memref<1x10x1x1024xf32, #tpu.memory_space<hbm>>
    %dma_start3A_39 = tpu.memref_squeeze %dma_start3A_38 : memref<1x10x1x1024xf32, #tpu.memory_space<hbm>> -> memref<10x1024xf32, #tpu.memory_space<hbm>>
    %dma_start3A_40 = arith.constant 0 : i32
    %dma_start3A_41 = tpu.memref_slice %arg2[%dma_start3A, %dma_start3A_40, %select_n3A, %mul3A_36] : memref<1x10x2048x2048xf32, #tpu.memory_space<hbm>> -> memref<1x10x1x1024xf32, #tpu.memory_space<hbm>>
    %dma_start3A_42 = tpu.memref_squeeze %dma_start3A_41 : memref<1x10x1x1024xf32, #tpu.memory_space<hbm>> -> memref<10x1024xf32, #tpu.memory_space<hbm>>
    tpu.enqueue_dma source(%dma_start3A_42 : memref<10x1024xf32, #tpu.memory_space<hbm>>) target(%arg4 : memref<10x1024xf32, #tpu.memory_space<vmem>>) target_semaphore(%arg12 : memref<!tpu.dma_semaphore, #tpu.memory_space<semaphore_mem>>)
    %add3A_43 = arith.constant 1 : i32
    %add3A_44 = arith.addi %mul3A_2, %add3A_43 : i32
    %jit3A_45 = arith.constant 2 : i32
    %div3A_46 = arith.divsi %add3A_44, %jit3A_45 : i32
    %sign3A_47 = arith.constant 0 : i32
    %sign3A_48 = arith.cmpi sgt, %add3A_44, %sign3A_47 : i32
    %sign3A_49 = arith.extui %sign3A_48 : i1 to i32
    %sign3A_50 = arith.constant 0 : i32
    %sign3A_51 = arith.cmpi slt, %add3A_44, %sign3A_50 : i32
    %sign3A_52 = arith.extui %sign3A_51 : i1 to i32
    %sign3A_53 = arith.subi %sign3A_49, %sign3A_52 : i32
    %sign3A_54 = arith.constant 0 : i32
    %sign3A_55 = arith.cmpi sgt, %jit3A_45, %sign3A_54 : i32
    %sign3A_56 = arith.extui %sign3A_55 : i1 to i32
    %sign3A_57 = arith.constant 0 : i32
    %sign3A_58 = arith.cmpi slt, %jit3A_45, %sign3A_57 : i32
    %sign3A_59 = arith.extui %sign3A_58 : i1 to i32
    %sign3A_60 = arith.subi %sign3A_56, %sign3A_59 : i32
    %ne3A_61 = arith.cmpi ne, %sign3A_53, %sign3A_60 : i32
    %rem3A_62 = arith.remsi %add3A_44, %jit3A_45 : i32
    %ne3A_63 = arith.constant 0 : i32
    %ne3A_64 = arith.cmpi ne, %rem3A_62, %ne3A_63 : i32
    %and3A_65 = arith.andi %ne3A_61, %ne3A_64 : i1
    %sub3A_66 = arith.constant 1 : i32
    %sub3A_67 = arith.subi %div3A_46, %sub3A_66 : i32
    %select_n3A_68 = arith.select %and3A_65, %sub3A_67, %div3A_46 : i32
    %jit3A_69 = arith.constant 2 : i32
    %eq3A_70 = arith.constant 0 : i32
    %eq3A_71 = arith.cmpi eq, %jit3A_69, %eq3A_70 : i32
    %jit3A_72 = arith.constant 1 : i32
    %select_n3A_73 = arith.select %eq3A_71, %jit3A_72, %jit3A_69 : i32
    %rem3A_74 = arith.remsi %add3A_44, %select_n3A_73 : i32
    %ne3A_75 = arith.constant 0 : i32
    %ne3A_76 = arith.cmpi ne, %rem3A_74, %ne3A_75 : i32
    %lt3A_77 = arith.constant 0 : i32
    %lt3A_78 = arith.cmpi slt, %rem3A_74, %lt3A_77 : i32
    %lt3A_79 = arith.constant 0 : i32
    %lt3A_80 = arith.cmpi slt, %select_n3A_73, %lt3A_79 : i32
    %ne3A_81 = arith.xori %lt3A_78, %lt3A_80 : i1
    %and3A_82 = arith.andi %ne3A_81, %ne3A_76 : i1
    %add3A_83 = arith.addi %rem3A_74, %select_n3A_73 : i32
    %select_n3A_84 = arith.select %and3A_82, %add3A_83, %rem3A_74 : i32
    %mul3A_85 = arith.constant 1024 : i32
    %mul3A_86 = arith.muli %select_n3A_84, %mul3A_85 : i32
    %dma_start3A_87 = arith.constant 0 : i32
    %dma_start3A_88 = arith.constant 0 : i32
    %dma_start3A_89 = tpu.memref_slice %arg2[%dma_start3A_87, %dma_start3A_88, %select_n3A_68, %mul3A_86] : memref<1x10x2048x2048xf32, #tpu.memory_space<hbm>> -> memref<1x10x1x1024xf32, #tpu.memory_space<hbm>>
    %dma_start3A_90 = tpu.memref_squeeze %dma_start3A_89 : memref<1x10x1x1024xf32, #tpu.memory_space<hbm>> -> memref<10x1024xf32, #tpu.memory_space<hbm>>
    %dma_start3A_91 = arith.constant 0 : i32
    %dma_start3A_92 = tpu.memref_slice %arg2[%dma_start3A_87, %dma_start3A_91, %select_n3A_68, %mul3A_86] : memref<1x10x2048x2048xf32, #tpu.memory_space<hbm>> -> memref<1x10x1x1024xf32, #tpu.memory_space<hbm>>
    %dma_start3A_93 = tpu.memref_squeeze %dma_start3A_92 : memref<1x10x1x1024xf32, #tpu.memory_space<hbm>> -> memref<10x1024xf32, #tpu.memory_space<hbm>>
    tpu.enqueue_dma source(%dma_start3A_93 : memref<10x1024xf32, #tpu.memory_space<hbm>>) target(%arg5 : memref<10x1024xf32, #tpu.memory_space<vmem>>) target_semaphore(%arg13 : memref<!tpu.dma_semaphore, #tpu.memory_space<semaphore_mem>>)
    %add3A_94 = arith.constant 2 : i32
    %add3A_95 = arith.addi %mul3A_2, %add3A_94 : i32
    %jit3A_96 = arith.constant 2 : i32
    %div3A_97 = arith.divsi %add3A_95, %jit3A_96 : i32
    %sign3A_98 = arith.constant 0 : i32
    %sign3A_99 = arith.cmpi sgt, %add3A_95, %sign3A_98 : i32
    %sign3A_100 = arith.extui %sign3A_99 : i1 to i32
    %sign3A_101 = arith.constant 0 : i32
    %sign3A_102 = arith.cmpi slt, %add3A_95, %sign3A_101 : i32
    %sign3A_103 = arith.extui %sign3A_102 : i1 to i32
    %sign3A_104 = arith.subi %sign3A_100, %sign3A_103 : i32
    %sign3A_105 = arith.constant 0 : i32
    %sign3A_106 = arith.cmpi sgt, %jit3A_96, %sign3A_105 : i32
    %sign3A_107 = arith.extui %sign3A_106 : i1 to i32
    %sign3A_108 = arith.constant 0 : i32
    %sign3A_109 = arith.cmpi slt, %jit3A_96, %sign3A_108 : i32
    %sign3A_110 = arith.extui %sign3A_109 : i1 to i32
    %sign3A_111 = arith.subi %sign3A_107, %sign3A_110 : i32
    %ne3A_112 = arith.cmpi ne, %sign3A_104, %sign3A_111 : i32
    %rem3A_113 = arith.remsi %add3A_95, %jit3A_96 : i32
    %ne3A_114 = arith.constant 0 : i32
    %ne3A_115 = arith.cmpi ne, %rem3A_113, %ne3A_114 : i32
    %and3A_116 = arith.andi %ne3A_112, %ne3A_115 : i1
    %sub3A_117 = arith.constant 1 : i32
    %sub3A_118 = arith.subi %div3A_97, %sub3A_117 : i32
    %select_n3A_119 = arith.select %and3A_116, %sub3A_118, %div3A_97 : i32
    %jit3A_120 = arith.constant 2 : i32
    %eq3A_121 = arith.constant 0 : i32
    %eq3A_122 = arith.cmpi eq, %jit3A_120, %eq3A_121 : i32
    %jit3A_123 = arith.constant 1 : i32
    %select_n3A_124 = arith.select %eq3A_122, %jit3A_123, %jit3A_120 : i32
    %rem3A_125 = arith.remsi %add3A_95, %select_n3A_124 : i32
    %ne3A_126 = arith.constant 0 : i32
    %ne3A_127 = arith.cmpi ne, %rem3A_125, %ne3A_126 : i32
    %lt3A_128 = arith.constant 0 : i32
    %lt3A_129 = arith.cmpi slt, %rem3A_125, %lt3A_128 : i32
    %lt3A_130 = arith.constant 0 : i32
    %lt3A_131 = arith.cmpi slt, %select_n3A_124, %lt3A_130 : i32
    %ne3A_132 = arith.xori %lt3A_129, %lt3A_131 : i1
    %and3A_133 = arith.andi %ne3A_132, %ne3A_127 : i1
    %add3A_134 = arith.addi %rem3A_125, %select_n3A_124 : i32
    %select_n3A_135 = arith.select %and3A_133, %add3A_134, %rem3A_125 : i32
    %mul3A_136 = arith.constant 1024 : i32
    %mul3A_137 = arith.muli %select_n3A_135, %mul3A_136 : i32
    %dma_start3A_138 = arith.constant 0 : i32
    %dma_start3A_139 = arith.constant 0 : i32
    %dma_start3A_140 = tpu.memref_slice %arg2[%dma_start3A_138, %dma_start3A_139, %select_n3A_119, %mul3A_137] : memref<1x10x2048x2048xf32, #tpu.memory_space<hbm>> -> memref<1x10x1x1024xf32, #tpu.memory_space<hbm>>
    %dma_start3A_141 = tpu.memref_squeeze %dma_start3A_140 : memref<1x10x1x1024xf32, #tpu.memory_space<hbm>> -> memref<10x1024xf32, #tpu.memory_space<hbm>>
    %dma_start3A_142 = arith.constant 0 : i32
    %dma_start3A_143 = tpu.memref_slice %arg2[%dma_start3A_138, %dma_start3A_142, %select_n3A_119, %mul3A_137] : memref<1x10x2048x2048xf32, #tpu.memory_space<hbm>> -> memref<1x10x1x1024xf32, #tpu.memory_space<hbm>>
    %dma_start3A_144 = tpu.memref_squeeze %dma_start3A_143 : memref<1x10x1x1024xf32, #tpu.memory_space<hbm>> -> memref<10x1024xf32, #tpu.memory_space<hbm>>
    tpu.enqueue_dma source(%dma_start3A_144 : memref<10x1024xf32, #tpu.memory_space<hbm>>) target(%arg6 : memref<10x1024xf32, #tpu.memory_space<vmem>>) target_semaphore(%arg14 : memref<!tpu.dma_semaphore, #tpu.memory_space<semaphore_mem>>)
    %add3A_145 = arith.constant 3 : i32
    %add3A_146 = arith.addi %mul3A_2, %add3A_145 : i32
    %jit3A_147 = arith.constant 2 : i32
    %div3A_148 = arith.divsi %add3A_146, %jit3A_147 : i32
    %sign3A_149 = arith.constant 0 : i32
    %sign3A_150 = arith.cmpi sgt, %add3A_146, %sign3A_149 : i32
    %sign3A_151 = arith.extui %sign3A_150 : i1 to i32
    %sign3A_152 = arith.constant 0 : i32
    %sign3A_153 = arith.cmpi slt, %add3A_146, %sign3A_152 : i32
    %sign3A_154 = arith.extui %sign3A_153 : i1 to i32
    %sign3A_155 = arith.subi %sign3A_151, %sign3A_154 : i32
    %sign3A_156 = arith.constant 0 : i32
    %sign3A_157 = arith.cmpi sgt, %jit3A_147, %sign3A_156 : i32
    %sign3A_158 = arith.extui %sign3A_157 : i1 to i32
    %sign3A_159 = arith.constant 0 : i32
    %sign3A_160 = arith.cmpi slt, %jit3A_147, %sign3A_159 : i32
    %sign3A_161 = arith.extui %sign3A_160 : i1 to i32
    %sign3A_162 = arith.subi %sign3A_158, %sign3A_161 : i32
    %ne3A_163 = arith.cmpi ne, %sign3A_155, %sign3A_162 : i32
    %rem3A_164 = arith.remsi %add3A_146, %jit3A_147 : i32
    %ne3A_165 = arith.constant 0 : i32
    %ne3A_166 = arith.cmpi ne, %rem3A_164, %ne3A_165 : i32
    %and3A_167 = arith.andi %ne3A_163, %ne3A_166 : i1
    %sub3A_168 = arith.constant 1 : i32
    %sub3A_169 = arith.subi %div3A_148, %sub3A_168 : i32
    %select_n3A_170 = arith.select %and3A_167, %sub3A_169, %div3A_148 : i32
    %jit3A_171 = arith.constant 2 : i32
    %eq3A_172 = arith.constant 0 : i32
    %eq3A_173 = arith.cmpi eq, %jit3A_171, %eq3A_172 : i32
    %jit3A_174 = arith.constant 1 : i32
    %select_n3A_175 = arith.select %eq3A_173, %jit3A_174, %jit3A_171 : i32
    %rem3A_176 = arith.remsi %add3A_146, %select_n3A_175 : i32
    %ne3A_177 = arith.constant 0 : i32
    %ne3A_178 = arith.cmpi ne, %rem3A_176, %ne3A_177 : i32
    %lt3A_179 = arith.constant 0 : i32
    %lt3A_180 = arith.cmpi slt, %rem3A_176, %lt3A_179 : i32
    %lt3A_181 = arith.constant 0 : i32
    %lt3A_182 = arith.cmpi slt, %select_n3A_175, %lt3A_181 : i32
    %ne3A_183 = arith.xori %lt3A_180, %lt3A_182 : i1
    %and3A_184 = arith.andi %ne3A_183, %ne3A_178 : i1
    %add3A_185 = arith.addi %rem3A_176, %select_n3A_175 : i32
    %select_n3A_186 = arith.select %and3A_184, %add3A_185, %rem3A_176 : i32
    %mul3A_187 = arith.constant 1024 : i32
    %mul3A_188 = arith.muli %select_n3A_186, %mul3A_187 : i32
    %dma_start3A_189 = arith.constant 0 : i32
    %dma_start3A_190 = arith.constant 0 : i32
    %dma_start3A_191 = tpu.memref_slice %arg2[%dma_start3A_189, %dma_start3A_190, %select_n3A_170, %mul3A_188] : memref<1x10x2048x2048xf32, #tpu.memory_space<hbm>> -> memref<1x10x1x1024xf32, #tpu.memory_space<hbm>>
    %dma_start3A_192 = tpu.memref_squeeze %dma_start3A_191 : memref<1x10x1x1024xf32, #tpu.memory_space<hbm>> -> memref<10x1024xf32, #tpu.memory_space<hbm>>
    %dma_start3A_193 = arith.constant 0 : i32
    %dma_start3A_194 = tpu.memref_slice %arg2[%dma_start3A_189, %dma_start3A_193, %select_n3A_170, %mul3A_188] : memref<1x10x2048x2048xf32, #tpu.memory_space<hbm>> -> memref<1x10x1x1024xf32, #tpu.memory_space<hbm>>
    %dma_start3A_195 = tpu.memref_squeeze %dma_start3A_194 : memref<1x10x1x1024xf32, #tpu.memory_space<hbm>> -> memref<10x1024xf32, #tpu.memory_space<hbm>>
    tpu.enqueue_dma source(%dma_start3A_195 : memref<10x1024xf32, #tpu.memory_space<hbm>>) target(%arg7 : memref<10x1024xf32, #tpu.memory_space<vmem>>) target_semaphore(%arg15 : memref<!tpu.dma_semaphore, #tpu.memory_space<semaphore_mem>>)
    %add3A_196 = arith.constant 0 : i32
    %add3A_197 = arith.addi %mul3A_2, %add3A_196 : i32
    %jit3A_198 = arith.constant 2 : i32
    %div3A_199 = arith.divsi %add3A_197, %jit3A_198 : i32
    %sign3A_200 = arith.constant 0 : i32
    %sign3A_201 = arith.cmpi sgt, %add3A_197, %sign3A_200 : i32
    %sign3A_202 = arith.extui %sign3A_201 : i1 to i32
    %sign3A_203 = arith.constant 0 : i32
    %sign3A_204 = arith.cmpi slt, %add3A_197, %sign3A_203 : i32
    %sign3A_205 = arith.extui %sign3A_204 : i1 to i32
    %sign3A_206 = arith.subi %sign3A_202, %sign3A_205 : i32
    %sign3A_207 = arith.constant 0 : i32
    %sign3A_208 = arith.cmpi sgt, %jit3A_198, %sign3A_207 : i32
    %sign3A_209 = arith.extui %sign3A_208 : i1 to i32
    %sign3A_210 = arith.constant 0 : i32
    %sign3A_211 = arith.cmpi slt, %jit3A_198, %sign3A_210 : i32
    %sign3A_212 = arith.extui %sign3A_211 : i1 to i32
    %sign3A_213 = arith.subi %sign3A_209, %sign3A_212 : i32
    %ne3A_214 = arith.cmpi ne, %sign3A_206, %sign3A_213 : i32
    %rem3A_215 = arith.remsi %add3A_197, %jit3A_198 : i32
    %ne3A_216 = arith.constant 0 : i32
    %ne3A_217 = arith.cmpi ne, %rem3A_215, %ne3A_216 : i32
    %and3A_218 = arith.andi %ne3A_214, %ne3A_217 : i1
    %sub3A_219 = arith.constant 1 : i32
    %sub3A_220 = arith.subi %div3A_199, %sub3A_219 : i32
    %select_n3A_221 = arith.select %and3A_218, %sub3A_220, %div3A_199 : i32
    %jit3A_222 = arith.constant 2 : i32
    %eq3A_223 = arith.constant 0 : i32
    %eq3A_224 = arith.cmpi eq, %jit3A_222, %eq3A_223 : i32
    %jit3A_225 = arith.constant 1 : i32
    %select_n3A_226 = arith.select %eq3A_224, %jit3A_225, %jit3A_222 : i32
    %rem3A_227 = arith.remsi %add3A_197, %select_n3A_226 : i32
    %ne3A_228 = arith.constant 0 : i32
    %ne3A_229 = arith.cmpi ne, %rem3A_227, %ne3A_228 : i32
    %lt3A_230 = arith.constant 0 : i32
    %lt3A_231 = arith.cmpi slt, %rem3A_227, %lt3A_230 : i32
    %lt3A_232 = arith.constant 0 : i32
    %lt3A_233 = arith.cmpi slt, %select_n3A_226, %lt3A_232 : i32
    %ne3A_234 = arith.xori %lt3A_231, %lt3A_233 : i1
    %and3A_235 = arith.andi %ne3A_234, %ne3A_229 : i1
    %add3A_236 = arith.addi %rem3A_227, %select_n3A_226 : i32
    %select_n3A_237 = arith.select %and3A_235, %add3A_236, %rem3A_227 : i32
    %mul3A_238 = arith.constant 1024 : i32
    %mul3A_239 = arith.muli %select_n3A_237, %mul3A_238 : i32
    %dma_wait3A = arith.constant 0 : i32
    %dma_wait3A_240 = arith.constant 0 : i32
    %dma_wait3A_241 = tpu.memref_slice %arg2[%dma_wait3A, %dma_wait3A_240, %select_n3A_221, %mul3A_239] : memref<1x10x2048x2048xf32, #tpu.memory_space<hbm>> -> memref<1x10x1x1024xf32, #tpu.memory_space<hbm>>
    %dma_wait3A_242 = tpu.memref_squeeze %dma_wait3A_241 : memref<1x10x1x1024xf32, #tpu.memory_space<hbm>> -> memref<10x1024xf32, #tpu.memory_space<hbm>>
    %dma_wait3A_243 = arith.constant 0 : i32
    %dma_wait3A_244 = tpu.memref_slice %arg2[%dma_wait3A, %dma_wait3A_243, %select_n3A_221, %mul3A_239] : memref<1x10x2048x2048xf32, #tpu.memory_space<hbm>> -> memref<1x10x1x1024xf32, #tpu.memory_space<hbm>>
    %dma_wait3A_245 = tpu.memref_squeeze %dma_wait3A_244 : memref<1x10x1x1024xf32, #tpu.memory_space<hbm>> -> memref<10x1024xf32, #tpu.memory_space<hbm>>
    tpu.wait_dma2 semaphore(%arg12 : memref<!tpu.dma_semaphore, #tpu.memory_space<semaphore_mem>>) src(%dma_wait3A_245 : memref<10x1024xf32, #tpu.memory_space<hbm>>) dst(%arg4 : memref<10x1024xf32, #tpu.memory_space<vmem>>)
    %parallel_loop3A = arith.constant 0 : i32
    %parallel_loop3A_246 = arith.constant 64 : i32
    %parallel_loop3A_247 = arith.constant 1 : i32
    scf.for %parallel_loop3A_1012 = %parallel_loop3A to %parallel_loop3A_246 step %parallel_loop3A_247  : i32 {
      %parallel_loop3A_1013 = arith.constant 16 : i32
      %parallel_loop3A_1014 = arith.muli %parallel_loop3A_1012, %parallel_loop3A_1013 : i32
      %parallel_loop3A_1015 = arith.constant 0 : i32
      %parallel_loop3A_1016 = arith.index_cast %parallel_loop3A_1015 : i32 to index
      %parallel_loop3A_1017 = arith.index_cast %parallel_loop3A_1014 : i32 to index
      %parallel_loop3A_1018 = tpu.vector_load %arg4[%parallel_loop3A_1016, %parallel_loop3A_1017] {strides = array<i32>} : memref<10x1024xf32, #tpu.memory_space<vmem>>, vector<1x16xf32>,
      %parallel_loop3A_1019 = vector.shape_cast %parallel_loop3A_1018 : vector<1x16xf32> to vector<16xf32>
      %parallel_loop3A_1020 = arith.constant 1 : i32
      %parallel_loop3A_1021 = arith.index_cast %parallel_loop3A_1020 : i32 to index
      %parallel_loop3A_1022 = arith.index_cast %parallel_loop3A_1014 : i32 to index
      %parallel_loop3A_1023 = tpu.vector_load %arg4[%parallel_loop3A_1021, %parallel_loop3A_1022] {strides = array<i32>} : memref<10x1024xf32, #tpu.memory_space<vmem>>, vector<1x16xf32>,
      %parallel_loop3A_1024 = vector.shape_cast %parallel_loop3A_1023 : vector<1x16xf32> to vector<16xf32>
      %parallel_loop3A_1025 = arith.constant 2 : i32
      %parallel_loop3A_1026 = arith.index_cast %parallel_loop3A_1025 : i32 to index
      %parallel_loop3A_1027 = arith.index_cast %parallel_loop3A_1014 : i32 to index
      %parallel_loop3A_1028 = tpu.vector_load %arg4[%parallel_loop3A_1026, %parallel_loop3A_1027] {strides = array<i32>} : memref<10x1024xf32, #tpu.memory_space<vmem>>, vector<1x16xf32>,
      %parallel_loop3A_1029 = vector.shape_cast %parallel_loop3A_1028 : vector<1x16xf32> to vector<16xf32>
      %parallel_loop3A_1030 = arith.constant 3 : i32
      %parallel_loop3A_1031 = arith.index_cast %parallel_loop3A_1030 : i32 to index
      %parallel_loop3A_1032 = arith.index_cast %parallel_loop3A_1014 : i32 to index
      %parallel_loop3A_1033 = tpu.vector_load %arg4[%parallel_loop3A_1031, %parallel_loop3A_1032] {strides = array<i32>} : memref<10x1024xf32, #tpu.memory_space<vmem>>, vector<1x16xf32>,
      %parallel_loop3A_1034 = vector.shape_cast %parallel_loop3A_1033 : vector<1x16xf32> to vector<16xf32>
      %parallel_loop3A_1035 = arith.constant 4 : i32
      %parallel_loop3A_1036 = arith.index_cast %parallel_loop3A_1035 : i32 to index
      %parallel_loop3A_1037 = arith.index_cast %parallel_loop3A_1014 : i32 to index
      %parallel_loop3A_1038 = tpu.vector_load %arg4[%parallel_loop3A_1036, %parallel_loop3A_1037] {strides = array<i32>} : memref<10x1024xf32, #tpu.memory_space<vmem>>, vector<1x16xf32>,
      %parallel_loop3A_1039 = vector.shape_cast %parallel_loop3A_1038 : vector<1x16xf32> to vector<16xf32>
      %parallel_loop3A_1040 = arith.constant 5 : i32
      %parallel_loop3A_1041 = arith.index_cast %parallel_loop3A_1040 : i32 to index
      %parallel_loop3A_1042 = arith.index_cast %parallel_loop3A_1014 : i32 to index
      %parallel_loop3A_1043 = tpu.vector_load %arg4[%parallel_loop3A_1041, %parallel_loop3A_1042] {strides = array<i32>} : memref<10x1024xf32, #tpu.memory_space<vmem>>, vector<1x16xf32>,
      %parallel_loop3A_1044 = vector.shape_cast %parallel_loop3A_1043 : vector<1x16xf32> to vector<16xf32>
      %parallel_loop3A_1045 = arith.constant 6 : i32
      %parallel_loop3A_1046 = arith.index_cast %parallel_loop3A_1045 : i32 to index
      %parallel_loop3A_1047 = arith.index_cast %parallel_loop3A_1014 : i32 to index
      %parallel_loop3A_1048 = tpu.vector_load %arg4[%parallel_loop3A_1046, %parallel_loop3A_1047] {strides = array<i32>} : memref<10x1024xf32, #tpu.memory_space<vmem>>, vector<1x16xf32>,
      %parallel_loop3A_1049 = vector.shape_cast %parallel_loop3A_1048 : vector<1x16xf32> to vector<16xf32>
      %parallel_loop3A_1050 = arith.constant 7 : i32
      %parallel_loop3A_1051 = arith.index_cast %parallel_loop3A_1050 : i32 to index
      %parallel_loop3A_1052 = arith.index_cast %parallel_loop3A_1014 : i32 to index
      %parallel_loop3A_1053 = tpu.vector_load %arg4[%parallel_loop3A_1051, %parallel_loop3A_1052] {strides = array<i32>} : memref<10x1024xf32, #tpu.memory_space<vmem>>, vector<1x16xf32>,
      %parallel_loop3A_1054 = vector.shape_cast %parallel_loop3A_1053 : vector<1x16xf32> to vector<16xf32>
      %parallel_loop3A_1055 = arith.maximumf %parallel_loop3A_1019, %parallel_loop3A_1024 : vector<16xf32>
      %parallel_loop3A_1056 = arith.maximumf %parallel_loop3A_1029, %parallel_loop3A_1034 : vector<16xf32>
      %parallel_loop3A_1057 = arith.maximumf %parallel_loop3A_1039, %parallel_loop3A_1044 : vector<16xf32>
      %parallel_loop3A_1058 = arith.maximumf %parallel_loop3A_1049, %parallel_loop3A_1054 : vector<16xf32>
      %parallel_loop3A_1059 = arith.maximumf %parallel_loop3A_1055, %parallel_loop3A_1056 : vector<16xf32>
      %parallel_loop3A_1060 = arith.maximumf %parallel_loop3A_1057, %parallel_loop3A_1058 : vector<16xf32>
      %parallel_loop3A_1061 = arith.maximumf %parallel_loop3A_1059, %parallel_loop3A_1060 : vector<16xf32>
      %parallel_loop3A_1062 = arith.constant 1 : i32
      %parallel_loop3A_1063 = vector.broadcast %parallel_loop3A_1062 : i32 to vector<16xi32>
      %parallel_loop3A_1064 = arith.constant 0 : i32
      %parallel_loop3A_1065 = vector.broadcast %parallel_loop3A_1064 : i32 to vector<16xi32>
      %parallel_loop3A_1066 = arith.cmpf oeq, %parallel_loop3A_1019, %parallel_loop3A_1061 : vector<16xf32>
      %parallel_loop3A_1067 = arith.select %parallel_loop3A_1066, %parallel_loop3A_1063, %parallel_loop3A_1065 : vector<16xi1>, vector<16xi32>
      %parallel_loop3A_1068 = arith.cmpf oeq, %parallel_loop3A_1024, %parallel_loop3A_1061 : vector<16xf32>
      %parallel_loop3A_1069 = arith.select %parallel_loop3A_1068, %parallel_loop3A_1063, %parallel_loop3A_1065 : vector<16xi1>, vector<16xi32>
      %parallel_loop3A_1070 = arith.cmpf oeq, %parallel_loop3A_1029, %parallel_loop3A_1061 : vector<16xf32>
      %parallel_loop3A_1071 = arith.select %parallel_loop3A_1070, %parallel_loop3A_1063, %parallel_loop3A_1065 : vector<16xi1>, vector<16xi32>
      %parallel_loop3A_1072 = arith.cmpf oeq, %parallel_loop3A_1034, %parallel_loop3A_1061 : vector<16xf32>
      %parallel_loop3A_1073 = arith.select %parallel_loop3A_1072, %parallel_loop3A_1063, %parallel_loop3A_1065 : vector<16xi1>, vector<16xi32>
      %parallel_loop3A_1074 = arith.cmpf oeq, %parallel_loop3A_1039, %parallel_loop3A_1061 : vector<16xf32>
      %parallel_loop3A_1075 = arith.select %parallel_loop3A_1074, %parallel_loop3A_1063, %parallel_loop3A_1065 : vector<16xi1>, vector<16xi32>
      %parallel_loop3A_1076 = arith.cmpf oeq, %parallel_loop3A_1044, %parallel_loop3A_1061 : vector<16xf32>
      %parallel_loop3A_1077 = arith.select %parallel_loop3A_1076, %parallel_loop3A_1063, %parallel_loop3A_1065 : vector<16xi1>, vector<16xi32>
      %parallel_loop3A_1078 = arith.cmpf oeq, %parallel_loop3A_1049, %parallel_loop3A_1061 : vector<16xf32>
      %parallel_loop3A_1079 = arith.select %parallel_loop3A_1078, %parallel_loop3A_1063, %parallel_loop3A_1065 : vector<16xi1>, vector<16xi32>
      %parallel_loop3A_1080 = arith.cmpf oeq, %parallel_loop3A_1054, %parallel_loop3A_1061 : vector<16xf32>
      %parallel_loop3A_1081 = arith.select %parallel_loop3A_1080, %parallel_loop3A_1063, %parallel_loop3A_1065 : vector<16xi1>, vector<16xi32>
      %parallel_loop3A_1082 = arith.ori %parallel_loop3A_1067, %parallel_loop3A_1069 : vector<16xi32>
      %parallel_loop3A_1083 = arith.ori %parallel_loop3A_1071, %parallel_loop3A_1073 : vector<16xi32>
      %parallel_loop3A_1084 = arith.ori %parallel_loop3A_1075, %parallel_loop3A_1077 : vector<16xi32>
      %parallel_loop3A_1085 = arith.ori %parallel_loop3A_1082, %parallel_loop3A_1083 : vector<16xi32>
      %parallel_loop3A_1086 = arith.ori %parallel_loop3A_1082, %parallel_loop3A_1071 : vector<16xi32>
      %parallel_loop3A_1087 = arith.ori %parallel_loop3A_1085, %parallel_loop3A_1075 : vector<16xi32>
      %parallel_loop3A_1088 = arith.ori %parallel_loop3A_1085, %parallel_loop3A_1084 : vector<16xi32>
      %parallel_loop3A_1089 = arith.ori %parallel_loop3A_1085, %parallel_loop3A_1084 : vector<16xi32>
      %parallel_loop3A_1090 = arith.ori %parallel_loop3A_1089, %parallel_loop3A_1079 : vector<16xi32>
      %parallel_loop3A_1091 = arith.constant 8 : i32
      %parallel_loop3A_1092 = arith.index_cast %parallel_loop3A_1091 : i32 to index
      %parallel_loop3A_1093 = arith.index_cast %parallel_loop3A_1014 : i32 to index
      %parallel_loop3A_1094 = tpu.vector_load %arg4[%parallel_loop3A_1092, %parallel_loop3A_1093] {strides = array<i32>} : memref<10x1024xf32, #tpu.memory_space<vmem>>, vector<1x16xf32>,
      %parallel_loop3A_1095 = vector.shape_cast %parallel_loop3A_1094 : vector<1x16xf32> to vector<16xf32>
      %parallel_loop3A_1096 = arith.constant 9 : i32
      %parallel_loop3A_1097 = arith.index_cast %parallel_loop3A_1096 : i32 to index
      %parallel_loop3A_1098 = arith.index_cast %parallel_loop3A_1014 : i32 to index
      %parallel_loop3A_1099 = tpu.vector_load %arg4[%parallel_loop3A_1097, %parallel_loop3A_1098] {strides = array<i32>} : memref<10x1024xf32, #tpu.memory_space<vmem>>, vector<1x16xf32>,
      %parallel_loop3A_1100 = vector.shape_cast %parallel_loop3A_1099 : vector<1x16xf32> to vector<16xf32>
      %parallel_loop3A_1101 = arith.mulf %parallel_loop3A_1095, %parallel_loop3A_1095 : vector<16xf32>
      %parallel_loop3A_1102 = arith.mulf %parallel_loop3A_1100, %parallel_loop3A_1100 : vector<16xf32>
      %parallel_loop3A_1103 = arith.addf %parallel_loop3A_1101, %parallel_loop3A_1102 : vector<16xf32>
      %parallel_loop3A_1104 = tpu.bitcast %parallel_loop3A_1103 : vector<16xf32> -> vector<16xi32>
      %parallel_loop3A_1105 = arith.constant 1 : i32
      %parallel_loop3A_1106 = vector.broadcast %parallel_loop3A_1105 : i32 to vector<16xi32>
      %parallel_loop3A_1107 = arith.shrsi %parallel_loop3A_1104, %parallel_loop3A_1106 : vector<16xi32>
      %parallel_loop3A_1108 = arith.constant 1597463007 : i32
      %parallel_loop3A_1109 = vector.broadcast %parallel_loop3A_1108 : i32 to vector<16xi32>
      %parallel_loop3A_1110 = arith.subi %parallel_loop3A_1109, %parallel_loop3A_1107 : vector<16xi32>
      %parallel_loop3A_1111 = tpu.bitcast %parallel_loop3A_1110 : vector<16xi32> -> vector<16xf32>
      %parallel_loop3A_1112 = arith.constant 5.000000e-01 : f32
      %parallel_loop3A_1113 = vector.broadcast %parallel_loop3A_1112 : f32 to vector<16xf32>
      %parallel_loop3A_1114 = arith.mulf %parallel_loop3A_1103, %parallel_loop3A_1113 : vector<16xf32>
      %parallel_loop3A_1115 = arith.mulf %parallel_loop3A_1114, %parallel_loop3A_1111 : vector<16xf32>
      %parallel_loop3A_1116 = arith.mulf %parallel_loop3A_1115, %parallel_loop3A_1111 : vector<16xf32>
      %parallel_loop3A_1117 = arith.constant 1.500000e+00 : f32
      %parallel_loop3A_1118 = vector.broadcast %parallel_loop3A_1117 : f32 to vector<16xf32>
      %parallel_loop3A_1119 = arith.subf %parallel_loop3A_1118, %parallel_loop3A_1116 : vector<16xf32>
      %parallel_loop3A_1120 = arith.mulf %parallel_loop3A_1111, %parallel_loop3A_1119 : vector<16xf32>
      %parallel_loop3A_1121 = arith.mulf %parallel_loop3A_1114, %parallel_loop3A_1120 : vector<16xf32>
      %parallel_loop3A_1122 = arith.mulf %parallel_loop3A_1121, %parallel_loop3A_1120 : vector<16xf32>
      %parallel_loop3A_1123 = arith.constant 1.500000e+00 : f32
      %parallel_loop3A_1124 = vector.broadcast %parallel_loop3A_1123 : f32 to vector<16xf32>
      %parallel_loop3A_1125 = arith.subf %parallel_loop3A_1124, %parallel_loop3A_1122 : vector<16xf32>
      %parallel_loop3A_1126 = arith.mulf %parallel_loop3A_1120, %parallel_loop3A_1125 : vector<16xf32>
      %parallel_loop3A_1127 = arith.mulf %parallel_loop3A_1103, %parallel_loop3A_1126 : vector<16xf32>
      %parallel_loop3A_1128 = arith.constant 0.000000e+00 : f32
      %parallel_loop3A_1129 = vector.broadcast %parallel_loop3A_1128 : f32 to vector<16xf32>
      %parallel_loop3A_1130 = arith.cmpi sgt, %parallel_loop3A_1067, %parallel_loop3A_1065 : vector<16xi32>
      %parallel_loop3A_1131 = arith.select %parallel_loop3A_1130, %parallel_loop3A_1127, %parallel_loop3A_1129 : vector<16xi1>, vector<16xf32>
      %parallel_loop3A_1132 = arith.constant 0 : i32
      %parallel_loop3A_1133 = arith.index_cast %parallel_loop3A_1132 : i32 to index
      %parallel_loop3A_1134 = arith.index_cast %parallel_loop3A_1014 : i32 to index
      %parallel_loop3A_1135 = tpu.vector_load %arg8[%parallel_loop3A_1133, %parallel_loop3A_1134] {strides = array<i32>} : memref<8x1024xf32, #tpu.memory_space<vmem>>, vector<1x16xf32>,
      %parallel_loop3A_1136 = vector.shape_cast %parallel_loop3A_1135 : vector<1x16xf32> to vector<16xf32>
      %parallel_loop3A_1137 = vector.shape_cast %parallel_loop3A_1131 : vector<16xf32> to vector<1x16xf32>
      tpu.vector_store %arg8[%parallel_loop3A_1133, %parallel_loop3A_1134], %parallel_loop3A_1137 {strides = array<i32>} : memref<8x1024xf32, #tpu.memory_space<vmem>>, vector<1x16xf32>,
      %parallel_loop3A_1138 = arith.cmpi sgt, %parallel_loop3A_1069, %parallel_loop3A_1067 : vector<16xi32>
      %parallel_loop3A_1139 = arith.select %parallel_loop3A_1138, %parallel_loop3A_1127, %parallel_loop3A_1129 : vector<16xi1>, vector<16xf32>
      %parallel_loop3A_1140 = arith.constant 1 : i32
      %parallel_loop3A_1141 = arith.index_cast %parallel_loop3A_1140 : i32 to index
      %parallel_loop3A_1142 = arith.index_cast %parallel_loop3A_1014 : i32 to index
      %parallel_loop3A_1143 = tpu.vector_load %arg8[%parallel_loop3A_1141, %parallel_loop3A_1142] {strides = array<i32>} : memref<8x1024xf32, #tpu.memory_space<vmem>>, vector<1x16xf32>,
      %parallel_loop3A_1144 = vector.shape_cast %parallel_loop3A_1143 : vector<1x16xf32> to vector<16xf32>
      %parallel_loop3A_1145 = vector.shape_cast %parallel_loop3A_1139 : vector<16xf32> to vector<1x16xf32>
      tpu.vector_store %arg8[%parallel_loop3A_1141, %parallel_loop3A_1142], %parallel_loop3A_1145 {strides = array<i32>} : memref<8x1024xf32, #tpu.memory_space<vmem>>, vector<1x16xf32>,
      %parallel_loop3A_1146 = arith.cmpi sgt, %parallel_loop3A_1071, %parallel_loop3A_1082 : vector<16xi32>
      %parallel_loop3A_1147 = arith.select %parallel_loop3A_1146, %parallel_loop3A_1127, %parallel_loop3A_1129 : vector<16xi1>, vector<16xf32>
      %parallel_loop3A_1148 = arith.constant 2 : i32
      %parallel_loop3A_1149 = arith.index_cast %parallel_loop3A_1148 : i32 to index
      %parallel_loop3A_1150 = arith.index_cast %parallel_loop3A_1014 : i32 to index
      %parallel_loop3A_1151 = tpu.vector_load %arg8[%parallel_loop3A_1149, %parallel_loop3A_1150] {strides = array<i32>} : memref<8x1024xf32, #tpu.memory_space<vmem>>, vector<1x16xf32>,
      %parallel_loop3A_1152 = vector.shape_cast %parallel_loop3A_1151 : vector<1x16xf32> to vector<16xf32>
      %parallel_loop3A_1153 = vector.shape_cast %parallel_loop3A_1147 : vector<16xf32> to vector<1x16xf32>
      tpu.vector_store %arg8[%parallel_loop3A_1149, %parallel_loop3A_1150], %parallel_loop3A_1153 {strides = array<i32>} : memref<8x1024xf32, #tpu.memory_space<vmem>>, vector<1x16xf32>,
      %parallel_loop3A_1154 = arith.cmpi sgt, %parallel_loop3A_1073, %parallel_loop3A_1086 : vector<16xi32>
      %parallel_loop3A_1155 = arith.select %parallel_loop3A_1154, %parallel_loop3A_1127, %parallel_loop3A_1129 : vector<16xi1>, vector<16xf32>
      %parallel_loop3A_1156 = arith.constant 3 : i32
      %parallel_loop3A_1157 = arith.index_cast %parallel_loop3A_1156 : i32 to index
      %parallel_loop3A_1158 = arith.index_cast %parallel_loop3A_1014 : i32 to index
      %parallel_loop3A_1159 = tpu.vector_load %arg8[%parallel_loop3A_1157, %parallel_loop3A_1158] {strides = array<i32>} : memref<8x1024xf32, #tpu.memory_space<vmem>>, vector<1x16xf32>,
      %parallel_loop3A_1160 = vector.shape_cast %parallel_loop3A_1159 : vector<1x16xf32> to vector<16xf32>
      %parallel_loop3A_1161 = vector.shape_cast %parallel_loop3A_1155 : vector<16xf32> to vector<1x16xf32>
      tpu.vector_store %arg8[%parallel_loop3A_1157, %parallel_loop3A_1158], %parallel_loop3A_1161 {strides = array<i32>} : memref<8x1024xf32, #tpu.memory_space<vmem>>, vector<1x16xf32>,
      %parallel_loop3A_1162 = arith.cmpi sgt, %parallel_loop3A_1075, %parallel_loop3A_1085 : vector<16xi32>
      %parallel_loop3A_1163 = arith.select %parallel_loop3A_1162, %parallel_loop3A_1127, %parallel_loop3A_1129 : vector<16xi1>, vector<16xf32>
      %parallel_loop3A_1164 = arith.constant 4 : i32
      %parallel_loop3A_1165 = arith.index_cast %parallel_loop3A_1164 : i32 to index
      %parallel_loop3A_1166 = arith.index_cast %parallel_loop3A_1014 : i32 to index
      %parallel_loop3A_1167 = tpu.vector_load %arg8[%parallel_loop3A_1165, %parallel_loop3A_1166] {strides = array<i32>} : memref<8x1024xf32, #tpu.memory_space<vmem>>, vector<1x16xf32>,
      %parallel_loop3A_1168 = vector.shape_cast %parallel_loop3A_1167 : vector<1x16xf32> to vector<16xf32>
      %parallel_loop3A_1169 = vector.shape_cast %parallel_loop3A_1163 : vector<16xf32> to vector<1x16xf32>
      tpu.vector_store %arg8[%parallel_loop3A_1165, %parallel_loop3A_1166], %parallel_loop3A_1169 {strides = array<i32>} : memref<8x1024xf32, #tpu.memory_space<vmem>>, vector<1x16xf32>,
      %parallel_loop3A_1170 = arith.cmpi sgt, %parallel_loop3A_1077, %parallel_loop3A_1087 : vector<16xi32>
      %parallel_loop3A_1171 = arith.select %parallel_loop3A_1170, %parallel_loop3A_1127, %parallel_loop3A_1129 : vector<16xi1>, vector<16xf32>
      %parallel_loop3A_1172 = arith.constant 5 : i32
      %parallel_loop3A_1173 = arith.index_cast %parallel_loop3A_1172 : i32 to index
      %parallel_loop3A_1174 = arith.index_cast %parallel_loop3A_1014 : i32 to index
      %parallel_loop3A_1175 = tpu.vector_load %arg8[%parallel_loop3A_1173, %parallel_loop3A_1174] {strides = array<i32>} : memref<8x1024xf32, #tpu.memory_space<vmem>>, vector<1x16xf32>,
      %parallel_loop3A_1176 = vector.shape_cast %parallel_loop3A_1175 : vector<1x16xf32> to vector<16xf32>
      %parallel_loop3A_1177 = vector.shape_cast %parallel_loop3A_1171 : vector<16xf32> to vector<1x16xf32>
      tpu.vector_store %arg8[%parallel_loop3A_1173, %parallel_loop3A_1174], %parallel_loop3A_1177 {strides = array<i32>} : memref<8x1024xf32, #tpu.memory_space<vmem>>, vector<1x16xf32>,
      %parallel_loop3A_1178 = arith.cmpi sgt, %parallel_loop3A_1079, %parallel_loop3A_1088 : vector<16xi32>
      %parallel_loop3A_1179 = arith.select %parallel_loop3A_1178, %parallel_loop3A_1127, %parallel_loop3A_1129 : vector<16xi1>, vector<16xf32>
      %parallel_loop3A_1180 = arith.constant 6 : i32
      %parallel_loop3A_1181 = arith.index_cast %parallel_loop3A_1180 : i32 to index
      %parallel_loop3A_1182 = arith.index_cast %parallel_loop3A_1014 : i32 to index
      %parallel_loop3A_1183 = tpu.vector_load %arg8[%parallel_loop3A_1181, %parallel_loop3A_1182] {strides = array<i32>} : memref<8x1024xf32, #tpu.memory_space<vmem>>, vector<1x16xf32>,
      %parallel_loop3A_1184 = vector.shape_cast %parallel_loop3A_1183 : vector<1x16xf32> to vector<16xf32>
      %parallel_loop3A_1185 = vector.shape_cast %parallel_loop3A_1179 : vector<16xf32> to vector<1x16xf32>
      tpu.vector_store %arg8[%parallel_loop3A_1181, %parallel_loop3A_1182], %parallel_loop3A_1185 {strides = array<i32>} : memref<8x1024xf32, #tpu.memory_space<vmem>>, vector<1x16xf32>,
      %parallel_loop3A_1186 = arith.cmpi sgt, %parallel_loop3A_1081, %parallel_loop3A_1090 : vector<16xi32>
      %parallel_loop3A_1187 = arith.select %parallel_loop3A_1186, %parallel_loop3A_1127, %parallel_loop3A_1129 : vector<16xi1>, vector<16xf32>
      %parallel_loop3A_1188 = arith.constant 7 : i32
      %parallel_loop3A_1189 = arith.index_cast %parallel_loop3A_1188 : i32 to index
      %parallel_loop3A_1190 = arith.index_cast %parallel_loop3A_1014 : i32 to index
      %parallel_loop3A_1191 = tpu.vector_load %arg8[%parallel_loop3A_1189, %parallel_loop3A_1190] {strides = array<i32>} : memref<8x1024xf32, #tpu.memory_space<vmem>>, vector<1x16xf32>,
      %parallel_loop3A_1192 = vector.shape_cast %parallel_loop3A_1191 : vector<1x16xf32> to vector<16xf32>
      %parallel_loop3A_1193 = vector.shape_cast %parallel_loop3A_1187 : vector<16xf32> to vector<1x16xf32>
      tpu.vector_store %arg8[%parallel_loop3A_1189, %parallel_loop3A_1190], %parallel_loop3A_1193 {strides = array<i32>} : memref<8x1024xf32, #tpu.memory_space<vmem>>, vector<1x16xf32>,
    } {sc.loop_unroll_factor = 2 : i64, sc.parallel_access}
    %jit3A_248 = arith.constant 2 : i32
    %div3A_249 = arith.divsi %add3A_197, %jit3A_248 : i32
    %sign3A_250 = arith.constant 0 : i32
    %sign3A_251 = arith.cmpi sgt, %add3A_197, %sign3A_250 : i32
    %sign3A_252 = arith.extui %sign3A_251 : i1 to i32
    %sign3A_253 = arith.constant 0 : i32
    %sign3A_254 = arith.cmpi slt, %add3A_197, %sign3A_253 : i32
    %sign3A_255 = arith.extui %sign3A_254 : i1 to i32
    %sign3A_256 = arith.subi %sign3A_252, %sign3A_255 : i32
    %sign3A_257 = arith.constant 0 : i32
    %sign3A_258 = arith.cmpi sgt, %jit3A_248, %sign3A_257 : i32
    %sign3A_259 = arith.extui %sign3A_258 : i1 to i32
    %sign3A_260 = arith.constant 0 : i32
    %sign3A_261 = arith.cmpi slt, %jit3A_248, %sign3A_260 : i32
    %sign3A_262 = arith.extui %sign3A_261 : i1 to i32
    %sign3A_263 = arith.subi %sign3A_259, %sign3A_262 : i32
    %ne3A_264 = arith.cmpi ne, %sign3A_256, %sign3A_263 : i32
    %rem3A_265 = arith.remsi %add3A_197, %jit3A_248 : i32
    %ne3A_266 = arith.constant 0 : i32
    %ne3A_267 = arith.cmpi ne, %rem3A_265, %ne3A_266 : i32
    %and3A_268 = arith.andi %ne3A_264, %ne3A_267 : i1
    %sub3A_269 = arith.constant 1 : i32
    %sub3A_270 = arith.subi %div3A_249, %sub3A_269 : i32
    %select_n3A_271 = arith.select %and3A_268, %sub3A_270, %div3A_249 : i32
    %jit3A_272 = arith.constant 2 : i32
    %eq3A_273 = arith.constant 0 : i32
    %eq3A_274 = arith.cmpi eq, %jit3A_272, %eq3A_273 : i32
    %jit3A_275 = arith.constant 1 : i32
    %select_n3A_276 = arith.select %eq3A_274, %jit3A_275, %jit3A_272 : i32
    %rem3A_277 = arith.remsi %add3A_197, %select_n3A_276 : i32
    %ne3A_278 = arith.constant 0 : i32
    %ne3A_279 = arith.cmpi ne, %rem3A_277, %ne3A_278 : i32
    %lt3A_280 = arith.constant 0 : i32
    %lt3A_281 = arith.cmpi slt, %rem3A_277, %lt3A_280 : i32
    %lt3A_282 = arith.constant 0 : i32
    %lt3A_283 = arith.cmpi slt, %select_n3A_276, %lt3A_282 : i32
    %ne3A_284 = arith.xori %lt3A_281, %lt3A_283 : i1
    %and3A_285 = arith.andi %ne3A_284, %ne3A_279 : i1
    %add3A_286 = arith.addi %rem3A_277, %select_n3A_276 : i32
    %select_n3A_287 = arith.select %and3A_285, %add3A_286, %rem3A_277 : i32
    %mul3A_288 = arith.constant 1024 : i32
    %mul3A_289 = arith.muli %select_n3A_287, %mul3A_288 : i32
    %dma_start3A_290 = arith.constant 0 : i32
    %dma_start3A_291 = arith.constant 0 : i32
    %dma_start3A_292 = tpu.memref_slice %arg3[%dma_start3A_290, %dma_start3A_291, %select_n3A_271, %mul3A_289] : memref<1x8x2048x2048xf32, #tpu.memory_space<hbm>> -> memref<1x8x1x1024xf32, #tpu.memory_space<hbm>>
    %dma_start3A_293 = tpu.memref_squeeze %dma_start3A_292 : memref<1x8x1x1024xf32, #tpu.memory_space<hbm>> -> memref<8x1024xf32, #tpu.memory_space<hbm>>
    %dma_start3A_294 = arith.constant 0 : i32
    %dma_start3A_295 = tpu.memref_slice %arg3[%dma_start3A_290, %dma_start3A_294, %select_n3A_271, %mul3A_289] : memref<1x8x2048x2048xf32, #tpu.memory_space<hbm>> -> memref<1x8x1x1024xf32, #tpu.memory_space<hbm>>
    %dma_start3A_296 = tpu.memref_squeeze %dma_start3A_295 : memref<1x8x1x1024xf32, #tpu.memory_space<hbm>> -> memref<8x1024xf32, #tpu.memory_space<hbm>>
    tpu.enqueue_dma source(%arg8 : memref<8x1024xf32, #tpu.memory_space<vmem>>) target(%dma_start3A_296 : memref<8x1024xf32, #tpu.memory_space<hbm>>) target_semaphore(%arg16 : memref<!tpu.dma_semaphore, #tpu.memory_space<semaphore_mem>>)
    %add3A_297 = arith.constant 4 : i32
    %add3A_298 = arith.addi %add3A_197, %add3A_297 : i32
    %jit3A_299 = arith.constant 2 : i32
    %div3A_300 = arith.divsi %add3A_298, %jit3A_299 : i32
    %sign3A_301 = arith.constant 0 : i32
    %sign3A_302 = arith.cmpi sgt, %add3A_298, %sign3A_301 : i32
    %sign3A_303 = arith.extui %sign3A_302 : i1 to i32
    %sign3A_304 = arith.constant 0 : i32
    %sign3A_305 = arith.cmpi slt, %add3A_298, %sign3A_304 : i32
    %sign3A_306 = arith.extui %sign3A_305 : i1 to i32
    %sign3A_307 = arith.subi %sign3A_303, %sign3A_306 : i32
    %sign3A_308 = arith.constant 0 : i32
    %sign3A_309 = arith.cmpi sgt, %jit3A_299, %sign3A_308 : i32
    %sign3A_310 = arith.extui %sign3A_309 : i1 to i32
    %sign3A_311 = arith.constant 0 : i32
    %sign3A_312 = arith.cmpi slt, %jit3A_299, %sign3A_311 : i32
    %sign3A_313 = arith.extui %sign3A_312 : i1 to i32
    %sign3A_314 = arith.subi %sign3A_310, %sign3A_313 : i32
    %ne3A_315 = arith.cmpi ne, %sign3A_307, %sign3A_314 : i32
    %rem3A_316 = arith.remsi %add3A_298, %jit3A_299 : i32
    %ne3A_317 = arith.constant 0 : i32
    %ne3A_318 = arith.cmpi ne, %rem3A_316, %ne3A_317 : i32
    %and3A_319 = arith.andi %ne3A_315, %ne3A_318 : i1
    %sub3A_320 = arith.constant 1 : i32
    %sub3A_321 = arith.subi %div3A_300, %sub3A_320 : i32
    %select_n3A_322 = arith.select %and3A_319, %sub3A_321, %div3A_300 : i32
    %jit3A_323 = arith.constant 2 : i32
    %eq3A_324 = arith.constant 0 : i32
    %eq3A_325 = arith.cmpi eq, %jit3A_323, %eq3A_324 : i32
    %jit3A_326 = arith.constant 1 : i32
    %select_n3A_327 = arith.select %eq3A_325, %jit3A_326, %jit3A_323 : i32
    %rem3A_328 = arith.remsi %add3A_298, %select_n3A_327 : i32
    %ne3A_329 = arith.constant 0 : i32
    %ne3A_330 = arith.cmpi ne, %rem3A_328, %ne3A_329 : i32
    %lt3A_331 = arith.constant 0 : i32
    %lt3A_332 = arith.cmpi slt, %rem3A_328, %lt3A_331 : i32
    %lt3A_333 = arith.constant 0 : i32
    %lt3A_334 = arith.cmpi slt, %select_n3A_327, %lt3A_333 : i32
    %ne3A_335 = arith.xori %lt3A_332, %lt3A_334 : i1
    %and3A_336 = arith.andi %ne3A_335, %ne3A_330 : i1
    %add3A_337 = arith.addi %rem3A_328, %select_n3A_327 : i32
    %select_n3A_338 = arith.select %and3A_336, %add3A_337, %rem3A_328 : i32
    %mul3A_339 = arith.constant 1024 : i32
    %mul3A_340 = arith.muli %select_n3A_338, %mul3A_339 : i32
    %dma_start3A_341 = arith.constant 0 : i32
    %dma_start3A_342 = arith.constant 0 : i32
    %dma_start3A_343 = tpu.memref_slice %arg2[%dma_start3A_341, %dma_start3A_342, %select_n3A_322, %mul3A_340] : memref<1x10x2048x2048xf32, #tpu.memory_space<hbm>> -> memref<1x10x1x1024xf32, #tpu.memory_space<hbm>>
    %dma_start3A_344 = tpu.memref_squeeze %dma_start3A_343 : memref<1x10x1x1024xf32, #tpu.memory_space<hbm>> -> memref<10x1024xf32, #tpu.memory_space<hbm>>
    %dma_start3A_345 = arith.constant 0 : i32
    %dma_start3A_346 = tpu.memref_slice %arg2[%dma_start3A_341, %dma_start3A_345, %select_n3A_322, %mul3A_340] : memref<1x10x2048x2048xf32, #tpu.memory_space<hbm>> -> memref<1x10x1x1024xf32, #tpu.memory_space<hbm>>
    %dma_start3A_347 = tpu.memref_squeeze %dma_start3A_346 : memref<1x10x1x1024xf32, #tpu.memory_space<hbm>> -> memref<10x1024xf32, #tpu.memory_space<hbm>>
    tpu.enqueue_dma source(%dma_start3A_347 : memref<10x1024xf32, #tpu.memory_space<hbm>>) target(%arg4 : memref<10x1024xf32, #tpu.memory_space<vmem>>) target_semaphore(%arg12 : memref<!tpu.dma_semaphore, #tpu.memory_space<semaphore_mem>>)
    %add3A_348 = arith.constant 1 : i32
    %add3A_349 = arith.addi %mul3A_2, %add3A_348 : i32
    %jit3A_350 = arith.constant 2 : i32
    %div3A_351 = arith.divsi %add3A_349, %jit3A_350 : i32
    %sign3A_352 = arith.constant 0 : i32
    %sign3A_353 = arith.cmpi sgt, %add3A_349, %sign3A_352 : i32
    %sign3A_354 = arith.extui %sign3A_353 : i1 to i32
    %sign3A_355 = arith.constant 0 : i32
    %sign3A_356 = arith.cmpi slt, %add3A_349, %sign3A_355 : i32
    %sign3A_357 = arith.extui %sign3A_356 : i1 to i32
    %sign3A_358 = arith.subi %sign3A_354, %sign3A_357 : i32
    %sign3A_359 = arith.constant 0 : i32
    %sign3A_360 = arith.cmpi sgt, %jit3A_350, %sign3A_359 : i32
    %sign3A_361 = arith.extui %sign3A_360 : i1 to i32
    %sign3A_362 = arith.constant 0 : i32
    %sign3A_363 = arith.cmpi slt, %jit3A_350, %sign3A_362 : i32
    %sign3A_364 = arith.extui %sign3A_363 : i1 to i32
    %sign3A_365 = arith.subi %sign3A_361, %sign3A_364 : i32
    %ne3A_366 = arith.cmpi ne, %sign3A_358, %sign3A_365 : i32
    %rem3A_367 = arith.remsi %add3A_349, %jit3A_350 : i32
    %ne3A_368 = arith.constant 0 : i32
    %ne3A_369 = arith.cmpi ne, %rem3A_367, %ne3A_368 : i32
    %and3A_370 = arith.andi %ne3A_366, %ne3A_369 : i1
    %sub3A_371 = arith.constant 1 : i32
    %sub3A_372 = arith.subi %div3A_351, %sub3A_371 : i32
    %select_n3A_373 = arith.select %and3A_370, %sub3A_372, %div3A_351 : i32
    %jit3A_374 = arith.constant 2 : i32
    %eq3A_375 = arith.constant 0 : i32
    %eq3A_376 = arith.cmpi eq, %jit3A_374, %eq3A_375 : i32
    %jit3A_377 = arith.constant 1 : i32
    %select_n3A_378 = arith.select %eq3A_376, %jit3A_377, %jit3A_374 : i32
    %rem3A_379 = arith.remsi %add3A_349, %select_n3A_378 : i32
    %ne3A_380 = arith.constant 0 : i32
    %ne3A_381 = arith.cmpi ne, %rem3A_379, %ne3A_380 : i32
    %lt3A_382 = arith.constant 0 : i32
    %lt3A_383 = arith.cmpi slt, %rem3A_379, %lt3A_382 : i32
    %lt3A_384 = arith.constant 0 : i32
    %lt3A_385 = arith.cmpi slt, %select_n3A_378, %lt3A_384 : i32
    %ne3A_386 = arith.xori %lt3A_383, %lt3A_385 : i1
    %and3A_387 = arith.andi %ne3A_386, %ne3A_381 : i1
    %add3A_388 = arith.addi %rem3A_379, %select_n3A_378 : i32
    %select_n3A_389 = arith.select %and3A_387, %add3A_388, %rem3A_379 : i32
    %mul3A_390 = arith.constant 1024 : i32
    %mul3A_391 = arith.muli %select_n3A_389, %mul3A_390 : i32
    %dma_wait3A_392 = arith.constant 0 : i32
    %dma_wait3A_393 = arith.constant 0 : i32
    %dma_wait3A_394 = tpu.memref_slice %arg2[%dma_wait3A_392, %dma_wait3A_393, %select_n3A_373, %mul3A_391] : memref<1x10x2048x2048xf32, #tpu.memory_space<hbm>> -> memref<1x10x1x1024xf32, #tpu.memory_space<hbm>>
    %dma_wait3A_395 = tpu.memref_squeeze %dma_wait3A_394 : memref<1x10x1x1024xf32, #tpu.memory_space<hbm>> -> memref<10x1024xf32, #tpu.memory_space<hbm>>
    %dma_wait3A_396 = arith.constant 0 : i32
    %dma_wait3A_397 = tpu.memref_slice %arg2[%dma_wait3A_392, %dma_wait3A_396, %select_n3A_373, %mul3A_391] : memref<1x10x2048x2048xf32, #tpu.memory_space<hbm>> -> memref<1x10x1x1024xf32, #tpu.memory_space<hbm>>
    %dma_wait3A_398 = tpu.memref_squeeze %dma_wait3A_397 : memref<1x10x1x1024xf32, #tpu.memory_space<hbm>> -> memref<10x1024xf32, #tpu.memory_space<hbm>>
    tpu.wait_dma2 semaphore(%arg13 : memref<!tpu.dma_semaphore, #tpu.memory_space<semaphore_mem>>) src(%dma_wait3A_398 : memref<10x1024xf32, #tpu.memory_space<hbm>>) dst(%arg5 : memref<10x1024xf32, #tpu.memory_space<vmem>>)
    %parallel_loop3A_399 = arith.constant 0 : i32
    %parallel_loop3A_400 = arith.constant 64 : i32
    %parallel_loop3A_401 = arith.constant 1 : i32
    scf.for %parallel_loop3A_1012 = %parallel_loop3A_399 to %parallel_loop3A_400 step %parallel_loop3A_401  : i32 {
      %parallel_loop3A_1013 = arith.constant 16 : i32
      %parallel_loop3A_1014 = arith.muli %parallel_loop3A_1012, %parallel_loop3A_1013 : i32
      %parallel_loop3A_1015 = arith.constant 0 : i32
      %parallel_loop3A_1016 = arith.index_cast %parallel_loop3A_1015 : i32 to index
      %parallel_loop3A_1017 = arith.index_cast %parallel_loop3A_1014 : i32 to index
      %parallel_loop3A_1018 = tpu.vector_load %arg5[%parallel_loop3A_1016, %parallel_loop3A_1017] {strides = array<i32>} : memref<10x1024xf32, #tpu.memory_space<vmem>>, vector<1x16xf32>,
      %parallel_loop3A_1019 = vector.shape_cast %parallel_loop3A_1018 : vector<1x16xf32> to vector<16xf32>
      %parallel_loop3A_1020 = arith.constant 1 : i32
      %parallel_loop3A_1021 = arith.index_cast %parallel_loop3A_1020 : i32 to index
      %parallel_loop3A_1022 = arith.index_cast %parallel_loop3A_1014 : i32 to index
      %parallel_loop3A_1023 = tpu.vector_load %arg5[%parallel_loop3A_1021, %parallel_loop3A_1022] {strides = array<i32>} : memref<10x1024xf32, #tpu.memory_space<vmem>>, vector<1x16xf32>,
      %parallel_loop3A_1024 = vector.shape_cast %parallel_loop3A_1023 : vector<1x16xf32> to vector<16xf32>
      %parallel_loop3A_1025 = arith.constant 2 : i32
      %parallel_loop3A_1026 = arith.index_cast %parallel_loop3A_1025 : i32 to index
      %parallel_loop3A_1027 = arith.index_cast %parallel_loop3A_1014 : i32 to index
      %parallel_loop3A_1028 = tpu.vector_load %arg5[%parallel_loop3A_1026, %parallel_loop3A_1027] {strides = array<i32>} : memref<10x1024xf32, #tpu.memory_space<vmem>>, vector<1x16xf32>,
      %parallel_loop3A_1029 = vector.shape_cast %parallel_loop3A_1028 : vector<1x16xf32> to vector<16xf32>
      %parallel_loop3A_1030 = arith.constant 3 : i32
      %parallel_loop3A_1031 = arith.index_cast %parallel_loop3A_1030 : i32 to index
      %parallel_loop3A_1032 = arith.index_cast %parallel_loop3A_1014 : i32 to index
      %parallel_loop3A_1033 = tpu.vector_load %arg5[%parallel_loop3A_1031, %parallel_loop3A_1032] {strides = array<i32>} : memref<10x1024xf32, #tpu.memory_space<vmem>>, vector<1x16xf32>,
      %parallel_loop3A_1034 = vector.shape_cast %parallel_loop3A_1033 : vector<1x16xf32> to vector<16xf32>
      %parallel_loop3A_1035 = arith.constant 4 : i32
      %parallel_loop3A_1036 = arith.index_cast %parallel_loop3A_1035 : i32 to index
      %parallel_loop3A_1037 = arith.index_cast %parallel_loop3A_1014 : i32 to index
      %parallel_loop3A_1038 = tpu.vector_load %arg5[%parallel_loop3A_1036, %parallel_loop3A_1037] {strides = array<i32>} : memref<10x1024xf32, #tpu.memory_space<vmem>>, vector<1x16xf32>,
      %parallel_loop3A_1039 = vector.shape_cast %parallel_loop3A_1038 : vector<1x16xf32> to vector<16xf32>
      %parallel_loop3A_1040 = arith.constant 5 : i32
      %parallel_loop3A_1041 = arith.index_cast %parallel_loop3A_1040 : i32 to index
      %parallel_loop3A_1042 = arith.index_cast %parallel_loop3A_1014 : i32 to index
      %parallel_loop3A_1043 = tpu.vector_load %arg5[%parallel_loop3A_1041, %parallel_loop3A_1042] {strides = array<i32>} : memref<10x1024xf32, #tpu.memory_space<vmem>>, vector<1x16xf32>,
      %parallel_loop3A_1044 = vector.shape_cast %parallel_loop3A_1043 : vector<1x16xf32> to vector<16xf32>
      %parallel_loop3A_1045 = arith.constant 6 : i32
      %parallel_loop3A_1046 = arith.index_cast %parallel_loop3A_1045 : i32 to index
      %parallel_loop3A_1047 = arith.index_cast %parallel_loop3A_1014 : i32 to index
      %parallel_loop3A_1048 = tpu.vector_load %arg5[%parallel_loop3A_1046, %parallel_loop3A_1047] {strides = array<i32>} : memref<10x1024xf32, #tpu.memory_space<vmem>>, vector<1x16xf32>,
      %parallel_loop3A_1049 = vector.shape_cast %parallel_loop3A_1048 : vector<1x16xf32> to vector<16xf32>
      %parallel_loop3A_1050 = arith.constant 7 : i32
      %parallel_loop3A_1051 = arith.index_cast %parallel_loop3A_1050 : i32 to index
      %parallel_loop3A_1052 = arith.index_cast %parallel_loop3A_1014 : i32 to index
      %parallel_loop3A_1053 = tpu.vector_load %arg5[%parallel_loop3A_1051, %parallel_loop3A_1052] {strides = array<i32>} : memref<10x1024xf32, #tpu.memory_space<vmem>>, vector<1x16xf32>,
      %parallel_loop3A_1054 = vector.shape_cast %parallel_loop3A_1053 : vector<1x16xf32> to vector<16xf32>
      %parallel_loop3A_1055 = arith.maximumf %parallel_loop3A_1019, %parallel_loop3A_1024 : vector<16xf32>
      %parallel_loop3A_1056 = arith.maximumf %parallel_loop3A_1029, %parallel_loop3A_1034 : vector<16xf32>
      %parallel_loop3A_1057 = arith.maximumf %parallel_loop3A_1039, %parallel_loop3A_1044 : vector<16xf32>
      %parallel_loop3A_1058 = arith.maximumf %parallel_loop3A_1049, %parallel_loop3A_1054 : vector<16xf32>
      %parallel_loop3A_1059 = arith.maximumf %parallel_loop3A_1055, %parallel_loop3A_1056 : vector<16xf32>
      %parallel_loop3A_1060 = arith.maximumf %parallel_loop3A_1057, %parallel_loop3A_1058 : vector<16xf32>
      %parallel_loop3A_1061 = arith.maximumf %parallel_loop3A_1059, %parallel_loop3A_1060 : vector<16xf32>
      %parallel_loop3A_1062 = arith.constant 1 : i32
      %parallel_loop3A_1063 = vector.broadcast %parallel_loop3A_1062 : i32 to vector<16xi32>
      %parallel_loop3A_1064 = arith.constant 0 : i32
      %parallel_loop3A_1065 = vector.broadcast %parallel_loop3A_1064 : i32 to vector<16xi32>
      %parallel_loop3A_1066 = arith.cmpf oeq, %parallel_loop3A_1019, %parallel_loop3A_1061 : vector<16xf32>
      %parallel_loop3A_1067 = arith.select %parallel_loop3A_1066, %parallel_loop3A_1063, %parallel_loop3A_1065 : vector<16xi1>, vector<16xi32>
      %parallel_loop3A_1068 = arith.cmpf oeq, %parallel_loop3A_1024, %parallel_loop3A_1061 : vector<16xf32>
      %parallel_loop3A_1069 = arith.select %parallel_loop3A_1068, %parallel_loop3A_1063, %parallel_loop3A_1065 : vector<16xi1>, vector<16xi32>
      %parallel_loop3A_1070 = arith.cmpf oeq, %parallel_loop3A_1029, %parallel_loop3A_1061 : vector<16xf32>
      %parallel_loop3A_1071 = arith.select %parallel_loop3A_1070, %parallel_loop3A_1063, %parallel_loop3A_1065 : vector<16xi1>, vector<16xi32>
      %parallel_loop3A_1072 = arith.cmpf oeq, %parallel_loop3A_1034, %parallel_loop3A_1061 : vector<16xf32>
      %parallel_loop3A_1073 = arith.select %parallel_loop3A_1072, %parallel_loop3A_1063, %parallel_loop3A_1065 : vector<16xi1>, vector<16xi32>
      %parallel_loop3A_1074 = arith.cmpf oeq, %parallel_loop3A_1039, %parallel_loop3A_1061 : vector<16xf32>
      %parallel_loop3A_1075 = arith.select %parallel_loop3A_1074, %parallel_loop3A_1063, %parallel_loop3A_1065 : vector<16xi1>, vector<16xi32>
      %parallel_loop3A_1076 = arith.cmpf oeq, %parallel_loop3A_1044, %parallel_loop3A_1061 : vector<16xf32>
      %parallel_loop3A_1077 = arith.select %parallel_loop3A_1076, %parallel_loop3A_1063, %parallel_loop3A_1065 : vector<16xi1>, vector<16xi32>
      %parallel_loop3A_1078 = arith.cmpf oeq, %parallel_loop3A_1049, %parallel_loop3A_1061 : vector<16xf32>
      %parallel_loop3A_1079 = arith.select %parallel_loop3A_1078, %parallel_loop3A_1063, %parallel_loop3A_1065 : vector<16xi1>, vector<16xi32>
      %parallel_loop3A_1080 = arith.cmpf oeq, %parallel_loop3A_1054, %parallel_loop3A_1061 : vector<16xf32>
      %parallel_loop3A_1081 = arith.select %parallel_loop3A_1080, %parallel_loop3A_1063, %parallel_loop3A_1065 : vector<16xi1>, vector<16xi32>
      %parallel_loop3A_1082 = arith.ori %parallel_loop3A_1067, %parallel_loop3A_1069 : vector<16xi32>
      %parallel_loop3A_1083 = arith.ori %parallel_loop3A_1071, %parallel_loop3A_1073 : vector<16xi32>
      %parallel_loop3A_1084 = arith.ori %parallel_loop3A_1075, %parallel_loop3A_1077 : vector<16xi32>
      %parallel_loop3A_1085 = arith.ori %parallel_loop3A_1082, %parallel_loop3A_1083 : vector<16xi32>
      %parallel_loop3A_1086 = arith.ori %parallel_loop3A_1082, %parallel_loop3A_1071 : vector<16xi32>
      %parallel_loop3A_1087 = arith.ori %parallel_loop3A_1085, %parallel_loop3A_1075 : vector<16xi32>
      %parallel_loop3A_1088 = arith.ori %parallel_loop3A_1085, %parallel_loop3A_1084 : vector<16xi32>
      %parallel_loop3A_1089 = arith.ori %parallel_loop3A_1085, %parallel_loop3A_1084 : vector<16xi32>
      %parallel_loop3A_1090 = arith.ori %parallel_loop3A_1089, %parallel_loop3A_1079 : vector<16xi32>
      %parallel_loop3A_1091 = arith.constant 8 : i32
      %parallel_loop3A_1092 = arith.index_cast %parallel_loop3A_1091 : i32 to index
      %parallel_loop3A_1093 = arith.index_cast %parallel_loop3A_1014 : i32 to index
      %parallel_loop3A_1094 = tpu.vector_load %arg5[%parallel_loop3A_1092, %parallel_loop3A_1093] {strides = array<i32>} : memref<10x1024xf32, #tpu.memory_space<vmem>>, vector<1x16xf32>,
      %parallel_loop3A_1095 = vector.shape_cast %parallel_loop3A_1094 : vector<1x16xf32> to vector<16xf32>
      %parallel_loop3A_1096 = arith.constant 9 : i32
      %parallel_loop3A_1097 = arith.index_cast %parallel_loop3A_1096 : i32 to index
      %parallel_loop3A_1098 = arith.index_cast %parallel_loop3A_1014 : i32 to index
      %parallel_loop3A_1099 = tpu.vector_load %arg5[%parallel_loop3A_1097, %parallel_loop3A_1098] {strides = array<i32>} : memref<10x1024xf32, #tpu.memory_space<vmem>>, vector<1x16xf32>,
      %parallel_loop3A_1100 = vector.shape_cast %parallel_loop3A_1099 : vector<1x16xf32> to vector<16xf32>
      %parallel_loop3A_1101 = arith.mulf %parallel_loop3A_1095, %parallel_loop3A_1095 : vector<16xf32>
      %parallel_loop3A_1102 = arith.mulf %parallel_loop3A_1100, %parallel_loop3A_1100 : vector<16xf32>
      %parallel_loop3A_1103 = arith.addf %parallel_loop3A_1101, %parallel_loop3A_1102 : vector<16xf32>
      %parallel_loop3A_1104 = tpu.bitcast %parallel_loop3A_1103 : vector<16xf32> -> vector<16xi32>
      %parallel_loop3A_1105 = arith.constant 1 : i32
      %parallel_loop3A_1106 = vector.broadcast %parallel_loop3A_1105 : i32 to vector<16xi32>
      %parallel_loop3A_1107 = arith.shrsi %parallel_loop3A_1104, %parallel_loop3A_1106 : vector<16xi32>
      %parallel_loop3A_1108 = arith.constant 1597463007 : i32
      %parallel_loop3A_1109 = vector.broadcast %parallel_loop3A_1108 : i32 to vector<16xi32>
      %parallel_loop3A_1110 = arith.subi %parallel_loop3A_1109, %parallel_loop3A_1107 : vector<16xi32>
      %parallel_loop3A_1111 = tpu.bitcast %parallel_loop3A_1110 : vector<16xi32> -> vector<16xf32>
      %parallel_loop3A_1112 = arith.constant 5.000000e-01 : f32
      %parallel_loop3A_1113 = vector.broadcast %parallel_loop3A_1112 : f32 to vector<16xf32>
      %parallel_loop3A_1114 = arith.mulf %parallel_loop3A_1103, %parallel_loop3A_1113 : vector<16xf32>
      %parallel_loop3A_1115 = arith.mulf %parallel_loop3A_1114, %parallel_loop3A_1111 : vector<16xf32>
      %parallel_loop3A_1116 = arith.mulf %parallel_loop3A_1115, %parallel_loop3A_1111 : vector<16xf32>
      %parallel_loop3A_1117 = arith.constant 1.500000e+00 : f32
      %parallel_loop3A_1118 = vector.broadcast %parallel_loop3A_1117 : f32 to vector<16xf32>
      %parallel_loop3A_1119 = arith.subf %parallel_loop3A_1118, %parallel_loop3A_1116 : vector<16xf32>
      %parallel_loop3A_1120 = arith.mulf %parallel_loop3A_1111, %parallel_loop3A_1119 : vector<16xf32>
      %parallel_loop3A_1121 = arith.mulf %parallel_loop3A_1114, %parallel_loop3A_1120 : vector<16xf32>
      %parallel_loop3A_1122 = arith.mulf %parallel_loop3A_1121, %parallel_loop3A_1120 : vector<16xf32>
      %parallel_loop3A_1123 = arith.constant 1.500000e+00 : f32
      %parallel_loop3A_1124 = vector.broadcast %parallel_loop3A_1123 : f32 to vector<16xf32>
      %parallel_loop3A_1125 = arith.subf %parallel_loop3A_1124, %parallel_loop3A_1122 : vector<16xf32>
      %parallel_loop3A_1126 = arith.mulf %parallel_loop3A_1120, %parallel_loop3A_1125 : vector<16xf32>
      %parallel_loop3A_1127 = arith.mulf %parallel_loop3A_1103, %parallel_loop3A_1126 : vector<16xf32>
      %parallel_loop3A_1128 = arith.constant 0.000000e+00 : f32
      %parallel_loop3A_1129 = vector.broadcast %parallel_loop3A_1128 : f32 to vector<16xf32>
      %parallel_loop3A_1130 = arith.cmpi sgt, %parallel_loop3A_1067, %parallel_loop3A_1065 : vector<16xi32>
      %parallel_loop3A_1131 = arith.select %parallel_loop3A_1130, %parallel_loop3A_1127, %parallel_loop3A_1129 : vector<16xi1>, vector<16xf32>
      %parallel_loop3A_1132 = arith.constant 0 : i32
      %parallel_loop3A_1133 = arith.index_cast %parallel_loop3A_1132 : i32 to index
      %parallel_loop3A_1134 = arith.index_cast %parallel_loop3A_1014 : i32 to index
      %parallel_loop3A_1135 = tpu.vector_load %arg9[%parallel_loop3A_1133, %parallel_loop3A_1134] {strides = array<i32>} : memref<8x1024xf32, #tpu.memory_space<vmem>>, vector<1x16xf32>,
      %parallel_loop3A_1136 = vector.shape_cast %parallel_loop3A_1135 : vector<1x16xf32> to vector<16xf32>
      %parallel_loop3A_1137 = vector.shape_cast %parallel_loop3A_1131 : vector<16xf32> to vector<1x16xf32>
      tpu.vector_store %arg9[%parallel_loop3A_1133, %parallel_loop3A_1134], %parallel_loop3A_1137 {strides = array<i32>} : memref<8x1024xf32, #tpu.memory_space<vmem>>, vector<1x16xf32>,
      %parallel_loop3A_1138 = arith.cmpi sgt, %parallel_loop3A_1069, %parallel_loop3A_1067 : vector<16xi32>
      %parallel_loop3A_1139 = arith.select %parallel_loop3A_1138, %parallel_loop3A_1127, %parallel_loop3A_1129 : vector<16xi1>, vector<16xf32>
      %parallel_loop3A_1140 = arith.constant 1 : i32
      %parallel_loop3A_1141 = arith.index_cast %parallel_loop3A_1140 : i32 to index
      %parallel_loop3A_1142 = arith.index_cast %parallel_loop3A_1014 : i32 to index
      %parallel_loop3A_1143 = tpu.vector_load %arg9[%parallel_loop3A_1141, %parallel_loop3A_1142] {strides = array<i32>} : memref<8x1024xf32, #tpu.memory_space<vmem>>, vector<1x16xf32>,
      %parallel_loop3A_1144 = vector.shape_cast %parallel_loop3A_1143 : vector<1x16xf32> to vector<16xf32>
      %parallel_loop3A_1145 = vector.shape_cast %parallel_loop3A_1139 : vector<16xf32> to vector<1x16xf32>
      tpu.vector_store %arg9[%parallel_loop3A_1141, %parallel_loop3A_1142], %parallel_loop3A_1145 {strides = array<i32>} : memref<8x1024xf32, #tpu.memory_space<vmem>>, vector<1x16xf32>,
      %parallel_loop3A_1146 = arith.cmpi sgt, %parallel_loop3A_1071, %parallel_loop3A_1082 : vector<16xi32>
      %parallel_loop3A_1147 = arith.select %parallel_loop3A_1146, %parallel_loop3A_1127, %parallel_loop3A_1129 : vector<16xi1>, vector<16xf32>
      %parallel_loop3A_1148 = arith.constant 2 : i32
      %parallel_loop3A_1149 = arith.index_cast %parallel_loop3A_1148 : i32 to index
      %parallel_loop3A_1150 = arith.index_cast %parallel_loop3A_1014 : i32 to index
      %parallel_loop3A_1151 = tpu.vector_load %arg9[%parallel_loop3A_1149, %parallel_loop3A_1150] {strides = array<i32>} : memref<8x1024xf32, #tpu.memory_space<vmem>>, vector<1x16xf32>,
      %parallel_loop3A_1152 = vector.shape_cast %parallel_loop3A_1151 : vector<1x16xf32> to vector<16xf32>
      %parallel_loop3A_1153 = vector.shape_cast %parallel_loop3A_1147 : vector<16xf32> to vector<1x16xf32>
      tpu.vector_store %arg9[%parallel_loop3A_1149, %parallel_loop3A_1150], %parallel_loop3A_1153 {strides = array<i32>} : memref<8x1024xf32, #tpu.memory_space<vmem>>, vector<1x16xf32>,
      %parallel_loop3A_1154 = arith.cmpi sgt, %parallel_loop3A_1073, %parallel_loop3A_1086 : vector<16xi32>
      %parallel_loop3A_1155 = arith.select %parallel_loop3A_1154, %parallel_loop3A_1127, %parallel_loop3A_1129 : vector<16xi1>, vector<16xf32>
      %parallel_loop3A_1156 = arith.constant 3 : i32
      %parallel_loop3A_1157 = arith.index_cast %parallel_loop3A_1156 : i32 to index
      %parallel_loop3A_1158 = arith.index_cast %parallel_loop3A_1014 : i32 to index
      %parallel_loop3A_1159 = tpu.vector_load %arg9[%parallel_loop3A_1157, %parallel_loop3A_1158] {strides = array<i32>} : memref<8x1024xf32, #tpu.memory_space<vmem>>, vector<1x16xf32>,
      %parallel_loop3A_1160 = vector.shape_cast %parallel_loop3A_1159 : vector<1x16xf32> to vector<16xf32>
      %parallel_loop3A_1161 = vector.shape_cast %parallel_loop3A_1155 : vector<16xf32> to vector<1x16xf32>
      tpu.vector_store %arg9[%parallel_loop3A_1157, %parallel_loop3A_1158], %parallel_loop3A_1161 {strides = array<i32>} : memref<8x1024xf32, #tpu.memory_space<vmem>>, vector<1x16xf32>,
      %parallel_loop3A_1162 = arith.cmpi sgt, %parallel_loop3A_1075, %parallel_loop3A_1085 : vector<16xi32>
      %parallel_loop3A_1163 = arith.select %parallel_loop3A_1162, %parallel_loop3A_1127, %parallel_loop3A_1129 : vector<16xi1>, vector<16xf32>
      %parallel_loop3A_1164 = arith.constant 4 : i32
      %parallel_loop3A_1165 = arith.index_cast %parallel_loop3A_1164 : i32 to index
      %parallel_loop3A_1166 = arith.index_cast %parallel_loop3A_1014 : i32 to index
      %parallel_loop3A_1167 = tpu.vector_load %arg9[%parallel_loop3A_1165, %parallel_loop3A_1166] {strides = array<i32>} : memref<8x1024xf32, #tpu.memory_space<vmem>>, vector<1x16xf32>,
      %parallel_loop3A_1168 = vector.shape_cast %parallel_loop3A_1167 : vector<1x16xf32> to vector<16xf32>
      %parallel_loop3A_1169 = vector.shape_cast %parallel_loop3A_1163 : vector<16xf32> to vector<1x16xf32>
      tpu.vector_store %arg9[%parallel_loop3A_1165, %parallel_loop3A_1166], %parallel_loop3A_1169 {strides = array<i32>} : memref<8x1024xf32, #tpu.memory_space<vmem>>, vector<1x16xf32>,
      %parallel_loop3A_1170 = arith.cmpi sgt, %parallel_loop3A_1077, %parallel_loop3A_1087 : vector<16xi32>
      %parallel_loop3A_1171 = arith.select %parallel_loop3A_1170, %parallel_loop3A_1127, %parallel_loop3A_1129 : vector<16xi1>, vector<16xf32>
      %parallel_loop3A_1172 = arith.constant 5 : i32
      %parallel_loop3A_1173 = arith.index_cast %parallel_loop3A_1172 : i32 to index
      %parallel_loop3A_1174 = arith.index_cast %parallel_loop3A_1014 : i32 to index
      %parallel_loop3A_1175 = tpu.vector_load %arg9[%parallel_loop3A_1173, %parallel_loop3A_1174] {strides = array<i32>} : memref<8x1024xf32, #tpu.memory_space<vmem>>, vector<1x16xf32>,
      %parallel_loop3A_1176 = vector.shape_cast %parallel_loop3A_1175 : vector<1x16xf32> to vector<16xf32>
      %parallel_loop3A_1177 = vector.shape_cast %parallel_loop3A_1171 : vector<16xf32> to vector<1x16xf32>
      tpu.vector_store %arg9[%parallel_loop3A_1173, %parallel_loop3A_1174], %parallel_loop3A_1177 {strides = array<i32>} : memref<8x1024xf32, #tpu.memory_space<vmem>>, vector<1x16xf32>,
      %parallel_loop3A_1178 = arith.cmpi sgt, %parallel_loop3A_1079, %parallel_loop3A_1088 : vector<16xi32>
      %parallel_loop3A_1179 = arith.select %parallel_loop3A_1178, %parallel_loop3A_1127, %parallel_loop3A_1129 : vector<16xi1>, vector<16xf32>
      %parallel_loop3A_1180 = arith.constant 6 : i32
      %parallel_loop3A_1181 = arith.index_cast %parallel_loop3A_1180 : i32 to index
      %parallel_loop3A_1182 = arith.index_cast %parallel_loop3A_1014 : i32 to index
      %parallel_loop3A_1183 = tpu.vector_load %arg9[%parallel_loop3A_1181, %parallel_loop3A_1182] {strides = array<i32>} : memref<8x1024xf32, #tpu.memory_space<vmem>>, vector<1x16xf32>,
      %parallel_loop3A_1184 = vector.shape_cast %parallel_loop3A_1183 : vector<1x16xf32> to vector<16xf32>
      %parallel_loop3A_1185 = vector.shape_cast %parallel_loop3A_1179 : vector<16xf32> to vector<1x16xf32>
      tpu.vector_store %arg9[%parallel_loop3A_1181, %parallel_loop3A_1182], %parallel_loop3A_1185 {strides = array<i32>} : memref<8x1024xf32, #tpu.memory_space<vmem>>, vector<1x16xf32>,
      %parallel_loop3A_1186 = arith.cmpi sgt, %parallel_loop3A_1081, %parallel_loop3A_1090 : vector<16xi32>
      %parallel_loop3A_1187 = arith.select %parallel_loop3A_1186, %parallel_loop3A_1127, %parallel_loop3A_1129 : vector<16xi1>, vector<16xf32>
      %parallel_loop3A_1188 = arith.constant 7 : i32
      %parallel_loop3A_1189 = arith.index_cast %parallel_loop3A_1188 : i32 to index
      %parallel_loop3A_1190 = arith.index_cast %parallel_loop3A_1014 : i32 to index
      %parallel_loop3A_1191 = tpu.vector_load %arg9[%parallel_loop3A_1189, %parallel_loop3A_1190] {strides = array<i32>} : memref<8x1024xf32, #tpu.memory_space<vmem>>, vector<1x16xf32>,
      %parallel_loop3A_1192 = vector.shape_cast %parallel_loop3A_1191 : vector<1x16xf32> to vector<16xf32>
      %parallel_loop3A_1193 = vector.shape_cast %parallel_loop3A_1187 : vector<16xf32> to vector<1x16xf32>
      tpu.vector_store %arg9[%parallel_loop3A_1189, %parallel_loop3A_1190], %parallel_loop3A_1193 {strides = array<i32>} : memref<8x1024xf32, #tpu.memory_space<vmem>>, vector<1x16xf32>,
    } {sc.loop_unroll_factor = 2 : i64, sc.parallel_access}
    %jit3A_402 = arith.constant 2 : i32
    %div3A_403 = arith.divsi %add3A_349, %jit3A_402 : i32
    %sign3A_404 = arith.constant 0 : i32
    %sign3A_405 = arith.cmpi sgt, %add3A_349, %sign3A_404 : i32
    %sign3A_406 = arith.extui %sign3A_405 : i1 to i32
    %sign3A_407 = arith.constant 0 : i32
    %sign3A_408 = arith.cmpi slt, %add3A_349, %sign3A_407 : i32
    %sign3A_409 = arith.extui %sign3A_408 : i1 to i32
    %sign3A_410 = arith.subi %sign3A_406, %sign3A_409 : i32
    %sign3A_411 = arith.constant 0 : i32
    %sign3A_412 = arith.cmpi sgt, %jit3A_402, %sign3A_411 : i32
    %sign3A_413 = arith.extui %sign3A_412 : i1 to i32
    %sign3A_414 = arith.constant 0 : i32
    %sign3A_415 = arith.cmpi slt, %jit3A_402, %sign3A_414 : i32
    %sign3A_416 = arith.extui %sign3A_415 : i1 to i32
    %sign3A_417 = arith.subi %sign3A_413, %sign3A_416 : i32
    %ne3A_418 = arith.cmpi ne, %sign3A_410, %sign3A_417 : i32
    %rem3A_419 = arith.remsi %add3A_349, %jit3A_402 : i32
    %ne3A_420 = arith.constant 0 : i32
    %ne3A_421 = arith.cmpi ne, %rem3A_419, %ne3A_420 : i32
    %and3A_422 = arith.andi %ne3A_418, %ne3A_421 : i1
    %sub3A_423 = arith.constant 1 : i32
    %sub3A_424 = arith.subi %div3A_403, %sub3A_423 : i32
    %select_n3A_425 = arith.select %and3A_422, %sub3A_424, %div3A_403 : i32
    %jit3A_426 = arith.constant 2 : i32
    %eq3A_427 = arith.constant 0 : i32
    %eq3A_428 = arith.cmpi eq, %jit3A_426, %eq3A_427 : i32
    %jit3A_429 = arith.constant 1 : i32
    %select_n3A_430 = arith.select %eq3A_428, %jit3A_429, %jit3A_426 : i32
    %rem3A_431 = arith.remsi %add3A_349, %select_n3A_430 : i32
    %ne3A_432 = arith.constant 0 : i32
    %ne3A_433 = arith.cmpi ne, %rem3A_431, %ne3A_432 : i32
    %lt3A_434 = arith.constant 0 : i32
    %lt3A_435 = arith.cmpi slt, %rem3A_431, %lt3A_434 : i32
    %lt3A_436 = arith.constant 0 : i32
    %lt3A_437 = arith.cmpi slt, %select_n3A_430, %lt3A_436 : i32
    %ne3A_438 = arith.xori %lt3A_435, %lt3A_437 : i1
    %and3A_439 = arith.andi %ne3A_438, %ne3A_433 : i1
    %add3A_440 = arith.addi %rem3A_431, %select_n3A_430 : i32
    %select_n3A_441 = arith.select %and3A_439, %add3A_440, %rem3A_431 : i32
    %mul3A_442 = arith.constant 1024 : i32
    %mul3A_443 = arith.muli %select_n3A_441, %mul3A_442 : i32
    %dma_start3A_444 = arith.constant 0 : i32
    %dma_start3A_445 = arith.constant 0 : i32
    %dma_start3A_446 = tpu.memref_slice %arg3[%dma_start3A_444, %dma_start3A_445, %select_n3A_425, %mul3A_443] : memref<1x8x2048x2048xf32, #tpu.memory_space<hbm>> -> memref<1x8x1x1024xf32, #tpu.memory_space<hbm>>
    %dma_start3A_447 = tpu.memref_squeeze %dma_start3A_446 : memref<1x8x1x1024xf32, #tpu.memory_space<hbm>> -> memref<8x1024xf32, #tpu.memory_space<hbm>>
    %dma_start3A_448 = arith.constant 0 : i32
    %dma_start3A_449 = tpu.memref_slice %arg3[%dma_start3A_444, %dma_start3A_448, %select_n3A_425, %mul3A_443] : memref<1x8x2048x2048xf32, #tpu.memory_space<hbm>> -> memref<1x8x1x1024xf32, #tpu.memory_space<hbm>>
    %dma_start3A_450 = tpu.memref_squeeze %dma_start3A_449 : memref<1x8x1x1024xf32, #tpu.memory_space<hbm>> -> memref<8x1024xf32, #tpu.memory_space<hbm>>
    tpu.enqueue_dma source(%arg9 : memref<8x1024xf32, #tpu.memory_space<vmem>>) target(%dma_start3A_450 : memref<8x1024xf32, #tpu.memory_space<hbm>>) target_semaphore(%arg17 : memref<!tpu.dma_semaphore, #tpu.memory_space<semaphore_mem>>)
    %add3A_451 = arith.constant 4 : i32
    %add3A_452 = arith.addi %add3A_349, %add3A_451 : i32
    %jit3A_453 = arith.constant 2 : i32
    %div3A_454 = arith.divsi %add3A_452, %jit3A_453 : i32
    %sign3A_455 = arith.constant 0 : i32
    %sign3A_456 = arith.cmpi sgt, %add3A_452, %sign3A_455 : i32
    %sign3A_457 = arith.extui %sign3A_456 : i1 to i32
    %sign3A_458 = arith.constant 0 : i32
    %sign3A_459 = arith.cmpi slt, %add3A_452, %sign3A_458 : i32
    %sign3A_460 = arith.extui %sign3A_459 : i1 to i32
    %sign3A_461 = arith.subi %sign3A_457, %sign3A_460 : i32
    %sign3A_462 = arith.constant 0 : i32
    %sign3A_463 = arith.cmpi sgt, %jit3A_453, %sign3A_462 : i32
    %sign3A_464 = arith.extui %sign3A_463 : i1 to i32
    %sign3A_465 = arith.constant 0 : i32
    %sign3A_466 = arith.cmpi slt, %jit3A_453, %sign3A_465 : i32
    %sign3A_467 = arith.extui %sign3A_466 : i1 to i32
    %sign3A_468 = arith.subi %sign3A_464, %sign3A_467 : i32
    %ne3A_469 = arith.cmpi ne, %sign3A_461, %sign3A_468 : i32
    %rem3A_470 = arith.remsi %add3A_452, %jit3A_453 : i32
    %ne3A_471 = arith.constant 0 : i32
    %ne3A_472 = arith.cmpi ne, %rem3A_470, %ne3A_471 : i32
    %and3A_473 = arith.andi %ne3A_469, %ne3A_472 : i1
    %sub3A_474 = arith.constant 1 : i32
    %sub3A_475 = arith.subi %div3A_454, %sub3A_474 : i32
    %select_n3A_476 = arith.select %and3A_473, %sub3A_475, %div3A_454 : i32
    %jit3A_477 = arith.constant 2 : i32
    %eq3A_478 = arith.constant 0 : i32
    %eq3A_479 = arith.cmpi eq, %jit3A_477, %eq3A_478 : i32
    %jit3A_480 = arith.constant 1 : i32
    %select_n3A_481 = arith.select %eq3A_479, %jit3A_480, %jit3A_477 : i32
    %rem3A_482 = arith.remsi %add3A_452, %select_n3A_481 : i32
    %ne3A_483 = arith.constant 0 : i32
    %ne3A_484 = arith.cmpi ne, %rem3A_482, %ne3A_483 : i32
    %lt3A_485 = arith.constant 0 : i32
    %lt3A_486 = arith.cmpi slt, %rem3A_482, %lt3A_485 : i32
    %lt3A_487 = arith.constant 0 : i32
    %lt3A_488 = arith.cmpi slt, %select_n3A_481, %lt3A_487 : i32
    %ne3A_489 = arith.xori %lt3A_486, %lt3A_488 : i1
    %and3A_490 = arith.andi %ne3A_489, %ne3A_484 : i1
    %add3A_491 = arith.addi %rem3A_482, %select_n3A_481 : i32
    %select_n3A_492 = arith.select %and3A_490, %add3A_491, %rem3A_482 : i32
    %mul3A_493 = arith.constant 1024 : i32
    %mul3A_494 = arith.muli %select_n3A_492, %mul3A_493 : i32
    %dma_start3A_495 = arith.constant 0 : i32
    %dma_start3A_496 = arith.constant 0 : i32
    %dma_start3A_497 = tpu.memref_slice %arg2[%dma_start3A_495, %dma_start3A_496, %select_n3A_476, %mul3A_494] : memref<1x10x2048x2048xf32, #tpu.memory_space<hbm>> -> memref<1x10x1x1024xf32, #tpu.memory_space<hbm>>
    %dma_start3A_498 = tpu.memref_squeeze %dma_start3A_497 : memref<1x10x1x1024xf32, #tpu.memory_space<hbm>> -> memref<10x1024xf32, #tpu.memory_space<hbm>>
    %dma_start3A_499 = arith.constant 0 : i32
    %dma_start3A_500 = tpu.memref_slice %arg2[%dma_start3A_495, %dma_start3A_499, %select_n3A_476, %mul3A_494] : memref<1x10x2048x2048xf32, #tpu.memory_space<hbm>> -> memref<1x10x1x1024xf32, #tpu.memory_space<hbm>>
    %dma_start3A_501 = tpu.memref_squeeze %dma_start3A_500 : memref<1x10x1x1024xf32, #tpu.memory_space<hbm>> -> memref<10x1024xf32, #tpu.memory_space<hbm>>
    tpu.enqueue_dma source(%dma_start3A_501 : memref<10x1024xf32, #tpu.memory_space<hbm>>) target(%arg5 : memref<10x1024xf32, #tpu.memory_space<vmem>>) target_semaphore(%arg13 : memref<!tpu.dma_semaphore, #tpu.memory_space<semaphore_mem>>)
    %add3A_502 = arith.constant 2 : i32
    %add3A_503 = arith.addi %mul3A_2, %add3A_502 : i32
    %jit3A_504 = arith.constant 2 : i32
    %div3A_505 = arith.divsi %add3A_503, %jit3A_504 : i32
    %sign3A_506 = arith.constant 0 : i32
    %sign3A_507 = arith.cmpi sgt, %add3A_503, %sign3A_506 : i32
    %sign3A_508 = arith.extui %sign3A_507 : i1 to i32
    %sign3A_509 = arith.constant 0 : i32
    %sign3A_510 = arith.cmpi slt, %add3A_503, %sign3A_509 : i32
    %sign3A_511 = arith.extui %sign3A_510 : i1 to i32
    %sign3A_512 = arith.subi %sign3A_508, %sign3A_511 : i32
    %sign3A_513 = arith.constant 0 : i32
    %sign3A_514 = arith.cmpi sgt, %jit3A_504, %sign3A_513 : i32
    %sign3A_515 = arith.extui %sign3A_514 : i1 to i32
    %sign3A_516 = arith.constant 0 : i32
    %sign3A_517 = arith.cmpi slt, %jit3A_504, %sign3A_516 : i32
    %sign3A_518 = arith.extui %sign3A_517 : i1 to i32
    %sign3A_519 = arith.subi %sign3A_515, %sign3A_518 : i32
    %ne3A_520 = arith.cmpi ne, %sign3A_512, %sign3A_519 : i32
    %rem3A_521 = arith.remsi %add3A_503, %jit3A_504 : i32
    %ne3A_522 = arith.constant 0 : i32
    %ne3A_523 = arith.cmpi ne, %rem3A_521, %ne3A_522 : i32
    %and3A_524 = arith.andi %ne3A_520, %ne3A_523 : i1
    %sub3A_525 = arith.constant 1 : i32
    %sub3A_526 = arith.subi %div3A_505, %sub3A_525 : i32
    %select_n3A_527 = arith.select %and3A_524, %sub3A_526, %div3A_505 : i32
    %jit3A_528 = arith.constant 2 : i32
    %eq3A_529 = arith.constant 0 : i32
    %eq3A_530 = arith.cmpi eq, %jit3A_528, %eq3A_529 : i32
    %jit3A_531 = arith.constant 1 : i32
    %select_n3A_532 = arith.select %eq3A_530, %jit3A_531, %jit3A_528 : i32
    %rem3A_533 = arith.remsi %add3A_503, %select_n3A_532 : i32
    %ne3A_534 = arith.constant 0 : i32
    %ne3A_535 = arith.cmpi ne, %rem3A_533, %ne3A_534 : i32
    %lt3A_536 = arith.constant 0 : i32
    %lt3A_537 = arith.cmpi slt, %rem3A_533, %lt3A_536 : i32
    %lt3A_538 = arith.constant 0 : i32
    %lt3A_539 = arith.cmpi slt, %select_n3A_532, %lt3A_538 : i32
    %ne3A_540 = arith.xori %lt3A_537, %lt3A_539 : i1
    %and3A_541 = arith.andi %ne3A_540, %ne3A_535 : i1
    %add3A_542 = arith.addi %rem3A_533, %select_n3A_532 : i32
    %select_n3A_543 = arith.select %and3A_541, %add3A_542, %rem3A_533 : i32
    %mul3A_544 = arith.constant 1024 : i32
    %mul3A_545 = arith.muli %select_n3A_543, %mul3A_544 : i32
    %dma_wait3A_546 = arith.constant 0 : i32
    %dma_wait3A_547 = arith.constant 0 : i32
    %dma_wait3A_548 = tpu.memref_slice %arg2[%dma_wait3A_546, %dma_wait3A_547, %select_n3A_527, %mul3A_545] : memref<1x10x2048x2048xf32, #tpu.memory_space<hbm>> -> memref<1x10x1x1024xf32, #tpu.memory_space<hbm>>
    %dma_wait3A_549 = tpu.memref_squeeze %dma_wait3A_548 : memref<1x10x1x1024xf32, #tpu.memory_space<hbm>> -> memref<10x1024xf32, #tpu.memory_space<hbm>>
    %dma_wait3A_550 = arith.constant 0 : i32
    %dma_wait3A_551 = tpu.memref_slice %arg2[%dma_wait3A_546, %dma_wait3A_550, %select_n3A_527, %mul3A_545] : memref<1x10x2048x2048xf32, #tpu.memory_space<hbm>> -> memref<1x10x1x1024xf32, #tpu.memory_space<hbm>>
    %dma_wait3A_552 = tpu.memref_squeeze %dma_wait3A_551 : memref<1x10x1x1024xf32, #tpu.memory_space<hbm>> -> memref<10x1024xf32, #tpu.memory_space<hbm>>
    tpu.wait_dma2 semaphore(%arg14 : memref<!tpu.dma_semaphore, #tpu.memory_space<semaphore_mem>>) src(%dma_wait3A_552 : memref<10x1024xf32, #tpu.memory_space<hbm>>) dst(%arg6 : memref<10x1024xf32, #tpu.memory_space<vmem>>)
    %parallel_loop3A_553 = arith.constant 0 : i32
    %parallel_loop3A_554 = arith.constant 64 : i32
    %parallel_loop3A_555 = arith.constant 1 : i32
    scf.for %parallel_loop3A_1012 = %parallel_loop3A_553 to %parallel_loop3A_554 step %parallel_loop3A_555  : i32 {
      %parallel_loop3A_1013 = arith.constant 16 : i32
      %parallel_loop3A_1014 = arith.muli %parallel_loop3A_1012, %parallel_loop3A_1013 : i32
      %parallel_loop3A_1015 = arith.constant 0 : i32
      %parallel_loop3A_1016 = arith.index_cast %parallel_loop3A_1015 : i32 to index
      %parallel_loop3A_1017 = arith.index_cast %parallel_loop3A_1014 : i32 to index
      %parallel_loop3A_1018 = tpu.vector_load %arg6[%parallel_loop3A_1016, %parallel_loop3A_1017] {strides = array<i32>} : memref<10x1024xf32, #tpu.memory_space<vmem>>, vector<1x16xf32>,
      %parallel_loop3A_1019 = vector.shape_cast %parallel_loop3A_1018 : vector<1x16xf32> to vector<16xf32>
      %parallel_loop3A_1020 = arith.constant 1 : i32
      %parallel_loop3A_1021 = arith.index_cast %parallel_loop3A_1020 : i32 to index
      %parallel_loop3A_1022 = arith.index_cast %parallel_loop3A_1014 : i32 to index
      %parallel_loop3A_1023 = tpu.vector_load %arg6[%parallel_loop3A_1021, %parallel_loop3A_1022] {strides = array<i32>} : memref<10x1024xf32, #tpu.memory_space<vmem>>, vector<1x16xf32>,
      %parallel_loop3A_1024 = vector.shape_cast %parallel_loop3A_1023 : vector<1x16xf32> to vector<16xf32>
      %parallel_loop3A_1025 = arith.constant 2 : i32
      %parallel_loop3A_1026 = arith.index_cast %parallel_loop3A_1025 : i32 to index
      %parallel_loop3A_1027 = arith.index_cast %parallel_loop3A_1014 : i32 to index
      %parallel_loop3A_1028 = tpu.vector_load %arg6[%parallel_loop3A_1026, %parallel_loop3A_1027] {strides = array<i32>} : memref<10x1024xf32, #tpu.memory_space<vmem>>, vector<1x16xf32>,
      %parallel_loop3A_1029 = vector.shape_cast %parallel_loop3A_1028 : vector<1x16xf32> to vector<16xf32>
      %parallel_loop3A_1030 = arith.constant 3 : i32
      %parallel_loop3A_1031 = arith.index_cast %parallel_loop3A_1030 : i32 to index
      %parallel_loop3A_1032 = arith.index_cast %parallel_loop3A_1014 : i32 to index
      %parallel_loop3A_1033 = tpu.vector_load %arg6[%parallel_loop3A_1031, %parallel_loop3A_1032] {strides = array<i32>} : memref<10x1024xf32, #tpu.memory_space<vmem>>, vector<1x16xf32>,
      %parallel_loop3A_1034 = vector.shape_cast %parallel_loop3A_1033 : vector<1x16xf32> to vector<16xf32>
      %parallel_loop3A_1035 = arith.constant 4 : i32
      %parallel_loop3A_1036 = arith.index_cast %parallel_loop3A_1035 : i32 to index
      %parallel_loop3A_1037 = arith.index_cast %parallel_loop3A_1014 : i32 to index
      %parallel_loop3A_1038 = tpu.vector_load %arg6[%parallel_loop3A_1036, %parallel_loop3A_1037] {strides = array<i32>} : memref<10x1024xf32, #tpu.memory_space<vmem>>, vector<1x16xf32>,
      %parallel_loop3A_1039 = vector.shape_cast %parallel_loop3A_1038 : vector<1x16xf32> to vector<16xf32>
      %parallel_loop3A_1040 = arith.constant 5 : i32
      %parallel_loop3A_1041 = arith.index_cast %parallel_loop3A_1040 : i32 to index
      %parallel_loop3A_1042 = arith.index_cast %parallel_loop3A_1014 : i32 to index
      %parallel_loop3A_1043 = tpu.vector_load %arg6[%parallel_loop3A_1041, %parallel_loop3A_1042] {strides = array<i32>} : memref<10x1024xf32, #tpu.memory_space<vmem>>, vector<1x16xf32>,
      %parallel_loop3A_1044 = vector.shape_cast %parallel_loop3A_1043 : vector<1x16xf32> to vector<16xf32>
      %parallel_loop3A_1045 = arith.constant 6 : i32
      %parallel_loop3A_1046 = arith.index_cast %parallel_loop3A_1045 : i32 to index
      %parallel_loop3A_1047 = arith.index_cast %parallel_loop3A_1014 : i32 to index
      %parallel_loop3A_1048 = tpu.vector_load %arg6[%parallel_loop3A_1046, %parallel_loop3A_1047] {strides = array<i32>} : memref<10x1024xf32, #tpu.memory_space<vmem>>, vector<1x16xf32>,
      %parallel_loop3A_1049 = vector.shape_cast %parallel_loop3A_1048 : vector<1x16xf32> to vector<16xf32>
      %parallel_loop3A_1050 = arith.constant 7 : i32
      %parallel_loop3A_1051 = arith.index_cast %parallel_loop3A_1050 : i32 to index
      %parallel_loop3A_1052 = arith.index_cast %parallel_loop3A_1014 : i32 to index
      %parallel_loop3A_1053 = tpu.vector_load %arg6[%parallel_loop3A_1051, %parallel_loop3A_1052] {strides = array<i32>} : memref<10x1024xf32, #tpu.memory_space<vmem>>, vector<1x16xf32>,
      %parallel_loop3A_1054 = vector.shape_cast %parallel_loop3A_1053 : vector<1x16xf32> to vector<16xf32>
      %parallel_loop3A_1055 = arith.maximumf %parallel_loop3A_1019, %parallel_loop3A_1024 : vector<16xf32>
      %parallel_loop3A_1056 = arith.maximumf %parallel_loop3A_1029, %parallel_loop3A_1034 : vector<16xf32>
      %parallel_loop3A_1057 = arith.maximumf %parallel_loop3A_1039, %parallel_loop3A_1044 : vector<16xf32>
      %parallel_loop3A_1058 = arith.maximumf %parallel_loop3A_1049, %parallel_loop3A_1054 : vector<16xf32>
      %parallel_loop3A_1059 = arith.maximumf %parallel_loop3A_1055, %parallel_loop3A_1056 : vector<16xf32>
      %parallel_loop3A_1060 = arith.maximumf %parallel_loop3A_1057, %parallel_loop3A_1058 : vector<16xf32>
      %parallel_loop3A_1061 = arith.maximumf %parallel_loop3A_1059, %parallel_loop3A_1060 : vector<16xf32>
      %parallel_loop3A_1062 = arith.constant 1 : i32
      %parallel_loop3A_1063 = vector.broadcast %parallel_loop3A_1062 : i32 to vector<16xi32>
      %parallel_loop3A_1064 = arith.constant 0 : i32
      %parallel_loop3A_1065 = vector.broadcast %parallel_loop3A_1064 : i32 to vector<16xi32>
      %parallel_loop3A_1066 = arith.cmpf oeq, %parallel_loop3A_1019, %parallel_loop3A_1061 : vector<16xf32>
      %parallel_loop3A_1067 = arith.select %parallel_loop3A_1066, %parallel_loop3A_1063, %parallel_loop3A_1065 : vector<16xi1>, vector<16xi32>
      %parallel_loop3A_1068 = arith.cmpf oeq, %parallel_loop3A_1024, %parallel_loop3A_1061 : vector<16xf32>
      %parallel_loop3A_1069 = arith.select %parallel_loop3A_1068, %parallel_loop3A_1063, %parallel_loop3A_1065 : vector<16xi1>, vector<16xi32>
      %parallel_loop3A_1070 = arith.cmpf oeq, %parallel_loop3A_1029, %parallel_loop3A_1061 : vector<16xf32>
      %parallel_loop3A_1071 = arith.select %parallel_loop3A_1070, %parallel_loop3A_1063, %parallel_loop3A_1065 : vector<16xi1>, vector<16xi32>
      %parallel_loop3A_1072 = arith.cmpf oeq, %parallel_loop3A_1034, %parallel_loop3A_1061 : vector<16xf32>
      %parallel_loop3A_1073 = arith.select %parallel_loop3A_1072, %parallel_loop3A_1063, %parallel_loop3A_1065 : vector<16xi1>, vector<16xi32>
      %parallel_loop3A_1074 = arith.cmpf oeq, %parallel_loop3A_1039, %parallel_loop3A_1061 : vector<16xf32>
      %parallel_loop3A_1075 = arith.select %parallel_loop3A_1074, %parallel_loop3A_1063, %parallel_loop3A_1065 : vector<16xi1>, vector<16xi32>
      %parallel_loop3A_1076 = arith.cmpf oeq, %parallel_loop3A_1044, %parallel_loop3A_1061 : vector<16xf32>
      %parallel_loop3A_1077 = arith.select %parallel_loop3A_1076, %parallel_loop3A_1063, %parallel_loop3A_1065 : vector<16xi1>, vector<16xi32>
      %parallel_loop3A_1078 = arith.cmpf oeq, %parallel_loop3A_1049, %parallel_loop3A_1061 : vector<16xf32>
      %parallel_loop3A_1079 = arith.select %parallel_loop3A_1078, %parallel_loop3A_1063, %parallel_loop3A_1065 : vector<16xi1>, vector<16xi32>
      %parallel_loop3A_1080 = arith.cmpf oeq, %parallel_loop3A_1054, %parallel_loop3A_1061 : vector<16xf32>
      %parallel_loop3A_1081 = arith.select %parallel_loop3A_1080, %parallel_loop3A_1063, %parallel_loop3A_1065 : vector<16xi1>, vector<16xi32>
      %parallel_loop3A_1082 = arith.ori %parallel_loop3A_1067, %parallel_loop3A_1069 : vector<16xi32>
      %parallel_loop3A_1083 = arith.ori %parallel_loop3A_1071, %parallel_loop3A_1073 : vector<16xi32>
      %parallel_loop3A_1084 = arith.ori %parallel_loop3A_1075, %parallel_loop3A_1077 : vector<16xi32>
      %parallel_loop3A_1085 = arith.ori %parallel_loop3A_1082, %parallel_loop3A_1083 : vector<16xi32>
      %parallel_loop3A_1086 = arith.ori %parallel_loop3A_1082, %parallel_loop3A_1071 : vector<16xi32>
      %parallel_loop3A_1087 = arith.ori %parallel_loop3A_1085, %parallel_loop3A_1075 : vector<16xi32>
      %parallel_loop3A_1088 = arith.ori %parallel_loop3A_1085, %parallel_loop3A_1084 : vector<16xi32>
      %parallel_loop3A_1089 = arith.ori %parallel_loop3A_1085, %parallel_loop3A_1084 : vector<16xi32>
      %parallel_loop3A_1090 = arith.ori %parallel_loop3A_1089, %parallel_loop3A_1079 : vector<16xi32>
      %parallel_loop3A_1091 = arith.constant 8 : i32
      %parallel_loop3A_1092 = arith.index_cast %parallel_loop3A_1091 : i32 to index
      %parallel_loop3A_1093 = arith.index_cast %parallel_loop3A_1014 : i32 to index
      %parallel_loop3A_1094 = tpu.vector_load %arg6[%parallel_loop3A_1092, %parallel_loop3A_1093] {strides = array<i32>} : memref<10x1024xf32, #tpu.memory_space<vmem>>, vector<1x16xf32>,
      %parallel_loop3A_1095 = vector.shape_cast %parallel_loop3A_1094 : vector<1x16xf32> to vector<16xf32>
      %parallel_loop3A_1096 = arith.constant 9 : i32
      %parallel_loop3A_1097 = arith.index_cast %parallel_loop3A_1096 : i32 to index
      %parallel_loop3A_1098 = arith.index_cast %parallel_loop3A_1014 : i32 to index
      %parallel_loop3A_1099 = tpu.vector_load %arg6[%parallel_loop3A_1097, %parallel_loop3A_1098] {strides = array<i32>} : memref<10x1024xf32, #tpu.memory_space<vmem>>, vector<1x16xf32>,
      %parallel_loop3A_1100 = vector.shape_cast %parallel_loop3A_1099 : vector<1x16xf32> to vector<16xf32>
      %parallel_loop3A_1101 = arith.mulf %parallel_loop3A_1095, %parallel_loop3A_1095 : vector<16xf32>
      %parallel_loop3A_1102 = arith.mulf %parallel_loop3A_1100, %parallel_loop3A_1100 : vector<16xf32>
      %parallel_loop3A_1103 = arith.addf %parallel_loop3A_1101, %parallel_loop3A_1102 : vector<16xf32>
      %parallel_loop3A_1104 = tpu.bitcast %parallel_loop3A_1103 : vector<16xf32> -> vector<16xi32>
      %parallel_loop3A_1105 = arith.constant 1 : i32
      %parallel_loop3A_1106 = vector.broadcast %parallel_loop3A_1105 : i32 to vector<16xi32>
      %parallel_loop3A_1107 = arith.shrsi %parallel_loop3A_1104, %parallel_loop3A_1106 : vector<16xi32>
      %parallel_loop3A_1108 = arith.constant 1597463007 : i32
      %parallel_loop3A_1109 = vector.broadcast %parallel_loop3A_1108 : i32 to vector<16xi32>
      %parallel_loop3A_1110 = arith.subi %parallel_loop3A_1109, %parallel_loop3A_1107 : vector<16xi32>
      %parallel_loop3A_1111 = tpu.bitcast %parallel_loop3A_1110 : vector<16xi32> -> vector<16xf32>
      %parallel_loop3A_1112 = arith.constant 5.000000e-01 : f32
      %parallel_loop3A_1113 = vector.broadcast %parallel_loop3A_1112 : f32 to vector<16xf32>
      %parallel_loop3A_1114 = arith.mulf %parallel_loop3A_1103, %parallel_loop3A_1113 : vector<16xf32>
      %parallel_loop3A_1115 = arith.mulf %parallel_loop3A_1114, %parallel_loop3A_1111 : vector<16xf32>
      %parallel_loop3A_1116 = arith.mulf %parallel_loop3A_1115, %parallel_loop3A_1111 : vector<16xf32>
      %parallel_loop3A_1117 = arith.constant 1.500000e+00 : f32
      %parallel_loop3A_1118 = vector.broadcast %parallel_loop3A_1117 : f32 to vector<16xf32>
      %parallel_loop3A_1119 = arith.subf %parallel_loop3A_1118, %parallel_loop3A_1116 : vector<16xf32>
      %parallel_loop3A_1120 = arith.mulf %parallel_loop3A_1111, %parallel_loop3A_1119 : vector<16xf32>
      %parallel_loop3A_1121 = arith.mulf %parallel_loop3A_1114, %parallel_loop3A_1120 : vector<16xf32>
      %parallel_loop3A_1122 = arith.mulf %parallel_loop3A_1121, %parallel_loop3A_1120 : vector<16xf32>
      %parallel_loop3A_1123 = arith.constant 1.500000e+00 : f32
      %parallel_loop3A_1124 = vector.broadcast %parallel_loop3A_1123 : f32 to vector<16xf32>
      %parallel_loop3A_1125 = arith.subf %parallel_loop3A_1124, %parallel_loop3A_1122 : vector<16xf32>
      %parallel_loop3A_1126 = arith.mulf %parallel_loop3A_1120, %parallel_loop3A_1125 : vector<16xf32>
      %parallel_loop3A_1127 = arith.mulf %parallel_loop3A_1103, %parallel_loop3A_1126 : vector<16xf32>
      %parallel_loop3A_1128 = arith.constant 0.000000e+00 : f32
      %parallel_loop3A_1129 = vector.broadcast %parallel_loop3A_1128 : f32 to vector<16xf32>
      %parallel_loop3A_1130 = arith.cmpi sgt, %parallel_loop3A_1067, %parallel_loop3A_1065 : vector<16xi32>
      %parallel_loop3A_1131 = arith.select %parallel_loop3A_1130, %parallel_loop3A_1127, %parallel_loop3A_1129 : vector<16xi1>, vector<16xf32>
      %parallel_loop3A_1132 = arith.constant 0 : i32
      %parallel_loop3A_1133 = arith.index_cast %parallel_loop3A_1132 : i32 to index
      %parallel_loop3A_1134 = arith.index_cast %parallel_loop3A_1014 : i32 to index
      %parallel_loop3A_1135 = tpu.vector_load %arg10[%parallel_loop3A_1133, %parallel_loop3A_1134] {strides = array<i32>} : memref<8x1024xf32, #tpu.memory_space<vmem>>, vector<1x16xf32>,
      %parallel_loop3A_1136 = vector.shape_cast %parallel_loop3A_1135 : vector<1x16xf32> to vector<16xf32>
      %parallel_loop3A_1137 = vector.shape_cast %parallel_loop3A_1131 : vector<16xf32> to vector<1x16xf32>
      tpu.vector_store %arg10[%parallel_loop3A_1133, %parallel_loop3A_1134], %parallel_loop3A_1137 {strides = array<i32>} : memref<8x1024xf32, #tpu.memory_space<vmem>>, vector<1x16xf32>,
      %parallel_loop3A_1138 = arith.cmpi sgt, %parallel_loop3A_1069, %parallel_loop3A_1067 : vector<16xi32>
      %parallel_loop3A_1139 = arith.select %parallel_loop3A_1138, %parallel_loop3A_1127, %parallel_loop3A_1129 : vector<16xi1>, vector<16xf32>
      %parallel_loop3A_1140 = arith.constant 1 : i32
      %parallel_loop3A_1141 = arith.index_cast %parallel_loop3A_1140 : i32 to index
      %parallel_loop3A_1142 = arith.index_cast %parallel_loop3A_1014 : i32 to index
      %parallel_loop3A_1143 = tpu.vector_load %arg10[%parallel_loop3A_1141, %parallel_loop3A_1142] {strides = array<i32>} : memref<8x1024xf32, #tpu.memory_space<vmem>>, vector<1x16xf32>,
      %parallel_loop3A_1144 = vector.shape_cast %parallel_loop3A_1143 : vector<1x16xf32> to vector<16xf32>
      %parallel_loop3A_1145 = vector.shape_cast %parallel_loop3A_1139 : vector<16xf32> to vector<1x16xf32>
      tpu.vector_store %arg10[%parallel_loop3A_1141, %parallel_loop3A_1142], %parallel_loop3A_1145 {strides = array<i32>} : memref<8x1024xf32, #tpu.memory_space<vmem>>, vector<1x16xf32>,
      %parallel_loop3A_1146 = arith.cmpi sgt, %parallel_loop3A_1071, %parallel_loop3A_1082 : vector<16xi32>
      %parallel_loop3A_1147 = arith.select %parallel_loop3A_1146, %parallel_loop3A_1127, %parallel_loop3A_1129 : vector<16xi1>, vector<16xf32>
      %parallel_loop3A_1148 = arith.constant 2 : i32
      %parallel_loop3A_1149 = arith.index_cast %parallel_loop3A_1148 : i32 to index
      %parallel_loop3A_1150 = arith.index_cast %parallel_loop3A_1014 : i32 to index
      %parallel_loop3A_1151 = tpu.vector_load %arg10[%parallel_loop3A_1149, %parallel_loop3A_1150] {strides = array<i32>} : memref<8x1024xf32, #tpu.memory_space<vmem>>, vector<1x16xf32>,
      %parallel_loop3A_1152 = vector.shape_cast %parallel_loop3A_1151 : vector<1x16xf32> to vector<16xf32>
      %parallel_loop3A_1153 = vector.shape_cast %parallel_loop3A_1147 : vector<16xf32> to vector<1x16xf32>
      tpu.vector_store %arg10[%parallel_loop3A_1149, %parallel_loop3A_1150], %parallel_loop3A_1153 {strides = array<i32>} : memref<8x1024xf32, #tpu.memory_space<vmem>>, vector<1x16xf32>,
      %parallel_loop3A_1154 = arith.cmpi sgt, %parallel_loop3A_1073, %parallel_loop3A_1086 : vector<16xi32>
      %parallel_loop3A_1155 = arith.select %parallel_loop3A_1154, %parallel_loop3A_1127, %parallel_loop3A_1129 : vector<16xi1>, vector<16xf32>
      %parallel_loop3A_1156 = arith.constant 3 : i32
      %parallel_loop3A_1157 = arith.index_cast %parallel_loop3A_1156 : i32 to index
      %parallel_loop3A_1158 = arith.index_cast %parallel_loop3A_1014 : i32 to index
      %parallel_loop3A_1159 = tpu.vector_load %arg10[%parallel_loop3A_1157, %parallel_loop3A_1158] {strides = array<i32>} : memref<8x1024xf32, #tpu.memory_space<vmem>>, vector<1x16xf32>,
      %parallel_loop3A_1160 = vector.shape_cast %parallel_loop3A_1159 : vector<1x16xf32> to vector<16xf32>
      %parallel_loop3A_1161 = vector.shape_cast %parallel_loop3A_1155 : vector<16xf32> to vector<1x16xf32>
      tpu.vector_store %arg10[%parallel_loop3A_1157, %parallel_loop3A_1158], %parallel_loop3A_1161 {strides = array<i32>} : memref<8x1024xf32, #tpu.memory_space<vmem>>, vector<1x16xf32>,
      %parallel_loop3A_1162 = arith.cmpi sgt, %parallel_loop3A_1075, %parallel_loop3A_1085 : vector<16xi32>
      %parallel_loop3A_1163 = arith.select %parallel_loop3A_1162, %parallel_loop3A_1127, %parallel_loop3A_1129 : vector<16xi1>, vector<16xf32>
      %parallel_loop3A_1164 = arith.constant 4 : i32
      %parallel_loop3A_1165 = arith.index_cast %parallel_loop3A_1164 : i32 to index
      %parallel_loop3A_1166 = arith.index_cast %parallel_loop3A_1014 : i32 to index
      %parallel_loop3A_1167 = tpu.vector_load %arg10[%parallel_loop3A_1165, %parallel_loop3A_1166] {strides = array<i32>} : memref<8x1024xf32, #tpu.memory_space<vmem>>, vector<1x16xf32>,
      %parallel_loop3A_1168 = vector.shape_cast %parallel_loop3A_1167 : vector<1x16xf32> to vector<16xf32>
      %parallel_loop3A_1169 = vector.shape_cast %parallel_loop3A_1163 : vector<16xf32> to vector<1x16xf32>
      tpu.vector_store %arg10[%parallel_loop3A_1165, %parallel_loop3A_1166], %parallel_loop3A_1169 {strides = array<i32>} : memref<8x1024xf32, #tpu.memory_space<vmem>>, vector<1x16xf32>,
      %parallel_loop3A_1170 = arith.cmpi sgt, %parallel_loop3A_1077, %parallel_loop3A_1087 : vector<16xi32>
      %parallel_loop3A_1171 = arith.select %parallel_loop3A_1170, %parallel_loop3A_1127, %parallel_loop3A_1129 : vector<16xi1>, vector<16xf32>
      %parallel_loop3A_1172 = arith.constant 5 : i32
      %parallel_loop3A_1173 = arith.index_cast %parallel_loop3A_1172 : i32 to index
      %parallel_loop3A_1174 = arith.index_cast %parallel_loop3A_1014 : i32 to index
      %parallel_loop3A_1175 = tpu.vector_load %arg10[%parallel_loop3A_1173, %parallel_loop3A_1174] {strides = array<i32>} : memref<8x1024xf32, #tpu.memory_space<vmem>>, vector<1x16xf32>,
      %parallel_loop3A_1176 = vector.shape_cast %parallel_loop3A_1175 : vector<1x16xf32> to vector<16xf32>
      %parallel_loop3A_1177 = vector.shape_cast %parallel_loop3A_1171 : vector<16xf32> to vector<1x16xf32>
      tpu.vector_store %arg10[%parallel_loop3A_1173, %parallel_loop3A_1174], %parallel_loop3A_1177 {strides = array<i32>} : memref<8x1024xf32, #tpu.memory_space<vmem>>, vector<1x16xf32>,
      %parallel_loop3A_1178 = arith.cmpi sgt, %parallel_loop3A_1079, %parallel_loop3A_1088 : vector<16xi32>
      %parallel_loop3A_1179 = arith.select %parallel_loop3A_1178, %parallel_loop3A_1127, %parallel_loop3A_1129 : vector<16xi1>, vector<16xf32>
      %parallel_loop3A_1180 = arith.constant 6 : i32
      %parallel_loop3A_1181 = arith.index_cast %parallel_loop3A_1180 : i32 to index
      %parallel_loop3A_1182 = arith.index_cast %parallel_loop3A_1014 : i32 to index
      %parallel_loop3A_1183 = tpu.vector_load %arg10[%parallel_loop3A_1181, %parallel_loop3A_1182] {strides = array<i32>} : memref<8x1024xf32, #tpu.memory_space<vmem>>, vector<1x16xf32>,
      %parallel_loop3A_1184 = vector.shape_cast %parallel_loop3A_1183 : vector<1x16xf32> to vector<16xf32>
      %parallel_loop3A_1185 = vector.shape_cast %parallel_loop3A_1179 : vector<16xf32> to vector<1x16xf32>
      tpu.vector_store %arg10[%parallel_loop3A_1181, %parallel_loop3A_1182], %parallel_loop3A_1185 {strides = array<i32>} : memref<8x1024xf32, #tpu.memory_space<vmem>>, vector<1x16xf32>,
      %parallel_loop3A_1186 = arith.cmpi sgt, %parallel_loop3A_1081, %parallel_loop3A_1090 : vector<16xi32>
      %parallel_loop3A_1187 = arith.select %parallel_loop3A_1186, %parallel_loop3A_1127, %parallel_loop3A_1129 : vector<16xi1>, vector<16xf32>
      %parallel_loop3A_1188 = arith.constant 7 : i32
      %parallel_loop3A_1189 = arith.index_cast %parallel_loop3A_1188 : i32 to index
      %parallel_loop3A_1190 = arith.index_cast %parallel_loop3A_1014 : i32 to index
      %parallel_loop3A_1191 = tpu.vector_load %arg10[%parallel_loop3A_1189, %parallel_loop3A_1190] {strides = array<i32>} : memref<8x1024xf32, #tpu.memory_space<vmem>>, vector<1x16xf32>,
      %parallel_loop3A_1192 = vector.shape_cast %parallel_loop3A_1191 : vector<1x16xf32> to vector<16xf32>
      %parallel_loop3A_1193 = vector.shape_cast %parallel_loop3A_1187 : vector<16xf32> to vector<1x16xf32>
      tpu.vector_store %arg10[%parallel_loop3A_1189, %parallel_loop3A_1190], %parallel_loop3A_1193 {strides = array<i32>} : memref<8x1024xf32, #tpu.memory_space<vmem>>, vector<1x16xf32>,
    } {sc.loop_unroll_factor = 2 : i64, sc.parallel_access}
    %jit3A_556 = arith.constant 2 : i32
    %div3A_557 = arith.divsi %add3A_503, %jit3A_556 : i32
    %sign3A_558 = arith.constant 0 : i32
    %sign3A_559 = arith.cmpi sgt, %add3A_503, %sign3A_558 : i32
    %sign3A_560 = arith.extui %sign3A_559 : i1 to i32
    %sign3A_561 = arith.constant 0 : i32
    %sign3A_562 = arith.cmpi slt, %add3A_503, %sign3A_561 : i32
    %sign3A_563 = arith.extui %sign3A_562 : i1 to i32
    %sign3A_564 = arith.subi %sign3A_560, %sign3A_563 : i32
    %sign3A_565 = arith.constant 0 : i32
    %sign3A_566 = arith.cmpi sgt, %jit3A_556, %sign3A_565 : i32
    %sign3A_567 = arith.extui %sign3A_566 : i1 to i32
    %sign3A_568 = arith.constant 0 : i32
    %sign3A_569 = arith.cmpi slt, %jit3A_556, %sign3A_568 : i32
    %sign3A_570 = arith.extui %sign3A_569 : i1 to i32
    %sign3A_571 = arith.subi %sign3A_567, %sign3A_570 : i32
    %ne3A_572 = arith.cmpi ne, %sign3A_564, %sign3A_571 : i32
    %rem3A_573 = arith.remsi %add3A_503, %jit3A_556 : i32
    %ne3A_574 = arith.constant 0 : i32
    %ne3A_575 = arith.cmpi ne, %rem3A_573, %ne3A_574 : i32
    %and3A_576 = arith.andi %ne3A_572, %ne3A_575 : i1
    %sub3A_577 = arith.constant 1 : i32
    %sub3A_578 = arith.subi %div3A_557, %sub3A_577 : i32
    %select_n3A_579 = arith.select %and3A_576, %sub3A_578, %div3A_557 : i32
    %jit3A_580 = arith.constant 2 : i32
    %eq3A_581 = arith.constant 0 : i32
    %eq3A_582 = arith.cmpi eq, %jit3A_580, %eq3A_581 : i32
    %jit3A_583 = arith.constant 1 : i32
    %select_n3A_584 = arith.select %eq3A_582, %jit3A_583, %jit3A_580 : i32
    %rem3A_585 = arith.remsi %add3A_503, %select_n3A_584 : i32
    %ne3A_586 = arith.constant 0 : i32
    %ne3A_587 = arith.cmpi ne, %rem3A_585, %ne3A_586 : i32
    %lt3A_588 = arith.constant 0 : i32
    %lt3A_589 = arith.cmpi slt, %rem3A_585, %lt3A_588 : i32
    %lt3A_590 = arith.constant 0 : i32
    %lt3A_591 = arith.cmpi slt, %select_n3A_584, %lt3A_590 : i32
    %ne3A_592 = arith.xori %lt3A_589, %lt3A_591 : i1
    %and3A_593 = arith.andi %ne3A_592, %ne3A_587 : i1
    %add3A_594 = arith.addi %rem3A_585, %select_n3A_584 : i32
    %select_n3A_595 = arith.select %and3A_593, %add3A_594, %rem3A_585 : i32
    %mul3A_596 = arith.constant 1024 : i32
    %mul3A_597 = arith.muli %select_n3A_595, %mul3A_596 : i32
    %dma_start3A_598 = arith.constant 0 : i32
    %dma_start3A_599 = arith.constant 0 : i32
    %dma_start3A_600 = tpu.memref_slice %arg3[%dma_start3A_598, %dma_start3A_599, %select_n3A_579, %mul3A_597] : memref<1x8x2048x2048xf32, #tpu.memory_space<hbm>> -> memref<1x8x1x1024xf32, #tpu.memory_space<hbm>>
    %dma_start3A_601 = tpu.memref_squeeze %dma_start3A_600 : memref<1x8x1x1024xf32, #tpu.memory_space<hbm>> -> memref<8x1024xf32, #tpu.memory_space<hbm>>
    %dma_start3A_602 = arith.constant 0 : i32
    %dma_start3A_603 = tpu.memref_slice %arg3[%dma_start3A_598, %dma_start3A_602, %select_n3A_579, %mul3A_597] : memref<1x8x2048x2048xf32, #tpu.memory_space<hbm>> -> memref<1x8x1x1024xf32, #tpu.memory_space<hbm>>
    %dma_start3A_604 = tpu.memref_squeeze %dma_start3A_603 : memref<1x8x1x1024xf32, #tpu.memory_space<hbm>> -> memref<8x1024xf32, #tpu.memory_space<hbm>>
    tpu.enqueue_dma source(%arg10 : memref<8x1024xf32, #tpu.memory_space<vmem>>) target(%dma_start3A_604 : memref<8x1024xf32, #tpu.memory_space<hbm>>) target_semaphore(%arg18 : memref<!tpu.dma_semaphore, #tpu.memory_space<semaphore_mem>>)
    %add3A_605 = arith.constant 4 : i32
    %add3A_606 = arith.addi %add3A_503, %add3A_605 : i32
    %jit3A_607 = arith.constant 2 : i32
    %div3A_608 = arith.divsi %add3A_606, %jit3A_607 : i32
    %sign3A_609 = arith.constant 0 : i32
    %sign3A_610 = arith.cmpi sgt, %add3A_606, %sign3A_609 : i32
    %sign3A_611 = arith.extui %sign3A_610 : i1 to i32
    %sign3A_612 = arith.constant 0 : i32
    %sign3A_613 = arith.cmpi slt, %add3A_606, %sign3A_612 : i32
    %sign3A_614 = arith.extui %sign3A_613 : i1 to i32
    %sign3A_615 = arith.subi %sign3A_611, %sign3A_614 : i32
    %sign3A_616 = arith.constant 0 : i32
    %sign3A_617 = arith.cmpi sgt, %jit3A_607, %sign3A_616 : i32
    %sign3A_618 = arith.extui %sign3A_617 : i1 to i32
    %sign3A_619 = arith.constant 0 : i32
    %sign3A_620 = arith.cmpi slt, %jit3A_607, %sign3A_619 : i32
    %sign3A_621 = arith.extui %sign3A_620 : i1 to i32
    %sign3A_622 = arith.subi %sign3A_618, %sign3A_621 : i32
    %ne3A_623 = arith.cmpi ne, %sign3A_615, %sign3A_622 : i32
    %rem3A_624 = arith.remsi %add3A_606, %jit3A_607 : i32
    %ne3A_625 = arith.constant 0 : i32
    %ne3A_626 = arith.cmpi ne, %rem3A_624, %ne3A_625 : i32
    %and3A_627 = arith.andi %ne3A_623, %ne3A_626 : i1
    %sub3A_628 = arith.constant 1 : i32
    %sub3A_629 = arith.subi %div3A_608, %sub3A_628 : i32
    %select_n3A_630 = arith.select %and3A_627, %sub3A_629, %div3A_608 : i32
    %jit3A_631 = arith.constant 2 : i32
    %eq3A_632 = arith.constant 0 : i32
    %eq3A_633 = arith.cmpi eq, %jit3A_631, %eq3A_632 : i32
    %jit3A_634 = arith.constant 1 : i32
    %select_n3A_635 = arith.select %eq3A_633, %jit3A_634, %jit3A_631 : i32
    %rem3A_636 = arith.remsi %add3A_606, %select_n3A_635 : i32
    %ne3A_637 = arith.constant 0 : i32
    %ne3A_638 = arith.cmpi ne, %rem3A_636, %ne3A_637 : i32
    %lt3A_639 = arith.constant 0 : i32
    %lt3A_640 = arith.cmpi slt, %rem3A_636, %lt3A_639 : i32
    %lt3A_641 = arith.constant 0 : i32
    %lt3A_642 = arith.cmpi slt, %select_n3A_635, %lt3A_641 : i32
    %ne3A_643 = arith.xori %lt3A_640, %lt3A_642 : i1
    %and3A_644 = arith.andi %ne3A_643, %ne3A_638 : i1
    %add3A_645 = arith.addi %rem3A_636, %select_n3A_635 : i32
    %select_n3A_646 = arith.select %and3A_644, %add3A_645, %rem3A_636 : i32
    %mul3A_647 = arith.constant 1024 : i32
    %mul3A_648 = arith.muli %select_n3A_646, %mul3A_647 : i32
    %dma_start3A_649 = arith.constant 0 : i32
    %dma_start3A_650 = arith.constant 0 : i32
    %dma_start3A_651 = tpu.memref_slice %arg2[%dma_start3A_649, %dma_start3A_650, %select_n3A_630, %mul3A_648] : memref<1x10x2048x2048xf32, #tpu.memory_space<hbm>> -> memref<1x10x1x1024xf32, #tpu.memory_space<hbm>>
    %dma_start3A_652 = tpu.memref_squeeze %dma_start3A_651 : memref<1x10x1x1024xf32, #tpu.memory_space<hbm>> -> memref<10x1024xf32, #tpu.memory_space<hbm>>
    %dma_start3A_653 = arith.constant 0 : i32
    %dma_start3A_654 = tpu.memref_slice %arg2[%dma_start3A_649, %dma_start3A_653, %select_n3A_630, %mul3A_648] : memref<1x10x2048x2048xf32, #tpu.memory_space<hbm>> -> memref<1x10x1x1024xf32, #tpu.memory_space<hbm>>
    %dma_start3A_655 = tpu.memref_squeeze %dma_start3A_654 : memref<1x10x1x1024xf32, #tpu.memory_space<hbm>> -> memref<10x1024xf32, #tpu.memory_space<hbm>>
    tpu.enqueue_dma source(%dma_start3A_655 : memref<10x1024xf32, #tpu.memory_space<hbm>>) target(%arg6 : memref<10x1024xf32, #tpu.memory_space<vmem>>) target_semaphore(%arg14 : memref<!tpu.dma_semaphore, #tpu.memory_space<semaphore_mem>>)
    %add3A_656 = arith.constant 3 : i32
    %add3A_657 = arith.addi %mul3A_2, %add3A_656 : i32
    %jit3A_658 = arith.constant 2 : i32
    %div3A_659 = arith.divsi %add3A_657, %jit3A_658 : i32
    %sign3A_660 = arith.constant 0 : i32
    %sign3A_661 = arith.cmpi sgt, %add3A_657, %sign3A_660 : i32
    %sign3A_662 = arith.extui %sign3A_661 : i1 to i32
    %sign3A_663 = arith.constant 0 : i32
    %sign3A_664 = arith.cmpi slt, %add3A_657, %sign3A_663 : i32
    %sign3A_665 = arith.extui %sign3A_664 : i1 to i32
    %sign3A_666 = arith.subi %sign3A_662, %sign3A_665 : i32
    %sign3A_667 = arith.constant 0 : i32
    %sign3A_668 = arith.cmpi sgt, %jit3A_658, %sign3A_667 : i32
    %sign3A_669 = arith.extui %sign3A_668 : i1 to i32
    %sign3A_670 = arith.constant 0 : i32
    %sign3A_671 = arith.cmpi slt, %jit3A_658, %sign3A_670 : i32
    %sign3A_672 = arith.extui %sign3A_671 : i1 to i32
    %sign3A_673 = arith.subi %sign3A_669, %sign3A_672 : i32
    %ne3A_674 = arith.cmpi ne, %sign3A_666, %sign3A_673 : i32
    %rem3A_675 = arith.remsi %add3A_657, %jit3A_658 : i32
    %ne3A_676 = arith.constant 0 : i32
    %ne3A_677 = arith.cmpi ne, %rem3A_675, %ne3A_676 : i32
    %and3A_678 = arith.andi %ne3A_674, %ne3A_677 : i1
    %sub3A_679 = arith.constant 1 : i32
    %sub3A_680 = arith.subi %div3A_659, %sub3A_679 : i32
    %select_n3A_681 = arith.select %and3A_678, %sub3A_680, %div3A_659 : i32
    %jit3A_682 = arith.constant 2 : i32
    %eq3A_683 = arith.constant 0 : i32
    %eq3A_684 = arith.cmpi eq, %jit3A_682, %eq3A_683 : i32
    %jit3A_685 = arith.constant 1 : i32
    %select_n3A_686 = arith.select %eq3A_684, %jit3A_685, %jit3A_682 : i32
    %rem3A_687 = arith.remsi %add3A_657, %select_n3A_686 : i32
    %ne3A_688 = arith.constant 0 : i32
    %ne3A_689 = arith.cmpi ne, %rem3A_687, %ne3A_688 : i32
    %lt3A_690 = arith.constant 0 : i32
    %lt3A_691 = arith.cmpi slt, %rem3A_687, %lt3A_690 : i32
    %lt3A_692 = arith.constant 0 : i32
    %lt3A_693 = arith.cmpi slt, %select_n3A_686, %lt3A_692 : i32
    %ne3A_694 = arith.xori %lt3A_691, %lt3A_693 : i1
    %and3A_695 = arith.andi %ne3A_694, %ne3A_689 : i1
    %add3A_696 = arith.addi %rem3A_687, %select_n3A_686 : i32
    %select_n3A_697 = arith.select %and3A_695, %add3A_696, %rem3A_687 : i32
    %mul3A_698 = arith.constant 1024 : i32
    %mul3A_699 = arith.muli %select_n3A_697, %mul3A_698 : i32
    %dma_wait3A_700 = arith.constant 0 : i32
    %dma_wait3A_701 = arith.constant 0 : i32
    %dma_wait3A_702 = tpu.memref_slice %arg2[%dma_wait3A_700, %dma_wait3A_701, %select_n3A_681, %mul3A_699] : memref<1x10x2048x2048xf32, #tpu.memory_space<hbm>> -> memref<1x10x1x1024xf32, #tpu.memory_space<hbm>>
    %dma_wait3A_703 = tpu.memref_squeeze %dma_wait3A_702 : memref<1x10x1x1024xf32, #tpu.memory_space<hbm>> -> memref<10x1024xf32, #tpu.memory_space<hbm>>
    %dma_wait3A_704 = arith.constant 0 : i32
    %dma_wait3A_705 = tpu.memref_slice %arg2[%dma_wait3A_700, %dma_wait3A_704, %select_n3A_681, %mul3A_699] : memref<1x10x2048x2048xf32, #tpu.memory_space<hbm>> -> memref<1x10x1x1024xf32, #tpu.memory_space<hbm>>
    %dma_wait3A_706 = tpu.memref_squeeze %dma_wait3A_705 : memref<1x10x1x1024xf32, #tpu.memory_space<hbm>> -> memref<10x1024xf32, #tpu.memory_space<hbm>>
    tpu.wait_dma2 semaphore(%arg15 : memref<!tpu.dma_semaphore, #tpu.memory_space<semaphore_mem>>) src(%dma_wait3A_706 : memref<10x1024xf32, #tpu.memory_space<hbm>>) dst(%arg7 : memref<10x1024xf32, #tpu.memory_space<vmem>>)
    %parallel_loop3A_707 = arith.constant 0 : i32
    %parallel_loop3A_708 = arith.constant 64 : i32
    %parallel_loop3A_709 = arith.constant 1 : i32
    scf.for %parallel_loop3A_1012 = %parallel_loop3A_707 to %parallel_loop3A_708 step %parallel_loop3A_709  : i32 {
      %parallel_loop3A_1013 = arith.constant 16 : i32
      %parallel_loop3A_1014 = arith.muli %parallel_loop3A_1012, %parallel_loop3A_1013 : i32
      %parallel_loop3A_1015 = arith.constant 0 : i32
      %parallel_loop3A_1016 = arith.index_cast %parallel_loop3A_1015 : i32 to index
      %parallel_loop3A_1017 = arith.index_cast %parallel_loop3A_1014 : i32 to index
      %parallel_loop3A_1018 = tpu.vector_load %arg7[%parallel_loop3A_1016, %parallel_loop3A_1017] {strides = array<i32>} : memref<10x1024xf32, #tpu.memory_space<vmem>>, vector<1x16xf32>,
      %parallel_loop3A_1019 = vector.shape_cast %parallel_loop3A_1018 : vector<1x16xf32> to vector<16xf32>
      %parallel_loop3A_1020 = arith.constant 1 : i32
      %parallel_loop3A_1021 = arith.index_cast %parallel_loop3A_1020 : i32 to index
      %parallel_loop3A_1022 = arith.index_cast %parallel_loop3A_1014 : i32 to index
      %parallel_loop3A_1023 = tpu.vector_load %arg7[%parallel_loop3A_1021, %parallel_loop3A_1022] {strides = array<i32>} : memref<10x1024xf32, #tpu.memory_space<vmem>>, vector<1x16xf32>,
      %parallel_loop3A_1024 = vector.shape_cast %parallel_loop3A_1023 : vector<1x16xf32> to vector<16xf32>
      %parallel_loop3A_1025 = arith.constant 2 : i32
      %parallel_loop3A_1026 = arith.index_cast %parallel_loop3A_1025 : i32 to index
      %parallel_loop3A_1027 = arith.index_cast %parallel_loop3A_1014 : i32 to index
      %parallel_loop3A_1028 = tpu.vector_load %arg7[%parallel_loop3A_1026, %parallel_loop3A_1027] {strides = array<i32>} : memref<10x1024xf32, #tpu.memory_space<vmem>>, vector<1x16xf32>,
      %parallel_loop3A_1029 = vector.shape_cast %parallel_loop3A_1028 : vector<1x16xf32> to vector<16xf32>
      %parallel_loop3A_1030 = arith.constant 3 : i32
      %parallel_loop3A_1031 = arith.index_cast %parallel_loop3A_1030 : i32 to index
      %parallel_loop3A_1032 = arith.index_cast %parallel_loop3A_1014 : i32 to index
      %parallel_loop3A_1033 = tpu.vector_load %arg7[%parallel_loop3A_1031, %parallel_loop3A_1032] {strides = array<i32>} : memref<10x1024xf32, #tpu.memory_space<vmem>>, vector<1x16xf32>,
      %parallel_loop3A_1034 = vector.shape_cast %parallel_loop3A_1033 : vector<1x16xf32> to vector<16xf32>
      %parallel_loop3A_1035 = arith.constant 4 : i32
      %parallel_loop3A_1036 = arith.index_cast %parallel_loop3A_1035 : i32 to index
      %parallel_loop3A_1037 = arith.index_cast %parallel_loop3A_1014 : i32 to index
      %parallel_loop3A_1038 = tpu.vector_load %arg7[%parallel_loop3A_1036, %parallel_loop3A_1037] {strides = array<i32>} : memref<10x1024xf32, #tpu.memory_space<vmem>>, vector<1x16xf32>,
      %parallel_loop3A_1039 = vector.shape_cast %parallel_loop3A_1038 : vector<1x16xf32> to vector<16xf32>
      %parallel_loop3A_1040 = arith.constant 5 : i32
      %parallel_loop3A_1041 = arith.index_cast %parallel_loop3A_1040 : i32 to index
      %parallel_loop3A_1042 = arith.index_cast %parallel_loop3A_1014 : i32 to index
      %parallel_loop3A_1043 = tpu.vector_load %arg7[%parallel_loop3A_1041, %parallel_loop3A_1042] {strides = array<i32>} : memref<10x1024xf32, #tpu.memory_space<vmem>>, vector<1x16xf32>,
      %parallel_loop3A_1044 = vector.shape_cast %parallel_loop3A_1043 : vector<1x16xf32> to vector<16xf32>
      %parallel_loop3A_1045 = arith.constant 6 : i32
      %parallel_loop3A_1046 = arith.index_cast %parallel_loop3A_1045 : i32 to index
      %parallel_loop3A_1047 = arith.index_cast %parallel_loop3A_1014 : i32 to index
      %parallel_loop3A_1048 = tpu.vector_load %arg7[%parallel_loop3A_1046, %parallel_loop3A_1047] {strides = array<i32>} : memref<10x1024xf32, #tpu.memory_space<vmem>>, vector<1x16xf32>,
      %parallel_loop3A_1049 = vector.shape_cast %parallel_loop3A_1048 : vector<1x16xf32> to vector<16xf32>
      %parallel_loop3A_1050 = arith.constant 7 : i32
      %parallel_loop3A_1051 = arith.index_cast %parallel_loop3A_1050 : i32 to index
      %parallel_loop3A_1052 = arith.index_cast %parallel_loop3A_1014 : i32 to index
      %parallel_loop3A_1053 = tpu.vector_load %arg7[%parallel_loop3A_1051, %parallel_loop3A_1052] {strides = array<i32>} : memref<10x1024xf32, #tpu.memory_space<vmem>>, vector<1x16xf32>,
      %parallel_loop3A_1054 = vector.shape_cast %parallel_loop3A_1053 : vector<1x16xf32> to vector<16xf32>
      %parallel_loop3A_1055 = arith.maximumf %parallel_loop3A_1019, %parallel_loop3A_1024 : vector<16xf32>
      %parallel_loop3A_1056 = arith.maximumf %parallel_loop3A_1029, %parallel_loop3A_1034 : vector<16xf32>
      %parallel_loop3A_1057 = arith.maximumf %parallel_loop3A_1039, %parallel_loop3A_1044 : vector<16xf32>
      %parallel_loop3A_1058 = arith.maximumf %parallel_loop3A_1049, %parallel_loop3A_1054 : vector<16xf32>
      %parallel_loop3A_1059 = arith.maximumf %parallel_loop3A_1055, %parallel_loop3A_1056 : vector<16xf32>
      %parallel_loop3A_1060 = arith.maximumf %parallel_loop3A_1057, %parallel_loop3A_1058 : vector<16xf32>
      %parallel_loop3A_1061 = arith.maximumf %parallel_loop3A_1059, %parallel_loop3A_1060 : vector<16xf32>
      %parallel_loop3A_1062 = arith.constant 1 : i32
      %parallel_loop3A_1063 = vector.broadcast %parallel_loop3A_1062 : i32 to vector<16xi32>
      %parallel_loop3A_1064 = arith.constant 0 : i32
      %parallel_loop3A_1065 = vector.broadcast %parallel_loop3A_1064 : i32 to vector<16xi32>
      %parallel_loop3A_1066 = arith.cmpf oeq, %parallel_loop3A_1019, %parallel_loop3A_1061 : vector<16xf32>
      %parallel_loop3A_1067 = arith.select %parallel_loop3A_1066, %parallel_loop3A_1063, %parallel_loop3A_1065 : vector<16xi1>, vector<16xi32>
      %parallel_loop3A_1068 = arith.cmpf oeq, %parallel_loop3A_1024, %parallel_loop3A_1061 : vector<16xf32>
      %parallel_loop3A_1069 = arith.select %parallel_loop3A_1068, %parallel_loop3A_1063, %parallel_loop3A_1065 : vector<16xi1>, vector<16xi32>
      %parallel_loop3A_1070 = arith.cmpf oeq, %parallel_loop3A_1029, %parallel_loop3A_1061 : vector<16xf32>
      %parallel_loop3A_1071 = arith.select %parallel_loop3A_1070, %parallel_loop3A_1063, %parallel_loop3A_1065 : vector<16xi1>, vector<16xi32>
      %parallel_loop3A_1072 = arith.cmpf oeq, %parallel_loop3A_1034, %parallel_loop3A_1061 : vector<16xf32>
      %parallel_loop3A_1073 = arith.select %parallel_loop3A_1072, %parallel_loop3A_1063, %parallel_loop3A_1065 : vector<16xi1>, vector<16xi32>
      %parallel_loop3A_1074 = arith.cmpf oeq, %parallel_loop3A_1039, %parallel_loop3A_1061 : vector<16xf32>
      %parallel_loop3A_1075 = arith.select %parallel_loop3A_1074, %parallel_loop3A_1063, %parallel_loop3A_1065 : vector<16xi1>, vector<16xi32>
      %parallel_loop3A_1076 = arith.cmpf oeq, %parallel_loop3A_1044, %parallel_loop3A_1061 : vector<16xf32>
      %parallel_loop3A_1077 = arith.select %parallel_loop3A_1076, %parallel_loop3A_1063, %parallel_loop3A_1065 : vector<16xi1>, vector<16xi32>
      %parallel_loop3A_1078 = arith.cmpf oeq, %parallel_loop3A_1049, %parallel_loop3A_1061 : vector<16xf32>
      %parallel_loop3A_1079 = arith.select %parallel_loop3A_1078, %parallel_loop3A_1063, %parallel_loop3A_1065 : vector<16xi1>, vector<16xi32>
      %parallel_loop3A_1080 = arith.cmpf oeq, %parallel_loop3A_1054, %parallel_loop3A_1061 : vector<16xf32>
      %parallel_loop3A_1081 = arith.select %parallel_loop3A_1080, %parallel_loop3A_1063, %parallel_loop3A_1065 : vector<16xi1>, vector<16xi32>
      %parallel_loop3A_1082 = arith.ori %parallel_loop3A_1067, %parallel_loop3A_1069 : vector<16xi32>
      %parallel_loop3A_1083 = arith.ori %parallel_loop3A_1071, %parallel_loop3A_1073 : vector<16xi32>
      %parallel_loop3A_1084 = arith.ori %parallel_loop3A_1075, %parallel_loop3A_1077 : vector<16xi32>
      %parallel_loop3A_1085 = arith.ori %parallel_loop3A_1082, %parallel_loop3A_1083 : vector<16xi32>
      %parallel_loop3A_1086 = arith.ori %parallel_loop3A_1082, %parallel_loop3A_1071 : vector<16xi32>
      %parallel_loop3A_1087 = arith.ori %parallel_loop3A_1085, %parallel_loop3A_1075 : vector<16xi32>
      %parallel_loop3A_1088 = arith.ori %parallel_loop3A_1085, %parallel_loop3A_1084 : vector<16xi32>
      %parallel_loop3A_1089 = arith.ori %parallel_loop3A_1085, %parallel_loop3A_1084 : vector<16xi32>
      %parallel_loop3A_1090 = arith.ori %parallel_loop3A_1089, %parallel_loop3A_1079 : vector<16xi32>
      %parallel_loop3A_1091 = arith.constant 8 : i32
      %parallel_loop3A_1092 = arith.index_cast %parallel_loop3A_1091 : i32 to index
      %parallel_loop3A_1093 = arith.index_cast %parallel_loop3A_1014 : i32 to index
      %parallel_loop3A_1094 = tpu.vector_load %arg7[%parallel_loop3A_1092, %parallel_loop3A_1093] {strides = array<i32>} : memref<10x1024xf32, #tpu.memory_space<vmem>>, vector<1x16xf32>,
      %parallel_loop3A_1095 = vector.shape_cast %parallel_loop3A_1094 : vector<1x16xf32> to vector<16xf32>
      %parallel_loop3A_1096 = arith.constant 9 : i32
      %parallel_loop3A_1097 = arith.index_cast %parallel_loop3A_1096 : i32 to index
      %parallel_loop3A_1098 = arith.index_cast %parallel_loop3A_1014 : i32 to index
      %parallel_loop3A_1099 = tpu.vector_load %arg7[%parallel_loop3A_1097, %parallel_loop3A_1098] {strides = array<i32>} : memref<10x1024xf32, #tpu.memory_space<vmem>>, vector<1x16xf32>,
      %parallel_loop3A_1100 = vector.shape_cast %parallel_loop3A_1099 : vector<1x16xf32> to vector<16xf32>
      %parallel_loop3A_1101 = arith.mulf %parallel_loop3A_1095, %parallel_loop3A_1095 : vector<16xf32>
      %parallel_loop3A_1102 = arith.mulf %parallel_loop3A_1100, %parallel_loop3A_1100 : vector<16xf32>
      %parallel_loop3A_1103 = arith.addf %parallel_loop3A_1101, %parallel_loop3A_1102 : vector<16xf32>
      %parallel_loop3A_1104 = tpu.bitcast %parallel_loop3A_1103 : vector<16xf32> -> vector<16xi32>
      %parallel_loop3A_1105 = arith.constant 1 : i32
      %parallel_loop3A_1106 = vector.broadcast %parallel_loop3A_1105 : i32 to vector<16xi32>
      %parallel_loop3A_1107 = arith.shrsi %parallel_loop3A_1104, %parallel_loop3A_1106 : vector<16xi32>
      %parallel_loop3A_1108 = arith.constant 1597463007 : i32
      %parallel_loop3A_1109 = vector.broadcast %parallel_loop3A_1108 : i32 to vector<16xi32>
      %parallel_loop3A_1110 = arith.subi %parallel_loop3A_1109, %parallel_loop3A_1107 : vector<16xi32>
      %parallel_loop3A_1111 = tpu.bitcast %parallel_loop3A_1110 : vector<16xi32> -> vector<16xf32>
      %parallel_loop3A_1112 = arith.constant 5.000000e-01 : f32
      %parallel_loop3A_1113 = vector.broadcast %parallel_loop3A_1112 : f32 to vector<16xf32>
      %parallel_loop3A_1114 = arith.mulf %parallel_loop3A_1103, %parallel_loop3A_1113 : vector<16xf32>
      %parallel_loop3A_1115 = arith.mulf %parallel_loop3A_1114, %parallel_loop3A_1111 : vector<16xf32>
      %parallel_loop3A_1116 = arith.mulf %parallel_loop3A_1115, %parallel_loop3A_1111 : vector<16xf32>
      %parallel_loop3A_1117 = arith.constant 1.500000e+00 : f32
      %parallel_loop3A_1118 = vector.broadcast %parallel_loop3A_1117 : f32 to vector<16xf32>
      %parallel_loop3A_1119 = arith.subf %parallel_loop3A_1118, %parallel_loop3A_1116 : vector<16xf32>
      %parallel_loop3A_1120 = arith.mulf %parallel_loop3A_1111, %parallel_loop3A_1119 : vector<16xf32>
      %parallel_loop3A_1121 = arith.mulf %parallel_loop3A_1114, %parallel_loop3A_1120 : vector<16xf32>
      %parallel_loop3A_1122 = arith.mulf %parallel_loop3A_1121, %parallel_loop3A_1120 : vector<16xf32>
      %parallel_loop3A_1123 = arith.constant 1.500000e+00 : f32
      %parallel_loop3A_1124 = vector.broadcast %parallel_loop3A_1123 : f32 to vector<16xf32>
      %parallel_loop3A_1125 = arith.subf %parallel_loop3A_1124, %parallel_loop3A_1122 : vector<16xf32>
      %parallel_loop3A_1126 = arith.mulf %parallel_loop3A_1120, %parallel_loop3A_1125 : vector<16xf32>
      %parallel_loop3A_1127 = arith.mulf %parallel_loop3A_1103, %parallel_loop3A_1126 : vector<16xf32>
      %parallel_loop3A_1128 = arith.constant 0.000000e+00 : f32
      %parallel_loop3A_1129 = vector.broadcast %parallel_loop3A_1128 : f32 to vector<16xf32>
      %parallel_loop3A_1130 = arith.cmpi sgt, %parallel_loop3A_1067, %parallel_loop3A_1065 : vector<16xi32>
      %parallel_loop3A_1131 = arith.select %parallel_loop3A_1130, %parallel_loop3A_1127, %parallel_loop3A_1129 : vector<16xi1>, vector<16xf32>
      %parallel_loop3A_1132 = arith.constant 0 : i32
      %parallel_loop3A_1133 = arith.index_cast %parallel_loop3A_1132 : i32 to index
      %parallel_loop3A_1134 = arith.index_cast %parallel_loop3A_1014 : i32 to index
      %parallel_loop3A_1135 = tpu.vector_load %arg11[%parallel_loop3A_1133, %parallel_loop3A_1134] {strides = array<i32>} : memref<8x1024xf32, #tpu.memory_space<vmem>>, vector<1x16xf32>,
      %parallel_loop3A_1136 = vector.shape_cast %parallel_loop3A_1135 : vector<1x16xf32> to vector<16xf32>
      %parallel_loop3A_1137 = vector.shape_cast %parallel_loop3A_1131 : vector<16xf32> to vector<1x16xf32>
      tpu.vector_store %arg11[%parallel_loop3A_1133, %parallel_loop3A_1134], %parallel_loop3A_1137 {strides = array<i32>} : memref<8x1024xf32, #tpu.memory_space<vmem>>, vector<1x16xf32>,
      %parallel_loop3A_1138 = arith.cmpi sgt, %parallel_loop3A_1069, %parallel_loop3A_1067 : vector<16xi32>
      %parallel_loop3A_1139 = arith.select %parallel_loop3A_1138, %parallel_loop3A_1127, %parallel_loop3A_1129 : vector<16xi1>, vector<16xf32>
      %parallel_loop3A_1140 = arith.constant 1 : i32
      %parallel_loop3A_1141 = arith.index_cast %parallel_loop3A_1140 : i32 to index
      %parallel_loop3A_1142 = arith.index_cast %parallel_loop3A_1014 : i32 to index
      %parallel_loop3A_1143 = tpu.vector_load %arg11[%parallel_loop3A_1141, %parallel_loop3A_1142] {strides = array<i32>} : memref<8x1024xf32, #tpu.memory_space<vmem>>, vector<1x16xf32>,
      %parallel_loop3A_1144 = vector.shape_cast %parallel_loop3A_1143 : vector<1x16xf32> to vector<16xf32>
      %parallel_loop3A_1145 = vector.shape_cast %parallel_loop3A_1139 : vector<16xf32> to vector<1x16xf32>
      tpu.vector_store %arg11[%parallel_loop3A_1141, %parallel_loop3A_1142], %parallel_loop3A_1145 {strides = array<i32>} : memref<8x1024xf32, #tpu.memory_space<vmem>>, vector<1x16xf32>,
      %parallel_loop3A_1146 = arith.cmpi sgt, %parallel_loop3A_1071, %parallel_loop3A_1082 : vector<16xi32>
      %parallel_loop3A_1147 = arith.select %parallel_loop3A_1146, %parallel_loop3A_1127, %parallel_loop3A_1129 : vector<16xi1>, vector<16xf32>
      %parallel_loop3A_1148 = arith.constant 2 : i32
      %parallel_loop3A_1149 = arith.index_cast %parallel_loop3A_1148 : i32 to index
      %parallel_loop3A_1150 = arith.index_cast %parallel_loop3A_1014 : i32 to index
      %parallel_loop3A_1151 = tpu.vector_load %arg11[%parallel_loop3A_1149, %parallel_loop3A_1150] {strides = array<i32>} : memref<8x1024xf32, #tpu.memory_space<vmem>>, vector<1x16xf32>,
      %parallel_loop3A_1152 = vector.shape_cast %parallel_loop3A_1151 : vector<1x16xf32> to vector<16xf32>
      %parallel_loop3A_1153 = vector.shape_cast %parallel_loop3A_1147 : vector<16xf32> to vector<1x16xf32>
      tpu.vector_store %arg11[%parallel_loop3A_1149, %parallel_loop3A_1150], %parallel_loop3A_1153 {strides = array<i32>} : memref<8x1024xf32, #tpu.memory_space<vmem>>, vector<1x16xf32>,
      %parallel_loop3A_1154 = arith.cmpi sgt, %parallel_loop3A_1073, %parallel_loop3A_1086 : vector<16xi32>
      %parallel_loop3A_1155 = arith.select %parallel_loop3A_1154, %parallel_loop3A_1127, %parallel_loop3A_1129 : vector<16xi1>, vector<16xf32>
      %parallel_loop3A_1156 = arith.constant 3 : i32
      %parallel_loop3A_1157 = arith.index_cast %parallel_loop3A_1156 : i32 to index
      %parallel_loop3A_1158 = arith.index_cast %parallel_loop3A_1014 : i32 to index
      %parallel_loop3A_1159 = tpu.vector_load %arg11[%parallel_loop3A_1157, %parallel_loop3A_1158] {strides = array<i32>} : memref<8x1024xf32, #tpu.memory_space<vmem>>, vector<1x16xf32>,
      %parallel_loop3A_1160 = vector.shape_cast %parallel_loop3A_1159 : vector<1x16xf32> to vector<16xf32>
      %parallel_loop3A_1161 = vector.shape_cast %parallel_loop3A_1155 : vector<16xf32> to vector<1x16xf32>
      tpu.vector_store %arg11[%parallel_loop3A_1157, %parallel_loop3A_1158], %parallel_loop3A_1161 {strides = array<i32>} : memref<8x1024xf32, #tpu.memory_space<vmem>>, vector<1x16xf32>,
      %parallel_loop3A_1162 = arith.cmpi sgt, %parallel_loop3A_1075, %parallel_loop3A_1085 : vector<16xi32>
      %parallel_loop3A_1163 = arith.select %parallel_loop3A_1162, %parallel_loop3A_1127, %parallel_loop3A_1129 : vector<16xi1>, vector<16xf32>
      %parallel_loop3A_1164 = arith.constant 4 : i32
      %parallel_loop3A_1165 = arith.index_cast %parallel_loop3A_1164 : i32 to index
      %parallel_loop3A_1166 = arith.index_cast %parallel_loop3A_1014 : i32 to index
      %parallel_loop3A_1167 = tpu.vector_load %arg11[%parallel_loop3A_1165, %parallel_loop3A_1166] {strides = array<i32>} : memref<8x1024xf32, #tpu.memory_space<vmem>>, vector<1x16xf32>,
      %parallel_loop3A_1168 = vector.shape_cast %parallel_loop3A_1167 : vector<1x16xf32> to vector<16xf32>
      %parallel_loop3A_1169 = vector.shape_cast %parallel_loop3A_1163 : vector<16xf32> to vector<1x16xf32>
      tpu.vector_store %arg11[%parallel_loop3A_1165, %parallel_loop3A_1166], %parallel_loop3A_1169 {strides = array<i32>} : memref<8x1024xf32, #tpu.memory_space<vmem>>, vector<1x16xf32>,
      %parallel_loop3A_1170 = arith.cmpi sgt, %parallel_loop3A_1077, %parallel_loop3A_1087 : vector<16xi32>
      %parallel_loop3A_1171 = arith.select %parallel_loop3A_1170, %parallel_loop3A_1127, %parallel_loop3A_1129 : vector<16xi1>, vector<16xf32>
      %parallel_loop3A_1172 = arith.constant 5 : i32
      %parallel_loop3A_1173 = arith.index_cast %parallel_loop3A_1172 : i32 to index
      %parallel_loop3A_1174 = arith.index_cast %parallel_loop3A_1014 : i32 to index
      %parallel_loop3A_1175 = tpu.vector_load %arg11[%parallel_loop3A_1173, %parallel_loop3A_1174] {strides = array<i32>} : memref<8x1024xf32, #tpu.memory_space<vmem>>, vector<1x16xf32>,
      %parallel_loop3A_1176 = vector.shape_cast %parallel_loop3A_1175 : vector<1x16xf32> to vector<16xf32>
      %parallel_loop3A_1177 = vector.shape_cast %parallel_loop3A_1171 : vector<16xf32> to vector<1x16xf32>
      tpu.vector_store %arg11[%parallel_loop3A_1173, %parallel_loop3A_1174], %parallel_loop3A_1177 {strides = array<i32>} : memref<8x1024xf32, #tpu.memory_space<vmem>>, vector<1x16xf32>,
      %parallel_loop3A_1178 = arith.cmpi sgt, %parallel_loop3A_1079, %parallel_loop3A_1088 : vector<16xi32>
      %parallel_loop3A_1179 = arith.select %parallel_loop3A_1178, %parallel_loop3A_1127, %parallel_loop3A_1129 : vector<16xi1>, vector<16xf32>
      %parallel_loop3A_1180 = arith.constant 6 : i32
      %parallel_loop3A_1181 = arith.index_cast %parallel_loop3A_1180 : i32 to index
      %parallel_loop3A_1182 = arith.index_cast %parallel_loop3A_1014 : i32 to index
      %parallel_loop3A_1183 = tpu.vector_load %arg11[%parallel_loop3A_1181, %parallel_loop3A_1182] {strides = array<i32>} : memref<8x1024xf32, #tpu.memory_space<vmem>>, vector<1x16xf32>,
      %parallel_loop3A_1184 = vector.shape_cast %parallel_loop3A_1183 : vector<1x16xf32> to vector<16xf32>
      %parallel_loop3A_1185 = vector.shape_cast %parallel_loop3A_1179 : vector<16xf32> to vector<1x16xf32>
      tpu.vector_store %arg11[%parallel_loop3A_1181, %parallel_loop3A_1182], %parallel_loop3A_1185 {strides = array<i32>} : memref<8x1024xf32, #tpu.memory_space<vmem>>, vector<1x16xf32>,
      %parallel_loop3A_1186 = arith.cmpi sgt, %parallel_loop3A_1081, %parallel_loop3A_1090 : vector<16xi32>
      %parallel_loop3A_1187 = arith.select %parallel_loop3A_1186, %parallel_loop3A_1127, %parallel_loop3A_1129 : vector<16xi1>, vector<16xf32>
      %parallel_loop3A_1188 = arith.constant 7 : i32
      %parallel_loop3A_1189 = arith.index_cast %parallel_loop3A_1188 : i32 to index
      %parallel_loop3A_1190 = arith.index_cast %parallel_loop3A_1014 : i32 to index
      %parallel_loop3A_1191 = tpu.vector_load %arg11[%parallel_loop3A_1189, %parallel_loop3A_1190] {strides = array<i32>} : memref<8x1024xf32, #tpu.memory_space<vmem>>, vector<1x16xf32>,
      %parallel_loop3A_1192 = vector.shape_cast %parallel_loop3A_1191 : vector<1x16xf32> to vector<16xf32>
      %parallel_loop3A_1193 = vector.shape_cast %parallel_loop3A_1187 : vector<16xf32> to vector<1x16xf32>
      tpu.vector_store %arg11[%parallel_loop3A_1189, %parallel_loop3A_1190], %parallel_loop3A_1193 {strides = array<i32>} : memref<8x1024xf32, #tpu.memory_space<vmem>>, vector<1x16xf32>,
    } {sc.loop_unroll_factor = 2 : i64, sc.parallel_access}
    %jit3A_710 = arith.constant 2 : i32
    %div3A_711 = arith.divsi %add3A_657, %jit3A_710 : i32
    %sign3A_712 = arith.constant 0 : i32
    %sign3A_713 = arith.cmpi sgt, %add3A_657, %sign3A_712 : i32
    %sign3A_714 = arith.extui %sign3A_713 : i1 to i32
    %sign3A_715 = arith.constant 0 : i32
    %sign3A_716 = arith.cmpi slt, %add3A_657, %sign3A_715 : i32
    %sign3A_717 = arith.extui %sign3A_716 : i1 to i32
    %sign3A_718 = arith.subi %sign3A_714, %sign3A_717 : i32
    %sign3A_719 = arith.constant 0 : i32
    %sign3A_720 = arith.cmpi sgt, %jit3A_710, %sign3A_719 : i32
    %sign3A_721 = arith.extui %sign3A_720 : i1 to i32
    %sign3A_722 = arith.constant 0 : i32
    %sign3A_723 = arith.cmpi slt, %jit3A_710, %sign3A_722 : i32
    %sign3A_724 = arith.extui %sign3A_723 : i1 to i32
    %sign3A_725 = arith.subi %sign3A_721, %sign3A_724 : i32
    %ne3A_726 = arith.cmpi ne, %sign3A_718, %sign3A_725 : i32
    %rem3A_727 = arith.remsi %add3A_657, %jit3A_710 : i32
    %ne3A_728 = arith.constant 0 : i32
    %ne3A_729 = arith.cmpi ne, %rem3A_727, %ne3A_728 : i32
    %and3A_730 = arith.andi %ne3A_726, %ne3A_729 : i1
    %sub3A_731 = arith.constant 1 : i32
    %sub3A_732 = arith.subi %div3A_711, %sub3A_731 : i32
    %select_n3A_733 = arith.select %and3A_730, %sub3A_732, %div3A_711 : i32
    %jit3A_734 = arith.constant 2 : i32
    %eq3A_735 = arith.constant 0 : i32
    %eq3A_736 = arith.cmpi eq, %jit3A_734, %eq3A_735 : i32
    %jit3A_737 = arith.constant 1 : i32
    %select_n3A_738 = arith.select %eq3A_736, %jit3A_737, %jit3A_734 : i32
    %rem3A_739 = arith.remsi %add3A_657, %select_n3A_738 : i32
    %ne3A_740 = arith.constant 0 : i32
    %ne3A_741 = arith.cmpi ne, %rem3A_739, %ne3A_740 : i32
    %lt3A_742 = arith.constant 0 : i32
    %lt3A_743 = arith.cmpi slt, %rem3A_739, %lt3A_742 : i32
    %lt3A_744 = arith.constant 0 : i32
    %lt3A_745 = arith.cmpi slt, %select_n3A_738, %lt3A_744 : i32
    %ne3A_746 = arith.xori %lt3A_743, %lt3A_745 : i1
    %and3A_747 = arith.andi %ne3A_746, %ne3A_741 : i1
    %add3A_748 = arith.addi %rem3A_739, %select_n3A_738 : i32
    %select_n3A_749 = arith.select %and3A_747, %add3A_748, %rem3A_739 : i32
    %mul3A_750 = arith.constant 1024 : i32
    %mul3A_751 = arith.muli %select_n3A_749, %mul3A_750 : i32
    %dma_start3A_752 = arith.constant 0 : i32
    %dma_start3A_753 = arith.constant 0 : i32
    %dma_start3A_754 = tpu.memref_slice %arg3[%dma_start3A_752, %dma_start3A_753, %select_n3A_733, %mul3A_751] : memref<1x8x2048x2048xf32, #tpu.memory_space<hbm>> -> memref<1x8x1x1024xf32, #tpu.memory_space<hbm>>
    %dma_start3A_755 = tpu.memref_squeeze %dma_start3A_754 : memref<1x8x1x1024xf32, #tpu.memory_space<hbm>> -> memref<8x1024xf32, #tpu.memory_space<hbm>>
    %dma_start3A_756 = arith.constant 0 : i32
    %dma_start3A_757 = tpu.memref_slice %arg3[%dma_start3A_752, %dma_start3A_756, %select_n3A_733, %mul3A_751] : memref<1x8x2048x2048xf32, #tpu.memory_space<hbm>> -> memref<1x8x1x1024xf32, #tpu.memory_space<hbm>>
    %dma_start3A_758 = tpu.memref_squeeze %dma_start3A_757 : memref<1x8x1x1024xf32, #tpu.memory_space<hbm>> -> memref<8x1024xf32, #tpu.memory_space<hbm>>
    tpu.enqueue_dma source(%arg11 : memref<8x1024xf32, #tpu.memory_space<vmem>>) target(%dma_start3A_758 : memref<8x1024xf32, #tpu.memory_space<hbm>>) target_semaphore(%arg19 : memref<!tpu.dma_semaphore, #tpu.memory_space<semaphore_mem>>)
    %add3A_759 = arith.constant 4 : i32
    %add3A_760 = arith.addi %add3A_657, %add3A_759 : i32
    %jit3A_761 = arith.constant 2 : i32
    %div3A_762 = arith.divsi %add3A_760, %jit3A_761 : i32
    %sign3A_763 = arith.constant 0 : i32
    %sign3A_764 = arith.cmpi sgt, %add3A_760, %sign3A_763 : i32
    %sign3A_765 = arith.extui %sign3A_764 : i1 to i32
    %sign3A_766 = arith.constant 0 : i32
    %sign3A_767 = arith.cmpi slt, %add3A_760, %sign3A_766 : i32
    %sign3A_768 = arith.extui %sign3A_767 : i1 to i32
    %sign3A_769 = arith.subi %sign3A_765, %sign3A_768 : i32
    %sign3A_770 = arith.constant 0 : i32
    %sign3A_771 = arith.cmpi sgt, %jit3A_761, %sign3A_770 : i32
    %sign3A_772 = arith.extui %sign3A_771 : i1 to i32
    %sign3A_773 = arith.constant 0 : i32
    %sign3A_774 = arith.cmpi slt, %jit3A_761, %sign3A_773 : i32
    %sign3A_775 = arith.extui %sign3A_774 : i1 to i32
    %sign3A_776 = arith.subi %sign3A_772, %sign3A_775 : i32
    %ne3A_777 = arith.cmpi ne, %sign3A_769, %sign3A_776 : i32
    %rem3A_778 = arith.remsi %add3A_760, %jit3A_761 : i32
    %ne3A_779 = arith.constant 0 : i32
    %ne3A_780 = arith.cmpi ne, %rem3A_778, %ne3A_779 : i32
    %and3A_781 = arith.andi %ne3A_777, %ne3A_780 : i1
    %sub3A_782 = arith.constant 1 : i32
    %sub3A_783 = arith.subi %div3A_762, %sub3A_782 : i32
    %select_n3A_784 = arith.select %and3A_781, %sub3A_783, %div3A_762 : i32
    %jit3A_785 = arith.constant 2 : i32
    %eq3A_786 = arith.constant 0 : i32
    %eq3A_787 = arith.cmpi eq, %jit3A_785, %eq3A_786 : i32
    %jit3A_788 = arith.constant 1 : i32
    %select_n3A_789 = arith.select %eq3A_787, %jit3A_788, %jit3A_785 : i32
    %rem3A_790 = arith.remsi %add3A_760, %select_n3A_789 : i32
    %ne3A_791 = arith.constant 0 : i32
    %ne3A_792 = arith.cmpi ne, %rem3A_790, %ne3A_791 : i32
    %lt3A_793 = arith.constant 0 : i32
    %lt3A_794 = arith.cmpi slt, %rem3A_790, %lt3A_793 : i32
    %lt3A_795 = arith.constant 0 : i32
    %lt3A_796 = arith.cmpi slt, %select_n3A_789, %lt3A_795 : i32
    %ne3A_797 = arith.xori %lt3A_794, %lt3A_796 : i1
    %and3A_798 = arith.andi %ne3A_797, %ne3A_792 : i1
    %add3A_799 = arith.addi %rem3A_790, %select_n3A_789 : i32
    %select_n3A_800 = arith.select %and3A_798, %add3A_799, %rem3A_790 : i32
    %mul3A_801 = arith.constant 1024 : i32
    %mul3A_802 = arith.muli %select_n3A_800, %mul3A_801 : i32
    %dma_start3A_803 = arith.constant 0 : i32
    %dma_start3A_804 = arith.constant 0 : i32
    %dma_start3A_805 = tpu.memref_slice %arg2[%dma_start3A_803, %dma_start3A_804, %select_n3A_784, %mul3A_802] : memref<1x10x2048x2048xf32, #tpu.memory_space<hbm>> -> memref<1x10x1x1024xf32, #tpu.memory_space<hbm>>
    %dma_start3A_806 = tpu.memref_squeeze %dma_start3A_805 : memref<1x10x1x1024xf32, #tpu.memory_space<hbm>> -> memref<10x1024xf32, #tpu.memory_space<hbm>>
    %dma_start3A_807 = arith.constant 0 : i32
    %dma_start3A_808 = tpu.memref_slice %arg2[%dma_start3A_803, %dma_start3A_807, %select_n3A_784, %mul3A_802] : memref<1x10x2048x2048xf32, #tpu.memory_space<hbm>> -> memref<1x10x1x1024xf32, #tpu.memory_space<hbm>>
    %dma_start3A_809 = tpu.memref_squeeze %dma_start3A_808 : memref<1x10x1x1024xf32, #tpu.memory_space<hbm>> -> memref<10x1024xf32, #tpu.memory_space<hbm>>
    tpu.enqueue_dma source(%dma_start3A_809 : memref<10x1024xf32, #tpu.memory_space<hbm>>) target(%arg7 : memref<10x1024xf32, #tpu.memory_space<vmem>>) target_semaphore(%arg15 : memref<!tpu.dma_semaphore, #tpu.memory_space<semaphore_mem>>)
    %scan3A = arith.constant 0 : i32
    %scan3A_810 = arith.constant 1 : i32
    %scan3A_811 = arith.constant 31 : i32
    %scan3A_812 = arith.addi %scan3A_810, %scan3A_811 : i32
    %scan3A_813 = arith.constant 1 : i32
    %scan3A_814 = scf.for %scan3A_1012 = %scan3A_810 to %scan3A_812 step %scan3A_813 iter_args(%scan3A_1013 = %scan3A) -> (i32)  : i32 {
      %mul3A_1014 = arith.constant 4 : i32
      %mul3A_1015 = arith.muli %mul3A_1014, %scan3A_1012 : i32
      %add3A_1016 = arith.addi %mul3A_2, %mul3A_1015 : i32
      %add3A_1017 = arith.constant 0 : i32
      %add3A_1018 = arith.addi %add3A_1016, %add3A_1017 : i32
      %jit3A_1019 = arith.constant 2 : i32
      %div3A_1020 = arith.divsi %add3A_1018, %jit3A_1019 : i32
      %sign3A_1021 = arith.constant 0 : i32
      %sign3A_1022 = arith.cmpi sgt, %add3A_1018, %sign3A_1021 : i32
      %sign3A_1023 = arith.extui %sign3A_1022 : i1 to i32
      %sign3A_1024 = arith.constant 0 : i32
      %sign3A_1025 = arith.cmpi slt, %add3A_1018, %sign3A_1024 : i32
      %sign3A_1026 = arith.extui %sign3A_1025 : i1 to i32
      %sign3A_1027 = arith.subi %sign3A_1023, %sign3A_1026 : i32
      %sign3A_1028 = arith.constant 0 : i32
      %sign3A_1029 = arith.cmpi sgt, %jit3A_1019, %sign3A_1028 : i32
      %sign3A_1030 = arith.extui %sign3A_1029 : i1 to i32
      %sign3A_1031 = arith.constant 0 : i32
      %sign3A_1032 = arith.cmpi slt, %jit3A_1019, %sign3A_1031 : i32
      %sign3A_1033 = arith.extui %sign3A_1032 : i1 to i32
      %sign3A_1034 = arith.subi %sign3A_1030, %sign3A_1033 : i32
      %ne3A_1035 = arith.cmpi ne, %sign3A_1027, %sign3A_1034 : i32
      %rem3A_1036 = arith.remsi %add3A_1018, %jit3A_1019 : i32
      %ne3A_1037 = arith.constant 0 : i32
      %ne3A_1038 = arith.cmpi ne, %rem3A_1036, %ne3A_1037 : i32
      %and3A_1039 = arith.andi %ne3A_1035, %ne3A_1038 : i1
      %sub3A_1040 = arith.constant 1 : i32
      %sub3A_1041 = arith.subi %div3A_1020, %sub3A_1040 : i32
      %select_n3A_1042 = arith.select %and3A_1039, %sub3A_1041, %div3A_1020 : i32
      %jit3A_1043 = arith.constant 2 : i32
      %eq3A_1044 = arith.constant 0 : i32
      %eq3A_1045 = arith.cmpi eq, %jit3A_1043, %eq3A_1044 : i32
      %jit3A_1046 = arith.constant 1 : i32
      %select_n3A_1047 = arith.select %eq3A_1045, %jit3A_1046, %jit3A_1043 : i32
      %rem3A_1048 = arith.remsi %add3A_1018, %select_n3A_1047 : i32
      %ne3A_1049 = arith.constant 0 : i32
      %ne3A_1050 = arith.cmpi ne, %rem3A_1048, %ne3A_1049 : i32
      %lt3A_1051 = arith.constant 0 : i32
      %lt3A_1052 = arith.cmpi slt, %rem3A_1048, %lt3A_1051 : i32
      %lt3A_1053 = arith.constant 0 : i32
      %lt3A_1054 = arith.cmpi slt, %select_n3A_1047, %lt3A_1053 : i32
      %ne3A_1055 = arith.xori %lt3A_1052, %lt3A_1054 : i1
      %and3A_1056 = arith.andi %ne3A_1055, %ne3A_1050 : i1
      %add3A_1057 = arith.addi %rem3A_1048, %select_n3A_1047 : i32
      %select_n3A_1058 = arith.select %and3A_1056, %add3A_1057, %rem3A_1048 : i32
      %mul3A_1059 = arith.constant 1024 : i32
      %mul3A_1060 = arith.muli %select_n3A_1058, %mul3A_1059 : i32
      %dma_wait3A_1061 = arith.constant 0 : i32
      %dma_wait3A_1062 = arith.constant 0 : i32
      %dma_wait3A_1063 = tpu.memref_slice %arg2[%dma_wait3A_1061, %dma_wait3A_1062, %select_n3A_1042, %mul3A_1060] : memref<1x10x2048x2048xf32, #tpu.memory_space<hbm>> -> memref<1x10x1x1024xf32, #tpu.memory_space<hbm>>
      %dma_wait3A_1064 = tpu.memref_squeeze %dma_wait3A_1063 : memref<1x10x1x1024xf32, #tpu.memory_space<hbm>> -> memref<10x1024xf32, #tpu.memory_space<hbm>>
      %dma_wait3A_1065 = arith.constant 0 : i32
      %dma_wait3A_1066 = tpu.memref_slice %arg2[%dma_wait3A_1061, %dma_wait3A_1065, %select_n3A_1042, %mul3A_1060] : memref<1x10x2048x2048xf32, #tpu.memory_space<hbm>> -> memref<1x10x1x1024xf32, #tpu.memory_space<hbm>>
      %dma_wait3A_1067 = tpu.memref_squeeze %dma_wait3A_1066 : memref<1x10x1x1024xf32, #tpu.memory_space<hbm>> -> memref<10x1024xf32, #tpu.memory_space<hbm>>
      tpu.wait_dma2 semaphore(%arg12 : memref<!tpu.dma_semaphore, #tpu.memory_space<semaphore_mem>>) src(%dma_wait3A_1067 : memref<10x1024xf32, #tpu.memory_space<hbm>>) dst(%arg4 : memref<10x1024xf32, #tpu.memory_space<vmem>>)
      %jit3A_1068 = arith.constant 2 : i32
      %div3A_1069 = arith.divsi %add3A_1018, %jit3A_1068 : i32
      %sign3A_1070 = arith.constant 0 : i32
      %sign3A_1071 = arith.cmpi sgt, %add3A_1018, %sign3A_1070 : i32
      %sign3A_1072 = arith.extui %sign3A_1071 : i1 to i32
      %sign3A_1073 = arith.constant 0 : i32
      %sign3A_1074 = arith.cmpi slt, %add3A_1018, %sign3A_1073 : i32
      %sign3A_1075 = arith.extui %sign3A_1074 : i1 to i32
      %sign3A_1076 = arith.subi %sign3A_1072, %sign3A_1075 : i32
      %sign3A_1077 = arith.constant 0 : i32
      %sign3A_1078 = arith.cmpi sgt, %jit3A_1068, %sign3A_1077 : i32
      %sign3A_1079 = arith.extui %sign3A_1078 : i1 to i32
      %sign3A_1080 = arith.constant 0 : i32
      %sign3A_1081 = arith.cmpi slt, %jit3A_1068, %sign3A_1080 : i32
      %sign3A_1082 = arith.extui %sign3A_1081 : i1 to i32
      %sign3A_1083 = arith.subi %sign3A_1079, %sign3A_1082 : i32
      %ne3A_1084 = arith.cmpi ne, %sign3A_1076, %sign3A_1083 : i32
      %rem3A_1085 = arith.remsi %add3A_1018, %jit3A_1068 : i32
      %ne3A_1086 = arith.constant 0 : i32
      %ne3A_1087 = arith.cmpi ne, %rem3A_1085, %ne3A_1086 : i32
      %and3A_1088 = arith.andi %ne3A_1084, %ne3A_1087 : i1
      %sub3A_1089 = arith.constant 1 : i32
      %sub3A_1090 = arith.subi %div3A_1069, %sub3A_1089 : i32
      %select_n3A_1091 = arith.select %and3A_1088, %sub3A_1090, %div3A_1069 : i32
      %jit3A_1092 = arith.constant 2 : i32
      %eq3A_1093 = arith.constant 0 : i32
      %eq3A_1094 = arith.cmpi eq, %jit3A_1092, %eq3A_1093 : i32
      %jit3A_1095 = arith.constant 1 : i32
      %select_n3A_1096 = arith.select %eq3A_1094, %jit3A_1095, %jit3A_1092 : i32
      %rem3A_1097 = arith.remsi %add3A_1018, %select_n3A_1096 : i32
      %ne3A_1098 = arith.constant 0 : i32
      %ne3A_1099 = arith.cmpi ne, %rem3A_1097, %ne3A_1098 : i32
      %lt3A_1100 = arith.constant 0 : i32
      %lt3A_1101 = arith.cmpi slt, %rem3A_1097, %lt3A_1100 : i32
      %lt3A_1102 = arith.constant 0 : i32
      %lt3A_1103 = arith.cmpi slt, %select_n3A_1096, %lt3A_1102 : i32
      %ne3A_1104 = arith.xori %lt3A_1101, %lt3A_1103 : i1
      %and3A_1105 = arith.andi %ne3A_1104, %ne3A_1099 : i1
      %add3A_1106 = arith.addi %rem3A_1097, %select_n3A_1096 : i32
      %select_n3A_1107 = arith.select %and3A_1105, %add3A_1106, %rem3A_1097 : i32
      %mul3A_1108 = arith.constant 1024 : i32
      %mul3A_1109 = arith.muli %select_n3A_1107, %mul3A_1108 : i32
      %dma_wait3A_1110 = arith.constant 0 : i32
      %dma_wait3A_1111 = arith.constant 0 : i32
      %dma_wait3A_1112 = tpu.memref_slice %arg3[%dma_wait3A_1110, %dma_wait3A_1111, %select_n3A_1091, %mul3A_1109] : memref<1x8x2048x2048xf32, #tpu.memory_space<hbm>> -> memref<1x8x1x1024xf32, #tpu.memory_space<hbm>>
      %dma_wait3A_1113 = tpu.memref_squeeze %dma_wait3A_1112 : memref<1x8x1x1024xf32, #tpu.memory_space<hbm>> -> memref<8x1024xf32, #tpu.memory_space<hbm>>
      %dma_wait3A_1114 = arith.constant 0 : i32
      %dma_wait3A_1115 = tpu.memref_slice %arg3[%dma_wait3A_1110, %dma_wait3A_1114, %select_n3A_1091, %mul3A_1109] : memref<1x8x2048x2048xf32, #tpu.memory_space<hbm>> -> memref<1x8x1x1024xf32, #tpu.memory_space<hbm>>
      %dma_wait3A_1116 = tpu.memref_squeeze %dma_wait3A_1115 : memref<1x8x1x1024xf32, #tpu.memory_space<hbm>> -> memref<8x1024xf32, #tpu.memory_space<hbm>>
      tpu.wait_dma2 semaphore(%arg16 : memref<!tpu.dma_semaphore, #tpu.memory_space<semaphore_mem>>) src(%arg8 : memref<8x1024xf32, #tpu.memory_space<vmem>>) dst(%dma_wait3A_1116 : memref<8x1024xf32, #tpu.memory_space<hbm>>)
      %parallel_loop3A_1117 = arith.constant 0 : i32
      %parallel_loop3A_1118 = arith.constant 64 : i32
      %parallel_loop3A_1119 = arith.constant 1 : i32
      scf.for %parallel_loop3A_1644 = %parallel_loop3A_1117 to %parallel_loop3A_1118 step %parallel_loop3A_1119  : i32 {
        %parallel_loop3A_1645 = arith.constant 16 : i32
        %parallel_loop3A_1646 = arith.muli %parallel_loop3A_1644, %parallel_loop3A_1645 : i32
        %parallel_loop3A_1647 = arith.constant 0 : i32
        %parallel_loop3A_1648 = arith.index_cast %parallel_loop3A_1647 : i32 to index
        %parallel_loop3A_1649 = arith.index_cast %parallel_loop3A_1646 : i32 to index
        %parallel_loop3A_1650 = tpu.vector_load %arg4[%parallel_loop3A_1648, %parallel_loop3A_1649] {strides = array<i32>} : memref<10x1024xf32, #tpu.memory_space<vmem>>, vector<1x16xf32>,
        %parallel_loop3A_1651 = vector.shape_cast %parallel_loop3A_1650 : vector<1x16xf32> to vector<16xf32>
        %parallel_loop3A_1652 = arith.constant 1 : i32
        %parallel_loop3A_1653 = arith.index_cast %parallel_loop3A_1652 : i32 to index
        %parallel_loop3A_1654 = arith.index_cast %parallel_loop3A_1646 : i32 to index
        %parallel_loop3A_1655 = tpu.vector_load %arg4[%parallel_loop3A_1653, %parallel_loop3A_1654] {strides = array<i32>} : memref<10x1024xf32, #tpu.memory_space<vmem>>, vector<1x16xf32>,
        %parallel_loop3A_1656 = vector.shape_cast %parallel_loop3A_1655 : vector<1x16xf32> to vector<16xf32>
        %parallel_loop3A_1657 = arith.constant 2 : i32
        %parallel_loop3A_1658 = arith.index_cast %parallel_loop3A_1657 : i32 to index
        %parallel_loop3A_1659 = arith.index_cast %parallel_loop3A_1646 : i32 to index
        %parallel_loop3A_1660 = tpu.vector_load %arg4[%parallel_loop3A_1658, %parallel_loop3A_1659] {strides = array<i32>} : memref<10x1024xf32, #tpu.memory_space<vmem>>, vector<1x16xf32>,
        %parallel_loop3A_1661 = vector.shape_cast %parallel_loop3A_1660 : vector<1x16xf32> to vector<16xf32>
        %parallel_loop3A_1662 = arith.constant 3 : i32
        %parallel_loop3A_1663 = arith.index_cast %parallel_loop3A_1662 : i32 to index
        %parallel_loop3A_1664 = arith.index_cast %parallel_loop3A_1646 : i32 to index
        %parallel_loop3A_1665 = tpu.vector_load %arg4[%parallel_loop3A_1663, %parallel_loop3A_1664] {strides = array<i32>} : memref<10x1024xf32, #tpu.memory_space<vmem>>, vector<1x16xf32>,
        %parallel_loop3A_1666 = vector.shape_cast %parallel_loop3A_1665 : vector<1x16xf32> to vector<16xf32>
        %parallel_loop3A_1667 = arith.constant 4 : i32
        %parallel_loop3A_1668 = arith.index_cast %parallel_loop3A_1667 : i32 to index
        %parallel_loop3A_1669 = arith.index_cast %parallel_loop3A_1646 : i32 to index
        %parallel_loop3A_1670 = tpu.vector_load %arg4[%parallel_loop3A_1668, %parallel_loop3A_1669] {strides = array<i32>} : memref<10x1024xf32, #tpu.memory_space<vmem>>, vector<1x16xf32>,
        %parallel_loop3A_1671 = vector.shape_cast %parallel_loop3A_1670 : vector<1x16xf32> to vector<16xf32>
        %parallel_loop3A_1672 = arith.constant 5 : i32
        %parallel_loop3A_1673 = arith.index_cast %parallel_loop3A_1672 : i32 to index
        %parallel_loop3A_1674 = arith.index_cast %parallel_loop3A_1646 : i32 to index
        %parallel_loop3A_1675 = tpu.vector_load %arg4[%parallel_loop3A_1673, %parallel_loop3A_1674] {strides = array<i32>} : memref<10x1024xf32, #tpu.memory_space<vmem>>, vector<1x16xf32>,
        %parallel_loop3A_1676 = vector.shape_cast %parallel_loop3A_1675 : vector<1x16xf32> to vector<16xf32>
        %parallel_loop3A_1677 = arith.constant 6 : i32
        %parallel_loop3A_1678 = arith.index_cast %parallel_loop3A_1677 : i32 to index
        %parallel_loop3A_1679 = arith.index_cast %parallel_loop3A_1646 : i32 to index
        %parallel_loop3A_1680 = tpu.vector_load %arg4[%parallel_loop3A_1678, %parallel_loop3A_1679] {strides = array<i32>} : memref<10x1024xf32, #tpu.memory_space<vmem>>, vector<1x16xf32>,
        %parallel_loop3A_1681 = vector.shape_cast %parallel_loop3A_1680 : vector<1x16xf32> to vector<16xf32>
        %parallel_loop3A_1682 = arith.constant 7 : i32
        %parallel_loop3A_1683 = arith.index_cast %parallel_loop3A_1682 : i32 to index
        %parallel_loop3A_1684 = arith.index_cast %parallel_loop3A_1646 : i32 to index
        %parallel_loop3A_1685 = tpu.vector_load %arg4[%parallel_loop3A_1683, %parallel_loop3A_1684] {strides = array<i32>} : memref<10x1024xf32, #tpu.memory_space<vmem>>, vector<1x16xf32>,
        %parallel_loop3A_1686 = vector.shape_cast %parallel_loop3A_1685 : vector<1x16xf32> to vector<16xf32>
        %parallel_loop3A_1687 = arith.maximumf %parallel_loop3A_1651, %parallel_loop3A_1656 : vector<16xf32>
        %parallel_loop3A_1688 = arith.maximumf %parallel_loop3A_1661, %parallel_loop3A_1666 : vector<16xf32>
        %parallel_loop3A_1689 = arith.maximumf %parallel_loop3A_1671, %parallel_loop3A_1676 : vector<16xf32>
        %parallel_loop3A_1690 = arith.maximumf %parallel_loop3A_1681, %parallel_loop3A_1686 : vector<16xf32>
        %parallel_loop3A_1691 = arith.maximumf %parallel_loop3A_1687, %parallel_loop3A_1688 : vector<16xf32>
        %parallel_loop3A_1692 = arith.maximumf %parallel_loop3A_1689, %parallel_loop3A_1690 : vector<16xf32>
        %parallel_loop3A_1693 = arith.maximumf %parallel_loop3A_1691, %parallel_loop3A_1692 : vector<16xf32>
        %parallel_loop3A_1694 = arith.constant 1 : i32
        %parallel_loop3A_1695 = vector.broadcast %parallel_loop3A_1694 : i32 to vector<16xi32>
        %parallel_loop3A_1696 = arith.constant 0 : i32
        %parallel_loop3A_1697 = vector.broadcast %parallel_loop3A_1696 : i32 to vector<16xi32>
        %parallel_loop3A_1698 = arith.cmpf oeq, %parallel_loop3A_1651, %parallel_loop3A_1693 : vector<16xf32>
        %parallel_loop3A_1699 = arith.select %parallel_loop3A_1698, %parallel_loop3A_1695, %parallel_loop3A_1697 : vector<16xi1>, vector<16xi32>
        %parallel_loop3A_1700 = arith.cmpf oeq, %parallel_loop3A_1656, %parallel_loop3A_1693 : vector<16xf32>
        %parallel_loop3A_1701 = arith.select %parallel_loop3A_1700, %parallel_loop3A_1695, %parallel_loop3A_1697 : vector<16xi1>, vector<16xi32>
        %parallel_loop3A_1702 = arith.cmpf oeq, %parallel_loop3A_1661, %parallel_loop3A_1693 : vector<16xf32>
        %parallel_loop3A_1703 = arith.select %parallel_loop3A_1702, %parallel_loop3A_1695, %parallel_loop3A_1697 : vector<16xi1>, vector<16xi32>
        %parallel_loop3A_1704 = arith.cmpf oeq, %parallel_loop3A_1666, %parallel_loop3A_1693 : vector<16xf32>
        %parallel_loop3A_1705 = arith.select %parallel_loop3A_1704, %parallel_loop3A_1695, %parallel_loop3A_1697 : vector<16xi1>, vector<16xi32>
        %parallel_loop3A_1706 = arith.cmpf oeq, %parallel_loop3A_1671, %parallel_loop3A_1693 : vector<16xf32>
        %parallel_loop3A_1707 = arith.select %parallel_loop3A_1706, %parallel_loop3A_1695, %parallel_loop3A_1697 : vector<16xi1>, vector<16xi32>
        %parallel_loop3A_1708 = arith.cmpf oeq, %parallel_loop3A_1676, %parallel_loop3A_1693 : vector<16xf32>
        %parallel_loop3A_1709 = arith.select %parallel_loop3A_1708, %parallel_loop3A_1695, %parallel_loop3A_1697 : vector<16xi1>, vector<16xi32>
        %parallel_loop3A_1710 = arith.cmpf oeq, %parallel_loop3A_1681, %parallel_loop3A_1693 : vector<16xf32>
        %parallel_loop3A_1711 = arith.select %parallel_loop3A_1710, %parallel_loop3A_1695, %parallel_loop3A_1697 : vector<16xi1>, vector<16xi32>
        %parallel_loop3A_1712 = arith.cmpf oeq, %parallel_loop3A_1686, %parallel_loop3A_1693 : vector<16xf32>
        %parallel_loop3A_1713 = arith.select %parallel_loop3A_1712, %parallel_loop3A_1695, %parallel_loop3A_1697 : vector<16xi1>, vector<16xi32>
        %parallel_loop3A_1714 = arith.ori %parallel_loop3A_1699, %parallel_loop3A_1701 : vector<16xi32>
        %parallel_loop3A_1715 = arith.ori %parallel_loop3A_1703, %parallel_loop3A_1705 : vector<16xi32>
        %parallel_loop3A_1716 = arith.ori %parallel_loop3A_1707, %parallel_loop3A_1709 : vector<16xi32>
        %parallel_loop3A_1717 = arith.ori %parallel_loop3A_1714, %parallel_loop3A_1715 : vector<16xi32>
        %parallel_loop3A_1718 = arith.ori %parallel_loop3A_1714, %parallel_loop3A_1703 : vector<16xi32>
        %parallel_loop3A_1719 = arith.ori %parallel_loop3A_1717, %parallel_loop3A_1707 : vector<16xi32>
        %parallel_loop3A_1720 = arith.ori %parallel_loop3A_1717, %parallel_loop3A_1716 : vector<16xi32>
        %parallel_loop3A_1721 = arith.ori %parallel_loop3A_1717, %parallel_loop3A_1716 : vector<16xi32>
        %parallel_loop3A_1722 = arith.ori %parallel_loop3A_1721, %parallel_loop3A_1711 : vector<16xi32>
        %parallel_loop3A_1723 = arith.constant 8 : i32
        %parallel_loop3A_1724 = arith.index_cast %parallel_loop3A_1723 : i32 to index
        %parallel_loop3A_1725 = arith.index_cast %parallel_loop3A_1646 : i32 to index
        %parallel_loop3A_1726 = tpu.vector_load %arg4[%parallel_loop3A_1724, %parallel_loop3A_1725] {strides = array<i32>} : memref<10x1024xf32, #tpu.memory_space<vmem>>, vector<1x16xf32>,
        %parallel_loop3A_1727 = vector.shape_cast %parallel_loop3A_1726 : vector<1x16xf32> to vector<16xf32>
        %parallel_loop3A_1728 = arith.constant 9 : i32
        %parallel_loop3A_1729 = arith.index_cast %parallel_loop3A_1728 : i32 to index
        %parallel_loop3A_1730 = arith.index_cast %parallel_loop3A_1646 : i32 to index
        %parallel_loop3A_1731 = tpu.vector_load %arg4[%parallel_loop3A_1729, %parallel_loop3A_1730] {strides = array<i32>} : memref<10x1024xf32, #tpu.memory_space<vmem>>, vector<1x16xf32>,
        %parallel_loop3A_1732 = vector.shape_cast %parallel_loop3A_1731 : vector<1x16xf32> to vector<16xf32>
        %parallel_loop3A_1733 = arith.mulf %parallel_loop3A_1727, %parallel_loop3A_1727 : vector<16xf32>
        %parallel_loop3A_1734 = arith.mulf %parallel_loop3A_1732, %parallel_loop3A_1732 : vector<16xf32>
        %parallel_loop3A_1735 = arith.addf %parallel_loop3A_1733, %parallel_loop3A_1734 : vector<16xf32>
        %parallel_loop3A_1736 = tpu.bitcast %parallel_loop3A_1735 : vector<16xf32> -> vector<16xi32>
        %parallel_loop3A_1737 = arith.constant 1 : i32
        %parallel_loop3A_1738 = vector.broadcast %parallel_loop3A_1737 : i32 to vector<16xi32>
        %parallel_loop3A_1739 = arith.shrsi %parallel_loop3A_1736, %parallel_loop3A_1738 : vector<16xi32>
        %parallel_loop3A_1740 = arith.constant 1597463007 : i32
        %parallel_loop3A_1741 = vector.broadcast %parallel_loop3A_1740 : i32 to vector<16xi32>
        %parallel_loop3A_1742 = arith.subi %parallel_loop3A_1741, %parallel_loop3A_1739 : vector<16xi32>
        %parallel_loop3A_1743 = tpu.bitcast %parallel_loop3A_1742 : vector<16xi32> -> vector<16xf32>
        %parallel_loop3A_1744 = arith.constant 5.000000e-01 : f32
        %parallel_loop3A_1745 = vector.broadcast %parallel_loop3A_1744 : f32 to vector<16xf32>
        %parallel_loop3A_1746 = arith.mulf %parallel_loop3A_1735, %parallel_loop3A_1745 : vector<16xf32>
        %parallel_loop3A_1747 = arith.mulf %parallel_loop3A_1746, %parallel_loop3A_1743 : vector<16xf32>
        %parallel_loop3A_1748 = arith.mulf %parallel_loop3A_1747, %parallel_loop3A_1743 : vector<16xf32>
        %parallel_loop3A_1749 = arith.constant 1.500000e+00 : f32
        %parallel_loop3A_1750 = vector.broadcast %parallel_loop3A_1749 : f32 to vector<16xf32>
        %parallel_loop3A_1751 = arith.subf %parallel_loop3A_1750, %parallel_loop3A_1748 : vector<16xf32>
        %parallel_loop3A_1752 = arith.mulf %parallel_loop3A_1743, %parallel_loop3A_1751 : vector<16xf32>
        %parallel_loop3A_1753 = arith.mulf %parallel_loop3A_1746, %parallel_loop3A_1752 : vector<16xf32>
        %parallel_loop3A_1754 = arith.mulf %parallel_loop3A_1753, %parallel_loop3A_1752 : vector<16xf32>
        %parallel_loop3A_1755 = arith.constant 1.500000e+00 : f32
        %parallel_loop3A_1756 = vector.broadcast %parallel_loop3A_1755 : f32 to vector<16xf32>
        %parallel_loop3A_1757 = arith.subf %parallel_loop3A_1756, %parallel_loop3A_1754 : vector<16xf32>
        %parallel_loop3A_1758 = arith.mulf %parallel_loop3A_1752, %parallel_loop3A_1757 : vector<16xf32>
        %parallel_loop3A_1759 = arith.mulf %parallel_loop3A_1735, %parallel_loop3A_1758 : vector<16xf32>
        %parallel_loop3A_1760 = arith.constant 0.000000e+00 : f32
        %parallel_loop3A_1761 = vector.broadcast %parallel_loop3A_1760 : f32 to vector<16xf32>
        %parallel_loop3A_1762 = arith.cmpi sgt, %parallel_loop3A_1699, %parallel_loop3A_1697 : vector<16xi32>
        %parallel_loop3A_1763 = arith.select %parallel_loop3A_1762, %parallel_loop3A_1759, %parallel_loop3A_1761 : vector<16xi1>, vector<16xf32>
        %parallel_loop3A_1764 = arith.constant 0 : i32
        %parallel_loop3A_1765 = arith.index_cast %parallel_loop3A_1764 : i32 to index
        %parallel_loop3A_1766 = arith.index_cast %parallel_loop3A_1646 : i32 to index
        %parallel_loop3A_1767 = tpu.vector_load %arg8[%parallel_loop3A_1765, %parallel_loop3A_1766] {strides = array<i32>} : memref<8x1024xf32, #tpu.memory_space<vmem>>, vector<1x16xf32>,
        %parallel_loop3A_1768 = vector.shape_cast %parallel_loop3A_1767 : vector<1x16xf32> to vector<16xf32>
        %parallel_loop3A_1769 = vector.shape_cast %parallel_loop3A_1763 : vector<16xf32> to vector<1x16xf32>
        tpu.vector_store %arg8[%parallel_loop3A_1765, %parallel_loop3A_1766], %parallel_loop3A_1769 {strides = array<i32>} : memref<8x1024xf32, #tpu.memory_space<vmem>>, vector<1x16xf32>,
        %parallel_loop3A_1770 = arith.cmpi sgt, %parallel_loop3A_1701, %parallel_loop3A_1699 : vector<16xi32>
        %parallel_loop3A_1771 = arith.select %parallel_loop3A_1770, %parallel_loop3A_1759, %parallel_loop3A_1761 : vector<16xi1>, vector<16xf32>
        %parallel_loop3A_1772 = arith.constant 1 : i32
        %parallel_loop3A_1773 = arith.index_cast %parallel_loop3A_1772 : i32 to index
        %parallel_loop3A_1774 = arith.index_cast %parallel_loop3A_1646 : i32 to index
        %parallel_loop3A_1775 = tpu.vector_load %arg8[%parallel_loop3A_1773, %parallel_loop3A_1774] {strides = array<i32>} : memref<8x1024xf32, #tpu.memory_space<vmem>>, vector<1x16xf32>,
        %parallel_loop3A_1776 = vector.shape_cast %parallel_loop3A_1775 : vector<1x16xf32> to vector<16xf32>
        %parallel_loop3A_1777 = vector.shape_cast %parallel_loop3A_1771 : vector<16xf32> to vector<1x16xf32>
        tpu.vector_store %arg8[%parallel_loop3A_1773, %parallel_loop3A_1774], %parallel_loop3A_1777 {strides = array<i32>} : memref<8x1024xf32, #tpu.memory_space<vmem>>, vector<1x16xf32>,
        %parallel_loop3A_1778 = arith.cmpi sgt, %parallel_loop3A_1703, %parallel_loop3A_1714 : vector<16xi32>
        %parallel_loop3A_1779 = arith.select %parallel_loop3A_1778, %parallel_loop3A_1759, %parallel_loop3A_1761 : vector<16xi1>, vector<16xf32>
        %parallel_loop3A_1780 = arith.constant 2 : i32
        %parallel_loop3A_1781 = arith.index_cast %parallel_loop3A_1780 : i32 to index
        %parallel_loop3A_1782 = arith.index_cast %parallel_loop3A_1646 : i32 to index
        %parallel_loop3A_1783 = tpu.vector_load %arg8[%parallel_loop3A_1781, %parallel_loop3A_1782] {strides = array<i32>} : memref<8x1024xf32, #tpu.memory_space<vmem>>, vector<1x16xf32>,
        %parallel_loop3A_1784 = vector.shape_cast %parallel_loop3A_1783 : vector<1x16xf32> to vector<16xf32>
        %parallel_loop3A_1785 = vector.shape_cast %parallel_loop3A_1779 : vector<16xf32> to vector<1x16xf32>
        tpu.vector_store %arg8[%parallel_loop3A_1781, %parallel_loop3A_1782], %parallel_loop3A_1785 {strides = array<i32>} : memref<8x1024xf32, #tpu.memory_space<vmem>>, vector<1x16xf32>,
        %parallel_loop3A_1786 = arith.cmpi sgt, %parallel_loop3A_1705, %parallel_loop3A_1718 : vector<16xi32>
        %parallel_loop3A_1787 = arith.select %parallel_loop3A_1786, %parallel_loop3A_1759, %parallel_loop3A_1761 : vector<16xi1>, vector<16xf32>
        %parallel_loop3A_1788 = arith.constant 3 : i32
        %parallel_loop3A_1789 = arith.index_cast %parallel_loop3A_1788 : i32 to index
        %parallel_loop3A_1790 = arith.index_cast %parallel_loop3A_1646 : i32 to index
        %parallel_loop3A_1791 = tpu.vector_load %arg8[%parallel_loop3A_1789, %parallel_loop3A_1790] {strides = array<i32>} : memref<8x1024xf32, #tpu.memory_space<vmem>>, vector<1x16xf32>,
        %parallel_loop3A_1792 = vector.shape_cast %parallel_loop3A_1791 : vector<1x16xf32> to vector<16xf32>
        %parallel_loop3A_1793 = vector.shape_cast %parallel_loop3A_1787 : vector<16xf32> to vector<1x16xf32>
        tpu.vector_store %arg8[%parallel_loop3A_1789, %parallel_loop3A_1790], %parallel_loop3A_1793 {strides = array<i32>} : memref<8x1024xf32, #tpu.memory_space<vmem>>, vector<1x16xf32>,
        %parallel_loop3A_1794 = arith.cmpi sgt, %parallel_loop3A_1707, %parallel_loop3A_1717 : vector<16xi32>
        %parallel_loop3A_1795 = arith.select %parallel_loop3A_1794, %parallel_loop3A_1759, %parallel_loop3A_1761 : vector<16xi1>, vector<16xf32>
        %parallel_loop3A_1796 = arith.constant 4 : i32
        %parallel_loop3A_1797 = arith.index_cast %parallel_loop3A_1796 : i32 to index
        %parallel_loop3A_1798 = arith.index_cast %parallel_loop3A_1646 : i32 to index
        %parallel_loop3A_1799 = tpu.vector_load %arg8[%parallel_loop3A_1797, %parallel_loop3A_1798] {strides = array<i32>} : memref<8x1024xf32, #tpu.memory_space<vmem>>, vector<1x16xf32>,
        %parallel_loop3A_1800 = vector.shape_cast %parallel_loop3A_1799 : vector<1x16xf32> to vector<16xf32>
        %parallel_loop3A_1801 = vector.shape_cast %parallel_loop3A_1795 : vector<16xf32> to vector<1x16xf32>
        tpu.vector_store %arg8[%parallel_loop3A_1797, %parallel_loop3A_1798], %parallel_loop3A_1801 {strides = array<i32>} : memref<8x1024xf32, #tpu.memory_space<vmem>>, vector<1x16xf32>,
        %parallel_loop3A_1802 = arith.cmpi sgt, %parallel_loop3A_1709, %parallel_loop3A_1719 : vector<16xi32>
        %parallel_loop3A_1803 = arith.select %parallel_loop3A_1802, %parallel_loop3A_1759, %parallel_loop3A_1761 : vector<16xi1>, vector<16xf32>
        %parallel_loop3A_1804 = arith.constant 5 : i32
        %parallel_loop3A_1805 = arith.index_cast %parallel_loop3A_1804 : i32 to index
        %parallel_loop3A_1806 = arith.index_cast %parallel_loop3A_1646 : i32 to index
        %parallel_loop3A_1807 = tpu.vector_load %arg8[%parallel_loop3A_1805, %parallel_loop3A_1806] {strides = array<i32>} : memref<8x1024xf32, #tpu.memory_space<vmem>>, vector<1x16xf32>,
        %parallel_loop3A_1808 = vector.shape_cast %parallel_loop3A_1807 : vector<1x16xf32> to vector<16xf32>
        %parallel_loop3A_1809 = vector.shape_cast %parallel_loop3A_1803 : vector<16xf32> to vector<1x16xf32>
        tpu.vector_store %arg8[%parallel_loop3A_1805, %parallel_loop3A_1806], %parallel_loop3A_1809 {strides = array<i32>} : memref<8x1024xf32, #tpu.memory_space<vmem>>, vector<1x16xf32>,
        %parallel_loop3A_1810 = arith.cmpi sgt, %parallel_loop3A_1711, %parallel_loop3A_1720 : vector<16xi32>
        %parallel_loop3A_1811 = arith.select %parallel_loop3A_1810, %parallel_loop3A_1759, %parallel_loop3A_1761 : vector<16xi1>, vector<16xf32>
        %parallel_loop3A_1812 = arith.constant 6 : i32
        %parallel_loop3A_1813 = arith.index_cast %parallel_loop3A_1812 : i32 to index
        %parallel_loop3A_1814 = arith.index_cast %parallel_loop3A_1646 : i32 to index
        %parallel_loop3A_1815 = tpu.vector_load %arg8[%parallel_loop3A_1813, %parallel_loop3A_1814] {strides = array<i32>} : memref<8x1024xf32, #tpu.memory_space<vmem>>, vector<1x16xf32>,
        %parallel_loop3A_1816 = vector.shape_cast %parallel_loop3A_1815 : vector<1x16xf32> to vector<16xf32>
        %parallel_loop3A_1817 = vector.shape_cast %parallel_loop3A_1811 : vector<16xf32> to vector<1x16xf32>
        tpu.vector_store %arg8[%parallel_loop3A_1813, %parallel_loop3A_1814], %parallel_loop3A_1817 {strides = array<i32>} : memref<8x1024xf32, #tpu.memory_space<vmem>>, vector<1x16xf32>,
        %parallel_loop3A_1818 = arith.cmpi sgt, %parallel_loop3A_1713, %parallel_loop3A_1722 : vector<16xi32>
        %parallel_loop3A_1819 = arith.select %parallel_loop3A_1818, %parallel_loop3A_1759, %parallel_loop3A_1761 : vector<16xi1>, vector<16xf32>
        %parallel_loop3A_1820 = arith.constant 7 : i32
        %parallel_loop3A_1821 = arith.index_cast %parallel_loop3A_1820 : i32 to index
        %parallel_loop3A_1822 = arith.index_cast %parallel_loop3A_1646 : i32 to index
        %parallel_loop3A_1823 = tpu.vector_load %arg8[%parallel_loop3A_1821, %parallel_loop3A_1822] {strides = array<i32>} : memref<8x1024xf32, #tpu.memory_space<vmem>>, vector<1x16xf32>,
        %parallel_loop3A_1824 = vector.shape_cast %parallel_loop3A_1823 : vector<1x16xf32> to vector<16xf32>
        %parallel_loop3A_1825 = vector.shape_cast %parallel_loop3A_1819 : vector<16xf32> to vector<1x16xf32>
        tpu.vector_store %arg8[%parallel_loop3A_1821, %parallel_loop3A_1822], %parallel_loop3A_1825 {strides = array<i32>} : memref<8x1024xf32, #tpu.memory_space<vmem>>, vector<1x16xf32>,
      } {sc.loop_unroll_factor = 2 : i64, sc.parallel_access}
      %jit3A_1120 = arith.constant 2 : i32
      %div3A_1121 = arith.divsi %add3A_1018, %jit3A_1120 : i32
      %sign3A_1122 = arith.constant 0 : i32
      %sign3A_1123 = arith.cmpi sgt, %add3A_1018, %sign3A_1122 : i32
      %sign3A_1124 = arith.extui %sign3A_1123 : i1 to i32
      %sign3A_1125 = arith.constant 0 : i32
      %sign3A_1126 = arith.cmpi slt, %add3A_1018, %sign3A_1125 : i32
      %sign3A_1127 = arith.extui %sign3A_1126 : i1 to i32
      %sign3A_1128 = arith.subi %sign3A_1124, %sign3A_1127 : i32
      %sign3A_1129 = arith.constant 0 : i32
      %sign3A_1130 = arith.cmpi sgt, %jit3A_1120, %sign3A_1129 : i32
      %sign3A_1131 = arith.extui %sign3A_1130 : i1 to i32
      %sign3A_1132 = arith.constant 0 : i32
      %sign3A_1133 = arith.cmpi slt, %jit3A_1120, %sign3A_1132 : i32
      %sign3A_1134 = arith.extui %sign3A_1133 : i1 to i32
      %sign3A_1135 = arith.subi %sign3A_1131, %sign3A_1134 : i32
      %ne3A_1136 = arith.cmpi ne, %sign3A_1128, %sign3A_1135 : i32
      %rem3A_1137 = arith.remsi %add3A_1018, %jit3A_1120 : i32
      %ne3A_1138 = arith.constant 0 : i32
      %ne3A_1139 = arith.cmpi ne, %rem3A_1137, %ne3A_1138 : i32
      %and3A_1140 = arith.andi %ne3A_1136, %ne3A_1139 : i1
      %sub3A_1141 = arith.constant 1 : i32
      %sub3A_1142 = arith.subi %div3A_1121, %sub3A_1141 : i32
      %select_n3A_1143 = arith.select %and3A_1140, %sub3A_1142, %div3A_1121 : i32
      %jit3A_1144 = arith.constant 2 : i32
      %eq3A_1145 = arith.constant 0 : i32
      %eq3A_1146 = arith.cmpi eq, %jit3A_1144, %eq3A_1145 : i32
      %jit3A_1147 = arith.constant 1 : i32
      %select_n3A_1148 = arith.select %eq3A_1146, %jit3A_1147, %jit3A_1144 : i32
      %rem3A_1149 = arith.remsi %add3A_1018, %select_n3A_1148 : i32
      %ne3A_1150 = arith.constant 0 : i32
      %ne3A_1151 = arith.cmpi ne, %rem3A_1149, %ne3A_1150 : i32
      %lt3A_1152 = arith.constant 0 : i32
      %lt3A_1153 = arith.cmpi slt, %rem3A_1149, %lt3A_1152 : i32
      %lt3A_1154 = arith.constant 0 : i32
      %lt3A_1155 = arith.cmpi slt, %select_n3A_1148, %lt3A_1154 : i32
      %ne3A_1156 = arith.xori %lt3A_1153, %lt3A_1155 : i1
      %and3A_1157 = arith.andi %ne3A_1156, %ne3A_1151 : i1
      %add3A_1158 = arith.addi %rem3A_1149, %select_n3A_1148 : i32
      %select_n3A_1159 = arith.select %and3A_1157, %add3A_1158, %rem3A_1149 : i32
      %mul3A_1160 = arith.constant 1024 : i32
      %mul3A_1161 = arith.muli %select_n3A_1159, %mul3A_1160 : i32
      %dma_start3A_1162 = arith.constant 0 : i32
      %dma_start3A_1163 = arith.constant 0 : i32
      %dma_start3A_1164 = tpu.memref_slice %arg3[%dma_start3A_1162, %dma_start3A_1163, %select_n3A_1143, %mul3A_1161] : memref<1x8x2048x2048xf32, #tpu.memory_space<hbm>> -> memref<1x8x1x1024xf32, #tpu.memory_space<hbm>>
      %dma_start3A_1165 = tpu.memref_squeeze %dma_start3A_1164 : memref<1x8x1x1024xf32, #tpu.memory_space<hbm>> -> memref<8x1024xf32, #tpu.memory_space<hbm>>
      %dma_start3A_1166 = arith.constant 0 : i32
      %dma_start3A_1167 = tpu.memref_slice %arg3[%dma_start3A_1162, %dma_start3A_1166, %select_n3A_1143, %mul3A_1161] : memref<1x8x2048x2048xf32, #tpu.memory_space<hbm>> -> memref<1x8x1x1024xf32, #tpu.memory_space<hbm>>
      %dma_start3A_1168 = tpu.memref_squeeze %dma_start3A_1167 : memref<1x8x1x1024xf32, #tpu.memory_space<hbm>> -> memref<8x1024xf32, #tpu.memory_space<hbm>>
      tpu.enqueue_dma source(%arg8 : memref<8x1024xf32, #tpu.memory_space<vmem>>) target(%dma_start3A_1168 : memref<8x1024xf32, #tpu.memory_space<hbm>>) target_semaphore(%arg16 : memref<!tpu.dma_semaphore, #tpu.memory_space<semaphore_mem>>)
      %lt3A_1169 = arith.constant 31 : i32
      %lt3A_1170 = arith.cmpi slt, %scan3A_1012, %lt3A_1169 : i32
      %convert_element_type3A = arith.extui %lt3A_1170 : i1 to i32
      %cond3A = arith.constant 0 : i32
      %cond3A_1171 = arith.cmpi ne, %convert_element_type3A, %cond3A : i32
      scf.if %cond3A_1171 {
        %add3A_1644 = arith.constant 4 : i32
        %add3A_1645 = arith.addi %add3A_1018, %add3A_1644 : i32
        %jit3A_1646 = arith.constant 2 : i32
        %div3A_1647 = arith.divsi %add3A_1645, %jit3A_1646 : i32
        %sign3A_1648 = arith.constant 0 : i32
        %sign3A_1649 = arith.cmpi sgt, %add3A_1645, %sign3A_1648 : i32
        %sign3A_1650 = arith.extui %sign3A_1649 : i1 to i32
        %sign3A_1651 = arith.constant 0 : i32
        %sign3A_1652 = arith.cmpi slt, %add3A_1645, %sign3A_1651 : i32
        %sign3A_1653 = arith.extui %sign3A_1652 : i1 to i32
        %sign3A_1654 = arith.subi %sign3A_1650, %sign3A_1653 : i32
        %sign3A_1655 = arith.constant 0 : i32
        %sign3A_1656 = arith.cmpi sgt, %jit3A_1646, %sign3A_1655 : i32
        %sign3A_1657 = arith.extui %sign3A_1656 : i1 to i32
        %sign3A_1658 = arith.constant 0 : i32
        %sign3A_1659 = arith.cmpi slt, %jit3A_1646, %sign3A_1658 : i32
        %sign3A_1660 = arith.extui %sign3A_1659 : i1 to i32
        %sign3A_1661 = arith.subi %sign3A_1657, %sign3A_1660 : i32
        %ne3A_1662 = arith.cmpi ne, %sign3A_1654, %sign3A_1661 : i32
        %rem3A_1663 = arith.remsi %add3A_1645, %jit3A_1646 : i32
        %ne3A_1664 = arith.constant 0 : i32
        %ne3A_1665 = arith.cmpi ne, %rem3A_1663, %ne3A_1664 : i32
        %and3A_1666 = arith.andi %ne3A_1662, %ne3A_1665 : i1
        %sub3A_1667 = arith.constant 1 : i32
        %sub3A_1668 = arith.subi %div3A_1647, %sub3A_1667 : i32
        %select_n3A_1669 = arith.select %and3A_1666, %sub3A_1668, %div3A_1647 : i32
        %jit3A_1670 = arith.constant 2 : i32
        %eq3A_1671 = arith.constant 0 : i32
        %eq3A_1672 = arith.cmpi eq, %jit3A_1670, %eq3A_1671 : i32
        %jit3A_1673 = arith.constant 1 : i32
        %select_n3A_1674 = arith.select %eq3A_1672, %jit3A_1673, %jit3A_1670 : i32
        %rem3A_1675 = arith.remsi %add3A_1645, %select_n3A_1674 : i32
        %ne3A_1676 = arith.constant 0 : i32
        %ne3A_1677 = arith.cmpi ne, %rem3A_1675, %ne3A_1676 : i32
        %lt3A_1678 = arith.constant 0 : i32
        %lt3A_1679 = arith.cmpi slt, %rem3A_1675, %lt3A_1678 : i32
        %lt3A_1680 = arith.constant 0 : i32
        %lt3A_1681 = arith.cmpi slt, %select_n3A_1674, %lt3A_1680 : i32
        %ne3A_1682 = arith.xori %lt3A_1679, %lt3A_1681 : i1
        %and3A_1683 = arith.andi %ne3A_1682, %ne3A_1677 : i1
        %add3A_1684 = arith.addi %rem3A_1675, %select_n3A_1674 : i32
        %select_n3A_1685 = arith.select %and3A_1683, %add3A_1684, %rem3A_1675 : i32
        %mul3A_1686 = arith.constant 1024 : i32
        %mul3A_1687 = arith.muli %select_n3A_1685, %mul3A_1686 : i32
        %dma_start3A_1688 = arith.constant 0 : i32
        %dma_start3A_1689 = arith.constant 0 : i32
        %dma_start3A_1690 = tpu.memref_slice %arg2[%dma_start3A_1688, %dma_start3A_1689, %select_n3A_1669, %mul3A_1687] : memref<1x10x2048x2048xf32, #tpu.memory_space<hbm>> -> memref<1x10x1x1024xf32, #tpu.memory_space<hbm>>
        %dma_start3A_1691 = tpu.memref_squeeze %dma_start3A_1690 : memref<1x10x1x1024xf32, #tpu.memory_space<hbm>> -> memref<10x1024xf32, #tpu.memory_space<hbm>>
        %dma_start3A_1692 = arith.constant 0 : i32
        %dma_start3A_1693 = tpu.memref_slice %arg2[%dma_start3A_1688, %dma_start3A_1692, %select_n3A_1669, %mul3A_1687] : memref<1x10x2048x2048xf32, #tpu.memory_space<hbm>> -> memref<1x10x1x1024xf32, #tpu.memory_space<hbm>>
        %dma_start3A_1694 = tpu.memref_squeeze %dma_start3A_1693 : memref<1x10x1x1024xf32, #tpu.memory_space<hbm>> -> memref<10x1024xf32, #tpu.memory_space<hbm>>
        tpu.enqueue_dma source(%dma_start3A_1694 : memref<10x1024xf32, #tpu.memory_space<hbm>>) target(%arg4 : memref<10x1024xf32, #tpu.memory_space<vmem>>) target_semaphore(%arg12 : memref<!tpu.dma_semaphore, #tpu.memory_space<semaphore_mem>>)
      } else {
      }
      %add3A_1172 = arith.constant 1 : i32
      %add3A_1173 = arith.addi %add3A_1016, %add3A_1172 : i32
      %jit3A_1174 = arith.constant 2 : i32
      %div3A_1175 = arith.divsi %add3A_1173, %jit3A_1174 : i32
      %sign3A_1176 = arith.constant 0 : i32
      %sign3A_1177 = arith.cmpi sgt, %add3A_1173, %sign3A_1176 : i32
      %sign3A_1178 = arith.extui %sign3A_1177 : i1 to i32
      %sign3A_1179 = arith.constant 0 : i32
      %sign3A_1180 = arith.cmpi slt, %add3A_1173, %sign3A_1179 : i32
      %sign3A_1181 = arith.extui %sign3A_1180 : i1 to i32
      %sign3A_1182 = arith.subi %sign3A_1178, %sign3A_1181 : i32
      %sign3A_1183 = arith.constant 0 : i32
      %sign3A_1184 = arith.cmpi sgt, %jit3A_1174, %sign3A_1183 : i32
      %sign3A_1185 = arith.extui %sign3A_1184 : i1 to i32
      %sign3A_1186 = arith.constant 0 : i32
      %sign3A_1187 = arith.cmpi slt, %jit3A_1174, %sign3A_1186 : i32
      %sign3A_1188 = arith.extui %sign3A_1187 : i1 to i32
      %sign3A_1189 = arith.subi %sign3A_1185, %sign3A_1188 : i32
      %ne3A_1190 = arith.cmpi ne, %sign3A_1182, %sign3A_1189 : i32
      %rem3A_1191 = arith.remsi %add3A_1173, %jit3A_1174 : i32
      %ne3A_1192 = arith.constant 0 : i32
      %ne3A_1193 = arith.cmpi ne, %rem3A_1191, %ne3A_1192 : i32
      %and3A_1194 = arith.andi %ne3A_1190, %ne3A_1193 : i1
      %sub3A_1195 = arith.constant 1 : i32
      %sub3A_1196 = arith.subi %div3A_1175, %sub3A_1195 : i32
      %select_n3A_1197 = arith.select %and3A_1194, %sub3A_1196, %div3A_1175 : i32
      %jit3A_1198 = arith.constant 2 : i32
      %eq3A_1199 = arith.constant 0 : i32
      %eq3A_1200 = arith.cmpi eq, %jit3A_1198, %eq3A_1199 : i32
      %jit3A_1201 = arith.constant 1 : i32
      %select_n3A_1202 = arith.select %eq3A_1200, %jit3A_1201, %jit3A_1198 : i32
      %rem3A_1203 = arith.remsi %add3A_1173, %select_n3A_1202 : i32
      %ne3A_1204 = arith.constant 0 : i32
      %ne3A_1205 = arith.cmpi ne, %rem3A_1203, %ne3A_1204 : i32
      %lt3A_1206 = arith.constant 0 : i32
      %lt3A_1207 = arith.cmpi slt, %rem3A_1203, %lt3A_1206 : i32
      %lt3A_1208 = arith.constant 0 : i32
      %lt3A_1209 = arith.cmpi slt, %select_n3A_1202, %lt3A_1208 : i32
      %ne3A_1210 = arith.xori %lt3A_1207, %lt3A_1209 : i1
      %and3A_1211 = arith.andi %ne3A_1210, %ne3A_1205 : i1
      %add3A_1212 = arith.addi %rem3A_1203, %select_n3A_1202 : i32
      %select_n3A_1213 = arith.select %and3A_1211, %add3A_1212, %rem3A_1203 : i32
      %mul3A_1214 = arith.constant 1024 : i32
      %mul3A_1215 = arith.muli %select_n3A_1213, %mul3A_1214 : i32
      %dma_wait3A_1216 = arith.constant 0 : i32
      %dma_wait3A_1217 = arith.constant 0 : i32
      %dma_wait3A_1218 = tpu.memref_slice %arg2[%dma_wait3A_1216, %dma_wait3A_1217, %select_n3A_1197, %mul3A_1215] : memref<1x10x2048x2048xf32, #tpu.memory_space<hbm>> -> memref<1x10x1x1024xf32, #tpu.memory_space<hbm>>
      %dma_wait3A_1219 = tpu.memref_squeeze %dma_wait3A_1218 : memref<1x10x1x1024xf32, #tpu.memory_space<hbm>> -> memref<10x1024xf32, #tpu.memory_space<hbm>>
      %dma_wait3A_1220 = arith.constant 0 : i32
      %dma_wait3A_1221 = tpu.memref_slice %arg2[%dma_wait3A_1216, %dma_wait3A_1220, %select_n3A_1197, %mul3A_1215] : memref<1x10x2048x2048xf32, #tpu.memory_space<hbm>> -> memref<1x10x1x1024xf32, #tpu.memory_space<hbm>>
      %dma_wait3A_1222 = tpu.memref_squeeze %dma_wait3A_1221 : memref<1x10x1x1024xf32, #tpu.memory_space<hbm>> -> memref<10x1024xf32, #tpu.memory_space<hbm>>
      tpu.wait_dma2 semaphore(%arg13 : memref<!tpu.dma_semaphore, #tpu.memory_space<semaphore_mem>>) src(%dma_wait3A_1222 : memref<10x1024xf32, #tpu.memory_space<hbm>>) dst(%arg5 : memref<10x1024xf32, #tpu.memory_space<vmem>>)
      %jit3A_1223 = arith.constant 2 : i32
      %div3A_1224 = arith.divsi %add3A_1173, %jit3A_1223 : i32
      %sign3A_1225 = arith.constant 0 : i32
      %sign3A_1226 = arith.cmpi sgt, %add3A_1173, %sign3A_1225 : i32
      %sign3A_1227 = arith.extui %sign3A_1226 : i1 to i32
      %sign3A_1228 = arith.constant 0 : i32
      %sign3A_1229 = arith.cmpi slt, %add3A_1173, %sign3A_1228 : i32
      %sign3A_1230 = arith.extui %sign3A_1229 : i1 to i32
      %sign3A_1231 = arith.subi %sign3A_1227, %sign3A_1230 : i32
      %sign3A_1232 = arith.constant 0 : i32
      %sign3A_1233 = arith.cmpi sgt, %jit3A_1223, %sign3A_1232 : i32
      %sign3A_1234 = arith.extui %sign3A_1233 : i1 to i32
      %sign3A_1235 = arith.constant 0 : i32
      %sign3A_1236 = arith.cmpi slt, %jit3A_1223, %sign3A_1235 : i32
      %sign3A_1237 = arith.extui %sign3A_1236 : i1 to i32
      %sign3A_1238 = arith.subi %sign3A_1234, %sign3A_1237 : i32
      %ne3A_1239 = arith.cmpi ne, %sign3A_1231, %sign3A_1238 : i32
      %rem3A_1240 = arith.remsi %add3A_1173, %jit3A_1223 : i32
      %ne3A_1241 = arith.constant 0 : i32
      %ne3A_1242 = arith.cmpi ne, %rem3A_1240, %ne3A_1241 : i32
      %and3A_1243 = arith.andi %ne3A_1239, %ne3A_1242 : i1
      %sub3A_1244 = arith.constant 1 : i32
      %sub3A_1245 = arith.subi %div3A_1224, %sub3A_1244 : i32
      %select_n3A_1246 = arith.select %and3A_1243, %sub3A_1245, %div3A_1224 : i32
      %jit3A_1247 = arith.constant 2 : i32
      %eq3A_1248 = arith.constant 0 : i32
      %eq3A_1249 = arith.cmpi eq, %jit3A_1247, %eq3A_1248 : i32
      %jit3A_1250 = arith.constant 1 : i32
      %select_n3A_1251 = arith.select %eq3A_1249, %jit3A_1250, %jit3A_1247 : i32
      %rem3A_1252 = arith.remsi %add3A_1173, %select_n3A_1251 : i32
      %ne3A_1253 = arith.constant 0 : i32
      %ne3A_1254 = arith.cmpi ne, %rem3A_1252, %ne3A_1253 : i32
      %lt3A_1255 = arith.constant 0 : i32
      %lt3A_1256 = arith.cmpi slt, %rem3A_1252, %lt3A_1255 : i32
      %lt3A_1257 = arith.constant 0 : i32
      %lt3A_1258 = arith.cmpi slt, %select_n3A_1251, %lt3A_1257 : i32
      %ne3A_1259 = arith.xori %lt3A_1256, %lt3A_1258 : i1
      %and3A_1260 = arith.andi %ne3A_1259, %ne3A_1254 : i1
      %add3A_1261 = arith.addi %rem3A_1252, %select_n3A_1251 : i32
      %select_n3A_1262 = arith.select %and3A_1260, %add3A_1261, %rem3A_1252 : i32
      %mul3A_1263 = arith.constant 1024 : i32
      %mul3A_1264 = arith.muli %select_n3A_1262, %mul3A_1263 : i32
      %dma_wait3A_1265 = arith.constant 0 : i32
      %dma_wait3A_1266 = arith.constant 0 : i32
      %dma_wait3A_1267 = tpu.memref_slice %arg3[%dma_wait3A_1265, %dma_wait3A_1266, %select_n3A_1246, %mul3A_1264] : memref<1x8x2048x2048xf32, #tpu.memory_space<hbm>> -> memref<1x8x1x1024xf32, #tpu.memory_space<hbm>>
      %dma_wait3A_1268 = tpu.memref_squeeze %dma_wait3A_1267 : memref<1x8x1x1024xf32, #tpu.memory_space<hbm>> -> memref<8x1024xf32, #tpu.memory_space<hbm>>
      %dma_wait3A_1269 = arith.constant 0 : i32
      %dma_wait3A_1270 = tpu.memref_slice %arg3[%dma_wait3A_1265, %dma_wait3A_1269, %select_n3A_1246, %mul3A_1264] : memref<1x8x2048x2048xf32, #tpu.memory_space<hbm>> -> memref<1x8x1x1024xf32, #tpu.memory_space<hbm>>
      %dma_wait3A_1271 = tpu.memref_squeeze %dma_wait3A_1270 : memref<1x8x1x1024xf32, #tpu.memory_space<hbm>> -> memref<8x1024xf32, #tpu.memory_space<hbm>>
      tpu.wait_dma2 semaphore(%arg17 : memref<!tpu.dma_semaphore, #tpu.memory_space<semaphore_mem>>) src(%arg9 : memref<8x1024xf32, #tpu.memory_space<vmem>>) dst(%dma_wait3A_1271 : memref<8x1024xf32, #tpu.memory_space<hbm>>)
      %parallel_loop3A_1272 = arith.constant 0 : i32
      %parallel_loop3A_1273 = arith.constant 64 : i32
      %parallel_loop3A_1274 = arith.constant 1 : i32
      scf.for %parallel_loop3A_1644 = %parallel_loop3A_1272 to %parallel_loop3A_1273 step %parallel_loop3A_1274  : i32 {
        %parallel_loop3A_1645 = arith.constant 16 : i32
        %parallel_loop3A_1646 = arith.muli %parallel_loop3A_1644, %parallel_loop3A_1645 : i32
        %parallel_loop3A_1647 = arith.constant 0 : i32
        %parallel_loop3A_1648 = arith.index_cast %parallel_loop3A_1647 : i32 to index
        %parallel_loop3A_1649 = arith.index_cast %parallel_loop3A_1646 : i32 to index
        %parallel_loop3A_1650 = tpu.vector_load %arg5[%parallel_loop3A_1648, %parallel_loop3A_1649] {strides = array<i32>} : memref<10x1024xf32, #tpu.memory_space<vmem>>, vector<1x16xf32>,
        %parallel_loop3A_1651 = vector.shape_cast %parallel_loop3A_1650 : vector<1x16xf32> to vector<16xf32>
        %parallel_loop3A_1652 = arith.constant 1 : i32
        %parallel_loop3A_1653 = arith.index_cast %parallel_loop3A_1652 : i32 to index
        %parallel_loop3A_1654 = arith.index_cast %parallel_loop3A_1646 : i32 to index
        %parallel_loop3A_1655 = tpu.vector_load %arg5[%parallel_loop3A_1653, %parallel_loop3A_1654] {strides = array<i32>} : memref<10x1024xf32, #tpu.memory_space<vmem>>, vector<1x16xf32>,
        %parallel_loop3A_1656 = vector.shape_cast %parallel_loop3A_1655 : vector<1x16xf32> to vector<16xf32>
        %parallel_loop3A_1657 = arith.constant 2 : i32
        %parallel_loop3A_1658 = arith.index_cast %parallel_loop3A_1657 : i32 to index
        %parallel_loop3A_1659 = arith.index_cast %parallel_loop3A_1646 : i32 to index
        %parallel_loop3A_1660 = tpu.vector_load %arg5[%parallel_loop3A_1658, %parallel_loop3A_1659] {strides = array<i32>} : memref<10x1024xf32, #tpu.memory_space<vmem>>, vector<1x16xf32>,
        %parallel_loop3A_1661 = vector.shape_cast %parallel_loop3A_1660 : vector<1x16xf32> to vector<16xf32>
        %parallel_loop3A_1662 = arith.constant 3 : i32
        %parallel_loop3A_1663 = arith.index_cast %parallel_loop3A_1662 : i32 to index
        %parallel_loop3A_1664 = arith.index_cast %parallel_loop3A_1646 : i32 to index
        %parallel_loop3A_1665 = tpu.vector_load %arg5[%parallel_loop3A_1663, %parallel_loop3A_1664] {strides = array<i32>} : memref<10x1024xf32, #tpu.memory_space<vmem>>, vector<1x16xf32>,
        %parallel_loop3A_1666 = vector.shape_cast %parallel_loop3A_1665 : vector<1x16xf32> to vector<16xf32>
        %parallel_loop3A_1667 = arith.constant 4 : i32
        %parallel_loop3A_1668 = arith.index_cast %parallel_loop3A_1667 : i32 to index
        %parallel_loop3A_1669 = arith.index_cast %parallel_loop3A_1646 : i32 to index
        %parallel_loop3A_1670 = tpu.vector_load %arg5[%parallel_loop3A_1668, %parallel_loop3A_1669] {strides = array<i32>} : memref<10x1024xf32, #tpu.memory_space<vmem>>, vector<1x16xf32>,
        %parallel_loop3A_1671 = vector.shape_cast %parallel_loop3A_1670 : vector<1x16xf32> to vector<16xf32>
        %parallel_loop3A_1672 = arith.constant 5 : i32
        %parallel_loop3A_1673 = arith.index_cast %parallel_loop3A_1672 : i32 to index
        %parallel_loop3A_1674 = arith.index_cast %parallel_loop3A_1646 : i32 to index
        %parallel_loop3A_1675 = tpu.vector_load %arg5[%parallel_loop3A_1673, %parallel_loop3A_1674] {strides = array<i32>} : memref<10x1024xf32, #tpu.memory_space<vmem>>, vector<1x16xf32>,
        %parallel_loop3A_1676 = vector.shape_cast %parallel_loop3A_1675 : vector<1x16xf32> to vector<16xf32>
        %parallel_loop3A_1677 = arith.constant 6 : i32
        %parallel_loop3A_1678 = arith.index_cast %parallel_loop3A_1677 : i32 to index
        %parallel_loop3A_1679 = arith.index_cast %parallel_loop3A_1646 : i32 to index
        %parallel_loop3A_1680 = tpu.vector_load %arg5[%parallel_loop3A_1678, %parallel_loop3A_1679] {strides = array<i32>} : memref<10x1024xf32, #tpu.memory_space<vmem>>, vector<1x16xf32>,
        %parallel_loop3A_1681 = vector.shape_cast %parallel_loop3A_1680 : vector<1x16xf32> to vector<16xf32>
        %parallel_loop3A_1682 = arith.constant 7 : i32
        %parallel_loop3A_1683 = arith.index_cast %parallel_loop3A_1682 : i32 to index
        %parallel_loop3A_1684 = arith.index_cast %parallel_loop3A_1646 : i32 to index
        %parallel_loop3A_1685 = tpu.vector_load %arg5[%parallel_loop3A_1683, %parallel_loop3A_1684] {strides = array<i32>} : memref<10x1024xf32, #tpu.memory_space<vmem>>, vector<1x16xf32>,
        %parallel_loop3A_1686 = vector.shape_cast %parallel_loop3A_1685 : vector<1x16xf32> to vector<16xf32>
        %parallel_loop3A_1687 = arith.maximumf %parallel_loop3A_1651, %parallel_loop3A_1656 : vector<16xf32>
        %parallel_loop3A_1688 = arith.maximumf %parallel_loop3A_1661, %parallel_loop3A_1666 : vector<16xf32>
        %parallel_loop3A_1689 = arith.maximumf %parallel_loop3A_1671, %parallel_loop3A_1676 : vector<16xf32>
        %parallel_loop3A_1690 = arith.maximumf %parallel_loop3A_1681, %parallel_loop3A_1686 : vector<16xf32>
        %parallel_loop3A_1691 = arith.maximumf %parallel_loop3A_1687, %parallel_loop3A_1688 : vector<16xf32>
        %parallel_loop3A_1692 = arith.maximumf %parallel_loop3A_1689, %parallel_loop3A_1690 : vector<16xf32>
        %parallel_loop3A_1693 = arith.maximumf %parallel_loop3A_1691, %parallel_loop3A_1692 : vector<16xf32>
        %parallel_loop3A_1694 = arith.constant 1 : i32
        %parallel_loop3A_1695 = vector.broadcast %parallel_loop3A_1694 : i32 to vector<16xi32>
        %parallel_loop3A_1696 = arith.constant 0 : i32
        %parallel_loop3A_1697 = vector.broadcast %parallel_loop3A_1696 : i32 to vector<16xi32>
        %parallel_loop3A_1698 = arith.cmpf oeq, %parallel_loop3A_1651, %parallel_loop3A_1693 : vector<16xf32>
        %parallel_loop3A_1699 = arith.select %parallel_loop3A_1698, %parallel_loop3A_1695, %parallel_loop3A_1697 : vector<16xi1>, vector<16xi32>
        %parallel_loop3A_1700 = arith.cmpf oeq, %parallel_loop3A_1656, %parallel_loop3A_1693 : vector<16xf32>
        %parallel_loop3A_1701 = arith.select %parallel_loop3A_1700, %parallel_loop3A_1695, %parallel_loop3A_1697 : vector<16xi1>, vector<16xi32>
        %parallel_loop3A_1702 = arith.cmpf oeq, %parallel_loop3A_1661, %parallel_loop3A_1693 : vector<16xf32>
        %parallel_loop3A_1703 = arith.select %parallel_loop3A_1702, %parallel_loop3A_1695, %parallel_loop3A_1697 : vector<16xi1>, vector<16xi32>
        %parallel_loop3A_1704 = arith.cmpf oeq, %parallel_loop3A_1666, %parallel_loop3A_1693 : vector<16xf32>
        %parallel_loop3A_1705 = arith.select %parallel_loop3A_1704, %parallel_loop3A_1695, %parallel_loop3A_1697 : vector<16xi1>, vector<16xi32>
        %parallel_loop3A_1706 = arith.cmpf oeq, %parallel_loop3A_1671, %parallel_loop3A_1693 : vector<16xf32>
        %parallel_loop3A_1707 = arith.select %parallel_loop3A_1706, %parallel_loop3A_1695, %parallel_loop3A_1697 : vector<16xi1>, vector<16xi32>
        %parallel_loop3A_1708 = arith.cmpf oeq, %parallel_loop3A_1676, %parallel_loop3A_1693 : vector<16xf32>
        %parallel_loop3A_1709 = arith.select %parallel_loop3A_1708, %parallel_loop3A_1695, %parallel_loop3A_1697 : vector<16xi1>, vector<16xi32>
        %parallel_loop3A_1710 = arith.cmpf oeq, %parallel_loop3A_1681, %parallel_loop3A_1693 : vector<16xf32>
        %parallel_loop3A_1711 = arith.select %parallel_loop3A_1710, %parallel_loop3A_1695, %parallel_loop3A_1697 : vector<16xi1>, vector<16xi32>
        %parallel_loop3A_1712 = arith.cmpf oeq, %parallel_loop3A_1686, %parallel_loop3A_1693 : vector<16xf32>
        %parallel_loop3A_1713 = arith.select %parallel_loop3A_1712, %parallel_loop3A_1695, %parallel_loop3A_1697 : vector<16xi1>, vector<16xi32>
        %parallel_loop3A_1714 = arith.ori %parallel_loop3A_1699, %parallel_loop3A_1701 : vector<16xi32>
        %parallel_loop3A_1715 = arith.ori %parallel_loop3A_1703, %parallel_loop3A_1705 : vector<16xi32>
        %parallel_loop3A_1716 = arith.ori %parallel_loop3A_1707, %parallel_loop3A_1709 : vector<16xi32>
        %parallel_loop3A_1717 = arith.ori %parallel_loop3A_1714, %parallel_loop3A_1715 : vector<16xi32>
        %parallel_loop3A_1718 = arith.ori %parallel_loop3A_1714, %parallel_loop3A_1703 : vector<16xi32>
        %parallel_loop3A_1719 = arith.ori %parallel_loop3A_1717, %parallel_loop3A_1707 : vector<16xi32>
        %parallel_loop3A_1720 = arith.ori %parallel_loop3A_1717, %parallel_loop3A_1716 : vector<16xi32>
        %parallel_loop3A_1721 = arith.ori %parallel_loop3A_1717, %parallel_loop3A_1716 : vector<16xi32>
        %parallel_loop3A_1722 = arith.ori %parallel_loop3A_1721, %parallel_loop3A_1711 : vector<16xi32>
        %parallel_loop3A_1723 = arith.constant 8 : i32
        %parallel_loop3A_1724 = arith.index_cast %parallel_loop3A_1723 : i32 to index
        %parallel_loop3A_1725 = arith.index_cast %parallel_loop3A_1646 : i32 to index
        %parallel_loop3A_1726 = tpu.vector_load %arg5[%parallel_loop3A_1724, %parallel_loop3A_1725] {strides = array<i32>} : memref<10x1024xf32, #tpu.memory_space<vmem>>, vector<1x16xf32>,
        %parallel_loop3A_1727 = vector.shape_cast %parallel_loop3A_1726 : vector<1x16xf32> to vector<16xf32>
        %parallel_loop3A_1728 = arith.constant 9 : i32
        %parallel_loop3A_1729 = arith.index_cast %parallel_loop3A_1728 : i32 to index
        %parallel_loop3A_1730 = arith.index_cast %parallel_loop3A_1646 : i32 to index
        %parallel_loop3A_1731 = tpu.vector_load %arg5[%parallel_loop3A_1729, %parallel_loop3A_1730] {strides = array<i32>} : memref<10x1024xf32, #tpu.memory_space<vmem>>, vector<1x16xf32>,
        %parallel_loop3A_1732 = vector.shape_cast %parallel_loop3A_1731 : vector<1x16xf32> to vector<16xf32>
        %parallel_loop3A_1733 = arith.mulf %parallel_loop3A_1727, %parallel_loop3A_1727 : vector<16xf32>
        %parallel_loop3A_1734 = arith.mulf %parallel_loop3A_1732, %parallel_loop3A_1732 : vector<16xf32>
        %parallel_loop3A_1735 = arith.addf %parallel_loop3A_1733, %parallel_loop3A_1734 : vector<16xf32>
        %parallel_loop3A_1736 = tpu.bitcast %parallel_loop3A_1735 : vector<16xf32> -> vector<16xi32>
        %parallel_loop3A_1737 = arith.constant 1 : i32
        %parallel_loop3A_1738 = vector.broadcast %parallel_loop3A_1737 : i32 to vector<16xi32>
        %parallel_loop3A_1739 = arith.shrsi %parallel_loop3A_1736, %parallel_loop3A_1738 : vector<16xi32>
        %parallel_loop3A_1740 = arith.constant 1597463007 : i32
        %parallel_loop3A_1741 = vector.broadcast %parallel_loop3A_1740 : i32 to vector<16xi32>
        %parallel_loop3A_1742 = arith.subi %parallel_loop3A_1741, %parallel_loop3A_1739 : vector<16xi32>
        %parallel_loop3A_1743 = tpu.bitcast %parallel_loop3A_1742 : vector<16xi32> -> vector<16xf32>
        %parallel_loop3A_1744 = arith.constant 5.000000e-01 : f32
        %parallel_loop3A_1745 = vector.broadcast %parallel_loop3A_1744 : f32 to vector<16xf32>
        %parallel_loop3A_1746 = arith.mulf %parallel_loop3A_1735, %parallel_loop3A_1745 : vector<16xf32>
        %parallel_loop3A_1747 = arith.mulf %parallel_loop3A_1746, %parallel_loop3A_1743 : vector<16xf32>
        %parallel_loop3A_1748 = arith.mulf %parallel_loop3A_1747, %parallel_loop3A_1743 : vector<16xf32>
        %parallel_loop3A_1749 = arith.constant 1.500000e+00 : f32
        %parallel_loop3A_1750 = vector.broadcast %parallel_loop3A_1749 : f32 to vector<16xf32>
        %parallel_loop3A_1751 = arith.subf %parallel_loop3A_1750, %parallel_loop3A_1748 : vector<16xf32>
        %parallel_loop3A_1752 = arith.mulf %parallel_loop3A_1743, %parallel_loop3A_1751 : vector<16xf32>
        %parallel_loop3A_1753 = arith.mulf %parallel_loop3A_1746, %parallel_loop3A_1752 : vector<16xf32>
        %parallel_loop3A_1754 = arith.mulf %parallel_loop3A_1753, %parallel_loop3A_1752 : vector<16xf32>
        %parallel_loop3A_1755 = arith.constant 1.500000e+00 : f32
        %parallel_loop3A_1756 = vector.broadcast %parallel_loop3A_1755 : f32 to vector<16xf32>
        %parallel_loop3A_1757 = arith.subf %parallel_loop3A_1756, %parallel_loop3A_1754 : vector<16xf32>
        %parallel_loop3A_1758 = arith.mulf %parallel_loop3A_1752, %parallel_loop3A_1757 : vector<16xf32>
        %parallel_loop3A_1759 = arith.mulf %parallel_loop3A_1735, %parallel_loop3A_1758 : vector<16xf32>
        %parallel_loop3A_1760 = arith.constant 0.000000e+00 : f32
        %parallel_loop3A_1761 = vector.broadcast %parallel_loop3A_1760 : f32 to vector<16xf32>
        %parallel_loop3A_1762 = arith.cmpi sgt, %parallel_loop3A_1699, %parallel_loop3A_1697 : vector<16xi32>
        %parallel_loop3A_1763 = arith.select %parallel_loop3A_1762, %parallel_loop3A_1759, %parallel_loop3A_1761 : vector<16xi1>, vector<16xf32>
        %parallel_loop3A_1764 = arith.constant 0 : i32
        %parallel_loop3A_1765 = arith.index_cast %parallel_loop3A_1764 : i32 to index
        %parallel_loop3A_1766 = arith.index_cast %parallel_loop3A_1646 : i32 to index
        %parallel_loop3A_1767 = tpu.vector_load %arg9[%parallel_loop3A_1765, %parallel_loop3A_1766] {strides = array<i32>} : memref<8x1024xf32, #tpu.memory_space<vmem>>, vector<1x16xf32>,
        %parallel_loop3A_1768 = vector.shape_cast %parallel_loop3A_1767 : vector<1x16xf32> to vector<16xf32>
        %parallel_loop3A_1769 = vector.shape_cast %parallel_loop3A_1763 : vector<16xf32> to vector<1x16xf32>
        tpu.vector_store %arg9[%parallel_loop3A_1765, %parallel_loop3A_1766], %parallel_loop3A_1769 {strides = array<i32>} : memref<8x1024xf32, #tpu.memory_space<vmem>>, vector<1x16xf32>,
        %parallel_loop3A_1770 = arith.cmpi sgt, %parallel_loop3A_1701, %parallel_loop3A_1699 : vector<16xi32>
        %parallel_loop3A_1771 = arith.select %parallel_loop3A_1770, %parallel_loop3A_1759, %parallel_loop3A_1761 : vector<16xi1>, vector<16xf32>
        %parallel_loop3A_1772 = arith.constant 1 : i32
        %parallel_loop3A_1773 = arith.index_cast %parallel_loop3A_1772 : i32 to index
        %parallel_loop3A_1774 = arith.index_cast %parallel_loop3A_1646 : i32 to index
        %parallel_loop3A_1775 = tpu.vector_load %arg9[%parallel_loop3A_1773, %parallel_loop3A_1774] {strides = array<i32>} : memref<8x1024xf32, #tpu.memory_space<vmem>>, vector<1x16xf32>,
        %parallel_loop3A_1776 = vector.shape_cast %parallel_loop3A_1775 : vector<1x16xf32> to vector<16xf32>
        %parallel_loop3A_1777 = vector.shape_cast %parallel_loop3A_1771 : vector<16xf32> to vector<1x16xf32>
        tpu.vector_store %arg9[%parallel_loop3A_1773, %parallel_loop3A_1774], %parallel_loop3A_1777 {strides = array<i32>} : memref<8x1024xf32, #tpu.memory_space<vmem>>, vector<1x16xf32>,
        %parallel_loop3A_1778 = arith.cmpi sgt, %parallel_loop3A_1703, %parallel_loop3A_1714 : vector<16xi32>
        %parallel_loop3A_1779 = arith.select %parallel_loop3A_1778, %parallel_loop3A_1759, %parallel_loop3A_1761 : vector<16xi1>, vector<16xf32>
        %parallel_loop3A_1780 = arith.constant 2 : i32
        %parallel_loop3A_1781 = arith.index_cast %parallel_loop3A_1780 : i32 to index
        %parallel_loop3A_1782 = arith.index_cast %parallel_loop3A_1646 : i32 to index
        %parallel_loop3A_1783 = tpu.vector_load %arg9[%parallel_loop3A_1781, %parallel_loop3A_1782] {strides = array<i32>} : memref<8x1024xf32, #tpu.memory_space<vmem>>, vector<1x16xf32>,
        %parallel_loop3A_1784 = vector.shape_cast %parallel_loop3A_1783 : vector<1x16xf32> to vector<16xf32>
        %parallel_loop3A_1785 = vector.shape_cast %parallel_loop3A_1779 : vector<16xf32> to vector<1x16xf32>
        tpu.vector_store %arg9[%parallel_loop3A_1781, %parallel_loop3A_1782], %parallel_loop3A_1785 {strides = array<i32>} : memref<8x1024xf32, #tpu.memory_space<vmem>>, vector<1x16xf32>,
        %parallel_loop3A_1786 = arith.cmpi sgt, %parallel_loop3A_1705, %parallel_loop3A_1718 : vector<16xi32>
        %parallel_loop3A_1787 = arith.select %parallel_loop3A_1786, %parallel_loop3A_1759, %parallel_loop3A_1761 : vector<16xi1>, vector<16xf32>
        %parallel_loop3A_1788 = arith.constant 3 : i32
        %parallel_loop3A_1789 = arith.index_cast %parallel_loop3A_1788 : i32 to index
        %parallel_loop3A_1790 = arith.index_cast %parallel_loop3A_1646 : i32 to index
        %parallel_loop3A_1791 = tpu.vector_load %arg9[%parallel_loop3A_1789, %parallel_loop3A_1790] {strides = array<i32>} : memref<8x1024xf32, #tpu.memory_space<vmem>>, vector<1x16xf32>,
        %parallel_loop3A_1792 = vector.shape_cast %parallel_loop3A_1791 : vector<1x16xf32> to vector<16xf32>
        %parallel_loop3A_1793 = vector.shape_cast %parallel_loop3A_1787 : vector<16xf32> to vector<1x16xf32>
        tpu.vector_store %arg9[%parallel_loop3A_1789, %parallel_loop3A_1790], %parallel_loop3A_1793 {strides = array<i32>} : memref<8x1024xf32, #tpu.memory_space<vmem>>, vector<1x16xf32>,
        %parallel_loop3A_1794 = arith.cmpi sgt, %parallel_loop3A_1707, %parallel_loop3A_1717 : vector<16xi32>
        %parallel_loop3A_1795 = arith.select %parallel_loop3A_1794, %parallel_loop3A_1759, %parallel_loop3A_1761 : vector<16xi1>, vector<16xf32>
        %parallel_loop3A_1796 = arith.constant 4 : i32
        %parallel_loop3A_1797 = arith.index_cast %parallel_loop3A_1796 : i32 to index
        %parallel_loop3A_1798 = arith.index_cast %parallel_loop3A_1646 : i32 to index
        %parallel_loop3A_1799 = tpu.vector_load %arg9[%parallel_loop3A_1797, %parallel_loop3A_1798] {strides = array<i32>} : memref<8x1024xf32, #tpu.memory_space<vmem>>, vector<1x16xf32>,
        %parallel_loop3A_1800 = vector.shape_cast %parallel_loop3A_1799 : vector<1x16xf32> to vector<16xf32>
        %parallel_loop3A_1801 = vector.shape_cast %parallel_loop3A_1795 : vector<16xf32> to vector<1x16xf32>
        tpu.vector_store %arg9[%parallel_loop3A_1797, %parallel_loop3A_1798], %parallel_loop3A_1801 {strides = array<i32>} : memref<8x1024xf32, #tpu.memory_space<vmem>>, vector<1x16xf32>,
        %parallel_loop3A_1802 = arith.cmpi sgt, %parallel_loop3A_1709, %parallel_loop3A_1719 : vector<16xi32>
        %parallel_loop3A_1803 = arith.select %parallel_loop3A_1802, %parallel_loop3A_1759, %parallel_loop3A_1761 : vector<16xi1>, vector<16xf32>
        %parallel_loop3A_1804 = arith.constant 5 : i32
        %parallel_loop3A_1805 = arith.index_cast %parallel_loop3A_1804 : i32 to index
        %parallel_loop3A_1806 = arith.index_cast %parallel_loop3A_1646 : i32 to index
        %parallel_loop3A_1807 = tpu.vector_load %arg9[%parallel_loop3A_1805, %parallel_loop3A_1806] {strides = array<i32>} : memref<8x1024xf32, #tpu.memory_space<vmem>>, vector<1x16xf32>,
        %parallel_loop3A_1808 = vector.shape_cast %parallel_loop3A_1807 : vector<1x16xf32> to vector<16xf32>
        %parallel_loop3A_1809 = vector.shape_cast %parallel_loop3A_1803 : vector<16xf32> to vector<1x16xf32>
        tpu.vector_store %arg9[%parallel_loop3A_1805, %parallel_loop3A_1806], %parallel_loop3A_1809 {strides = array<i32>} : memref<8x1024xf32, #tpu.memory_space<vmem>>, vector<1x16xf32>,
        %parallel_loop3A_1810 = arith.cmpi sgt, %parallel_loop3A_1711, %parallel_loop3A_1720 : vector<16xi32>
        %parallel_loop3A_1811 = arith.select %parallel_loop3A_1810, %parallel_loop3A_1759, %parallel_loop3A_1761 : vector<16xi1>, vector<16xf32>
        %parallel_loop3A_1812 = arith.constant 6 : i32
        %parallel_loop3A_1813 = arith.index_cast %parallel_loop3A_1812 : i32 to index
        %parallel_loop3A_1814 = arith.index_cast %parallel_loop3A_1646 : i32 to index
        %parallel_loop3A_1815 = tpu.vector_load %arg9[%parallel_loop3A_1813, %parallel_loop3A_1814] {strides = array<i32>} : memref<8x1024xf32, #tpu.memory_space<vmem>>, vector<1x16xf32>,
        %parallel_loop3A_1816 = vector.shape_cast %parallel_loop3A_1815 : vector<1x16xf32> to vector<16xf32>
        %parallel_loop3A_1817 = vector.shape_cast %parallel_loop3A_1811 : vector<16xf32> to vector<1x16xf32>
        tpu.vector_store %arg9[%parallel_loop3A_1813, %parallel_loop3A_1814], %parallel_loop3A_1817 {strides = array<i32>} : memref<8x1024xf32, #tpu.memory_space<vmem>>, vector<1x16xf32>,
        %parallel_loop3A_1818 = arith.cmpi sgt, %parallel_loop3A_1713, %parallel_loop3A_1722 : vector<16xi32>
        %parallel_loop3A_1819 = arith.select %parallel_loop3A_1818, %parallel_loop3A_1759, %parallel_loop3A_1761 : vector<16xi1>, vector<16xf32>
        %parallel_loop3A_1820 = arith.constant 7 : i32
        %parallel_loop3A_1821 = arith.index_cast %parallel_loop3A_1820 : i32 to index
        %parallel_loop3A_1822 = arith.index_cast %parallel_loop3A_1646 : i32 to index
        %parallel_loop3A_1823 = tpu.vector_load %arg9[%parallel_loop3A_1821, %parallel_loop3A_1822] {strides = array<i32>} : memref<8x1024xf32, #tpu.memory_space<vmem>>, vector<1x16xf32>,
        %parallel_loop3A_1824 = vector.shape_cast %parallel_loop3A_1823 : vector<1x16xf32> to vector<16xf32>
        %parallel_loop3A_1825 = vector.shape_cast %parallel_loop3A_1819 : vector<16xf32> to vector<1x16xf32>
        tpu.vector_store %arg9[%parallel_loop3A_1821, %parallel_loop3A_1822], %parallel_loop3A_1825 {strides = array<i32>} : memref<8x1024xf32, #tpu.memory_space<vmem>>, vector<1x16xf32>,
      } {sc.loop_unroll_factor = 2 : i64, sc.parallel_access}
      %jit3A_1275 = arith.constant 2 : i32
      %div3A_1276 = arith.divsi %add3A_1173, %jit3A_1275 : i32
      %sign3A_1277 = arith.constant 0 : i32
      %sign3A_1278 = arith.cmpi sgt, %add3A_1173, %sign3A_1277 : i32
      %sign3A_1279 = arith.extui %sign3A_1278 : i1 to i32
      %sign3A_1280 = arith.constant 0 : i32
      %sign3A_1281 = arith.cmpi slt, %add3A_1173, %sign3A_1280 : i32
      %sign3A_1282 = arith.extui %sign3A_1281 : i1 to i32
      %sign3A_1283 = arith.subi %sign3A_1279, %sign3A_1282 : i32
      %sign3A_1284 = arith.constant 0 : i32
      %sign3A_1285 = arith.cmpi sgt, %jit3A_1275, %sign3A_1284 : i32
      %sign3A_1286 = arith.extui %sign3A_1285 : i1 to i32
      %sign3A_1287 = arith.constant 0 : i32
      %sign3A_1288 = arith.cmpi slt, %jit3A_1275, %sign3A_1287 : i32
      %sign3A_1289 = arith.extui %sign3A_1288 : i1 to i32
      %sign3A_1290 = arith.subi %sign3A_1286, %sign3A_1289 : i32
      %ne3A_1291 = arith.cmpi ne, %sign3A_1283, %sign3A_1290 : i32
      %rem3A_1292 = arith.remsi %add3A_1173, %jit3A_1275 : i32
      %ne3A_1293 = arith.constant 0 : i32
      %ne3A_1294 = arith.cmpi ne, %rem3A_1292, %ne3A_1293 : i32
      %and3A_1295 = arith.andi %ne3A_1291, %ne3A_1294 : i1
      %sub3A_1296 = arith.constant 1 : i32
      %sub3A_1297 = arith.subi %div3A_1276, %sub3A_1296 : i32
      %select_n3A_1298 = arith.select %and3A_1295, %sub3A_1297, %div3A_1276 : i32
      %jit3A_1299 = arith.constant 2 : i32
      %eq3A_1300 = arith.constant 0 : i32
      %eq3A_1301 = arith.cmpi eq, %jit3A_1299, %eq3A_1300 : i32
      %jit3A_1302 = arith.constant 1 : i32
      %select_n3A_1303 = arith.select %eq3A_1301, %jit3A_1302, %jit3A_1299 : i32
      %rem3A_1304 = arith.remsi %add3A_1173, %select_n3A_1303 : i32
      %ne3A_1305 = arith.constant 0 : i32
      %ne3A_1306 = arith.cmpi ne, %rem3A_1304, %ne3A_1305 : i32
      %lt3A_1307 = arith.constant 0 : i32
      %lt3A_1308 = arith.cmpi slt, %rem3A_1304, %lt3A_1307 : i32
      %lt3A_1309 = arith.constant 0 : i32
      %lt3A_1310 = arith.cmpi slt, %select_n3A_1303, %lt3A_1309 : i32
      %ne3A_1311 = arith.xori %lt3A_1308, %lt3A_1310 : i1
      %and3A_1312 = arith.andi %ne3A_1311, %ne3A_1306 : i1
      %add3A_1313 = arith.addi %rem3A_1304, %select_n3A_1303 : i32
      %select_n3A_1314 = arith.select %and3A_1312, %add3A_1313, %rem3A_1304 : i32
      %mul3A_1315 = arith.constant 1024 : i32
      %mul3A_1316 = arith.muli %select_n3A_1314, %mul3A_1315 : i32
      %dma_start3A_1317 = arith.constant 0 : i32
      %dma_start3A_1318 = arith.constant 0 : i32
      %dma_start3A_1319 = tpu.memref_slice %arg3[%dma_start3A_1317, %dma_start3A_1318, %select_n3A_1298, %mul3A_1316] : memref<1x8x2048x2048xf32, #tpu.memory_space<hbm>> -> memref<1x8x1x1024xf32, #tpu.memory_space<hbm>>
      %dma_start3A_1320 = tpu.memref_squeeze %dma_start3A_1319 : memref<1x8x1x1024xf32, #tpu.memory_space<hbm>> -> memref<8x1024xf32, #tpu.memory_space<hbm>>
      %dma_start3A_1321 = arith.constant 0 : i32
      %dma_start3A_1322 = tpu.memref_slice %arg3[%dma_start3A_1317, %dma_start3A_1321, %select_n3A_1298, %mul3A_1316] : memref<1x8x2048x2048xf32, #tpu.memory_space<hbm>> -> memref<1x8x1x1024xf32, #tpu.memory_space<hbm>>
      %dma_start3A_1323 = tpu.memref_squeeze %dma_start3A_1322 : memref<1x8x1x1024xf32, #tpu.memory_space<hbm>> -> memref<8x1024xf32, #tpu.memory_space<hbm>>
      tpu.enqueue_dma source(%arg9 : memref<8x1024xf32, #tpu.memory_space<vmem>>) target(%dma_start3A_1323 : memref<8x1024xf32, #tpu.memory_space<hbm>>) target_semaphore(%arg17 : memref<!tpu.dma_semaphore, #tpu.memory_space<semaphore_mem>>)
      %lt3A_1324 = arith.constant 31 : i32
      %lt3A_1325 = arith.cmpi slt, %scan3A_1012, %lt3A_1324 : i32
      %convert_element_type3A_1326 = arith.extui %lt3A_1325 : i1 to i32
      %cond3A_1327 = arith.constant 0 : i32
      %cond3A_1328 = arith.cmpi ne, %convert_element_type3A_1326, %cond3A_1327 : i32
      scf.if %cond3A_1328 {
        %add3A_1644 = arith.constant 4 : i32
        %add3A_1645 = arith.addi %add3A_1173, %add3A_1644 : i32
        %jit3A_1646 = arith.constant 2 : i32
        %div3A_1647 = arith.divsi %add3A_1645, %jit3A_1646 : i32
        %sign3A_1648 = arith.constant 0 : i32
        %sign3A_1649 = arith.cmpi sgt, %add3A_1645, %sign3A_1648 : i32
        %sign3A_1650 = arith.extui %sign3A_1649 : i1 to i32
        %sign3A_1651 = arith.constant 0 : i32
        %sign3A_1652 = arith.cmpi slt, %add3A_1645, %sign3A_1651 : i32
        %sign3A_1653 = arith.extui %sign3A_1652 : i1 to i32
        %sign3A_1654 = arith.subi %sign3A_1650, %sign3A_1653 : i32
        %sign3A_1655 = arith.constant 0 : i32
        %sign3A_1656 = arith.cmpi sgt, %jit3A_1646, %sign3A_1655 : i32
        %sign3A_1657 = arith.extui %sign3A_1656 : i1 to i32
        %sign3A_1658 = arith.constant 0 : i32
        %sign3A_1659 = arith.cmpi slt, %jit3A_1646, %sign3A_1658 : i32
        %sign3A_1660 = arith.extui %sign3A_1659 : i1 to i32
        %sign3A_1661 = arith.subi %sign3A_1657, %sign3A_1660 : i32
        %ne3A_1662 = arith.cmpi ne, %sign3A_1654, %sign3A_1661 : i32
        %rem3A_1663 = arith.remsi %add3A_1645, %jit3A_1646 : i32
        %ne3A_1664 = arith.constant 0 : i32
        %ne3A_1665 = arith.cmpi ne, %rem3A_1663, %ne3A_1664 : i32
        %and3A_1666 = arith.andi %ne3A_1662, %ne3A_1665 : i1
        %sub3A_1667 = arith.constant 1 : i32
        %sub3A_1668 = arith.subi %div3A_1647, %sub3A_1667 : i32
        %select_n3A_1669 = arith.select %and3A_1666, %sub3A_1668, %div3A_1647 : i32
        %jit3A_1670 = arith.constant 2 : i32
        %eq3A_1671 = arith.constant 0 : i32
        %eq3A_1672 = arith.cmpi eq, %jit3A_1670, %eq3A_1671 : i32
        %jit3A_1673 = arith.constant 1 : i32
        %select_n3A_1674 = arith.select %eq3A_1672, %jit3A_1673, %jit3A_1670 : i32
        %rem3A_1675 = arith.remsi %add3A_1645, %select_n3A_1674 : i32
        %ne3A_1676 = arith.constant 0 : i32
        %ne3A_1677 = arith.cmpi ne, %rem3A_1675, %ne3A_1676 : i32
        %lt3A_1678 = arith.constant 0 : i32
        %lt3A_1679 = arith.cmpi slt, %rem3A_1675, %lt3A_1678 : i32
        %lt3A_1680 = arith.constant 0 : i32
        %lt3A_1681 = arith.cmpi slt, %select_n3A_1674, %lt3A_1680 : i32
        %ne3A_1682 = arith.xori %lt3A_1679, %lt3A_1681 : i1
        %and3A_1683 = arith.andi %ne3A_1682, %ne3A_1677 : i1
        %add3A_1684 = arith.addi %rem3A_1675, %select_n3A_1674 : i32
        %select_n3A_1685 = arith.select %and3A_1683, %add3A_1684, %rem3A_1675 : i32
        %mul3A_1686 = arith.constant 1024 : i32
        %mul3A_1687 = arith.muli %select_n3A_1685, %mul3A_1686 : i32
        %dma_start3A_1688 = arith.constant 0 : i32
        %dma_start3A_1689 = arith.constant 0 : i32
        %dma_start3A_1690 = tpu.memref_slice %arg2[%dma_start3A_1688, %dma_start3A_1689, %select_n3A_1669, %mul3A_1687] : memref<1x10x2048x2048xf32, #tpu.memory_space<hbm>> -> memref<1x10x1x1024xf32, #tpu.memory_space<hbm>>
        %dma_start3A_1691 = tpu.memref_squeeze %dma_start3A_1690 : memref<1x10x1x1024xf32, #tpu.memory_space<hbm>> -> memref<10x1024xf32, #tpu.memory_space<hbm>>
        %dma_start3A_1692 = arith.constant 0 : i32
        %dma_start3A_1693 = tpu.memref_slice %arg2[%dma_start3A_1688, %dma_start3A_1692, %select_n3A_1669, %mul3A_1687] : memref<1x10x2048x2048xf32, #tpu.memory_space<hbm>> -> memref<1x10x1x1024xf32, #tpu.memory_space<hbm>>
        %dma_start3A_1694 = tpu.memref_squeeze %dma_start3A_1693 : memref<1x10x1x1024xf32, #tpu.memory_space<hbm>> -> memref<10x1024xf32, #tpu.memory_space<hbm>>
        tpu.enqueue_dma source(%dma_start3A_1694 : memref<10x1024xf32, #tpu.memory_space<hbm>>) target(%arg5 : memref<10x1024xf32, #tpu.memory_space<vmem>>) target_semaphore(%arg13 : memref<!tpu.dma_semaphore, #tpu.memory_space<semaphore_mem>>)
      } else {
      }
      %add3A_1329 = arith.constant 2 : i32
      %add3A_1330 = arith.addi %add3A_1016, %add3A_1329 : i32
      %jit3A_1331 = arith.constant 2 : i32
      %div3A_1332 = arith.divsi %add3A_1330, %jit3A_1331 : i32
      %sign3A_1333 = arith.constant 0 : i32
      %sign3A_1334 = arith.cmpi sgt, %add3A_1330, %sign3A_1333 : i32
      %sign3A_1335 = arith.extui %sign3A_1334 : i1 to i32
      %sign3A_1336 = arith.constant 0 : i32
      %sign3A_1337 = arith.cmpi slt, %add3A_1330, %sign3A_1336 : i32
      %sign3A_1338 = arith.extui %sign3A_1337 : i1 to i32
      %sign3A_1339 = arith.subi %sign3A_1335, %sign3A_1338 : i32
      %sign3A_1340 = arith.constant 0 : i32
      %sign3A_1341 = arith.cmpi sgt, %jit3A_1331, %sign3A_1340 : i32
      %sign3A_1342 = arith.extui %sign3A_1341 : i1 to i32
      %sign3A_1343 = arith.constant 0 : i32
      %sign3A_1344 = arith.cmpi slt, %jit3A_1331, %sign3A_1343 : i32
      %sign3A_1345 = arith.extui %sign3A_1344 : i1 to i32
      %sign3A_1346 = arith.subi %sign3A_1342, %sign3A_1345 : i32
      %ne3A_1347 = arith.cmpi ne, %sign3A_1339, %sign3A_1346 : i32
      %rem3A_1348 = arith.remsi %add3A_1330, %jit3A_1331 : i32
      %ne3A_1349 = arith.constant 0 : i32
      %ne3A_1350 = arith.cmpi ne, %rem3A_1348, %ne3A_1349 : i32
      %and3A_1351 = arith.andi %ne3A_1347, %ne3A_1350 : i1
      %sub3A_1352 = arith.constant 1 : i32
      %sub3A_1353 = arith.subi %div3A_1332, %sub3A_1352 : i32
      %select_n3A_1354 = arith.select %and3A_1351, %sub3A_1353, %div3A_1332 : i32
      %jit3A_1355 = arith.constant 2 : i32
      %eq3A_1356 = arith.constant 0 : i32
      %eq3A_1357 = arith.cmpi eq, %jit3A_1355, %eq3A_1356 : i32
      %jit3A_1358 = arith.constant 1 : i32
      %select_n3A_1359 = arith.select %eq3A_1357, %jit3A_1358, %jit3A_1355 : i32
      %rem3A_1360 = arith.remsi %add3A_1330, %select_n3A_1359 : i32
      %ne3A_1361 = arith.constant 0 : i32
      %ne3A_1362 = arith.cmpi ne, %rem3A_1360, %ne3A_1361 : i32
      %lt3A_1363 = arith.constant 0 : i32
      %lt3A_1364 = arith.cmpi slt, %rem3A_1360, %lt3A_1363 : i32
      %lt3A_1365 = arith.constant 0 : i32
      %lt3A_1366 = arith.cmpi slt, %select_n3A_1359, %lt3A_1365 : i32
      %ne3A_1367 = arith.xori %lt3A_1364, %lt3A_1366 : i1
      %and3A_1368 = arith.andi %ne3A_1367, %ne3A_1362 : i1
      %add3A_1369 = arith.addi %rem3A_1360, %select_n3A_1359 : i32
      %select_n3A_1370 = arith.select %and3A_1368, %add3A_1369, %rem3A_1360 : i32
      %mul3A_1371 = arith.constant 1024 : i32
      %mul3A_1372 = arith.muli %select_n3A_1370, %mul3A_1371 : i32
      %dma_wait3A_1373 = arith.constant 0 : i32
      %dma_wait3A_1374 = arith.constant 0 : i32
      %dma_wait3A_1375 = tpu.memref_slice %arg2[%dma_wait3A_1373, %dma_wait3A_1374, %select_n3A_1354, %mul3A_1372] : memref<1x10x2048x2048xf32, #tpu.memory_space<hbm>> -> memref<1x10x1x1024xf32, #tpu.memory_space<hbm>>
      %dma_wait3A_1376 = tpu.memref_squeeze %dma_wait3A_1375 : memref<1x10x1x1024xf32, #tpu.memory_space<hbm>> -> memref<10x1024xf32, #tpu.memory_space<hbm>>
      %dma_wait3A_1377 = arith.constant 0 : i32
      %dma_wait3A_1378 = tpu.memref_slice %arg2[%dma_wait3A_1373, %dma_wait3A_1377, %select_n3A_1354, %mul3A_1372] : memref<1x10x2048x2048xf32, #tpu.memory_space<hbm>> -> memref<1x10x1x1024xf32, #tpu.memory_space<hbm>>
      %dma_wait3A_1379 = tpu.memref_squeeze %dma_wait3A_1378 : memref<1x10x1x1024xf32, #tpu.memory_space<hbm>> -> memref<10x1024xf32, #tpu.memory_space<hbm>>
      tpu.wait_dma2 semaphore(%arg14 : memref<!tpu.dma_semaphore, #tpu.memory_space<semaphore_mem>>) src(%dma_wait3A_1379 : memref<10x1024xf32, #tpu.memory_space<hbm>>) dst(%arg6 : memref<10x1024xf32, #tpu.memory_space<vmem>>)
      %jit3A_1380 = arith.constant 2 : i32
      %div3A_1381 = arith.divsi %add3A_1330, %jit3A_1380 : i32
      %sign3A_1382 = arith.constant 0 : i32
      %sign3A_1383 = arith.cmpi sgt, %add3A_1330, %sign3A_1382 : i32
      %sign3A_1384 = arith.extui %sign3A_1383 : i1 to i32
      %sign3A_1385 = arith.constant 0 : i32
      %sign3A_1386 = arith.cmpi slt, %add3A_1330, %sign3A_1385 : i32
      %sign3A_1387 = arith.extui %sign3A_1386 : i1 to i32
      %sign3A_1388 = arith.subi %sign3A_1384, %sign3A_1387 : i32
      %sign3A_1389 = arith.constant 0 : i32
      %sign3A_1390 = arith.cmpi sgt, %jit3A_1380, %sign3A_1389 : i32
      %sign3A_1391 = arith.extui %sign3A_1390 : i1 to i32
      %sign3A_1392 = arith.constant 0 : i32
      %sign3A_1393 = arith.cmpi slt, %jit3A_1380, %sign3A_1392 : i32
      %sign3A_1394 = arith.extui %sign3A_1393 : i1 to i32
      %sign3A_1395 = arith.subi %sign3A_1391, %sign3A_1394 : i32
      %ne3A_1396 = arith.cmpi ne, %sign3A_1388, %sign3A_1395 : i32
      %rem3A_1397 = arith.remsi %add3A_1330, %jit3A_1380 : i32
      %ne3A_1398 = arith.constant 0 : i32
      %ne3A_1399 = arith.cmpi ne, %rem3A_1397, %ne3A_1398 : i32
      %and3A_1400 = arith.andi %ne3A_1396, %ne3A_1399 : i1
      %sub3A_1401 = arith.constant 1 : i32
      %sub3A_1402 = arith.subi %div3A_1381, %sub3A_1401 : i32
      %select_n3A_1403 = arith.select %and3A_1400, %sub3A_1402, %div3A_1381 : i32
      %jit3A_1404 = arith.constant 2 : i32
      %eq3A_1405 = arith.constant 0 : i32
      %eq3A_1406 = arith.cmpi eq, %jit3A_1404, %eq3A_1405 : i32
      %jit3A_1407 = arith.constant 1 : i32
      %select_n3A_1408 = arith.select %eq3A_1406, %jit3A_1407, %jit3A_1404 : i32
      %rem3A_1409 = arith.remsi %add3A_1330, %select_n3A_1408 : i32
      %ne3A_1410 = arith.constant 0 : i32
      %ne3A_1411 = arith.cmpi ne, %rem3A_1409, %ne3A_1410 : i32
      %lt3A_1412 = arith.constant 0 : i32
      %lt3A_1413 = arith.cmpi slt, %rem3A_1409, %lt3A_1412 : i32
      %lt3A_1414 = arith.constant 0 : i32
      %lt3A_1415 = arith.cmpi slt, %select_n3A_1408, %lt3A_1414 : i32
      %ne3A_1416 = arith.xori %lt3A_1413, %lt3A_1415 : i1
      %and3A_1417 = arith.andi %ne3A_1416, %ne3A_1411 : i1
      %add3A_1418 = arith.addi %rem3A_1409, %select_n3A_1408 : i32
      %select_n3A_1419 = arith.select %and3A_1417, %add3A_1418, %rem3A_1409 : i32
      %mul3A_1420 = arith.constant 1024 : i32
      %mul3A_1421 = arith.muli %select_n3A_1419, %mul3A_1420 : i32
      %dma_wait3A_1422 = arith.constant 0 : i32
      %dma_wait3A_1423 = arith.constant 0 : i32
      %dma_wait3A_1424 = tpu.memref_slice %arg3[%dma_wait3A_1422, %dma_wait3A_1423, %select_n3A_1403, %mul3A_1421] : memref<1x8x2048x2048xf32, #tpu.memory_space<hbm>> -> memref<1x8x1x1024xf32, #tpu.memory_space<hbm>>
      %dma_wait3A_1425 = tpu.memref_squeeze %dma_wait3A_1424 : memref<1x8x1x1024xf32, #tpu.memory_space<hbm>> -> memref<8x1024xf32, #tpu.memory_space<hbm>>
      %dma_wait3A_1426 = arith.constant 0 : i32
      %dma_wait3A_1427 = tpu.memref_slice %arg3[%dma_wait3A_1422, %dma_wait3A_1426, %select_n3A_1403, %mul3A_1421] : memref<1x8x2048x2048xf32, #tpu.memory_space<hbm>> -> memref<1x8x1x1024xf32, #tpu.memory_space<hbm>>
      %dma_wait3A_1428 = tpu.memref_squeeze %dma_wait3A_1427 : memref<1x8x1x1024xf32, #tpu.memory_space<hbm>> -> memref<8x1024xf32, #tpu.memory_space<hbm>>
      tpu.wait_dma2 semaphore(%arg18 : memref<!tpu.dma_semaphore, #tpu.memory_space<semaphore_mem>>) src(%arg10 : memref<8x1024xf32, #tpu.memory_space<vmem>>) dst(%dma_wait3A_1428 : memref<8x1024xf32, #tpu.memory_space<hbm>>)
      %parallel_loop3A_1429 = arith.constant 0 : i32
      %parallel_loop3A_1430 = arith.constant 64 : i32
      %parallel_loop3A_1431 = arith.constant 1 : i32
      scf.for %parallel_loop3A_1644 = %parallel_loop3A_1429 to %parallel_loop3A_1430 step %parallel_loop3A_1431  : i32 {
        %parallel_loop3A_1645 = arith.constant 16 : i32
        %parallel_loop3A_1646 = arith.muli %parallel_loop3A_1644, %parallel_loop3A_1645 : i32
        %parallel_loop3A_1647 = arith.constant 0 : i32
        %parallel_loop3A_1648 = arith.index_cast %parallel_loop3A_1647 : i32 to index
        %parallel_loop3A_1649 = arith.index_cast %parallel_loop3A_1646 : i32 to index
        %parallel_loop3A_1650 = tpu.vector_load %arg6[%parallel_loop3A_1648, %parallel_loop3A_1649] {strides = array<i32>} : memref<10x1024xf32, #tpu.memory_space<vmem>>, vector<1x16xf32>,
        %parallel_loop3A_1651 = vector.shape_cast %parallel_loop3A_1650 : vector<1x16xf32> to vector<16xf32>
        %parallel_loop3A_1652 = arith.constant 1 : i32
        %parallel_loop3A_1653 = arith.index_cast %parallel_loop3A_1652 : i32 to index
        %parallel_loop3A_1654 = arith.index_cast %parallel_loop3A_1646 : i32 to index
        %parallel_loop3A_1655 = tpu.vector_load %arg6[%parallel_loop3A_1653, %parallel_loop3A_1654] {strides = array<i32>} : memref<10x1024xf32, #tpu.memory_space<vmem>>, vector<1x16xf32>,
        %parallel_loop3A_1656 = vector.shape_cast %parallel_loop3A_1655 : vector<1x16xf32> to vector<16xf32>
        %parallel_loop3A_1657 = arith.constant 2 : i32
        %parallel_loop3A_1658 = arith.index_cast %parallel_loop3A_1657 : i32 to index
        %parallel_loop3A_1659 = arith.index_cast %parallel_loop3A_1646 : i32 to index
        %parallel_loop3A_1660 = tpu.vector_load %arg6[%parallel_loop3A_1658, %parallel_loop3A_1659] {strides = array<i32>} : memref<10x1024xf32, #tpu.memory_space<vmem>>, vector<1x16xf32>,
        %parallel_loop3A_1661 = vector.shape_cast %parallel_loop3A_1660 : vector<1x16xf32> to vector<16xf32>
        %parallel_loop3A_1662 = arith.constant 3 : i32
        %parallel_loop3A_1663 = arith.index_cast %parallel_loop3A_1662 : i32 to index
        %parallel_loop3A_1664 = arith.index_cast %parallel_loop3A_1646 : i32 to index
        %parallel_loop3A_1665 = tpu.vector_load %arg6[%parallel_loop3A_1663, %parallel_loop3A_1664] {strides = array<i32>} : memref<10x1024xf32, #tpu.memory_space<vmem>>, vector<1x16xf32>,
        %parallel_loop3A_1666 = vector.shape_cast %parallel_loop3A_1665 : vector<1x16xf32> to vector<16xf32>
        %parallel_loop3A_1667 = arith.constant 4 : i32
        %parallel_loop3A_1668 = arith.index_cast %parallel_loop3A_1667 : i32 to index
        %parallel_loop3A_1669 = arith.index_cast %parallel_loop3A_1646 : i32 to index
        %parallel_loop3A_1670 = tpu.vector_load %arg6[%parallel_loop3A_1668, %parallel_loop3A_1669] {strides = array<i32>} : memref<10x1024xf32, #tpu.memory_space<vmem>>, vector<1x16xf32>,
        %parallel_loop3A_1671 = vector.shape_cast %parallel_loop3A_1670 : vector<1x16xf32> to vector<16xf32>
        %parallel_loop3A_1672 = arith.constant 5 : i32
        %parallel_loop3A_1673 = arith.index_cast %parallel_loop3A_1672 : i32 to index
        %parallel_loop3A_1674 = arith.index_cast %parallel_loop3A_1646 : i32 to index
        %parallel_loop3A_1675 = tpu.vector_load %arg6[%parallel_loop3A_1673, %parallel_loop3A_1674] {strides = array<i32>} : memref<10x1024xf32, #tpu.memory_space<vmem>>, vector<1x16xf32>,
        %parallel_loop3A_1676 = vector.shape_cast %parallel_loop3A_1675 : vector<1x16xf32> to vector<16xf32>
        %parallel_loop3A_1677 = arith.constant 6 : i32
        %parallel_loop3A_1678 = arith.index_cast %parallel_loop3A_1677 : i32 to index
        %parallel_loop3A_1679 = arith.index_cast %parallel_loop3A_1646 : i32 to index
        %parallel_loop3A_1680 = tpu.vector_load %arg6[%parallel_loop3A_1678, %parallel_loop3A_1679] {strides = array<i32>} : memref<10x1024xf32, #tpu.memory_space<vmem>>, vector<1x16xf32>,
        %parallel_loop3A_1681 = vector.shape_cast %parallel_loop3A_1680 : vector<1x16xf32> to vector<16xf32>
        %parallel_loop3A_1682 = arith.constant 7 : i32
        %parallel_loop3A_1683 = arith.index_cast %parallel_loop3A_1682 : i32 to index
        %parallel_loop3A_1684 = arith.index_cast %parallel_loop3A_1646 : i32 to index
        %parallel_loop3A_1685 = tpu.vector_load %arg6[%parallel_loop3A_1683, %parallel_loop3A_1684] {strides = array<i32>} : memref<10x1024xf32, #tpu.memory_space<vmem>>, vector<1x16xf32>,
        %parallel_loop3A_1686 = vector.shape_cast %parallel_loop3A_1685 : vector<1x16xf32> to vector<16xf32>
        %parallel_loop3A_1687 = arith.maximumf %parallel_loop3A_1651, %parallel_loop3A_1656 : vector<16xf32>
        %parallel_loop3A_1688 = arith.maximumf %parallel_loop3A_1661, %parallel_loop3A_1666 : vector<16xf32>
        %parallel_loop3A_1689 = arith.maximumf %parallel_loop3A_1671, %parallel_loop3A_1676 : vector<16xf32>
        %parallel_loop3A_1690 = arith.maximumf %parallel_loop3A_1681, %parallel_loop3A_1686 : vector<16xf32>
        %parallel_loop3A_1691 = arith.maximumf %parallel_loop3A_1687, %parallel_loop3A_1688 : vector<16xf32>
        %parallel_loop3A_1692 = arith.maximumf %parallel_loop3A_1689, %parallel_loop3A_1690 : vector<16xf32>
        %parallel_loop3A_1693 = arith.maximumf %parallel_loop3A_1691, %parallel_loop3A_1692 : vector<16xf32>
        %parallel_loop3A_1694 = arith.constant 1 : i32
        %parallel_loop3A_1695 = vector.broadcast %parallel_loop3A_1694 : i32 to vector<16xi32>
        %parallel_loop3A_1696 = arith.constant 0 : i32
        %parallel_loop3A_1697 = vector.broadcast %parallel_loop3A_1696 : i32 to vector<16xi32>
        %parallel_loop3A_1698 = arith.cmpf oeq, %parallel_loop3A_1651, %parallel_loop3A_1693 : vector<16xf32>
        %parallel_loop3A_1699 = arith.select %parallel_loop3A_1698, %parallel_loop3A_1695, %parallel_loop3A_1697 : vector<16xi1>, vector<16xi32>
        %parallel_loop3A_1700 = arith.cmpf oeq, %parallel_loop3A_1656, %parallel_loop3A_1693 : vector<16xf32>
        %parallel_loop3A_1701 = arith.select %parallel_loop3A_1700, %parallel_loop3A_1695, %parallel_loop3A_1697 : vector<16xi1>, vector<16xi32>
        %parallel_loop3A_1702 = arith.cmpf oeq, %parallel_loop3A_1661, %parallel_loop3A_1693 : vector<16xf32>
        %parallel_loop3A_1703 = arith.select %parallel_loop3A_1702, %parallel_loop3A_1695, %parallel_loop3A_1697 : vector<16xi1>, vector<16xi32>
        %parallel_loop3A_1704 = arith.cmpf oeq, %parallel_loop3A_1666, %parallel_loop3A_1693 : vector<16xf32>
        %parallel_loop3A_1705 = arith.select %parallel_loop3A_1704, %parallel_loop3A_1695, %parallel_loop3A_1697 : vector<16xi1>, vector<16xi32>
        %parallel_loop3A_1706 = arith.cmpf oeq, %parallel_loop3A_1671, %parallel_loop3A_1693 : vector<16xf32>
        %parallel_loop3A_1707 = arith.select %parallel_loop3A_1706, %parallel_loop3A_1695, %parallel_loop3A_1697 : vector<16xi1>, vector<16xi32>
        %parallel_loop3A_1708 = arith.cmpf oeq, %parallel_loop3A_1676, %parallel_loop3A_1693 : vector<16xf32>
        %parallel_loop3A_1709 = arith.select %parallel_loop3A_1708, %parallel_loop3A_1695, %parallel_loop3A_1697 : vector<16xi1>, vector<16xi32>
        %parallel_loop3A_1710 = arith.cmpf oeq, %parallel_loop3A_1681, %parallel_loop3A_1693 : vector<16xf32>
        %parallel_loop3A_1711 = arith.select %parallel_loop3A_1710, %parallel_loop3A_1695, %parallel_loop3A_1697 : vector<16xi1>, vector<16xi32>
        %parallel_loop3A_1712 = arith.cmpf oeq, %parallel_loop3A_1686, %parallel_loop3A_1693 : vector<16xf32>
        %parallel_loop3A_1713 = arith.select %parallel_loop3A_1712, %parallel_loop3A_1695, %parallel_loop3A_1697 : vector<16xi1>, vector<16xi32>
        %parallel_loop3A_1714 = arith.ori %parallel_loop3A_1699, %parallel_loop3A_1701 : vector<16xi32>
        %parallel_loop3A_1715 = arith.ori %parallel_loop3A_1703, %parallel_loop3A_1705 : vector<16xi32>
        %parallel_loop3A_1716 = arith.ori %parallel_loop3A_1707, %parallel_loop3A_1709 : vector<16xi32>
        %parallel_loop3A_1717 = arith.ori %parallel_loop3A_1714, %parallel_loop3A_1715 : vector<16xi32>
        %parallel_loop3A_1718 = arith.ori %parallel_loop3A_1714, %parallel_loop3A_1703 : vector<16xi32>
        %parallel_loop3A_1719 = arith.ori %parallel_loop3A_1717, %parallel_loop3A_1707 : vector<16xi32>
        %parallel_loop3A_1720 = arith.ori %parallel_loop3A_1717, %parallel_loop3A_1716 : vector<16xi32>
        %parallel_loop3A_1721 = arith.ori %parallel_loop3A_1717, %parallel_loop3A_1716 : vector<16xi32>
        %parallel_loop3A_1722 = arith.ori %parallel_loop3A_1721, %parallel_loop3A_1711 : vector<16xi32>
        %parallel_loop3A_1723 = arith.constant 8 : i32
        %parallel_loop3A_1724 = arith.index_cast %parallel_loop3A_1723 : i32 to index
        %parallel_loop3A_1725 = arith.index_cast %parallel_loop3A_1646 : i32 to index
        %parallel_loop3A_1726 = tpu.vector_load %arg6[%parallel_loop3A_1724, %parallel_loop3A_1725] {strides = array<i32>} : memref<10x1024xf32, #tpu.memory_space<vmem>>, vector<1x16xf32>,
        %parallel_loop3A_1727 = vector.shape_cast %parallel_loop3A_1726 : vector<1x16xf32> to vector<16xf32>
        %parallel_loop3A_1728 = arith.constant 9 : i32
        %parallel_loop3A_1729 = arith.index_cast %parallel_loop3A_1728 : i32 to index
        %parallel_loop3A_1730 = arith.index_cast %parallel_loop3A_1646 : i32 to index
        %parallel_loop3A_1731 = tpu.vector_load %arg6[%parallel_loop3A_1729, %parallel_loop3A_1730] {strides = array<i32>} : memref<10x1024xf32, #tpu.memory_space<vmem>>, vector<1x16xf32>,
        %parallel_loop3A_1732 = vector.shape_cast %parallel_loop3A_1731 : vector<1x16xf32> to vector<16xf32>
        %parallel_loop3A_1733 = arith.mulf %parallel_loop3A_1727, %parallel_loop3A_1727 : vector<16xf32>
        %parallel_loop3A_1734 = arith.mulf %parallel_loop3A_1732, %parallel_loop3A_1732 : vector<16xf32>
        %parallel_loop3A_1735 = arith.addf %parallel_loop3A_1733, %parallel_loop3A_1734 : vector<16xf32>
        %parallel_loop3A_1736 = tpu.bitcast %parallel_loop3A_1735 : vector<16xf32> -> vector<16xi32>
        %parallel_loop3A_1737 = arith.constant 1 : i32
        %parallel_loop3A_1738 = vector.broadcast %parallel_loop3A_1737 : i32 to vector<16xi32>
        %parallel_loop3A_1739 = arith.shrsi %parallel_loop3A_1736, %parallel_loop3A_1738 : vector<16xi32>
        %parallel_loop3A_1740 = arith.constant 1597463007 : i32
        %parallel_loop3A_1741 = vector.broadcast %parallel_loop3A_1740 : i32 to vector<16xi32>
        %parallel_loop3A_1742 = arith.subi %parallel_loop3A_1741, %parallel_loop3A_1739 : vector<16xi32>
        %parallel_loop3A_1743 = tpu.bitcast %parallel_loop3A_1742 : vector<16xi32> -> vector<16xf32>
        %parallel_loop3A_1744 = arith.constant 5.000000e-01 : f32
        %parallel_loop3A_1745 = vector.broadcast %parallel_loop3A_1744 : f32 to vector<16xf32>
        %parallel_loop3A_1746 = arith.mulf %parallel_loop3A_1735, %parallel_loop3A_1745 : vector<16xf32>
        %parallel_loop3A_1747 = arith.mulf %parallel_loop3A_1746, %parallel_loop3A_1743 : vector<16xf32>
        %parallel_loop3A_1748 = arith.mulf %parallel_loop3A_1747, %parallel_loop3A_1743 : vector<16xf32>
        %parallel_loop3A_1749 = arith.constant 1.500000e+00 : f32
        %parallel_loop3A_1750 = vector.broadcast %parallel_loop3A_1749 : f32 to vector<16xf32>
        %parallel_loop3A_1751 = arith.subf %parallel_loop3A_1750, %parallel_loop3A_1748 : vector<16xf32>
        %parallel_loop3A_1752 = arith.mulf %parallel_loop3A_1743, %parallel_loop3A_1751 : vector<16xf32>
        %parallel_loop3A_1753 = arith.mulf %parallel_loop3A_1746, %parallel_loop3A_1752 : vector<16xf32>
        %parallel_loop3A_1754 = arith.mulf %parallel_loop3A_1753, %parallel_loop3A_1752 : vector<16xf32>
        %parallel_loop3A_1755 = arith.constant 1.500000e+00 : f32
        %parallel_loop3A_1756 = vector.broadcast %parallel_loop3A_1755 : f32 to vector<16xf32>
        %parallel_loop3A_1757 = arith.subf %parallel_loop3A_1756, %parallel_loop3A_1754 : vector<16xf32>
        %parallel_loop3A_1758 = arith.mulf %parallel_loop3A_1752, %parallel_loop3A_1757 : vector<16xf32>
        %parallel_loop3A_1759 = arith.mulf %parallel_loop3A_1735, %parallel_loop3A_1758 : vector<16xf32>
        %parallel_loop3A_1760 = arith.constant 0.000000e+00 : f32
        %parallel_loop3A_1761 = vector.broadcast %parallel_loop3A_1760 : f32 to vector<16xf32>
        %parallel_loop3A_1762 = arith.cmpi sgt, %parallel_loop3A_1699, %parallel_loop3A_1697 : vector<16xi32>
        %parallel_loop3A_1763 = arith.select %parallel_loop3A_1762, %parallel_loop3A_1759, %parallel_loop3A_1761 : vector<16xi1>, vector<16xf32>
        %parallel_loop3A_1764 = arith.constant 0 : i32
        %parallel_loop3A_1765 = arith.index_cast %parallel_loop3A_1764 : i32 to index
        %parallel_loop3A_1766 = arith.index_cast %parallel_loop3A_1646 : i32 to index
        %parallel_loop3A_1767 = tpu.vector_load %arg10[%parallel_loop3A_1765, %parallel_loop3A_1766] {strides = array<i32>} : memref<8x1024xf32, #tpu.memory_space<vmem>>, vector<1x16xf32>,
        %parallel_loop3A_1768 = vector.shape_cast %parallel_loop3A_1767 : vector<1x16xf32> to vector<16xf32>
        %parallel_loop3A_1769 = vector.shape_cast %parallel_loop3A_1763 : vector<16xf32> to vector<1x16xf32>
        tpu.vector_store %arg10[%parallel_loop3A_1765, %parallel_loop3A_1766], %parallel_loop3A_1769 {strides = array<i32>} : memref<8x1024xf32, #tpu.memory_space<vmem>>, vector<1x16xf32>,
        %parallel_loop3A_1770 = arith.cmpi sgt, %parallel_loop3A_1701, %parallel_loop3A_1699 : vector<16xi32>
        %parallel_loop3A_1771 = arith.select %parallel_loop3A_1770, %parallel_loop3A_1759, %parallel_loop3A_1761 : vector<16xi1>, vector<16xf32>
        %parallel_loop3A_1772 = arith.constant 1 : i32
        %parallel_loop3A_1773 = arith.index_cast %parallel_loop3A_1772 : i32 to index
        %parallel_loop3A_1774 = arith.index_cast %parallel_loop3A_1646 : i32 to index
        %parallel_loop3A_1775 = tpu.vector_load %arg10[%parallel_loop3A_1773, %parallel_loop3A_1774] {strides = array<i32>} : memref<8x1024xf32, #tpu.memory_space<vmem>>, vector<1x16xf32>,
        %parallel_loop3A_1776 = vector.shape_cast %parallel_loop3A_1775 : vector<1x16xf32> to vector<16xf32>
        %parallel_loop3A_1777 = vector.shape_cast %parallel_loop3A_1771 : vector<16xf32> to vector<1x16xf32>
        tpu.vector_store %arg10[%parallel_loop3A_1773, %parallel_loop3A_1774], %parallel_loop3A_1777 {strides = array<i32>} : memref<8x1024xf32, #tpu.memory_space<vmem>>, vector<1x16xf32>,
        %parallel_loop3A_1778 = arith.cmpi sgt, %parallel_loop3A_1703, %parallel_loop3A_1714 : vector<16xi32>
        %parallel_loop3A_1779 = arith.select %parallel_loop3A_1778, %parallel_loop3A_1759, %parallel_loop3A_1761 : vector<16xi1>, vector<16xf32>
        %parallel_loop3A_1780 = arith.constant 2 : i32
        %parallel_loop3A_1781 = arith.index_cast %parallel_loop3A_1780 : i32 to index
        %parallel_loop3A_1782 = arith.index_cast %parallel_loop3A_1646 : i32 to index
        %parallel_loop3A_1783 = tpu.vector_load %arg10[%parallel_loop3A_1781, %parallel_loop3A_1782] {strides = array<i32>} : memref<8x1024xf32, #tpu.memory_space<vmem>>, vector<1x16xf32>,
        %parallel_loop3A_1784 = vector.shape_cast %parallel_loop3A_1783 : vector<1x16xf32> to vector<16xf32>
        %parallel_loop3A_1785 = vector.shape_cast %parallel_loop3A_1779 : vector<16xf32> to vector<1x16xf32>
        tpu.vector_store %arg10[%parallel_loop3A_1781, %parallel_loop3A_1782], %parallel_loop3A_1785 {strides = array<i32>} : memref<8x1024xf32, #tpu.memory_space<vmem>>, vector<1x16xf32>,
        %parallel_loop3A_1786 = arith.cmpi sgt, %parallel_loop3A_1705, %parallel_loop3A_1718 : vector<16xi32>
        %parallel_loop3A_1787 = arith.select %parallel_loop3A_1786, %parallel_loop3A_1759, %parallel_loop3A_1761 : vector<16xi1>, vector<16xf32>
        %parallel_loop3A_1788 = arith.constant 3 : i32
        %parallel_loop3A_1789 = arith.index_cast %parallel_loop3A_1788 : i32 to index
        %parallel_loop3A_1790 = arith.index_cast %parallel_loop3A_1646 : i32 to index
        %parallel_loop3A_1791 = tpu.vector_load %arg10[%parallel_loop3A_1789, %parallel_loop3A_1790] {strides = array<i32>} : memref<8x1024xf32, #tpu.memory_space<vmem>>, vector<1x16xf32>,
        %parallel_loop3A_1792 = vector.shape_cast %parallel_loop3A_1791 : vector<1x16xf32> to vector<16xf32>
        %parallel_loop3A_1793 = vector.shape_cast %parallel_loop3A_1787 : vector<16xf32> to vector<1x16xf32>
        tpu.vector_store %arg10[%parallel_loop3A_1789, %parallel_loop3A_1790], %parallel_loop3A_1793 {strides = array<i32>} : memref<8x1024xf32, #tpu.memory_space<vmem>>, vector<1x16xf32>,
        %parallel_loop3A_1794 = arith.cmpi sgt, %parallel_loop3A_1707, %parallel_loop3A_1717 : vector<16xi32>
        %parallel_loop3A_1795 = arith.select %parallel_loop3A_1794, %parallel_loop3A_1759, %parallel_loop3A_1761 : vector<16xi1>, vector<16xf32>
        %parallel_loop3A_1796 = arith.constant 4 : i32
        %parallel_loop3A_1797 = arith.index_cast %parallel_loop3A_1796 : i32 to index
        %parallel_loop3A_1798 = arith.index_cast %parallel_loop3A_1646 : i32 to index
        %parallel_loop3A_1799 = tpu.vector_load %arg10[%parallel_loop3A_1797, %parallel_loop3A_1798] {strides = array<i32>} : memref<8x1024xf32, #tpu.memory_space<vmem>>, vector<1x16xf32>,
        %parallel_loop3A_1800 = vector.shape_cast %parallel_loop3A_1799 : vector<1x16xf32> to vector<16xf32>
        %parallel_loop3A_1801 = vector.shape_cast %parallel_loop3A_1795 : vector<16xf32> to vector<1x16xf32>
        tpu.vector_store %arg10[%parallel_loop3A_1797, %parallel_loop3A_1798], %parallel_loop3A_1801 {strides = array<i32>} : memref<8x1024xf32, #tpu.memory_space<vmem>>, vector<1x16xf32>,
        %parallel_loop3A_1802 = arith.cmpi sgt, %parallel_loop3A_1709, %parallel_loop3A_1719 : vector<16xi32>
        %parallel_loop3A_1803 = arith.select %parallel_loop3A_1802, %parallel_loop3A_1759, %parallel_loop3A_1761 : vector<16xi1>, vector<16xf32>
        %parallel_loop3A_1804 = arith.constant 5 : i32
        %parallel_loop3A_1805 = arith.index_cast %parallel_loop3A_1804 : i32 to index
        %parallel_loop3A_1806 = arith.index_cast %parallel_loop3A_1646 : i32 to index
        %parallel_loop3A_1807 = tpu.vector_load %arg10[%parallel_loop3A_1805, %parallel_loop3A_1806] {strides = array<i32>} : memref<8x1024xf32, #tpu.memory_space<vmem>>, vector<1x16xf32>,
        %parallel_loop3A_1808 = vector.shape_cast %parallel_loop3A_1807 : vector<1x16xf32> to vector<16xf32>
        %parallel_loop3A_1809 = vector.shape_cast %parallel_loop3A_1803 : vector<16xf32> to vector<1x16xf32>
        tpu.vector_store %arg10[%parallel_loop3A_1805, %parallel_loop3A_1806], %parallel_loop3A_1809 {strides = array<i32>} : memref<8x1024xf32, #tpu.memory_space<vmem>>, vector<1x16xf32>,
        %parallel_loop3A_1810 = arith.cmpi sgt, %parallel_loop3A_1711, %parallel_loop3A_1720 : vector<16xi32>
        %parallel_loop3A_1811 = arith.select %parallel_loop3A_1810, %parallel_loop3A_1759, %parallel_loop3A_1761 : vector<16xi1>, vector<16xf32>
        %parallel_loop3A_1812 = arith.constant 6 : i32
        %parallel_loop3A_1813 = arith.index_cast %parallel_loop3A_1812 : i32 to index
        %parallel_loop3A_1814 = arith.index_cast %parallel_loop3A_1646 : i32 to index
        %parallel_loop3A_1815 = tpu.vector_load %arg10[%parallel_loop3A_1813, %parallel_loop3A_1814] {strides = array<i32>} : memref<8x1024xf32, #tpu.memory_space<vmem>>, vector<1x16xf32>,
        %parallel_loop3A_1816 = vector.shape_cast %parallel_loop3A_1815 : vector<1x16xf32> to vector<16xf32>
        %parallel_loop3A_1817 = vector.shape_cast %parallel_loop3A_1811 : vector<16xf32> to vector<1x16xf32>
        tpu.vector_store %arg10[%parallel_loop3A_1813, %parallel_loop3A_1814], %parallel_loop3A_1817 {strides = array<i32>} : memref<8x1024xf32, #tpu.memory_space<vmem>>, vector<1x16xf32>,
        %parallel_loop3A_1818 = arith.cmpi sgt, %parallel_loop3A_1713, %parallel_loop3A_1722 : vector<16xi32>
        %parallel_loop3A_1819 = arith.select %parallel_loop3A_1818, %parallel_loop3A_1759, %parallel_loop3A_1761 : vector<16xi1>, vector<16xf32>
        %parallel_loop3A_1820 = arith.constant 7 : i32
        %parallel_loop3A_1821 = arith.index_cast %parallel_loop3A_1820 : i32 to index
        %parallel_loop3A_1822 = arith.index_cast %parallel_loop3A_1646 : i32 to index
        %parallel_loop3A_1823 = tpu.vector_load %arg10[%parallel_loop3A_1821, %parallel_loop3A_1822] {strides = array<i32>} : memref<8x1024xf32, #tpu.memory_space<vmem>>, vector<1x16xf32>,
        %parallel_loop3A_1824 = vector.shape_cast %parallel_loop3A_1823 : vector<1x16xf32> to vector<16xf32>
        %parallel_loop3A_1825 = vector.shape_cast %parallel_loop3A_1819 : vector<16xf32> to vector<1x16xf32>
        tpu.vector_store %arg10[%parallel_loop3A_1821, %parallel_loop3A_1822], %parallel_loop3A_1825 {strides = array<i32>} : memref<8x1024xf32, #tpu.memory_space<vmem>>, vector<1x16xf32>,
      } {sc.loop_unroll_factor = 2 : i64, sc.parallel_access}
      %jit3A_1432 = arith.constant 2 : i32
      %div3A_1433 = arith.divsi %add3A_1330, %jit3A_1432 : i32
      %sign3A_1434 = arith.constant 0 : i32
      %sign3A_1435 = arith.cmpi sgt, %add3A_1330, %sign3A_1434 : i32
      %sign3A_1436 = arith.extui %sign3A_1435 : i1 to i32
      %sign3A_1437 = arith.constant 0 : i32
      %sign3A_1438 = arith.cmpi slt, %add3A_1330, %sign3A_1437 : i32
      %sign3A_1439 = arith.extui %sign3A_1438 : i1 to i32
      %sign3A_1440 = arith.subi %sign3A_1436, %sign3A_1439 : i32
      %sign3A_1441 = arith.constant 0 : i32
      %sign3A_1442 = arith.cmpi sgt, %jit3A_1432, %sign3A_1441 : i32
      %sign3A_1443 = arith.extui %sign3A_1442 : i1 to i32
      %sign3A_1444 = arith.constant 0 : i32
      %sign3A_1445 = arith.cmpi slt, %jit3A_1432, %sign3A_1444 : i32
      %sign3A_1446 = arith.extui %sign3A_1445 : i1 to i32
      %sign3A_1447 = arith.subi %sign3A_1443, %sign3A_1446 : i32
      %ne3A_1448 = arith.cmpi ne, %sign3A_1440, %sign3A_1447 : i32
      %rem3A_1449 = arith.remsi %add3A_1330, %jit3A_1432 : i32
      %ne3A_1450 = arith.constant 0 : i32
      %ne3A_1451 = arith.cmpi ne, %rem3A_1449, %ne3A_1450 : i32
      %and3A_1452 = arith.andi %ne3A_1448, %ne3A_1451 : i1
      %sub3A_1453 = arith.constant 1 : i32
      %sub3A_1454 = arith.subi %div3A_1433, %sub3A_1453 : i32
      %select_n3A_1455 = arith.select %and3A_1452, %sub3A_1454, %div3A_1433 : i32
      %jit3A_1456 = arith.constant 2 : i32
      %eq3A_1457 = arith.constant 0 : i32
      %eq3A_1458 = arith.cmpi eq, %jit3A_1456, %eq3A_1457 : i32
      %jit3A_1459 = arith.constant 1 : i32
      %select_n3A_1460 = arith.select %eq3A_1458, %jit3A_1459, %jit3A_1456 : i32
      %rem3A_1461 = arith.remsi %add3A_1330, %select_n3A_1460 : i32
      %ne3A_1462 = arith.constant 0 : i32
      %ne3A_1463 = arith.cmpi ne, %rem3A_1461, %ne3A_1462 : i32
      %lt3A_1464 = arith.constant 0 : i32
      %lt3A_1465 = arith.cmpi slt, %rem3A_1461, %lt3A_1464 : i32
      %lt3A_1466 = arith.constant 0 : i32
      %lt3A_1467 = arith.cmpi slt, %select_n3A_1460, %lt3A_1466 : i32
      %ne3A_1468 = arith.xori %lt3A_1465, %lt3A_1467 : i1
      %and3A_1469 = arith.andi %ne3A_1468, %ne3A_1463 : i1
      %add3A_1470 = arith.addi %rem3A_1461, %select_n3A_1460 : i32
      %select_n3A_1471 = arith.select %and3A_1469, %add3A_1470, %rem3A_1461 : i32
      %mul3A_1472 = arith.constant 1024 : i32
      %mul3A_1473 = arith.muli %select_n3A_1471, %mul3A_1472 : i32
      %dma_start3A_1474 = arith.constant 0 : i32
      %dma_start3A_1475 = arith.constant 0 : i32
      %dma_start3A_1476 = tpu.memref_slice %arg3[%dma_start3A_1474, %dma_start3A_1475, %select_n3A_1455, %mul3A_1473] : memref<1x8x2048x2048xf32, #tpu.memory_space<hbm>> -> memref<1x8x1x1024xf32, #tpu.memory_space<hbm>>
      %dma_start3A_1477 = tpu.memref_squeeze %dma_start3A_1476 : memref<1x8x1x1024xf32, #tpu.memory_space<hbm>> -> memref<8x1024xf32, #tpu.memory_space<hbm>>
      %dma_start3A_1478 = arith.constant 0 : i32
      %dma_start3A_1479 = tpu.memref_slice %arg3[%dma_start3A_1474, %dma_start3A_1478, %select_n3A_1455, %mul3A_1473] : memref<1x8x2048x2048xf32, #tpu.memory_space<hbm>> -> memref<1x8x1x1024xf32, #tpu.memory_space<hbm>>
      %dma_start3A_1480 = tpu.memref_squeeze %dma_start3A_1479 : memref<1x8x1x1024xf32, #tpu.memory_space<hbm>> -> memref<8x1024xf32, #tpu.memory_space<hbm>>
      tpu.enqueue_dma source(%arg10 : memref<8x1024xf32, #tpu.memory_space<vmem>>) target(%dma_start3A_1480 : memref<8x1024xf32, #tpu.memory_space<hbm>>) target_semaphore(%arg18 : memref<!tpu.dma_semaphore, #tpu.memory_space<semaphore_mem>>)
      %lt3A_1481 = arith.constant 31 : i32
      %lt3A_1482 = arith.cmpi slt, %scan3A_1012, %lt3A_1481 : i32
      %convert_element_type3A_1483 = arith.extui %lt3A_1482 : i1 to i32
      %cond3A_1484 = arith.constant 0 : i32
      %cond3A_1485 = arith.cmpi ne, %convert_element_type3A_1483, %cond3A_1484 : i32
      scf.if %cond3A_1485 {
        %add3A_1644 = arith.constant 4 : i32
        %add3A_1645 = arith.addi %add3A_1330, %add3A_1644 : i32
        %jit3A_1646 = arith.constant 2 : i32
        %div3A_1647 = arith.divsi %add3A_1645, %jit3A_1646 : i32
        %sign3A_1648 = arith.constant 0 : i32
        %sign3A_1649 = arith.cmpi sgt, %add3A_1645, %sign3A_1648 : i32
        %sign3A_1650 = arith.extui %sign3A_1649 : i1 to i32
        %sign3A_1651 = arith.constant 0 : i32
        %sign3A_1652 = arith.cmpi slt, %add3A_1645, %sign3A_1651 : i32
        %sign3A_1653 = arith.extui %sign3A_1652 : i1 to i32
        %sign3A_1654 = arith.subi %sign3A_1650, %sign3A_1653 : i32
        %sign3A_1655 = arith.constant 0 : i32
        %sign3A_1656 = arith.cmpi sgt, %jit3A_1646, %sign3A_1655 : i32
        %sign3A_1657 = arith.extui %sign3A_1656 : i1 to i32
        %sign3A_1658 = arith.constant 0 : i32
        %sign3A_1659 = arith.cmpi slt, %jit3A_1646, %sign3A_1658 : i32
        %sign3A_1660 = arith.extui %sign3A_1659 : i1 to i32
        %sign3A_1661 = arith.subi %sign3A_1657, %sign3A_1660 : i32
        %ne3A_1662 = arith.cmpi ne, %sign3A_1654, %sign3A_1661 : i32
        %rem3A_1663 = arith.remsi %add3A_1645, %jit3A_1646 : i32
        %ne3A_1664 = arith.constant 0 : i32
        %ne3A_1665 = arith.cmpi ne, %rem3A_1663, %ne3A_1664 : i32
        %and3A_1666 = arith.andi %ne3A_1662, %ne3A_1665 : i1
        %sub3A_1667 = arith.constant 1 : i32
        %sub3A_1668 = arith.subi %div3A_1647, %sub3A_1667 : i32
        %select_n3A_1669 = arith.select %and3A_1666, %sub3A_1668, %div3A_1647 : i32
        %jit3A_1670 = arith.constant 2 : i32
        %eq3A_1671 = arith.constant 0 : i32
        %eq3A_1672 = arith.cmpi eq, %jit3A_1670, %eq3A_1671 : i32
        %jit3A_1673 = arith.constant 1 : i32
        %select_n3A_1674 = arith.select %eq3A_1672, %jit3A_1673, %jit3A_1670 : i32
        %rem3A_1675 = arith.remsi %add3A_1645, %select_n3A_1674 : i32
        %ne3A_1676 = arith.constant 0 : i32
        %ne3A_1677 = arith.cmpi ne, %rem3A_1675, %ne3A_1676 : i32
        %lt3A_1678 = arith.constant 0 : i32
        %lt3A_1679 = arith.cmpi slt, %rem3A_1675, %lt3A_1678 : i32
        %lt3A_1680 = arith.constant 0 : i32
        %lt3A_1681 = arith.cmpi slt, %select_n3A_1674, %lt3A_1680 : i32
        %ne3A_1682 = arith.xori %lt3A_1679, %lt3A_1681 : i1
        %and3A_1683 = arith.andi %ne3A_1682, %ne3A_1677 : i1
        %add3A_1684 = arith.addi %rem3A_1675, %select_n3A_1674 : i32
        %select_n3A_1685 = arith.select %and3A_1683, %add3A_1684, %rem3A_1675 : i32
        %mul3A_1686 = arith.constant 1024 : i32
        %mul3A_1687 = arith.muli %select_n3A_1685, %mul3A_1686 : i32
        %dma_start3A_1688 = arith.constant 0 : i32
        %dma_start3A_1689 = arith.constant 0 : i32
        %dma_start3A_1690 = tpu.memref_slice %arg2[%dma_start3A_1688, %dma_start3A_1689, %select_n3A_1669, %mul3A_1687] : memref<1x10x2048x2048xf32, #tpu.memory_space<hbm>> -> memref<1x10x1x1024xf32, #tpu.memory_space<hbm>>
        %dma_start3A_1691 = tpu.memref_squeeze %dma_start3A_1690 : memref<1x10x1x1024xf32, #tpu.memory_space<hbm>> -> memref<10x1024xf32, #tpu.memory_space<hbm>>
        %dma_start3A_1692 = arith.constant 0 : i32
        %dma_start3A_1693 = tpu.memref_slice %arg2[%dma_start3A_1688, %dma_start3A_1692, %select_n3A_1669, %mul3A_1687] : memref<1x10x2048x2048xf32, #tpu.memory_space<hbm>> -> memref<1x10x1x1024xf32, #tpu.memory_space<hbm>>
        %dma_start3A_1694 = tpu.memref_squeeze %dma_start3A_1693 : memref<1x10x1x1024xf32, #tpu.memory_space<hbm>> -> memref<10x1024xf32, #tpu.memory_space<hbm>>
        tpu.enqueue_dma source(%dma_start3A_1694 : memref<10x1024xf32, #tpu.memory_space<hbm>>) target(%arg6 : memref<10x1024xf32, #tpu.memory_space<vmem>>) target_semaphore(%arg14 : memref<!tpu.dma_semaphore, #tpu.memory_space<semaphore_mem>>)
      } else {
      }
      %add3A_1486 = arith.constant 3 : i32
      %add3A_1487 = arith.addi %add3A_1016, %add3A_1486 : i32
      %jit3A_1488 = arith.constant 2 : i32
      %div3A_1489 = arith.divsi %add3A_1487, %jit3A_1488 : i32
      %sign3A_1490 = arith.constant 0 : i32
      %sign3A_1491 = arith.cmpi sgt, %add3A_1487, %sign3A_1490 : i32
      %sign3A_1492 = arith.extui %sign3A_1491 : i1 to i32
      %sign3A_1493 = arith.constant 0 : i32
      %sign3A_1494 = arith.cmpi slt, %add3A_1487, %sign3A_1493 : i32
      %sign3A_1495 = arith.extui %sign3A_1494 : i1 to i32
      %sign3A_1496 = arith.subi %sign3A_1492, %sign3A_1495 : i32
      %sign3A_1497 = arith.constant 0 : i32
      %sign3A_1498 = arith.cmpi sgt, %jit3A_1488, %sign3A_1497 : i32
      %sign3A_1499 = arith.extui %sign3A_1498 : i1 to i32
      %sign3A_1500 = arith.constant 0 : i32
      %sign3A_1501 = arith.cmpi slt, %jit3A_1488, %sign3A_1500 : i32
      %sign3A_1502 = arith.extui %sign3A_1501 : i1 to i32
      %sign3A_1503 = arith.subi %sign3A_1499, %sign3A_1502 : i32
      %ne3A_1504 = arith.cmpi ne, %sign3A_1496, %sign3A_1503 : i32
      %rem3A_1505 = arith.remsi %add3A_1487, %jit3A_1488 : i32
      %ne3A_1506 = arith.constant 0 : i32
      %ne3A_1507 = arith.cmpi ne, %rem3A_1505, %ne3A_1506 : i32
      %and3A_1508 = arith.andi %ne3A_1504, %ne3A_1507 : i1
      %sub3A_1509 = arith.constant 1 : i32
      %sub3A_1510 = arith.subi %div3A_1489, %sub3A_1509 : i32
      %select_n3A_1511 = arith.select %and3A_1508, %sub3A_1510, %div3A_1489 : i32
      %jit3A_1512 = arith.constant 2 : i32
      %eq3A_1513 = arith.constant 0 : i32
      %eq3A_1514 = arith.cmpi eq, %jit3A_1512, %eq3A_1513 : i32
      %jit3A_1515 = arith.constant 1 : i32
      %select_n3A_1516 = arith.select %eq3A_1514, %jit3A_1515, %jit3A_1512 : i32
      %rem3A_1517 = arith.remsi %add3A_1487, %select_n3A_1516 : i32
      %ne3A_1518 = arith.constant 0 : i32
      %ne3A_1519 = arith.cmpi ne, %rem3A_1517, %ne3A_1518 : i32
      %lt3A_1520 = arith.constant 0 : i32
      %lt3A_1521 = arith.cmpi slt, %rem3A_1517, %lt3A_1520 : i32
      %lt3A_1522 = arith.constant 0 : i32
      %lt3A_1523 = arith.cmpi slt, %select_n3A_1516, %lt3A_1522 : i32
      %ne3A_1524 = arith.xori %lt3A_1521, %lt3A_1523 : i1
      %and3A_1525 = arith.andi %ne3A_1524, %ne3A_1519 : i1
      %add3A_1526 = arith.addi %rem3A_1517, %select_n3A_1516 : i32
      %select_n3A_1527 = arith.select %and3A_1525, %add3A_1526, %rem3A_1517 : i32
      %mul3A_1528 = arith.constant 1024 : i32
      %mul3A_1529 = arith.muli %select_n3A_1527, %mul3A_1528 : i32
      %dma_wait3A_1530 = arith.constant 0 : i32
      %dma_wait3A_1531 = arith.constant 0 : i32
      %dma_wait3A_1532 = tpu.memref_slice %arg2[%dma_wait3A_1530, %dma_wait3A_1531, %select_n3A_1511, %mul3A_1529] : memref<1x10x2048x2048xf32, #tpu.memory_space<hbm>> -> memref<1x10x1x1024xf32, #tpu.memory_space<hbm>>
      %dma_wait3A_1533 = tpu.memref_squeeze %dma_wait3A_1532 : memref<1x10x1x1024xf32, #tpu.memory_space<hbm>> -> memref<10x1024xf32, #tpu.memory_space<hbm>>
      %dma_wait3A_1534 = arith.constant 0 : i32
      %dma_wait3A_1535 = tpu.memref_slice %arg2[%dma_wait3A_1530, %dma_wait3A_1534, %select_n3A_1511, %mul3A_1529] : memref<1x10x2048x2048xf32, #tpu.memory_space<hbm>> -> memref<1x10x1x1024xf32, #tpu.memory_space<hbm>>
      %dma_wait3A_1536 = tpu.memref_squeeze %dma_wait3A_1535 : memref<1x10x1x1024xf32, #tpu.memory_space<hbm>> -> memref<10x1024xf32, #tpu.memory_space<hbm>>
      tpu.wait_dma2 semaphore(%arg15 : memref<!tpu.dma_semaphore, #tpu.memory_space<semaphore_mem>>) src(%dma_wait3A_1536 : memref<10x1024xf32, #tpu.memory_space<hbm>>) dst(%arg7 : memref<10x1024xf32, #tpu.memory_space<vmem>>)
      %jit3A_1537 = arith.constant 2 : i32
      %div3A_1538 = arith.divsi %add3A_1487, %jit3A_1537 : i32
      %sign3A_1539 = arith.constant 0 : i32
      %sign3A_1540 = arith.cmpi sgt, %add3A_1487, %sign3A_1539 : i32
      %sign3A_1541 = arith.extui %sign3A_1540 : i1 to i32
      %sign3A_1542 = arith.constant 0 : i32
      %sign3A_1543 = arith.cmpi slt, %add3A_1487, %sign3A_1542 : i32
      %sign3A_1544 = arith.extui %sign3A_1543 : i1 to i32
      %sign3A_1545 = arith.subi %sign3A_1541, %sign3A_1544 : i32
      %sign3A_1546 = arith.constant 0 : i32
      %sign3A_1547 = arith.cmpi sgt, %jit3A_1537, %sign3A_1546 : i32
      %sign3A_1548 = arith.extui %sign3A_1547 : i1 to i32
      %sign3A_1549 = arith.constant 0 : i32
      %sign3A_1550 = arith.cmpi slt, %jit3A_1537, %sign3A_1549 : i32
      %sign3A_1551 = arith.extui %sign3A_1550 : i1 to i32
      %sign3A_1552 = arith.subi %sign3A_1548, %sign3A_1551 : i32
      %ne3A_1553 = arith.cmpi ne, %sign3A_1545, %sign3A_1552 : i32
      %rem3A_1554 = arith.remsi %add3A_1487, %jit3A_1537 : i32
      %ne3A_1555 = arith.constant 0 : i32
      %ne3A_1556 = arith.cmpi ne, %rem3A_1554, %ne3A_1555 : i32
      %and3A_1557 = arith.andi %ne3A_1553, %ne3A_1556 : i1
      %sub3A_1558 = arith.constant 1 : i32
      %sub3A_1559 = arith.subi %div3A_1538, %sub3A_1558 : i32
      %select_n3A_1560 = arith.select %and3A_1557, %sub3A_1559, %div3A_1538 : i32
      %jit3A_1561 = arith.constant 2 : i32
      %eq3A_1562 = arith.constant 0 : i32
      %eq3A_1563 = arith.cmpi eq, %jit3A_1561, %eq3A_1562 : i32
      %jit3A_1564 = arith.constant 1 : i32
      %select_n3A_1565 = arith.select %eq3A_1563, %jit3A_1564, %jit3A_1561 : i32
      %rem3A_1566 = arith.remsi %add3A_1487, %select_n3A_1565 : i32
      %ne3A_1567 = arith.constant 0 : i32
      %ne3A_1568 = arith.cmpi ne, %rem3A_1566, %ne3A_1567 : i32
      %lt3A_1569 = arith.constant 0 : i32
      %lt3A_1570 = arith.cmpi slt, %rem3A_1566, %lt3A_1569 : i32
      %lt3A_1571 = arith.constant 0 : i32
      %lt3A_1572 = arith.cmpi slt, %select_n3A_1565, %lt3A_1571 : i32
      %ne3A_1573 = arith.xori %lt3A_1570, %lt3A_1572 : i1
      %and3A_1574 = arith.andi %ne3A_1573, %ne3A_1568 : i1
      %add3A_1575 = arith.addi %rem3A_1566, %select_n3A_1565 : i32
      %select_n3A_1576 = arith.select %and3A_1574, %add3A_1575, %rem3A_1566 : i32
      %mul3A_1577 = arith.constant 1024 : i32
      %mul3A_1578 = arith.muli %select_n3A_1576, %mul3A_1577 : i32
      %dma_wait3A_1579 = arith.constant 0 : i32
      %dma_wait3A_1580 = arith.constant 0 : i32
      %dma_wait3A_1581 = tpu.memref_slice %arg3[%dma_wait3A_1579, %dma_wait3A_1580, %select_n3A_1560, %mul3A_1578] : memref<1x8x2048x2048xf32, #tpu.memory_space<hbm>> -> memref<1x8x1x1024xf32, #tpu.memory_space<hbm>>
      %dma_wait3A_1582 = tpu.memref_squeeze %dma_wait3A_1581 : memref<1x8x1x1024xf32, #tpu.memory_space<hbm>> -> memref<8x1024xf32, #tpu.memory_space<hbm>>
      %dma_wait3A_1583 = arith.constant 0 : i32
      %dma_wait3A_1584 = tpu.memref_slice %arg3[%dma_wait3A_1579, %dma_wait3A_1583, %select_n3A_1560, %mul3A_1578] : memref<1x8x2048x2048xf32, #tpu.memory_space<hbm>> -> memref<1x8x1x1024xf32, #tpu.memory_space<hbm>>
      %dma_wait3A_1585 = tpu.memref_squeeze %dma_wait3A_1584 : memref<1x8x1x1024xf32, #tpu.memory_space<hbm>> -> memref<8x1024xf32, #tpu.memory_space<hbm>>
      tpu.wait_dma2 semaphore(%arg19 : memref<!tpu.dma_semaphore, #tpu.memory_space<semaphore_mem>>) src(%arg11 : memref<8x1024xf32, #tpu.memory_space<vmem>>) dst(%dma_wait3A_1585 : memref<8x1024xf32, #tpu.memory_space<hbm>>)
      %parallel_loop3A_1586 = arith.constant 0 : i32
      %parallel_loop3A_1587 = arith.constant 64 : i32
      %parallel_loop3A_1588 = arith.constant 1 : i32
      scf.for %parallel_loop3A_1644 = %parallel_loop3A_1586 to %parallel_loop3A_1587 step %parallel_loop3A_1588  : i32 {
        %parallel_loop3A_1645 = arith.constant 16 : i32
        %parallel_loop3A_1646 = arith.muli %parallel_loop3A_1644, %parallel_loop3A_1645 : i32
        %parallel_loop3A_1647 = arith.constant 0 : i32
        %parallel_loop3A_1648 = arith.index_cast %parallel_loop3A_1647 : i32 to index
        %parallel_loop3A_1649 = arith.index_cast %parallel_loop3A_1646 : i32 to index
        %parallel_loop3A_1650 = tpu.vector_load %arg7[%parallel_loop3A_1648, %parallel_loop3A_1649] {strides = array<i32>} : memref<10x1024xf32, #tpu.memory_space<vmem>>, vector<1x16xf32>,
        %parallel_loop3A_1651 = vector.shape_cast %parallel_loop3A_1650 : vector<1x16xf32> to vector<16xf32>
        %parallel_loop3A_1652 = arith.constant 1 : i32
        %parallel_loop3A_1653 = arith.index_cast %parallel_loop3A_1652 : i32 to index
        %parallel_loop3A_1654 = arith.index_cast %parallel_loop3A_1646 : i32 to index
        %parallel_loop3A_1655 = tpu.vector_load %arg7[%parallel_loop3A_1653, %parallel_loop3A_1654] {strides = array<i32>} : memref<10x1024xf32, #tpu.memory_space<vmem>>, vector<1x16xf32>,
        %parallel_loop3A_1656 = vector.shape_cast %parallel_loop3A_1655 : vector<1x16xf32> to vector<16xf32>
        %parallel_loop3A_1657 = arith.constant 2 : i32
        %parallel_loop3A_1658 = arith.index_cast %parallel_loop3A_1657 : i32 to index
        %parallel_loop3A_1659 = arith.index_cast %parallel_loop3A_1646 : i32 to index
        %parallel_loop3A_1660 = tpu.vector_load %arg7[%parallel_loop3A_1658, %parallel_loop3A_1659] {strides = array<i32>} : memref<10x1024xf32, #tpu.memory_space<vmem>>, vector<1x16xf32>,
        %parallel_loop3A_1661 = vector.shape_cast %parallel_loop3A_1660 : vector<1x16xf32> to vector<16xf32>
        %parallel_loop3A_1662 = arith.constant 3 : i32
        %parallel_loop3A_1663 = arith.index_cast %parallel_loop3A_1662 : i32 to index
        %parallel_loop3A_1664 = arith.index_cast %parallel_loop3A_1646 : i32 to index
        %parallel_loop3A_1665 = tpu.vector_load %arg7[%parallel_loop3A_1663, %parallel_loop3A_1664] {strides = array<i32>} : memref<10x1024xf32, #tpu.memory_space<vmem>>, vector<1x16xf32>,
        %parallel_loop3A_1666 = vector.shape_cast %parallel_loop3A_1665 : vector<1x16xf32> to vector<16xf32>
        %parallel_loop3A_1667 = arith.constant 4 : i32
        %parallel_loop3A_1668 = arith.index_cast %parallel_loop3A_1667 : i32 to index
        %parallel_loop3A_1669 = arith.index_cast %parallel_loop3A_1646 : i32 to index
        %parallel_loop3A_1670 = tpu.vector_load %arg7[%parallel_loop3A_1668, %parallel_loop3A_1669] {strides = array<i32>} : memref<10x1024xf32, #tpu.memory_space<vmem>>, vector<1x16xf32>,
        %parallel_loop3A_1671 = vector.shape_cast %parallel_loop3A_1670 : vector<1x16xf32> to vector<16xf32>
        %parallel_loop3A_1672 = arith.constant 5 : i32
        %parallel_loop3A_1673 = arith.index_cast %parallel_loop3A_1672 : i32 to index
        %parallel_loop3A_1674 = arith.index_cast %parallel_loop3A_1646 : i32 to index
        %parallel_loop3A_1675 = tpu.vector_load %arg7[%parallel_loop3A_1673, %parallel_loop3A_1674] {strides = array<i32>} : memref<10x1024xf32, #tpu.memory_space<vmem>>, vector<1x16xf32>,
        %parallel_loop3A_1676 = vector.shape_cast %parallel_loop3A_1675 : vector<1x16xf32> to vector<16xf32>
        %parallel_loop3A_1677 = arith.constant 6 : i32
        %parallel_loop3A_1678 = arith.index_cast %parallel_loop3A_1677 : i32 to index
        %parallel_loop3A_1679 = arith.index_cast %parallel_loop3A_1646 : i32 to index
        %parallel_loop3A_1680 = tpu.vector_load %arg7[%parallel_loop3A_1678, %parallel_loop3A_1679] {strides = array<i32>} : memref<10x1024xf32, #tpu.memory_space<vmem>>, vector<1x16xf32>,
        %parallel_loop3A_1681 = vector.shape_cast %parallel_loop3A_1680 : vector<1x16xf32> to vector<16xf32>
        %parallel_loop3A_1682 = arith.constant 7 : i32
        %parallel_loop3A_1683 = arith.index_cast %parallel_loop3A_1682 : i32 to index
        %parallel_loop3A_1684 = arith.index_cast %parallel_loop3A_1646 : i32 to index
        %parallel_loop3A_1685 = tpu.vector_load %arg7[%parallel_loop3A_1683, %parallel_loop3A_1684] {strides = array<i32>} : memref<10x1024xf32, #tpu.memory_space<vmem>>, vector<1x16xf32>,
        %parallel_loop3A_1686 = vector.shape_cast %parallel_loop3A_1685 : vector<1x16xf32> to vector<16xf32>
        %parallel_loop3A_1687 = arith.maximumf %parallel_loop3A_1651, %parallel_loop3A_1656 : vector<16xf32>
        %parallel_loop3A_1688 = arith.maximumf %parallel_loop3A_1661, %parallel_loop3A_1666 : vector<16xf32>
        %parallel_loop3A_1689 = arith.maximumf %parallel_loop3A_1671, %parallel_loop3A_1676 : vector<16xf32>
        %parallel_loop3A_1690 = arith.maximumf %parallel_loop3A_1681, %parallel_loop3A_1686 : vector<16xf32>
        %parallel_loop3A_1691 = arith.maximumf %parallel_loop3A_1687, %parallel_loop3A_1688 : vector<16xf32>
        %parallel_loop3A_1692 = arith.maximumf %parallel_loop3A_1689, %parallel_loop3A_1690 : vector<16xf32>
        %parallel_loop3A_1693 = arith.maximumf %parallel_loop3A_1691, %parallel_loop3A_1692 : vector<16xf32>
        %parallel_loop3A_1694 = arith.constant 1 : i32
        %parallel_loop3A_1695 = vector.broadcast %parallel_loop3A_1694 : i32 to vector<16xi32>
        %parallel_loop3A_1696 = arith.constant 0 : i32
        %parallel_loop3A_1697 = vector.broadcast %parallel_loop3A_1696 : i32 to vector<16xi32>
        %parallel_loop3A_1698 = arith.cmpf oeq, %parallel_loop3A_1651, %parallel_loop3A_1693 : vector<16xf32>
        %parallel_loop3A_1699 = arith.select %parallel_loop3A_1698, %parallel_loop3A_1695, %parallel_loop3A_1697 : vector<16xi1>, vector<16xi32>
        %parallel_loop3A_1700 = arith.cmpf oeq, %parallel_loop3A_1656, %parallel_loop3A_1693 : vector<16xf32>
        %parallel_loop3A_1701 = arith.select %parallel_loop3A_1700, %parallel_loop3A_1695, %parallel_loop3A_1697 : vector<16xi1>, vector<16xi32>
        %parallel_loop3A_1702 = arith.cmpf oeq, %parallel_loop3A_1661, %parallel_loop3A_1693 : vector<16xf32>
        %parallel_loop3A_1703 = arith.select %parallel_loop3A_1702, %parallel_loop3A_1695, %parallel_loop3A_1697 : vector<16xi1>, vector<16xi32>
        %parallel_loop3A_1704 = arith.cmpf oeq, %parallel_loop3A_1666, %parallel_loop3A_1693 : vector<16xf32>
        %parallel_loop3A_1705 = arith.select %parallel_loop3A_1704, %parallel_loop3A_1695, %parallel_loop3A_1697 : vector<16xi1>, vector<16xi32>
        %parallel_loop3A_1706 = arith.cmpf oeq, %parallel_loop3A_1671, %parallel_loop3A_1693 : vector<16xf32>
        %parallel_loop3A_1707 = arith.select %parallel_loop3A_1706, %parallel_loop3A_1695, %parallel_loop3A_1697 : vector<16xi1>, vector<16xi32>
        %parallel_loop3A_1708 = arith.cmpf oeq, %parallel_loop3A_1676, %parallel_loop3A_1693 : vector<16xf32>
        %parallel_loop3A_1709 = arith.select %parallel_loop3A_1708, %parallel_loop3A_1695, %parallel_loop3A_1697 : vector<16xi1>, vector<16xi32>
        %parallel_loop3A_1710 = arith.cmpf oeq, %parallel_loop3A_1681, %parallel_loop3A_1693 : vector<16xf32>
        %parallel_loop3A_1711 = arith.select %parallel_loop3A_1710, %parallel_loop3A_1695, %parallel_loop3A_1697 : vector<16xi1>, vector<16xi32>
        %parallel_loop3A_1712 = arith.cmpf oeq, %parallel_loop3A_1686, %parallel_loop3A_1693 : vector<16xf32>
        %parallel_loop3A_1713 = arith.select %parallel_loop3A_1712, %parallel_loop3A_1695, %parallel_loop3A_1697 : vector<16xi1>, vector<16xi32>
        %parallel_loop3A_1714 = arith.ori %parallel_loop3A_1699, %parallel_loop3A_1701 : vector<16xi32>
        %parallel_loop3A_1715 = arith.ori %parallel_loop3A_1703, %parallel_loop3A_1705 : vector<16xi32>
        %parallel_loop3A_1716 = arith.ori %parallel_loop3A_1707, %parallel_loop3A_1709 : vector<16xi32>
        %parallel_loop3A_1717 = arith.ori %parallel_loop3A_1714, %parallel_loop3A_1715 : vector<16xi32>
        %parallel_loop3A_1718 = arith.ori %parallel_loop3A_1714, %parallel_loop3A_1703 : vector<16xi32>
        %parallel_loop3A_1719 = arith.ori %parallel_loop3A_1717, %parallel_loop3A_1707 : vector<16xi32>
        %parallel_loop3A_1720 = arith.ori %parallel_loop3A_1717, %parallel_loop3A_1716 : vector<16xi32>
        %parallel_loop3A_1721 = arith.ori %parallel_loop3A_1717, %parallel_loop3A_1716 : vector<16xi32>
        %parallel_loop3A_1722 = arith.ori %parallel_loop3A_1721, %parallel_loop3A_1711 : vector<16xi32>
        %parallel_loop3A_1723 = arith.constant 8 : i32
        %parallel_loop3A_1724 = arith.index_cast %parallel_loop3A_1723 : i32 to index
        %parallel_loop3A_1725 = arith.index_cast %parallel_loop3A_1646 : i32 to index
        %parallel_loop3A_1726 = tpu.vector_load %arg7[%parallel_loop3A_1724, %parallel_loop3A_1725] {strides = array<i32>} : memref<10x1024xf32, #tpu.memory_space<vmem>>, vector<1x16xf32>,
        %parallel_loop3A_1727 = vector.shape_cast %parallel_loop3A_1726 : vector<1x16xf32> to vector<16xf32>
        %parallel_loop3A_1728 = arith.constant 9 : i32
        %parallel_loop3A_1729 = arith.index_cast %parallel_loop3A_1728 : i32 to index
        %parallel_loop3A_1730 = arith.index_cast %parallel_loop3A_1646 : i32 to index
        %parallel_loop3A_1731 = tpu.vector_load %arg7[%parallel_loop3A_1729, %parallel_loop3A_1730] {strides = array<i32>} : memref<10x1024xf32, #tpu.memory_space<vmem>>, vector<1x16xf32>,
        %parallel_loop3A_1732 = vector.shape_cast %parallel_loop3A_1731 : vector<1x16xf32> to vector<16xf32>
        %parallel_loop3A_1733 = arith.mulf %parallel_loop3A_1727, %parallel_loop3A_1727 : vector<16xf32>
        %parallel_loop3A_1734 = arith.mulf %parallel_loop3A_1732, %parallel_loop3A_1732 : vector<16xf32>
        %parallel_loop3A_1735 = arith.addf %parallel_loop3A_1733, %parallel_loop3A_1734 : vector<16xf32>
        %parallel_loop3A_1736 = tpu.bitcast %parallel_loop3A_1735 : vector<16xf32> -> vector<16xi32>
        %parallel_loop3A_1737 = arith.constant 1 : i32
        %parallel_loop3A_1738 = vector.broadcast %parallel_loop3A_1737 : i32 to vector<16xi32>
        %parallel_loop3A_1739 = arith.shrsi %parallel_loop3A_1736, %parallel_loop3A_1738 : vector<16xi32>
        %parallel_loop3A_1740 = arith.constant 1597463007 : i32
        %parallel_loop3A_1741 = vector.broadcast %parallel_loop3A_1740 : i32 to vector<16xi32>
        %parallel_loop3A_1742 = arith.subi %parallel_loop3A_1741, %parallel_loop3A_1739 : vector<16xi32>
        %parallel_loop3A_1743 = tpu.bitcast %parallel_loop3A_1742 : vector<16xi32> -> vector<16xf32>
        %parallel_loop3A_1744 = arith.constant 5.000000e-01 : f32
        %parallel_loop3A_1745 = vector.broadcast %parallel_loop3A_1744 : f32 to vector<16xf32>
        %parallel_loop3A_1746 = arith.mulf %parallel_loop3A_1735, %parallel_loop3A_1745 : vector<16xf32>
        %parallel_loop3A_1747 = arith.mulf %parallel_loop3A_1746, %parallel_loop3A_1743 : vector<16xf32>
        %parallel_loop3A_1748 = arith.mulf %parallel_loop3A_1747, %parallel_loop3A_1743 : vector<16xf32>
        %parallel_loop3A_1749 = arith.constant 1.500000e+00 : f32
        %parallel_loop3A_1750 = vector.broadcast %parallel_loop3A_1749 : f32 to vector<16xf32>
        %parallel_loop3A_1751 = arith.subf %parallel_loop3A_1750, %parallel_loop3A_1748 : vector<16xf32>
        %parallel_loop3A_1752 = arith.mulf %parallel_loop3A_1743, %parallel_loop3A_1751 : vector<16xf32>
        %parallel_loop3A_1753 = arith.mulf %parallel_loop3A_1746, %parallel_loop3A_1752 : vector<16xf32>
        %parallel_loop3A_1754 = arith.mulf %parallel_loop3A_1753, %parallel_loop3A_1752 : vector<16xf32>
        %parallel_loop3A_1755 = arith.constant 1.500000e+00 : f32
        %parallel_loop3A_1756 = vector.broadcast %parallel_loop3A_1755 : f32 to vector<16xf32>
        %parallel_loop3A_1757 = arith.subf %parallel_loop3A_1756, %parallel_loop3A_1754 : vector<16xf32>
        %parallel_loop3A_1758 = arith.mulf %parallel_loop3A_1752, %parallel_loop3A_1757 : vector<16xf32>
        %parallel_loop3A_1759 = arith.mulf %parallel_loop3A_1735, %parallel_loop3A_1758 : vector<16xf32>
        %parallel_loop3A_1760 = arith.constant 0.000000e+00 : f32
        %parallel_loop3A_1761 = vector.broadcast %parallel_loop3A_1760 : f32 to vector<16xf32>
        %parallel_loop3A_1762 = arith.cmpi sgt, %parallel_loop3A_1699, %parallel_loop3A_1697 : vector<16xi32>
        %parallel_loop3A_1763 = arith.select %parallel_loop3A_1762, %parallel_loop3A_1759, %parallel_loop3A_1761 : vector<16xi1>, vector<16xf32>
        %parallel_loop3A_1764 = arith.constant 0 : i32
        %parallel_loop3A_1765 = arith.index_cast %parallel_loop3A_1764 : i32 to index
        %parallel_loop3A_1766 = arith.index_cast %parallel_loop3A_1646 : i32 to index
        %parallel_loop3A_1767 = tpu.vector_load %arg11[%parallel_loop3A_1765, %parallel_loop3A_1766] {strides = array<i32>} : memref<8x1024xf32, #tpu.memory_space<vmem>>, vector<1x16xf32>,
        %parallel_loop3A_1768 = vector.shape_cast %parallel_loop3A_1767 : vector<1x16xf32> to vector<16xf32>
        %parallel_loop3A_1769 = vector.shape_cast %parallel_loop3A_1763 : vector<16xf32> to vector<1x16xf32>
        tpu.vector_store %arg11[%parallel_loop3A_1765, %parallel_loop3A_1766], %parallel_loop3A_1769 {strides = array<i32>} : memref<8x1024xf32, #tpu.memory_space<vmem>>, vector<1x16xf32>,
        %parallel_loop3A_1770 = arith.cmpi sgt, %parallel_loop3A_1701, %parallel_loop3A_1699 : vector<16xi32>
        %parallel_loop3A_1771 = arith.select %parallel_loop3A_1770, %parallel_loop3A_1759, %parallel_loop3A_1761 : vector<16xi1>, vector<16xf32>
        %parallel_loop3A_1772 = arith.constant 1 : i32
        %parallel_loop3A_1773 = arith.index_cast %parallel_loop3A_1772 : i32 to index
        %parallel_loop3A_1774 = arith.index_cast %parallel_loop3A_1646 : i32 to index
        %parallel_loop3A_1775 = tpu.vector_load %arg11[%parallel_loop3A_1773, %parallel_loop3A_1774] {strides = array<i32>} : memref<8x1024xf32, #tpu.memory_space<vmem>>, vector<1x16xf32>,
        %parallel_loop3A_1776 = vector.shape_cast %parallel_loop3A_1775 : vector<1x16xf32> to vector<16xf32>
        %parallel_loop3A_1777 = vector.shape_cast %parallel_loop3A_1771 : vector<16xf32> to vector<1x16xf32>
        tpu.vector_store %arg11[%parallel_loop3A_1773, %parallel_loop3A_1774], %parallel_loop3A_1777 {strides = array<i32>} : memref<8x1024xf32, #tpu.memory_space<vmem>>, vector<1x16xf32>,
        %parallel_loop3A_1778 = arith.cmpi sgt, %parallel_loop3A_1703, %parallel_loop3A_1714 : vector<16xi32>
        %parallel_loop3A_1779 = arith.select %parallel_loop3A_1778, %parallel_loop3A_1759, %parallel_loop3A_1761 : vector<16xi1>, vector<16xf32>
        %parallel_loop3A_1780 = arith.constant 2 : i32
        %parallel_loop3A_1781 = arith.index_cast %parallel_loop3A_1780 : i32 to index
        %parallel_loop3A_1782 = arith.index_cast %parallel_loop3A_1646 : i32 to index
        %parallel_loop3A_1783 = tpu.vector_load %arg11[%parallel_loop3A_1781, %parallel_loop3A_1782] {strides = array<i32>} : memref<8x1024xf32, #tpu.memory_space<vmem>>, vector<1x16xf32>,
        %parallel_loop3A_1784 = vector.shape_cast %parallel_loop3A_1783 : vector<1x16xf32> to vector<16xf32>
        %parallel_loop3A_1785 = vector.shape_cast %parallel_loop3A_1779 : vector<16xf32> to vector<1x16xf32>
        tpu.vector_store %arg11[%parallel_loop3A_1781, %parallel_loop3A_1782], %parallel_loop3A_1785 {strides = array<i32>} : memref<8x1024xf32, #tpu.memory_space<vmem>>, vector<1x16xf32>,
        %parallel_loop3A_1786 = arith.cmpi sgt, %parallel_loop3A_1705, %parallel_loop3A_1718 : vector<16xi32>
        %parallel_loop3A_1787 = arith.select %parallel_loop3A_1786, %parallel_loop3A_1759, %parallel_loop3A_1761 : vector<16xi1>, vector<16xf32>
        %parallel_loop3A_1788 = arith.constant 3 : i32
        %parallel_loop3A_1789 = arith.index_cast %parallel_loop3A_1788 : i32 to index
        %parallel_loop3A_1790 = arith.index_cast %parallel_loop3A_1646 : i32 to index
        %parallel_loop3A_1791 = tpu.vector_load %arg11[%parallel_loop3A_1789, %parallel_loop3A_1790] {strides = array<i32>} : memref<8x1024xf32, #tpu.memory_space<vmem>>, vector<1x16xf32>,
        %parallel_loop3A_1792 = vector.shape_cast %parallel_loop3A_1791 : vector<1x16xf32> to vector<16xf32>
        %parallel_loop3A_1793 = vector.shape_cast %parallel_loop3A_1787 : vector<16xf32> to vector<1x16xf32>
        tpu.vector_store %arg11[%parallel_loop3A_1789, %parallel_loop3A_1790], %parallel_loop3A_1793 {strides = array<i32>} : memref<8x1024xf32, #tpu.memory_space<vmem>>, vector<1x16xf32>,
        %parallel_loop3A_1794 = arith.cmpi sgt, %parallel_loop3A_1707, %parallel_loop3A_1717 : vector<16xi32>
        %parallel_loop3A_1795 = arith.select %parallel_loop3A_1794, %parallel_loop3A_1759, %parallel_loop3A_1761 : vector<16xi1>, vector<16xf32>
        %parallel_loop3A_1796 = arith.constant 4 : i32
        %parallel_loop3A_1797 = arith.index_cast %parallel_loop3A_1796 : i32 to index
        %parallel_loop3A_1798 = arith.index_cast %parallel_loop3A_1646 : i32 to index
        %parallel_loop3A_1799 = tpu.vector_load %arg11[%parallel_loop3A_1797, %parallel_loop3A_1798] {strides = array<i32>} : memref<8x1024xf32, #tpu.memory_space<vmem>>, vector<1x16xf32>,
        %parallel_loop3A_1800 = vector.shape_cast %parallel_loop3A_1799 : vector<1x16xf32> to vector<16xf32>
        %parallel_loop3A_1801 = vector.shape_cast %parallel_loop3A_1795 : vector<16xf32> to vector<1x16xf32>
        tpu.vector_store %arg11[%parallel_loop3A_1797, %parallel_loop3A_1798], %parallel_loop3A_1801 {strides = array<i32>} : memref<8x1024xf32, #tpu.memory_space<vmem>>, vector<1x16xf32>,
        %parallel_loop3A_1802 = arith.cmpi sgt, %parallel_loop3A_1709, %parallel_loop3A_1719 : vector<16xi32>
        %parallel_loop3A_1803 = arith.select %parallel_loop3A_1802, %parallel_loop3A_1759, %parallel_loop3A_1761 : vector<16xi1>, vector<16xf32>
        %parallel_loop3A_1804 = arith.constant 5 : i32
        %parallel_loop3A_1805 = arith.index_cast %parallel_loop3A_1804 : i32 to index
        %parallel_loop3A_1806 = arith.index_cast %parallel_loop3A_1646 : i32 to index
        %parallel_loop3A_1807 = tpu.vector_load %arg11[%parallel_loop3A_1805, %parallel_loop3A_1806] {strides = array<i32>} : memref<8x1024xf32, #tpu.memory_space<vmem>>, vector<1x16xf32>,
        %parallel_loop3A_1808 = vector.shape_cast %parallel_loop3A_1807 : vector<1x16xf32> to vector<16xf32>
        %parallel_loop3A_1809 = vector.shape_cast %parallel_loop3A_1803 : vector<16xf32> to vector<1x16xf32>
        tpu.vector_store %arg11[%parallel_loop3A_1805, %parallel_loop3A_1806], %parallel_loop3A_1809 {strides = array<i32>} : memref<8x1024xf32, #tpu.memory_space<vmem>>, vector<1x16xf32>,
        %parallel_loop3A_1810 = arith.cmpi sgt, %parallel_loop3A_1711, %parallel_loop3A_1720 : vector<16xi32>
        %parallel_loop3A_1811 = arith.select %parallel_loop3A_1810, %parallel_loop3A_1759, %parallel_loop3A_1761 : vector<16xi1>, vector<16xf32>
        %parallel_loop3A_1812 = arith.constant 6 : i32
        %parallel_loop3A_1813 = arith.index_cast %parallel_loop3A_1812 : i32 to index
        %parallel_loop3A_1814 = arith.index_cast %parallel_loop3A_1646 : i32 to index
        %parallel_loop3A_1815 = tpu.vector_load %arg11[%parallel_loop3A_1813, %parallel_loop3A_1814] {strides = array<i32>} : memref<8x1024xf32, #tpu.memory_space<vmem>>, vector<1x16xf32>,
        %parallel_loop3A_1816 = vector.shape_cast %parallel_loop3A_1815 : vector<1x16xf32> to vector<16xf32>
        %parallel_loop3A_1817 = vector.shape_cast %parallel_loop3A_1811 : vector<16xf32> to vector<1x16xf32>
        tpu.vector_store %arg11[%parallel_loop3A_1813, %parallel_loop3A_1814], %parallel_loop3A_1817 {strides = array<i32>} : memref<8x1024xf32, #tpu.memory_space<vmem>>, vector<1x16xf32>,
        %parallel_loop3A_1818 = arith.cmpi sgt, %parallel_loop3A_1713, %parallel_loop3A_1722 : vector<16xi32>
        %parallel_loop3A_1819 = arith.select %parallel_loop3A_1818, %parallel_loop3A_1759, %parallel_loop3A_1761 : vector<16xi1>, vector<16xf32>
        %parallel_loop3A_1820 = arith.constant 7 : i32
        %parallel_loop3A_1821 = arith.index_cast %parallel_loop3A_1820 : i32 to index
        %parallel_loop3A_1822 = arith.index_cast %parallel_loop3A_1646 : i32 to index
        %parallel_loop3A_1823 = tpu.vector_load %arg11[%parallel_loop3A_1821, %parallel_loop3A_1822] {strides = array<i32>} : memref<8x1024xf32, #tpu.memory_space<vmem>>, vector<1x16xf32>,
        %parallel_loop3A_1824 = vector.shape_cast %parallel_loop3A_1823 : vector<1x16xf32> to vector<16xf32>
        %parallel_loop3A_1825 = vector.shape_cast %parallel_loop3A_1819 : vector<16xf32> to vector<1x16xf32>
        tpu.vector_store %arg11[%parallel_loop3A_1821, %parallel_loop3A_1822], %parallel_loop3A_1825 {strides = array<i32>} : memref<8x1024xf32, #tpu.memory_space<vmem>>, vector<1x16xf32>,
      } {sc.loop_unroll_factor = 2 : i64, sc.parallel_access}
      %jit3A_1589 = arith.constant 2 : i32
      %div3A_1590 = arith.divsi %add3A_1487, %jit3A_1589 : i32
      %sign3A_1591 = arith.constant 0 : i32
      %sign3A_1592 = arith.cmpi sgt, %add3A_1487, %sign3A_1591 : i32
      %sign3A_1593 = arith.extui %sign3A_1592 : i1 to i32
      %sign3A_1594 = arith.constant 0 : i32
      %sign3A_1595 = arith.cmpi slt, %add3A_1487, %sign3A_1594 : i32
      %sign3A_1596 = arith.extui %sign3A_1595 : i1 to i32
      %sign3A_1597 = arith.subi %sign3A_1593, %sign3A_1596 : i32
      %sign3A_1598 = arith.constant 0 : i32
      %sign3A_1599 = arith.cmpi sgt, %jit3A_1589, %sign3A_1598 : i32
      %sign3A_1600 = arith.extui %sign3A_1599 : i1 to i32
      %sign3A_1601 = arith.constant 0 : i32
      %sign3A_1602 = arith.cmpi slt, %jit3A_1589, %sign3A_1601 : i32
      %sign3A_1603 = arith.extui %sign3A_1602 : i1 to i32
      %sign3A_1604 = arith.subi %sign3A_1600, %sign3A_1603 : i32
      %ne3A_1605 = arith.cmpi ne, %sign3A_1597, %sign3A_1604 : i32
      %rem3A_1606 = arith.remsi %add3A_1487, %jit3A_1589 : i32
      %ne3A_1607 = arith.constant 0 : i32
      %ne3A_1608 = arith.cmpi ne, %rem3A_1606, %ne3A_1607 : i32
      %and3A_1609 = arith.andi %ne3A_1605, %ne3A_1608 : i1
      %sub3A_1610 = arith.constant 1 : i32
      %sub3A_1611 = arith.subi %div3A_1590, %sub3A_1610 : i32
      %select_n3A_1612 = arith.select %and3A_1609, %sub3A_1611, %div3A_1590 : i32
      %jit3A_1613 = arith.constant 2 : i32
      %eq3A_1614 = arith.constant 0 : i32
      %eq3A_1615 = arith.cmpi eq, %jit3A_1613, %eq3A_1614 : i32
      %jit3A_1616 = arith.constant 1 : i32
      %select_n3A_1617 = arith.select %eq3A_1615, %jit3A_1616, %jit3A_1613 : i32
      %rem3A_1618 = arith.remsi %add3A_1487, %select_n3A_1617 : i32
      %ne3A_1619 = arith.constant 0 : i32
      %ne3A_1620 = arith.cmpi ne, %rem3A_1618, %ne3A_1619 : i32
      %lt3A_1621 = arith.constant 0 : i32
      %lt3A_1622 = arith.cmpi slt, %rem3A_1618, %lt3A_1621 : i32
      %lt3A_1623 = arith.constant 0 : i32
      %lt3A_1624 = arith.cmpi slt, %select_n3A_1617, %lt3A_1623 : i32
      %ne3A_1625 = arith.xori %lt3A_1622, %lt3A_1624 : i1
      %and3A_1626 = arith.andi %ne3A_1625, %ne3A_1620 : i1
      %add3A_1627 = arith.addi %rem3A_1618, %select_n3A_1617 : i32
      %select_n3A_1628 = arith.select %and3A_1626, %add3A_1627, %rem3A_1618 : i32
      %mul3A_1629 = arith.constant 1024 : i32
      %mul3A_1630 = arith.muli %select_n3A_1628, %mul3A_1629 : i32
      %dma_start3A_1631 = arith.constant 0 : i32
      %dma_start3A_1632 = arith.constant 0 : i32
      %dma_start3A_1633 = tpu.memref_slice %arg3[%dma_start3A_1631, %dma_start3A_1632, %select_n3A_1612, %mul3A_1630] : memref<1x8x2048x2048xf32, #tpu.memory_space<hbm>> -> memref<1x8x1x1024xf32, #tpu.memory_space<hbm>>
      %dma_start3A_1634 = tpu.memref_squeeze %dma_start3A_1633 : memref<1x8x1x1024xf32, #tpu.memory_space<hbm>> -> memref<8x1024xf32, #tpu.memory_space<hbm>>
      %dma_start3A_1635 = arith.constant 0 : i32
      %dma_start3A_1636 = tpu.memref_slice %arg3[%dma_start3A_1631, %dma_start3A_1635, %select_n3A_1612, %mul3A_1630] : memref<1x8x2048x2048xf32, #tpu.memory_space<hbm>> -> memref<1x8x1x1024xf32, #tpu.memory_space<hbm>>
      %dma_start3A_1637 = tpu.memref_squeeze %dma_start3A_1636 : memref<1x8x1x1024xf32, #tpu.memory_space<hbm>> -> memref<8x1024xf32, #tpu.memory_space<hbm>>
      tpu.enqueue_dma source(%arg11 : memref<8x1024xf32, #tpu.memory_space<vmem>>) target(%dma_start3A_1637 : memref<8x1024xf32, #tpu.memory_space<hbm>>) target_semaphore(%arg19 : memref<!tpu.dma_semaphore, #tpu.memory_space<semaphore_mem>>)
      %lt3A_1638 = arith.constant 31 : i32
      %lt3A_1639 = arith.cmpi slt, %scan3A_1012, %lt3A_1638 : i32
      %convert_element_type3A_1640 = arith.extui %lt3A_1639 : i1 to i32
      %cond3A_1641 = arith.constant 0 : i32
      %cond3A_1642 = arith.cmpi ne, %convert_element_type3A_1640, %cond3A_1641 : i32
      scf.if %cond3A_1642 {
        %add3A_1644 = arith.constant 4 : i32
        %add3A_1645 = arith.addi %add3A_1487, %add3A_1644 : i32
        %jit3A_1646 = arith.constant 2 : i32
        %div3A_1647 = arith.divsi %add3A_1645, %jit3A_1646 : i32
        %sign3A_1648 = arith.constant 0 : i32
        %sign3A_1649 = arith.cmpi sgt, %add3A_1645, %sign3A_1648 : i32
        %sign3A_1650 = arith.extui %sign3A_1649 : i1 to i32
        %sign3A_1651 = arith.constant 0 : i32
        %sign3A_1652 = arith.cmpi slt, %add3A_1645, %sign3A_1651 : i32
        %sign3A_1653 = arith.extui %sign3A_1652 : i1 to i32
        %sign3A_1654 = arith.subi %sign3A_1650, %sign3A_1653 : i32
        %sign3A_1655 = arith.constant 0 : i32
        %sign3A_1656 = arith.cmpi sgt, %jit3A_1646, %sign3A_1655 : i32
        %sign3A_1657 = arith.extui %sign3A_1656 : i1 to i32
        %sign3A_1658 = arith.constant 0 : i32
        %sign3A_1659 = arith.cmpi slt, %jit3A_1646, %sign3A_1658 : i32
        %sign3A_1660 = arith.extui %sign3A_1659 : i1 to i32
        %sign3A_1661 = arith.subi %sign3A_1657, %sign3A_1660 : i32
        %ne3A_1662 = arith.cmpi ne, %sign3A_1654, %sign3A_1661 : i32
        %rem3A_1663 = arith.remsi %add3A_1645, %jit3A_1646 : i32
        %ne3A_1664 = arith.constant 0 : i32
        %ne3A_1665 = arith.cmpi ne, %rem3A_1663, %ne3A_1664 : i32
        %and3A_1666 = arith.andi %ne3A_1662, %ne3A_1665 : i1
        %sub3A_1667 = arith.constant 1 : i32
        %sub3A_1668 = arith.subi %div3A_1647, %sub3A_1667 : i32
        %select_n3A_1669 = arith.select %and3A_1666, %sub3A_1668, %div3A_1647 : i32
        %jit3A_1670 = arith.constant 2 : i32
        %eq3A_1671 = arith.constant 0 : i32
        %eq3A_1672 = arith.cmpi eq, %jit3A_1670, %eq3A_1671 : i32
        %jit3A_1673 = arith.constant 1 : i32
        %select_n3A_1674 = arith.select %eq3A_1672, %jit3A_1673, %jit3A_1670 : i32
        %rem3A_1675 = arith.remsi %add3A_1645, %select_n3A_1674 : i32
        %ne3A_1676 = arith.constant 0 : i32
        %ne3A_1677 = arith.cmpi ne, %rem3A_1675, %ne3A_1676 : i32
        %lt3A_1678 = arith.constant 0 : i32
        %lt3A_1679 = arith.cmpi slt, %rem3A_1675, %lt3A_1678 : i32
        %lt3A_1680 = arith.constant 0 : i32
        %lt3A_1681 = arith.cmpi slt, %select_n3A_1674, %lt3A_1680 : i32
        %ne3A_1682 = arith.xori %lt3A_1679, %lt3A_1681 : i1
        %and3A_1683 = arith.andi %ne3A_1682, %ne3A_1677 : i1
        %add3A_1684 = arith.addi %rem3A_1675, %select_n3A_1674 : i32
        %select_n3A_1685 = arith.select %and3A_1683, %add3A_1684, %rem3A_1675 : i32
        %mul3A_1686 = arith.constant 1024 : i32
        %mul3A_1687 = arith.muli %select_n3A_1685, %mul3A_1686 : i32
        %dma_start3A_1688 = arith.constant 0 : i32
        %dma_start3A_1689 = arith.constant 0 : i32
        %dma_start3A_1690 = tpu.memref_slice %arg2[%dma_start3A_1688, %dma_start3A_1689, %select_n3A_1669, %mul3A_1687] : memref<1x10x2048x2048xf32, #tpu.memory_space<hbm>> -> memref<1x10x1x1024xf32, #tpu.memory_space<hbm>>
        %dma_start3A_1691 = tpu.memref_squeeze %dma_start3A_1690 : memref<1x10x1x1024xf32, #tpu.memory_space<hbm>> -> memref<10x1024xf32, #tpu.memory_space<hbm>>
        %dma_start3A_1692 = arith.constant 0 : i32
        %dma_start3A_1693 = tpu.memref_slice %arg2[%dma_start3A_1688, %dma_start3A_1692, %select_n3A_1669, %mul3A_1687] : memref<1x10x2048x2048xf32, #tpu.memory_space<hbm>> -> memref<1x10x1x1024xf32, #tpu.memory_space<hbm>>
        %dma_start3A_1694 = tpu.memref_squeeze %dma_start3A_1693 : memref<1x10x1x1024xf32, #tpu.memory_space<hbm>> -> memref<10x1024xf32, #tpu.memory_space<hbm>>
        tpu.enqueue_dma source(%dma_start3A_1694 : memref<10x1024xf32, #tpu.memory_space<hbm>>) target(%arg7 : memref<10x1024xf32, #tpu.memory_space<vmem>>) target_semaphore(%arg15 : memref<!tpu.dma_semaphore, #tpu.memory_space<semaphore_mem>>)
      } else {
      }
      %scan3A_1643 = arith.constant 0 : i32
      scf.yield %scan3A_1643 : i32
    }
    %scan3A_815 = arith.constant 31 : i32
    %jit3A_816 = arith.constant 2 : i32
    %div3A_817 = arith.divsi %mul3A_2, %jit3A_816 : i32
    %sign3A_818 = arith.constant 0 : i32
    %sign3A_819 = arith.cmpi sgt, %mul3A_2, %sign3A_818 : i32
    %sign3A_820 = arith.extui %sign3A_819 : i1 to i32
    %sign3A_821 = arith.constant 0 : i32
    %sign3A_822 = arith.cmpi slt, %mul3A_2, %sign3A_821 : i32
    %sign3A_823 = arith.extui %sign3A_822 : i1 to i32
    %sign3A_824 = arith.subi %sign3A_820, %sign3A_823 : i32
    %sign3A_825 = arith.constant 0 : i32
    %sign3A_826 = arith.cmpi sgt, %jit3A_816, %sign3A_825 : i32
    %sign3A_827 = arith.extui %sign3A_826 : i1 to i32
    %sign3A_828 = arith.constant 0 : i32
    %sign3A_829 = arith.cmpi slt, %jit3A_816, %sign3A_828 : i32
    %sign3A_830 = arith.extui %sign3A_829 : i1 to i32
    %sign3A_831 = arith.subi %sign3A_827, %sign3A_830 : i32
    %ne3A_832 = arith.cmpi ne, %sign3A_824, %sign3A_831 : i32
    %rem3A_833 = arith.remsi %mul3A_2, %jit3A_816 : i32
    %ne3A_834 = arith.constant 0 : i32
    %ne3A_835 = arith.cmpi ne, %rem3A_833, %ne3A_834 : i32
    %and3A_836 = arith.andi %ne3A_832, %ne3A_835 : i1
    %sub3A_837 = arith.constant 1 : i32
    %sub3A_838 = arith.subi %div3A_817, %sub3A_837 : i32
    %select_n3A_839 = arith.select %and3A_836, %sub3A_838, %div3A_817 : i32
    %jit3A_840 = arith.constant 2 : i32
    %eq3A_841 = arith.constant 0 : i32
    %eq3A_842 = arith.cmpi eq, %jit3A_840, %eq3A_841 : i32
    %jit3A_843 = arith.constant 1 : i32
    %select_n3A_844 = arith.select %eq3A_842, %jit3A_843, %jit3A_840 : i32
    %rem3A_845 = arith.remsi %mul3A_2, %select_n3A_844 : i32
    %ne3A_846 = arith.constant 0 : i32
    %ne3A_847 = arith.cmpi ne, %rem3A_845, %ne3A_846 : i32
    %lt3A_848 = arith.constant 0 : i32
    %lt3A_849 = arith.cmpi slt, %rem3A_845, %lt3A_848 : i32
    %lt3A_850 = arith.constant 0 : i32
    %lt3A_851 = arith.cmpi slt, %select_n3A_844, %lt3A_850 : i32
    %ne3A_852 = arith.xori %lt3A_849, %lt3A_851 : i1
    %and3A_853 = arith.andi %ne3A_852, %ne3A_847 : i1
    %add3A_854 = arith.addi %rem3A_845, %select_n3A_844 : i32
    %select_n3A_855 = arith.select %and3A_853, %add3A_854, %rem3A_845 : i32
    %mul3A_856 = arith.constant 1024 : i32
    %mul3A_857 = arith.muli %select_n3A_855, %mul3A_856 : i32
    %dma_wait3A_858 = arith.constant 0 : i32
    %dma_wait3A_859 = arith.constant 0 : i32
    %dma_wait3A_860 = tpu.memref_slice %arg3[%dma_wait3A_858, %dma_wait3A_859, %select_n3A_839, %mul3A_857] : memref<1x8x2048x2048xf32, #tpu.memory_space<hbm>> -> memref<1x8x1x1024xf32, #tpu.memory_space<hbm>>
    %dma_wait3A_861 = tpu.memref_squeeze %dma_wait3A_860 : memref<1x8x1x1024xf32, #tpu.memory_space<hbm>> -> memref<8x1024xf32, #tpu.memory_space<hbm>>
    %dma_wait3A_862 = arith.constant 0 : i32
    %dma_wait3A_863 = tpu.memref_slice %arg3[%dma_wait3A_858, %dma_wait3A_862, %select_n3A_839, %mul3A_857] : memref<1x8x2048x2048xf32, #tpu.memory_space<hbm>> -> memref<1x8x1x1024xf32, #tpu.memory_space<hbm>>
    %dma_wait3A_864 = tpu.memref_squeeze %dma_wait3A_863 : memref<1x8x1x1024xf32, #tpu.memory_space<hbm>> -> memref<8x1024xf32, #tpu.memory_space<hbm>>
    tpu.wait_dma2 semaphore(%arg16 : memref<!tpu.dma_semaphore, #tpu.memory_space<semaphore_mem>>) src(%arg8 : memref<8x1024xf32, #tpu.memory_space<vmem>>) dst(%dma_wait3A_864 : memref<8x1024xf32, #tpu.memory_space<hbm>>)
    %jit3A_865 = arith.constant 2 : i32
    %div3A_866 = arith.divsi %mul3A_2, %jit3A_865 : i32
    %sign3A_867 = arith.constant 0 : i32
    %sign3A_868 = arith.cmpi sgt, %mul3A_2, %sign3A_867 : i32
    %sign3A_869 = arith.extui %sign3A_868 : i1 to i32
    %sign3A_870 = arith.constant 0 : i32
    %sign3A_871 = arith.cmpi slt, %mul3A_2, %sign3A_870 : i32
    %sign3A_872 = arith.extui %sign3A_871 : i1 to i32
    %sign3A_873 = arith.subi %sign3A_869, %sign3A_872 : i32
    %sign3A_874 = arith.constant 0 : i32
    %sign3A_875 = arith.cmpi sgt, %jit3A_865, %sign3A_874 : i32
    %sign3A_876 = arith.extui %sign3A_875 : i1 to i32
    %sign3A_877 = arith.constant 0 : i32
    %sign3A_878 = arith.cmpi slt, %jit3A_865, %sign3A_877 : i32
    %sign3A_879 = arith.extui %sign3A_878 : i1 to i32
    %sign3A_880 = arith.subi %sign3A_876, %sign3A_879 : i32
    %ne3A_881 = arith.cmpi ne, %sign3A_873, %sign3A_880 : i32
    %rem3A_882 = arith.remsi %mul3A_2, %jit3A_865 : i32
    %ne3A_883 = arith.constant 0 : i32
    %ne3A_884 = arith.cmpi ne, %rem3A_882, %ne3A_883 : i32
    %and3A_885 = arith.andi %ne3A_881, %ne3A_884 : i1
    %sub3A_886 = arith.constant 1 : i32
    %sub3A_887 = arith.subi %div3A_866, %sub3A_886 : i32
    %select_n3A_888 = arith.select %and3A_885, %sub3A_887, %div3A_866 : i32
    %jit3A_889 = arith.constant 2 : i32
    %eq3A_890 = arith.constant 0 : i32
    %eq3A_891 = arith.cmpi eq, %jit3A_889, %eq3A_890 : i32
    %jit3A_892 = arith.constant 1 : i32
    %select_n3A_893 = arith.select %eq3A_891, %jit3A_892, %jit3A_889 : i32
    %rem3A_894 = arith.remsi %mul3A_2, %select_n3A_893 : i32
    %ne3A_895 = arith.constant 0 : i32
    %ne3A_896 = arith.cmpi ne, %rem3A_894, %ne3A_895 : i32
    %lt3A_897 = arith.constant 0 : i32
    %lt3A_898 = arith.cmpi slt, %rem3A_894, %lt3A_897 : i32
    %lt3A_899 = arith.constant 0 : i32
    %lt3A_900 = arith.cmpi slt, %select_n3A_893, %lt3A_899 : i32
    %ne3A_901 = arith.xori %lt3A_898, %lt3A_900 : i1
    %and3A_902 = arith.andi %ne3A_901, %ne3A_896 : i1
    %add3A_903 = arith.addi %rem3A_894, %select_n3A_893 : i32
    %select_n3A_904 = arith.select %and3A_902, %add3A_903, %rem3A_894 : i32
    %mul3A_905 = arith.constant 1024 : i32
    %mul3A_906 = arith.muli %select_n3A_904, %mul3A_905 : i32
    %dma_wait3A_907 = arith.constant 0 : i32
    %dma_wait3A_908 = arith.constant 0 : i32
    %dma_wait3A_909 = tpu.memref_slice %arg3[%dma_wait3A_907, %dma_wait3A_908, %select_n3A_888, %mul3A_906] : memref<1x8x2048x2048xf32, #tpu.memory_space<hbm>> -> memref<1x8x1x1024xf32, #tpu.memory_space<hbm>>
    %dma_wait3A_910 = tpu.memref_squeeze %dma_wait3A_909 : memref<1x8x1x1024xf32, #tpu.memory_space<hbm>> -> memref<8x1024xf32, #tpu.memory_space<hbm>>
    %dma_wait3A_911 = arith.constant 0 : i32
    %dma_wait3A_912 = tpu.memref_slice %arg3[%dma_wait3A_907, %dma_wait3A_911, %select_n3A_888, %mul3A_906] : memref<1x8x2048x2048xf32, #tpu.memory_space<hbm>> -> memref<1x8x1x1024xf32, #tpu.memory_space<hbm>>
    %dma_wait3A_913 = tpu.memref_squeeze %dma_wait3A_912 : memref<1x8x1x1024xf32, #tpu.memory_space<hbm>> -> memref<8x1024xf32, #tpu.memory_space<hbm>>
    tpu.wait_dma2 semaphore(%arg17 : memref<!tpu.dma_semaphore, #tpu.memory_space<semaphore_mem>>) src(%arg9 : memref<8x1024xf32, #tpu.memory_space<vmem>>) dst(%dma_wait3A_913 : memref<8x1024xf32, #tpu.memory_space<hbm>>)
    %jit3A_914 = arith.constant 2 : i32
    %div3A_915 = arith.divsi %mul3A_2, %jit3A_914 : i32
    %sign3A_916 = arith.constant 0 : i32
    %sign3A_917 = arith.cmpi sgt, %mul3A_2, %sign3A_916 : i32
    %sign3A_918 = arith.extui %sign3A_917 : i1 to i32
    %sign3A_919 = arith.constant 0 : i32
    %sign3A_920 = arith.cmpi slt, %mul3A_2, %sign3A_919 : i32
    %sign3A_921 = arith.extui %sign3A_920 : i1 to i32
    %sign3A_922 = arith.subi %sign3A_918, %sign3A_921 : i32
    %sign3A_923 = arith.constant 0 : i32
    %sign3A_924 = arith.cmpi sgt, %jit3A_914, %sign3A_923 : i32
    %sign3A_925 = arith.extui %sign3A_924 : i1 to i32
    %sign3A_926 = arith.constant 0 : i32
    %sign3A_927 = arith.cmpi slt, %jit3A_914, %sign3A_926 : i32
    %sign3A_928 = arith.extui %sign3A_927 : i1 to i32
    %sign3A_929 = arith.subi %sign3A_925, %sign3A_928 : i32
    %ne3A_930 = arith.cmpi ne, %sign3A_922, %sign3A_929 : i32
    %rem3A_931 = arith.remsi %mul3A_2, %jit3A_914 : i32
    %ne3A_932 = arith.constant 0 : i32
    %ne3A_933 = arith.cmpi ne, %rem3A_931, %ne3A_932 : i32
    %and3A_934 = arith.andi %ne3A_930, %ne3A_933 : i1
    %sub3A_935 = arith.constant 1 : i32
    %sub3A_936 = arith.subi %div3A_915, %sub3A_935 : i32
    %select_n3A_937 = arith.select %and3A_934, %sub3A_936, %div3A_915 : i32
    %jit3A_938 = arith.constant 2 : i32
    %eq3A_939 = arith.constant 0 : i32
    %eq3A_940 = arith.cmpi eq, %jit3A_938, %eq3A_939 : i32
    %jit3A_941 = arith.constant 1 : i32
    %select_n3A_942 = arith.select %eq3A_940, %jit3A_941, %jit3A_938 : i32
    %rem3A_943 = arith.remsi %mul3A_2, %select_n3A_942 : i32
    %ne3A_944 = arith.constant 0 : i32
    %ne3A_945 = arith.cmpi ne, %rem3A_943, %ne3A_944 : i32
    %lt3A_946 = arith.constant 0 : i32
    %lt3A_947 = arith.cmpi slt, %rem3A_943, %lt3A_946 : i32
    %lt3A_948 = arith.constant 0 : i32
    %lt3A_949 = arith.cmpi slt, %select_n3A_942, %lt3A_948 : i32
    %ne3A_950 = arith.xori %lt3A_947, %lt3A_949 : i1
    %and3A_951 = arith.andi %ne3A_950, %ne3A_945 : i1
    %add3A_952 = arith.addi %rem3A_943, %select_n3A_942 : i32
    %select_n3A_953 = arith.select %and3A_951, %add3A_952, %rem3A_943 : i32
    %mul3A_954 = arith.constant 1024 : i32
    %mul3A_955 = arith.muli %select_n3A_953, %mul3A_954 : i32
    %dma_wait3A_956 = arith.constant 0 : i32
    %dma_wait3A_957 = arith.constant 0 : i32
    %dma_wait3A_958 = tpu.memref_slice %arg3[%dma_wait3A_956, %dma_wait3A_957, %select_n3A_937, %mul3A_955] : memref<1x8x2048x2048xf32, #tpu.memory_space<hbm>> -> memref<1x8x1x1024xf32, #tpu.memory_space<hbm>>
    %dma_wait3A_959 = tpu.memref_squeeze %dma_wait3A_958 : memref<1x8x1x1024xf32, #tpu.memory_space<hbm>> -> memref<8x1024xf32, #tpu.memory_space<hbm>>
    %dma_wait3A_960 = arith.constant 0 : i32
    %dma_wait3A_961 = tpu.memref_slice %arg3[%dma_wait3A_956, %dma_wait3A_960, %select_n3A_937, %mul3A_955] : memref<1x8x2048x2048xf32, #tpu.memory_space<hbm>> -> memref<1x8x1x1024xf32, #tpu.memory_space<hbm>>
    %dma_wait3A_962 = tpu.memref_squeeze %dma_wait3A_961 : memref<1x8x1x1024xf32, #tpu.memory_space<hbm>> -> memref<8x1024xf32, #tpu.memory_space<hbm>>
    tpu.wait_dma2 semaphore(%arg18 : memref<!tpu.dma_semaphore, #tpu.memory_space<semaphore_mem>>) src(%arg10 : memref<8x1024xf32, #tpu.memory_space<vmem>>) dst(%dma_wait3A_962 : memref<8x1024xf32, #tpu.memory_space<hbm>>)
    %jit3A_963 = arith.constant 2 : i32
    %div3A_964 = arith.divsi %mul3A_2, %jit3A_963 : i32
    %sign3A_965 = arith.constant 0 : i32
    %sign3A_966 = arith.cmpi sgt, %mul3A_2, %sign3A_965 : i32
    %sign3A_967 = arith.extui %sign3A_966 : i1 to i32
    %sign3A_968 = arith.constant 0 : i32
    %sign3A_969 = arith.cmpi slt, %mul3A_2, %sign3A_968 : i32
    %sign3A_970 = arith.extui %sign3A_969 : i1 to i32
    %sign3A_971 = arith.subi %sign3A_967, %sign3A_970 : i32
    %sign3A_972 = arith.constant 0 : i32
    %sign3A_973 = arith.cmpi sgt, %jit3A_963, %sign3A_972 : i32
    %sign3A_974 = arith.extui %sign3A_973 : i1 to i32
    %sign3A_975 = arith.constant 0 : i32
    %sign3A_976 = arith.cmpi slt, %jit3A_963, %sign3A_975 : i32
    %sign3A_977 = arith.extui %sign3A_976 : i1 to i32
    %sign3A_978 = arith.subi %sign3A_974, %sign3A_977 : i32
    %ne3A_979 = arith.cmpi ne, %sign3A_971, %sign3A_978 : i32
    %rem3A_980 = arith.remsi %mul3A_2, %jit3A_963 : i32
    %ne3A_981 = arith.constant 0 : i32
    %ne3A_982 = arith.cmpi ne, %rem3A_980, %ne3A_981 : i32
    %and3A_983 = arith.andi %ne3A_979, %ne3A_982 : i1
    %sub3A_984 = arith.constant 1 : i32
    %sub3A_985 = arith.subi %div3A_964, %sub3A_984 : i32
    %select_n3A_986 = arith.select %and3A_983, %sub3A_985, %div3A_964 : i32
    %jit3A_987 = arith.constant 2 : i32
    %eq3A_988 = arith.constant 0 : i32
    %eq3A_989 = arith.cmpi eq, %jit3A_987, %eq3A_988 : i32
    %jit3A_990 = arith.constant 1 : i32
    %select_n3A_991 = arith.select %eq3A_989, %jit3A_990, %jit3A_987 : i32
    %rem3A_992 = arith.remsi %mul3A_2, %select_n3A_991 : i32
    %ne3A_993 = arith.constant 0 : i32
    %ne3A_994 = arith.cmpi ne, %rem3A_992, %ne3A_993 : i32
    %lt3A_995 = arith.constant 0 : i32
    %lt3A_996 = arith.cmpi slt, %rem3A_992, %lt3A_995 : i32
    %lt3A_997 = arith.constant 0 : i32
    %lt3A_998 = arith.cmpi slt, %select_n3A_991, %lt3A_997 : i32
    %ne3A_999 = arith.xori %lt3A_996, %lt3A_998 : i1
    %and3A_1000 = arith.andi %ne3A_999, %ne3A_994 : i1
    %add3A_1001 = arith.addi %rem3A_992, %select_n3A_991 : i32
    %select_n3A_1002 = arith.select %and3A_1000, %add3A_1001, %rem3A_992 : i32
    %mul3A_1003 = arith.constant 1024 : i32
    %mul3A_1004 = arith.muli %select_n3A_1002, %mul3A_1003 : i32
    %dma_wait3A_1005 = arith.constant 0 : i32
    %dma_wait3A_1006 = arith.constant 0 : i32
    %dma_wait3A_1007 = tpu.memref_slice %arg3[%dma_wait3A_1005, %dma_wait3A_1006, %select_n3A_986, %mul3A_1004] : memref<1x8x2048x2048xf32, #tpu.memory_space<hbm>> -> memref<1x8x1x1024xf32, #tpu.memory_space<hbm>>
    %dma_wait3A_1008 = tpu.memref_squeeze %dma_wait3A_1007 : memref<1x8x1x1024xf32, #tpu.memory_space<hbm>> -> memref<8x1024xf32, #tpu.memory_space<hbm>>
    %dma_wait3A_1009 = arith.constant 0 : i32
    %dma_wait3A_1010 = tpu.memref_slice %arg3[%dma_wait3A_1005, %dma_wait3A_1009, %select_n3A_986, %mul3A_1004] : memref<1x8x2048x2048xf32, #tpu.memory_space<hbm>> -> memref<1x8x1x1024xf32, #tpu.memory_space<hbm>>
    %dma_wait3A_1011 = tpu.memref_squeeze %dma_wait3A_1010 : memref<1x8x1x1024xf32, #tpu.memory_space<hbm>> -> memref<8x1024xf32, #tpu.memory_space<hbm>>
    tpu.wait_dma2 semaphore(%arg19 : memref<!tpu.dma_semaphore, #tpu.memory_space<semaphore_mem>>) src(%arg11 : memref<8x1024xf32, #tpu.memory_space<vmem>>) dst(%dma_wait3A_1011 : memref<8x1024xf32, #tpu.memory_space<hbm>>)
    return
  }
}

</mosaic_0001>

<sc_bundles>
// kernel: kernel.3.cloned.1.call-start
scs
__scs_entry_jumppad:
0x0: {  	(pc) =	sbr.rel $0x88, $3  }
0x1: {  	(tag) =	ssettag $0x0;
	lr =	simm.s32 $0x1  }
0x2: {  	[smem:$0x3FA0] =	sst lr;
	_ =	strace $0xD0000000  }
0x3: {  	_ = 	snop  }
0x4: {  	_ = 	snop  }
0x5: {  	_ = 	snop  }
0x6: {  	_ = 	snop  }
0x7: {  	_ = 	snop  }
__scs_overlays_trampoline_lowered:
0x8: {  	[smem:$0x3FAF] =	sst s0  }
0x9: {  	[smem:$0x3FB0] =	sst s1  }
0xa: {  	[smem:$0x3FB1] =	sst s2  }
0xb: {  	[smem:$0x3FB2] =	sst s3  }
0xc: {  	[smem:$0x3FB3] =	sst s4  }
0xd: {  	[smem:$0x3FB4] =	sst s5  }
0xe: {  	[smem:$0x3FB5] =	sst s6  }
0xf: {  	[smem:$0x3FB6] =	sst s7  }
0x10: {  	[smem:$0x3FB7] =	sst s8  }
0x11: {  	[smem:$0x3FB8] =	sst s9;
	s0 =	simm.s32 @!p0 $0x0  }
0x12: {  	s1 =	sld [smem:$0x3F9E];
	s0 =	simm.s32 @p0 $0x1  }
0x13: {  	[smem:$0x3FB9] =	sst s0;
	s0 =	simm.s32 @!p1 $0x0  }
0x14: {  	s2 =	sld [smem:$0x3F9D];
	s0 =	simm.s32 @p1 $0x1  }
0x15: {  	[smem:$0x3FBA] =	sst s0;
	s0 =	simm.s32 @!p2 $0x0  }
0x16: {  	s3 =	sld [smem:$0x3FDB];
	s0 =	simm.s32 @p2 $0x1  }
0x17: {  	s4 =	simm.s32 $0x1BF5;
	[smem:$0x3FBC] =	sst s0  }
0x18: {  	s0 =	sld [smem:$0x3F9F];
	_ =	swait.ge [sflag:s4], $0x0  }
0x19: {  	s7 =	sld [smem:$0x3FA0]  }
0x1a: {  	s8 =	sadd.s32 $0xFFFFE003, lr  }
0x1b: {  	s9 =	sadd.s32 $0xFFFFFEF7, lr;
	s5 =	simm.s32 $0xFFFFFFFF;
	p2 =	slt.u32 s8, $0xFFFFF086  }
0x1c: {  	p1 =	slt.u32 s9, $0xF7A;
	s5 =	simm.s32 @!p2 $0x0  }
0x1d: {  	s5 =	simm.s32 @p1 $0x1;
	p0 =	seq.s32 s7, s2  }
0x1e: {  	s7 =	smul.u32 @!p0 $0xF7A, s2;
	p2 =	seq.s32 @!p0 s5, $0x0  }
0x1f: {  	s9 =	smul.u32 $0xF7A, s1;
	s8 =	simm.s32 @!p0 $0x1BF5;
	p2 =	por !p2, p0  }
0x20: {  	[sflag:s8] =	ssyncset.s32 @!p0 $0xFFFFF086;
	s6 =	sadd.s32 @!p0 s3, s7;
	s7 =	simm.s32 @!p0 $0x108  }
0x21: {  	s3 =	sadd.s32 s3, s9;
	s6 =	sadd.s32 @!p0 $0x88, s6;
	s7 =	simm.s32 @p2 $0x1082  }
0x22: {  	[simem:s7], [sflag:s8] =	dma.local @!p0 [hbm:s6], $0xF7A  }
0x23: {  	s9 =	sor.u32 $0xD0000000, s2;
	s6 =	simm.s32 $0x108;
	_ =	swait.ge @!p0 [sflag:s8], $0x0  }
0x24: {  	s3 =	sadd.s32 $0x88, s3;
	s6 =	simm.s32 @!p1 $0x1082;
	[sflag:s4] =	ssyncset.s32 $0xFFFFF086  }
0x25: {  	[simem:s6], [sflag:s4] =	dma.local [hbm:s3], $0xF7A  }
0x26: {  	[smem:$0x3FA0] =	sst s1;
	(tag) =	ssettag s2;
	_ =	strace s9  }
0x27: {  	s1 =	sld [smem:$0x3FB0]  }
0x28: {  	s2 =	sld [smem:$0x3FB1]  }
0x29: {  	s4 =	sld [smem:$0x3FB3]  }
0x2a: {  	p0 =	seq.s32 s5, $0x0;
	s5 =	sld [smem:$0x3FB4]  }
0x2b: {  	s6 =	sld [smem:$0x3FB5]  }
0x2c: {  	s7 =	sld [smem:$0x3FB6]  }
0x2d: {  	s3 =	simm.s32 $0x108;
	s8 =	sld [smem:$0x3FB7]  }
0x2e: {  	s3 =	simm.s32 @!p0 $0x1082;
	s9 =	sld [smem:$0x3FB8]  }
0x2f: {  	lr =	sadd.s32 s0, s3;
	s0 =	sld [smem:$0x3FAF]  }
0x30: {  	s3 =	sld [smem:$0x3FB2]  }
0x31: {  	[smem:$0x3FBB] =	sst s10  }
0x32: {  	s10 =	sld [smem:$0x3FB9];
	_ =	sdelay $0x3  }
0x33: {  	p0 =	seq.s32 s10, $0x1;
	s10 =	sld [smem:$0x3FBB];
	_ =	sdelay $0x3  }
0x34: {  	[smem:$0x3FBB] =	sst s10  }
0x35: {  	s10 =	sld [smem:$0x3FBA];
	_ =	sdelay $0x3  }
0x36: {  	p1 =	seq.s32 s10, $0x1;
	s10 =	sld [smem:$0x3FBB];
	_ =	sdelay $0x3  }
0x37: {  	[smem:$0x3FBB] =	sst s10  }
0x38: {  	s10 =	sld [smem:$0x3FBC]  }
0x39: {  	_ = 	snop;
	(pc) =	sbr.ind lr, $3  }
0x3a: {  	_ = 	snop  }
0x3b: {  	_ = 	snop  }
0x3c: {  	p2 =	seq.s32 s10, $0x1;
	s10 =	sld [smem:$0x3FBB]  }
0x3d: {  	_ =	shalt  }
0x3e: {  	_ =	shalt  }
0x3f: {  	_ =	shalt  }
0x40: {  	_ =	shalt  }
0x41: {  	_ =	shalt  }
0x42: {  	_ =	shalt  }
0x43: {  	_ =	shalt  }
0x44: {  	_ =	shalt  }
0x45: {  	_ =	shalt  }
0x46: {  	_ =	shalt  }
0x47: {  	_ =	shalt  }
0x48: {  	_ =	shalt  }
0x49: {  	_ =	shalt  }
0x4a: {  	_ =	shalt  }
0x4b: {  	_ =	shalt  }
0x4c: {  	_ =	shalt  }
0x4d: {  	_ =	shalt  }
0x4e: {  	_ =	shalt  }
0x4f: {  	_ =	shalt  }
0x50: {  	_ =	shalt  }
0x51: {  	_ =	shalt  }
0x52: {  	_ =	shalt  }
0x53: {  	_ =	shalt  }
0x54: {  	_ =	shalt  }
0x55: {  	_ =	shalt  }
0x56: {  	_ =	shalt  }
0x57: {  	_ =	shalt  }
0x58: {  	_ =	shalt  }
0x59: {  	_ =	shalt  }
0x5a: {  	_ =	shalt  }
0x5b: {  	_ =	shalt  }
0x5c: {  	_ =	shalt  }
0x5d: {  	_ =	shalt  }
0x5e: {  	_ =	shalt  }
0x5f: {  	_ =	shalt  }
0x60: {  	_ =	shalt  }
0x61: {  	_ =	shalt  }
0x62: {  	_ =	shalt  }
0x63: {  	_ =	shalt  }
0x64: {  	_ =	shalt  }
0x65: {  	_ =	shalt  }
0x66: {  	_ =	shalt  }
0x67: {  	_ =	shalt  }
0x68: {  	_ =	shalt  }
0x69: {  	_ =	shalt  }
0x6a: {  	_ =	shalt  }
0x6b: {  	_ =	shalt  }
0x6c: {  	_ =	shalt  }
0x6d: {  	_ =	shalt  }
0x6e: {  	_ =	shalt  }
0x6f: {  	_ =	shalt  }
0x70: {  	_ =	shalt  }
0x71: {  	_ =	shalt  }
0x72: {  	_ =	shalt  }
0x73: {  	_ =	shalt  }
0x74: {  	_ =	shalt  }
0x75: {  	_ =	shalt  }
0x76: {  	_ =	shalt  }
0x77: {  	_ =	shalt  }
0x78: {  	_ =	shalt  }
0x79: {  	_ =	shalt  }
0x7a: {  	_ =	shalt  }
0x7b: {  	_ =	shalt  }
0x7c: {  	_ =	shalt  }
0x7d: {  	_ =	shalt  }
0x7e: {  	_ =	shalt  }
0x7f: {  	_ =	shalt  }
0x80: {  	_ =	shalt  }
0x81: {  	_ =	shalt  }
0x82: {  	_ =	shalt  }
0x83: {  	_ =	shalt  }
0x84: {  	_ =	shalt  }
0x85: {  	_ =	shalt  }
0x86: {  	_ =	shalt  }
0x87: {  	_ =	shalt  }
.Lfunc_end0:
.L_simem_size_0:
called_computation_lowered:
.L_overlay_start_0:
0x88: {  	s2 =	sld [smem:$0x3FD9]  }
0x89: {  	s3 =	sld [smem:$0x3FFE];
	_ =	sdelay $0x1  }
0x8a: {  	s1 =	srdreg.scid  }
0x8b: {  	s0 =	sand.u32 $0x1, s1  }
0x8c: {  	s18 =	sshll.u32 s0, $0xA;
	s2 =	sadd.s32 s3, s2  }
0x8d: {  	s2 =	sadd.s32 s2, s18  }
0x8e: {  	[smem:$0x3FC7] =	sst s2  }
0x8f: {  	_ = 	snop  }
0x90: {  	s2 =	sld [smem:$0x3FC9]  }
0x91: {  	s19 =	sld [smem:$0x3FD0];
	(tm) =	ssettm $0x1  }
0x92: {  	s4 =	sld [smem:$0x3FFB];
	_ =	sdelay $0x3  }
0x93: {  	_ =	strace s4  }
0x94: {  	s4 =	sld [smem:$0x3FFC];
	_ =	sdelay $0x3  }
0x95: {  	_ =	strace s4  }
0x96: {  	s4 =	sld [smem:$0x3FFD];
	_ =	sdelay $0x3  }
0x97: {  	_ =	strace s4  }
0x98: {  	_ =	strace $0x8FFFFFFF  }
0x99: {  	s20 =	sld [smem:$0x3FDB];
	_ =	sdelay $0x1  }
0x9a: {  	s5 =	simm.s32 $_scs_section_size  }
0x9b: {  	s6 =	simm.s32 $_size__tile_overlayer_lowered;
	s7 =	simm.s32 $_tile_overlayer_lowered  }
0x9c: {  	s23 =	simm.s32 $0x1BFF;
	s22 =	sshll.u32 s7, $0x1;
	s4 =	sadd.s32 s5, s20  }
0x9d: {  	s8 =	simm.s32 $0x0;
	s21 =	sshll.u32 s6, $0x1;
	s6 =	sadd.s32 s22, s4  }
0x9e: {  	[timem:s8], [sflag:s23] =	dma.local [hbm:s6], s21  }
0x9f: {  	_ =	swait.ge [sflag:s23], s21  }
0xa0: {  	s5 =	ssub.s32 $0x0, s21;
	[sflag:s23] =	ssyncset.done $0x0  }
0xa1: {  	[sflag:s23] =	ssyncadd.s32 s5;
	_ =	sdelay $0x1  }
0xa2: {  	s24 =	simm.s32 $0x1B8B  }
0xa3: {  	_ =	swait.ge [sflag:s24], $0x1  }
0xa4: {  	[sflag:s24] =	ssyncset.done $0x0  }
0xa5: {  	s25 =	simm.s32 $0x1B8E;
	[sflag:s24] =	ssyncadd.s32 $0xFFFFFFFF  }
0xa6: {  	s26 =	simm.s32 $execute0_lowered;
	[smem:$0x3FD2] =	sst s25  }
0xa7: {  	s5 =	sshll.u32 s26, $0x1;
	_ =	strace $0x80000046;
	[dreg:$0x1] =	wrdreg $0xFFFFFFFF  }
0xa8: {  	s28 =	simm.s32 $_size_execute0_lowered;
	s4 =	sadd.s32 s4, s5;
	[dreg:$0x0] =	wrdreg $0x0  }
0xa9: {  	s5 =	sshll.u32 s28, $0x1;
	[dreg:$0x2] =	wrdreg s4  }
0xaa: {  	[dreg:$0x3] =	wrdreg s5  }
0xab: {  	[dreg:$0x4] =	wrdreg $0xC0  }
0xac: {  	_ =	task [dreg:s8], $0x5FFFF  }
0xad: {  	[dreg:$0x1] =	wrdreg $0xFFFFFFFF  }
0xae: {  	[dreg:$0x0] =	wrdreg $0x60  }
0xaf: {  	[dreg:$0x2] =	wrdreg s2  }
0xb0: {  	[dreg:$0x3] =	wrdreg s19  }
0xb1: {  	[dreg:$0x4] =	wrdreg $0x9  }
0xb2: {  	_ =	task.clear_ibuf [dreg:s8], $0x5FFFF;
	_ =	strace $0x90000046  }
0xb3: {  	s29 =	simm.s32 $0x9;
	_ =	strace $0x80000048  }
0xb4: {  	_ =	swait.ge [sflag:s29], $0x1  }
0xb5: {  	[sflag:s29] =	ssyncadd.s32 $0xFFFFFFFF  }
0xb6: {  	_ =	strace $0x90000048  }
0xb7: {  	_ =	sfence  }
0xb8: {  	s30 =	sld [smem:$0x0];
	_ =	sdelay $0x2  }
0xb9: {  	s31 =	sshll.u32 s1, $0xD;
	s1 =	sshrl.u32 s1, $0x2  }
0xba: {  	s3 =	sand.u32 $0x4000, s31;
	s1 =	sadd.s32 s1, s30  }
0xbb: {  	s0 =	sor.u32 s3, s0;
	s1 =	sshll.u32 s1, $0x11  }
0xbc: {  	s0 =	sor.u32 s1, s0  }
0xbd: {  	s0 =	sadd.s32 $0x8F2B, s0  }
0xbe: {  	[sflag:s0] =	ssyncadd.remote.s32 $0x1  }
0xbf: {  	_ =	sfence.sel $0xFFFF  }
0xc0: {  	[dreg:$0x0] =	wrdreg $0xFFFFFFFF;
	(pc) =	sbr.abs _section_cstart, $3  }
0xc1: {  	[dreg:$0x1] =	wrdreg $0xFFFFFFFF  }
0xc2: {  	_ =	task.clear_ibuf [dreg:s8], $0x2FFFF;
	_ =	strace $0x9FFFFFFF  }
0xc3: {  	(tm) =	ssettm $0x7FFFFFFF  }
tec
execute0_lowered:
.L_overlay_start_1:
0x0: {  	(tag) =	ssettag $0x1  }
0x1: {  	s24 =	rddreg [dreg:$0x0];
	s0 =	srdreg.scid  }
0x2: {  	s23 =	rddreg [dreg:$0x1];
	s1 =	stileid.u32;
	s0 =	sand.u32 $0x1, s0  }
0x3: {  	s3 =	simm.s32 $0x0;
	s1 =	sshll.u32 s1, $0x8;
	s2 =	sshll.u32 s0, $0x7  }
0x4: {  	[smem:$0x7FF] =	sst s3;
	s0 =	ssub.s32 $0x2, s0;
	s2 =	sor.u32 s2, s1  }
0x5: {  	s17 =	sshrl.u32 s0, $0x1;
	[dreg:$0x3] =	wrdreg s2;
	s2 =	sshll.u32 s2, $0x7  }
0x6: {  	s0 =	ssub.s32 s0, s17;
	s5 =	sadd.s32 s24, s2;
	s18 =	sor.u32 $0x400, s2  }
0x7: {  	s19 =	sor.u32 $0x10, s2;
	s4 =	sor.u32 $0x410, s2;
	s2 =	sadd.s32 s23, s2  }
0x8: {  	_ =	strace $0x80000047;
	s0 =	smax.u32 s0, $0x1;
	[dreg:$0x8] =	wrdreg s2  }
0x9: {  	[dreg:$0x10] =	wrdreg s0  }
0xa: {  	s20 =	sadd.s32 $0x20, s5;
	[dreg:$0x4] =	wrdreg s5  }
0xb: {  	s1 =	sadd.s32 s23, s18;
	[dreg:$0x9] =	wrdreg s20  }
0xc: {  	s21 =	sadd.s32 $0x420, s5;
	[dreg:$0xa] =	wrdreg s1  }
0xd: {  	s22 =	sadd.s32 s23, s19;
	[dreg:$0xb] =	wrdreg s21  }
0xe: {  	s25 =	sadd.s32 $0x30, s5;
	[dreg:$0xc] =	wrdreg s22  }
0xf: {  	s26 =	sadd.s32 s23, s4;
	[dreg:$0xd] =	wrdreg s25  }
0x10: {  	s29 =	sadd.s32 $0x430, s5;
	[dreg:$0xe] =	wrdreg s26  }
0x11: {  	s2 =	sadd.s32 $0x80, s5;
	[dreg:$0xf] =	wrdreg s29  }
0x12: {  	s3 =	sadd.s32 $0x100, s5;
	[dreg:$0x11] =	wrdreg s2  }
0x13: {  	s8 =	sadd.s32 s24, s4;
	s4 =	sadd.s32 $0x200, s5;
	[dreg:$0x12] =	wrdreg s3  }
0x14: {  	s9 =	sadd.s32 $0x300, s5;
	[dreg:$0x13] =	wrdreg s4  }
0x15: {  	s10 =	sadd.s32 $0x380, s5;
	[dreg:$0x14] =	wrdreg s9  }
0x16: {  	s11 =	sadd.s32 $0x400000, s5;
	[dreg:$0x15] =	wrdreg s10  }
0x17: {  	s12 =	sadd.s32 $0x400080, s5;
	[dreg:$0x16] =	wrdreg s11  }
0x18: {  	s13 =	sadd.s32 $0x180, s5;
	[dreg:$0x17] =	wrdreg s12  }
0x19: {  	s14 =	sadd.s32 $0x400100, s5;
	[dreg:$0x18] =	wrdreg s13  }
0x1a: {  	s15 =	sadd.s32 $0x400180, s5;
	[dreg:$0x19] =	wrdreg s14  }
0x1b: {  	s16 =	sadd.s32 $0x280, s5;
	[dreg:$0x1a] =	wrdreg s15  }
0x1c: {  	s17 =	sadd.s32 $0x400200, s5;
	[dreg:$0x1b] =	wrdreg s16  }
0x1d: {  	s6 =	sadd.s32 s24, s18;
	[dreg:$0x1c] =	wrdreg s17  }
0x1e: {  	s7 =	sadd.s32 s24, s19;
	[dreg:$0x5] =	wrdreg s6  }
0x1f: {  	[dreg:$0x6] =	wrdreg s7  }
0x20: {  	s20 =	sadd.s32 $0x400280, s5;
	[dreg:$0x7] =	wrdreg s8  }
0x21: {  	s21 =	sadd.s32 $0x400300, s5;
	[dreg:$0x1d] =	wrdreg s20  }
0x22: {  	s22 =	sadd.s32 $0x400380, s5;
	[dreg:$0x1e] =	wrdreg s21  }
0x23: {  	s25 =	sadd.s32 $0x80, s6;
	[dreg:$0x1f] =	wrdreg s22  }
0x24: {  	s26 =	sadd.s32 $0x100, s6;
	[smem:$0x7D1] =	sst s25  }
0x25: {  	s29 =	sadd.s32 $0x200, s6;
	[smem:$0x7D2] =	sst s26  }
0x26: {  	s1 =	sadd.s32 $0x300, s6;
	[smem:$0x7D3] =	sst s29  }
0x27: {  	s2 =	sadd.s32 $0x380, s6;
	[smem:$0x7D4] =	sst s1  }
0x28: {  	s3 =	sadd.s32 $0x400000, s6;
	[smem:$0x7D5] =	sst s2  }
0x29: {  	s4 =	sadd.s32 $0x400080, s6;
	[smem:$0x7D6] =	sst s3  }
0x2a: {  	s5 =	sadd.s32 $0x180, s6;
	[smem:$0x7D7] =	sst s4  }
0x2b: {  	s9 =	sadd.s32 $0x400100, s6;
	[smem:$0x7D8] =	sst s5  }
0x2c: {  	s10 =	sadd.s32 $0x400180, s6;
	[smem:$0x7D9] =	sst s9  }
0x2d: {  	s11 =	sadd.s32 $0x280, s6;
	[smem:$0x7DA] =	sst s10  }
0x2e: {  	s12 =	sadd.s32 $0x400200, s6;
	[smem:$0x7DB] =	sst s11  }
0x2f: {  	s13 =	sadd.s32 $0x400280, s6;
	[smem:$0x7DC] =	sst s12  }
0x30: {  	s14 =	sadd.s32 $0x400300, s6;
	[smem:$0x7DD] =	sst s13  }
0x31: {  	s15 =	sadd.s32 $0x400380, s6;
	[smem:$0x7DE] =	sst s14  }
0x32: {  	s16 =	sadd.s32 $0x80, s7;
	[smem:$0x7DF] =	sst s15  }
0x33: {  	s17 =	sadd.s32 $0x100, s7;
	[smem:$0x7E0] =	sst s16  }
0x34: {  	s6 =	sadd.s32 $0x400300, s7;
	[smem:$0x7E1] =	sst s17  }
0x35: {  	s20 =	sadd.s32 $0x200, s7;
	[smem:$0x7ED] =	sst s6  }
0x36: {  	s21 =	sadd.s32 $0x300, s7;
	[smem:$0x7E2] =	sst s20  }
0x37: {  	s22 =	sadd.s32 $0x380, s7;
	[smem:$0x7E3] =	sst s21  }
0x38: {  	s25 =	sadd.s32 $0x400000, s7;
	[smem:$0x7E4] =	sst s22  }
0x39: {  	s26 =	sadd.s32 $0x400080, s7;
	[smem:$0x7E5] =	sst s25  }
0x3a: {  	s29 =	sadd.s32 $0x180, s7;
	[smem:$0x7E6] =	sst s26  }
0x3b: {  	s1 =	sadd.s32 $0x400100, s7;
	[smem:$0x7E7] =	sst s29  }
0x3c: {  	s2 =	sadd.s32 $0x400180, s7;
	[smem:$0x7E8] =	sst s1  }
0x3d: {  	s3 =	sadd.s32 $0x280, s7;
	[smem:$0x7E9] =	sst s2  }
0x3e: {  	s4 =	sadd.s32 $0x400200, s7;
	[smem:$0x7EA] =	sst s3  }
0x3f: {  	s5 =	sadd.s32 $0x400280, s7;
	[smem:$0x7EB] =	sst s4  }
0x40: {  	s7 =	sadd.s32 $0x400380, s7;
	[smem:$0x7EC] =	sst s5  }
0x41: {  	s9 =	sadd.s32 $0x80, s8;
	[smem:$0x7EE] =	sst s7  }
0x42: {  	s10 =	sadd.s32 $0x100, s8;
	[smem:$0x7EF] =	sst s9  }
0x43: {  	s11 =	sadd.s32 $0x200, s8;
	[smem:$0x7F0] =	sst s10  }
0x44: {  	s12 =	sadd.s32 $0x300, s8;
	[smem:$0x7F1] =	sst s11  }
0x45: {  	s13 =	sadd.s32 $0x380, s8;
	[smem:$0x7F2] =	sst s12  }
0x46: {  	s14 =	sadd.s32 $0x400000, s8;
	[smem:$0x7F3] =	sst s13  }
0x47: {  	s15 =	sadd.s32 $0x400080, s8;
	[smem:$0x7F4] =	sst s14  }
0x48: {  	s16 =	sadd.s32 $0x180, s8;
	[smem:$0x7F5] =	sst s15  }
0x49: {  	s17 =	sadd.s32 $0x400100, s8;
	[smem:$0x7F6] =	sst s16  }
0x4a: {  	s30 =	simm.s32 $0x80;
	[smem:$0x7F7] =	sst s17;
	s20 =	sadd.s32 $0x400180, s8  }
0x4b: {  	s31 =	simm.s32 $0x400000;
	s21 =	sadd.s32 $0x280, s8;
	[smem:$0x7F8] =	sst s20  }
.Ltmp0:
0x4c: {  	s22 =	sadd.s32 $0x400200, s8;
	[smem:$0x7F9] =	sst s21;
	(pc) =	sbr.rel .LBB2_1-.Ltmp0, $4  }
0x4d: {  	s28 =	simm.s32 $0x8;
	s25 =	sadd.s32 $0x400280, s8;
	[smem:$0x7FA] =	sst s22  }
0x4e: {  	s18 =	sadd.s32 $0x400, s23;
	s26 =	sadd.s32 $0x400300, s8;
	[smem:$0x7FB] =	sst s25  }
0x4f: {  	s19 =	sadd.s32 $0x400, s24;
	s29 =	sadd.s32 $0x400380, s8;
	[smem:$0x7FC] =	sst s26  }
0x50: {  	s1 =	simm.s32 $0x0;
	[smem:$0x7FD] =	sst s29;
	s26 =	simm.s32 $0x7  }
.LBB2_20:
0x51: {  	s0 =	simm.s32 $0x5  }
0x52: {  	_ =	swait.ge [sflag:s0], $0x2000  }
0x53: {  	[sflag:s0] =	ssyncset.done $0x0  }
0x54: {  	s25 =	simm.s32 $0x6;
	[sflag:s0] =	ssyncadd.s32 $0xFFFFE000  }
0x55: {  	_ =	swait.ge [sflag:s25], $0x2000  }
0x56: {  	[sflag:s25] =	ssyncset.done $0x0  }
0x57: {  	[sflag:s25] =	ssyncadd.s32 $0xFFFFE000  }
0x58: {  	_ =	swait.ge [sflag:s26], $0x2000  }
0x59: {  	[sflag:s26] =	ssyncset.done $0x0  }
0x5a: {  	[sflag:s26] =	ssyncadd.s32 $0xFFFFE000  }
0x5b: {  	_ =	swait.ge [sflag:s28], $0x2000  }
0x5c: {  	s1 =	sld [smem:$0x7D0];
	_ =	sdelay $0x2  }
0x5d: {  	s29 =	rddreg [dreg:$0x10];
	s1 =	sadd.s32 $0x1, s1  }
0x5e: {  	p0 =	sne.s32 s1, s29  }
.Ltmp1:
0x5f: {  	_ = 	snop;
	(pc) =	sbr.rel @!p0 .LBB2_21-.Ltmp1, $3  }
0x60: {  	_ =	sdelay $0x1  }
0x61: {  	[sflag:s28] =	ssyncset.done $0x0  }
0x62: {  	[sflag:s28] =	ssyncadd.s32 $0xFFFFE000  }
.LBB2_1:
0x63: {  	[smem:$0x7D0] =	sst s1  }
0x64: {  	s0 =	rddreg [dreg:$0x4]  }
0x65: {  	s1 =	simm.s32 $0x0;
	s12 =	rddreg [dreg:$0x11]  }
0x66: {  	[tilespmem:s1], [sflag:$0x1] =	stream.strided.gather [hbm4b:s0+s30], $0x400, s31, s30, $0x38;
	[tilespmem:$0x18000] =	vst v63  }
0x67: {  	s2 =	simm.s32 $0x400;
	s13 =	rddreg [dreg:$0x12]  }
0x68: {  	[tilespmem:s2], [sflag:$0x1] =	stream.strided.gather [hbm4b:s12+s30], $0x400, s31, s30, $0x38;
	[tilespmem:$0x18000] =	vst v63  }
0x69: {  	s14 =	simm.s32 $0x800;
	s15 =	rddreg [dreg:$0x18]  }
0x6a: {  	[tilespmem:s14], [sflag:$0x1] =	stream.strided.gather [hbm4b:s13+s30], $0x400, s31, s30, $0x38;
	[tilespmem:$0x18000] =	vst v63  }
0x6b: {  	s16 =	simm.s32 $0xC00;
	s17 =	rddreg [dreg:$0x13]  }
0x6c: {  	[tilespmem:s16], [sflag:$0x1] =	stream.strided.gather [hbm4b:s15+s30], $0x400, s31, s30, $0x38;
	[tilespmem:$0x18000] =	vst v63  }
0x6d: {  	s20 =	simm.s32 $0x1000;
	s21 =	rddreg [dreg:$0x1b]  }
0x6e: {  	[tilespmem:s20], [sflag:$0x1] =	stream.strided.gather [hbm4b:s17+s30], $0x400, s31, s30, $0x38;
	[tilespmem:$0x18000] =	vst v63  }
0x6f: {  	s22 =	simm.s32 $0x1400;
	s25 =	rddreg [dreg:$0x14]  }
0x70: {  	[tilespmem:s22], [sflag:$0x1] =	stream.strided.gather [hbm4b:s21+s30], $0x400, s31, s30, $0x38;
	[tilespmem:$0x18000] =	vst v63  }
0x71: {  	s29 =	simm.s32 $0x1800;
	s3 =	rddreg [dreg:$0x15]  }
0x72: {  	[tilespmem:s29], [sflag:$0x1] =	stream.strided.gather [hbm4b:s25+s30], $0x400, s31, s30, $0x38;
	[tilespmem:$0x18000] =	vst v63  }
0x73: {  	s4 =	simm.s32 $0x1C00;
	s5 =	rddreg [dreg:$0x16]  }
0x74: {  	[tilespmem:s4], [sflag:$0x1] =	stream.strided.gather [hbm4b:s3+s30], $0x400, s31, s30, $0x38;
	[tilespmem:$0x18000] =	vst v63  }
0x75: {  	s6 =	simm.s32 $0x2000;
	s7 =	rddreg [dreg:$0x17]  }
0x76: {  	[tilespmem:s6], [sflag:$0x1] =	stream.strided.gather [hbm4b:s5+s30], $0x100, s31, s30, $0x38;
	[tilespmem:$0x18000] =	vst v63  }
0x77: {  	s8 =	simm.s32 $0x2400;
	s9 =	rddreg [dreg:$0x19]  }
0x78: {  	[tilespmem:s8], [sflag:$0x1] =	stream.strided.gather [hbm4b:s7+s30], $0x100, s31, s30, $0x38;
	[tilespmem:$0x18000] =	vst v63  }
0x79: {  	s10 =	simm.s32 $0x2800;
	s11 =	rddreg [dreg:$0x1a]  }
0x7a: {  	[tilespmem:s10], [sflag:$0x1] =	stream.strided.gather [hbm4b:s9+s30], $0x100, s31, s30, $0x38;
	[tilespmem:$0x18000] =	vst v63  }
0x7b: {  	s12 =	simm.s32 $0x2C00;
	s13 =	rddreg [dreg:$0x1c]  }
0x7c: {  	[tilespmem:s12], [sflag:$0x1] =	stream.strided.gather [hbm4b:s11+s30], $0x100, s31, s30, $0x38;
	[tilespmem:$0x18000] =	vst v63  }
0x7d: {  	s14 =	simm.s32 $0x3000;
	s15 =	rddreg [dreg:$0x1d]  }
0x7e: {  	[tilespmem:s14], [sflag:$0x1] =	stream.strided.gather [hbm4b:s13+s30], $0x100, s31, s30, $0x38;
	[tilespmem:$0x18000] =	vst v63  }
0x7f: {  	s16 =	simm.s32 $0x3400;
	s17 =	rddreg [dreg:$0x1e]  }
0x80: {  	[tilespmem:s16], [sflag:$0x1] =	stream.strided.gather [hbm4b:s15+s30], $0x100, s31, s30, $0x38;
	[tilespmem:$0x18000] =	vst v63  }
0x81: {  	s20 =	simm.s32 $0x3800;
	s21 =	rddreg [dreg:$0x1f]  }
0x82: {  	[tilespmem:s20], [sflag:$0x1] =	stream.strided.gather [hbm4b:s17+s30], $0x100, s31, s30, $0x38;
	[tilespmem:$0x18000] =	vst v63  }
0x83: {  	s22 =	simm.s32 $0x3C00;
	s25 =	rddreg [dreg:$0x5]  }
0x84: {  	[tilespmem:s22], [sflag:$0x1] =	stream.strided.gather [hbm4b:s21+s30], $0x100, s31, s30, $0x38;
	[tilespmem:$0x18000] =	vst v63  }
0x85: {  	s29 =	simm.s32 $0x4000;
	s3 =	sld [smem:$0x7D1]  }
0x86: {  	[tilespmem:s29], [sflag:$0x2] =	stream.strided.gather [hbm4b:s25+s30], $0x400, s31, s30, $0x38;
	[tilespmem:$0x18000] =	vst v63  }
0x87: {  	s4 =	simm.s32 $0x4400;
	s5 =	sld [smem:$0x7D2]  }
0x88: {  	[tilespmem:s4], [sflag:$0x2] =	stream.strided.gather [hbm4b:s3+s30], $0x400, s31, s30, $0x38;
	[tilespmem:$0x18000] =	vst v63  }
0x89: {  	s6 =	simm.s32 $0x4800;
	s7 =	sld [smem:$0x7D8]  }
0x8a: {  	[tilespmem:s6], [sflag:$0x2] =	stream.strided.gather [hbm4b:s5+s30], $0x400, s31, s30, $0x38;
	[tilespmem:$0x18000] =	vst v63  }
0x8b: {  	s8 =	simm.s32 $0x4C00;
	s9 =	sld [smem:$0x7D3]  }
0x8c: {  	[tilespmem:s8], [sflag:$0x2] =	stream.strided.gather [hbm4b:s7+s30], $0x400, s31, s30, $0x38;
	[tilespmem:$0x18000] =	vst v63  }
0x8d: {  	s10 =	simm.s32 $0x5000;
	s11 =	sld [smem:$0x7DB]  }
0x8e: {  	[tilespmem:s10], [sflag:$0x2] =	stream.strided.gather [hbm4b:s9+s30], $0x400, s31, s30, $0x38;
	[tilespmem:$0x18000] =	vst v63  }
0x8f: {  	s12 =	simm.s32 $0x5400;
	s13 =	sld [smem:$0x7D4]  }
0x90: {  	[tilespmem:s12], [sflag:$0x2] =	stream.strided.gather [hbm4b:s11+s30], $0x400, s31, s30, $0x38;
	[tilespmem:$0x18000] =	vst v63  }
0x91: {  	s14 =	simm.s32 $0x5800;
	s15 =	sld [smem:$0x7D5]  }
0x92: {  	[tilespmem:s14], [sflag:$0x2] =	stream.strided.gather [hbm4b:s13+s30], $0x400, s31, s30, $0x38;
	[tilespmem:$0x18000] =	vst v63  }
0x93: {  	s16 =	simm.s32 $0x5C00;
	s17 =	sld [smem:$0x7D6]  }
0x94: {  	[tilespmem:s16], [sflag:$0x2] =	stream.strided.gather [hbm4b:s15+s30], $0x400, s31, s30, $0x38;
	[tilespmem:$0x18000] =	vst v63  }
0x95: {  	s20 =	simm.s32 $0x6000;
	s21 =	sld [smem:$0x7D7]  }
0x96: {  	[tilespmem:s20], [sflag:$0x2] =	stream.strided.gather [hbm4b:s17+s30], $0x100, s31, s30, $0x38;
	[tilespmem:$0x18000] =	vst v63  }
0x97: {  	s22 =	simm.s32 $0x6400;
	s25 =	sld [smem:$0x7D9]  }
0x98: {  	[tilespmem:s22], [sflag:$0x2] =	stream.strided.gather [hbm4b:s21+s30], $0x100, s31, s30, $0x38;
	[tilespmem:$0x18000] =	vst v63  }
0x99: {  	s29 =	simm.s32 $0x6800;
	s3 =	sld [smem:$0x7DA]  }
0x9a: {  	[tilespmem:s29], [sflag:$0x2] =	stream.strided.gather [hbm4b:s25+s30], $0x100, s31, s30, $0x38;
	[tilespmem:$0x18000] =	vst v63  }
0x9b: {  	s4 =	simm.s32 $0x6C00;
	s5 =	sld [smem:$0x7DC]  }
0x9c: {  	[tilespmem:s4], [sflag:$0x2] =	stream.strided.gather [hbm4b:s3+s30], $0x100, s31, s30, $0x38;
	[tilespmem:$0x18000] =	vst v63  }
0x9d: {  	s6 =	simm.s32 $0x7000;
	s7 =	sld [smem:$0x7DD]  }
0x9e: {  	[tilespmem:s6], [sflag:$0x2] =	stream.strided.gather [hbm4b:s5+s30], $0x100, s31, s30, $0x38;
	[tilespmem:$0x18000] =	vst v63  }
0x9f: {  	s8 =	simm.s32 $0x7400;
	s9 =	sld [smem:$0x7DE]  }
0xa0: {  	[tilespmem:s8], [sflag:$0x2] =	stream.strided.gather [hbm4b:s7+s30], $0x100, s31, s30, $0x38;
	[tilespmem:$0x18000] =	vst v63  }
0xa1: {  	s10 =	simm.s32 $0x7800;
	s11 =	sld [smem:$0x7DF]  }
0xa2: {  	[tilespmem:s10], [sflag:$0x2] =	stream.strided.gather [hbm4b:s9+s30], $0x100, s31, s30, $0x38;
	[tilespmem:$0x18000] =	vst v63  }
0xa3: {  	s12 =	simm.s32 $0x7C00;
	s13 =	rddreg [dreg:$0x6]  }
0xa4: {  	[tilespmem:s12], [sflag:$0x2] =	stream.strided.gather [hbm4b:s11+s30], $0x100, s31, s30, $0x38;
	[tilespmem:$0x18000] =	vst v63  }
0xa5: {  	s14 =	simm.s32 $0x8000;
	s15 =	sld [smem:$0x7E0]  }
0xa6: {  	[tilespmem:s14], [sflag:$0x3] =	stream.strided.gather [hbm4b:s13+s30], $0x400, s31, s30, $0x38;
	[tilespmem:$0x18000] =	vst v63  }
0xa7: {  	s16 =	simm.s32 $0x8400;
	s17 =	sld [smem:$0x7E1]  }
0xa8: {  	[tilespmem:s16], [sflag:$0x3] =	stream.strided.gather [hbm4b:s15+s30], $0x400, s31, s30, $0x38;
	[tilespmem:$0x18000] =	vst v63  }
0xa9: {  	s20 =	simm.s32 $0x8800;
	s21 =	sld [smem:$0x7E7]  }
0xaa: {  	[tilespmem:s20], [sflag:$0x3] =	stream.strided.gather [hbm4b:s17+s30], $0x400, s31, s30, $0x38;
	[tilespmem:$0x18000] =	vst v63  }
0xab: {  	s22 =	simm.s32 $0x8C00;
	s25 =	sld [smem:$0x7E2]  }
0xac: {  	[tilespmem:s22], [sflag:$0x3] =	stream.strided.gather [hbm4b:s21+s30], $0x400, s31, s30, $0x38;
	[tilespmem:$0x18000] =	vst v63  }
0xad: {  	s29 =	simm.s32 $0x9000;
	s3 =	sld [smem:$0x7EA]  }
0xae: {  	[tilespmem:s29], [sflag:$0x3] =	stream.strided.gather [hbm4b:s25+s30], $0x400, s31, s30, $0x38;
	[tilespmem:$0x18000] =	vst v63  }
0xaf: {  	s4 =	simm.s32 $0x9400;
	s5 =	sld [smem:$0x7E3]  }
0xb0: {  	[tilespmem:s4], [sflag:$0x3] =	stream.strided.gather [hbm4b:s3+s30], $0x400, s31, s30, $0x38;
	[tilespmem:$0x18000] =	vst v63  }
0xb1: {  	s6 =	simm.s32 $0x9800;
	s7 =	sld [smem:$0x7E4]  }
0xb2: {  	[tilespmem:s6], [sflag:$0x3] =	stream.strided.gather [hbm4b:s5+s30], $0x400, s31, s30, $0x38;
	[tilespmem:$0x18000] =	vst v63  }
0xb3: {  	s8 =	simm.s32 $0x9C00;
	s9 =	sld [smem:$0x7E5]  }
0xb4: {  	[tilespmem:s8], [sflag:$0x3] =	stream.strided.gather [hbm4b:s7+s30], $0x400, s31, s30, $0x38;
	[tilespmem:$0x18000] =	vst v63  }
0xb5: {  	s10 =	simm.s32 $0xA000;
	s11 =	sld [smem:$0x7E6]  }
0xb6: {  	[tilespmem:s10], [sflag:$0x3] =	stream.strided.gather [hbm4b:s9+s30], $0x100, s31, s30, $0x38;
	[tilespmem:$0x18000] =	vst v63  }
0xb7: {  	s12 =	simm.s32 $0xA400;
	s13 =	sld [smem:$0x7E8]  }
0xb8: {  	[tilespmem:s12], [sflag:$0x3] =	stream.strided.gather [hbm4b:s11+s30], $0x100, s31, s30, $0x38;
	[tilespmem:$0x18000] =	vst v63  }
0xb9: {  	s14 =	simm.s32 $0xA800;
	s15 =	sld [smem:$0x7E9]  }
0xba: {  	[tilespmem:s14], [sflag:$0x3] =	stream.strided.gather [hbm4b:s13+s30], $0x100, s31, s30, $0x38;
	[tilespmem:$0x18000] =	vst v63  }
0xbb: {  	s16 =	simm.s32 $0xAC00;
	s17 =	sld [smem:$0x7EB]  }
0xbc: {  	[tilespmem:s16], [sflag:$0x3] =	stream.strided.gather [hbm4b:s15+s30], $0x100, s31, s30, $0x38;
	[tilespmem:$0x18000] =	vst v63  }
0xbd: {  	s20 =	simm.s32 $0xB000;
	s21 =	sld [smem:$0x7EC]  }
0xbe: {  	[tilespmem:s20], [sflag:$0x3] =	stream.strided.gather [hbm4b:s17+s30], $0x100, s31, s30, $0x38;
	[tilespmem:$0x18000] =	vst v63  }
0xbf: {  	s22 =	simm.s32 $0xB400;
	s25 =	sld [smem:$0x7ED]  }
0xc0: {  	[tilespmem:s22], [sflag:$0x3] =	stream.strided.gather [hbm4b:s21+s30], $0x100, s31, s30, $0x38;
	[tilespmem:$0x18000] =	vst v63  }
0xc1: {  	s29 =	simm.s32 $0xB800;
	s3 =	sld [smem:$0x7EE]  }
0xc2: {  	[tilespmem:s29], [sflag:$0x3] =	stream.strided.gather [hbm4b:s25+s30], $0x100, s31, s30, $0x38;
	[tilespmem:$0x18000] =	vst v63  }
0xc3: {  	s4 =	simm.s32 $0xBC00;
	s5 =	rddreg [dreg:$0x7]  }
0xc4: {  	[tilespmem:s4], [sflag:$0x3] =	stream.strided.gather [hbm4b:s3+s30], $0x100, s31, s30, $0x38;
	[tilespmem:$0x18000] =	vst v63  }
0xc5: {  	s6 =	simm.s32 $0xC000;
	s7 =	sld [smem:$0x7EF]  }
0xc6: {  	[tilespmem:s6], [sflag:$0x4] =	stream.strided.gather [hbm4b:s5+s30], $0x400, s31, s30, $0x38;
	[tilespmem:$0x18000] =	vst v63  }
0xc7: {  	s8 =	simm.s32 $0xC400;
	s9 =	sld [smem:$0x7F0]  }
0xc8: {  	[tilespmem:s8], [sflag:$0x4] =	stream.strided.gather [hbm4b:s7+s30], $0x400, s31, s30, $0x38;
	[tilespmem:$0x18000] =	vst v63  }
0xc9: {  	s10 =	simm.s32 $0xC800;
	s11 =	sld [smem:$0x7F6]  }
0xca: {  	[tilespmem:s10], [sflag:$0x4] =	stream.strided.gather [hbm4b:s9+s30], $0x400, s31, s30, $0x38;
	[tilespmem:$0x18000] =	vst v63  }
0xcb: {  	s12 =	simm.s32 $0xCC00;
	s13 =	sld [smem:$0x7F1]  }
0xcc: {  	[tilespmem:s12], [sflag:$0x4] =	stream.strided.gather [hbm4b:s11+s30], $0x400, s31, s30, $0x38;
	[tilespmem:$0x18000] =	vst v63  }
0xcd: {  	s14 =	simm.s32 $0xD000;
	s15 =	sld [smem:$0x7F9]  }
0xce: {  	[tilespmem:s14], [sflag:$0x4] =	stream.strided.gather [hbm4b:s13+s30], $0x400, s31, s30, $0x38;
	[tilespmem:$0x18000] =	vst v63  }
0xcf: {  	s16 =	simm.s32 $0xD400;
	s17 =	sld [smem:$0x7F2]  }
0xd0: {  	[tilespmem:s16], [sflag:$0x4] =	stream.strided.gather [hbm4b:s15+s30], $0x400, s31, s30, $0x38;
	[tilespmem:$0x18000] =	vst v63  }
0xd1: {  	s20 =	simm.s32 $0xD800;
	s21 =	sld [smem:$0x7F3]  }
0xd2: {  	[tilespmem:s20], [sflag:$0x4] =	stream.strided.gather [hbm4b:s17+s30], $0x400, s31, s30, $0x38;
	[tilespmem:$0x18000] =	vst v63  }
0xd3: {  	s22 =	simm.s32 $0xDC00;
	s25 =	sld [smem:$0x7F4]  }
0xd4: {  	[tilespmem:s22], [sflag:$0x4] =	stream.strided.gather [hbm4b:s21+s30], $0x400, s31, s30, $0x38;
	[tilespmem:$0x18000] =	vst v63  }
0xd5: {  	s2 =	sld [smem:$0x7F5];
	s29 =	simm.s32 $0xE000  }
0xd6: {  	[tilespmem:s29], [sflag:$0x4] =	stream.strided.gather [hbm4b:s25+s30], $0x100, s31, s30, $0x38;
	[tilespmem:$0x18000] =	vst v63  }
0xd7: {  	s3 =	simm.s32 $0xE400;
	s4 =	sld [smem:$0x7F7]  }
0xd8: {  	[tilespmem:s3], [sflag:$0x4] =	stream.strided.gather [hbm4b:s2+s30], $0x100, s31, s30, $0x38;
	[tilespmem:$0x18000] =	vst v63  }
0xd9: {  	s5 =	simm.s32 $0xE800;
	s6 =	sld [smem:$0x7F8]  }
0xda: {  	[tilespmem:s5], [sflag:$0x4] =	stream.strided.gather [hbm4b:s4+s30], $0x100, s31, s30, $0x38;
	[tilespmem:$0x18000] =	vst v63  }
0xdb: {  	s7 =	simm.s32 $0xEC00;
	s8 =	sld [smem:$0x7FA]  }
0xdc: {  	[tilespmem:s7], [sflag:$0x4] =	stream.strided.gather [hbm4b:s6+s30], $0x100, s31, s30, $0x38;
	[tilespmem:$0x18000] =	vst v63  }
0xdd: {  	s9 =	simm.s32 $0xF000;
	s10 =	sld [smem:$0x7FB]  }
0xde: {  	[tilespmem:s9], [sflag:$0x4] =	stream.strided.gather [hbm4b:s8+s30], $0x100, s31, s30, $0x38;
	[tilespmem:$0x18000] =	vst v63  }
0xdf: {  	s11 =	simm.s32 $0xF400;
	s12 =	sld [smem:$0x7FC]  }
0xe0: {  	[tilespmem:s11], [sflag:$0x4] =	stream.strided.gather [hbm4b:s10+s30], $0x100, s31, s30, $0x38;
	[tilespmem:$0x18000] =	vst v63  }
0xe1: {  	s13 =	simm.s32 $0xF800;
	s14 =	sld [smem:$0x7FD]  }
0xe2: {  	[tilespmem:s13], [sflag:$0x4] =	stream.strided.gather [hbm4b:s12+s30], $0x100, s31, s30, $0x38;
	[tilespmem:$0x18000] =	vst v63  }
0xe3: {  	s15 =	simm.s32 $0xFC00;
	s16 =	simm.s32 $0x1  }
0xe4: {  	[tilespmem:s15], [sflag:$0x4] =	stream.strided.gather [hbm4b:s14+s30], $0x100, s31, s30, $0x38;
	[tilespmem:$0x18000] =	vst v63  }
0xe5: {  	s20 =	sand.u32 $0x1C00, s1;
	_ =	swait.ge [sflag:s16], $0x2800  }
0xe6: {  	s17 =	sand.u32 $0x60, s1;
	s3 =	sor.u32 $0x2000, s20;
	[sflag:s16] =	ssyncset.done $0x0  }
0xe7: {  	s4 =	sor.u32 s17, s20;
	s5 =	sor.u32 $0x10, s17;
	[sflag:s16] =	ssyncadd.s32 $0xFFFFD800  }
0xe8: {  	s6 =	sor.u32 $0x2080, s20;
	s7 =	sor.u32 s5, s3;
	v0 =	vld [tilespmem:s4+$0x0]  }
0xe9: {  	s21 =	sor.u32 s5, s6;
	v3 =	vld [tilespmem:s7+$0x0]  }
0xea: {  	s3 =	sor.u32 s17, s3;
	v5 =	vld [tilespmem:s21+$0x0]  }
0xeb: {  	s0 =	sor.u32 s17, s6;
	v7 =	vld [tilespmem:s3+$0x0]  }
0xec: {  	v8 =	vld [tilespmem:s0+$0x0]  }
0xed: {  	v1 =	vld [tilespmem:s4+$0x80]  }
0xee: {  	v2 =	vld [tilespmem:s4+$0x100]  }
0xef: {  	v4 =	vld [tilespmem:s4+$0x180];
	v3 =	vmul.f32 v3, v3;
	v9 =	vmul.f32 v5, v5  }
0xf0: {  	s8 =	sor.u32 s20, s5;
	v6 =	vld [tilespmem:s4+$0x200]  }
0xf1: {  	v14 =	vld [tilespmem:s8+$0x0];
	v7 =	vmul.f32 v7, v7;
	v8 =	vmul.f32 v8, v8;
	v13 =	vadd.f32 v9, v3  }
0xf2: {  	s22 =	sand.u32 $0x3, s1;
	v15 =	vld [tilespmem:s8+$0x80]  }
0xf3: {  	s0 =	sshll.u32 s22, $0x5;
	v16 =	vld [tilespmem:s8+$0x100];
	v3 =	vadd.f32 v8, v7;
	v7 =	vshra.s32 v13, $0x1;
	v11 =	vmul.f32 $5.000000000e-01, v13  }
0xf4: {  	v17 =	vld [tilespmem:s8+$0x180];
	s0 =	sadd.s32 $0x0, s0;
	v9 =	vsub.s32 $0x5F3759DF, v7  }
0xf5: {  	v19 =	vld [tilespmem:s8+$0x200];
	s25 =	sadd.s32 $0x10, s0;
	v8 =	vmul.f32 v9, v11  }
0xf6: {  	v20 =	vld [tilespmem:s8+$0x280];
	s12 =	sor.u32 $0x300, s25;
	v12 =	vmul.f32 $5.000000000e-01, v3;
	v7 =	vshra.s32 v3, $0x1  }
0xf7: {  	s9 =	sor.u32 $0x380, s25;
	v21 =	vld [tilespmem:s12+$0x0];
	v18 =	vsub.s32 $0x5F3759DF, v7;
	v8 =	vmul.f32 v9, v8  }
0xf8: {  	v22 =	vld [tilespmem:s9+$0x0];
	v7 =	vmul.f32 v18, v12  }
0xf9: {  	s29 =	sor.u32 s1, s1;
	s6 =	sor.u32 $0x300, s0;
	v5 =	vld [tilespmem:s4+$0x280];
	v23 =	vsub.f32 $1.500000000e+00, v8  }
0xfa: {  	s7 =	sor.u32 $0x380, s29;
	v10 =	vmul.f32 v18, v7;
	v7 =	vld [tilespmem:s6+$0x0]  }
0xfb: {  	v24 =	vmax.f32 v0, v1;
	v25 =	vmax.f32 v2, v4;
	v8 =	vld [tilespmem:s7+$0x0];
	v23 =	vmul.f32 v9, v23  }
0xfc: {  	v56 =	vmax.f32 v14, v15;
	v57 =	vmax.f32 v16, v17;
	v26 =	vsub.f32 $1.500000000e+00, v10  }
0xfd: {  	v58 =	vmax.f32 v19, v20;
	v59 =	vmax.f32 v21, v22;
	v11 =	vmul.f32 v23, v11  }
0xfe: {  	v60 =	vmax.f32 v58, v59;
	v9 =	vmul.f32 v18, v26;
	v18 =	vmax.f32 v56, v57  }
0xff: {  	v27 =	vmax.f32 v6, v5;
	v18 =	vmax.f32 v18, v60;
	v61 =	vmul.f32 v11, v23  }
0x100: {  	v10 =	vmax.f32 v24, v25;
	v62 =	vmax.f32 v7, v8;
	vm2 =	vne.f32 v14, v18  }
0x101: {  	vm3 =	veq.f32 v20, v18;
	vm0 =	veq.f32 v21, v18;
	v63 =	vsub.f32 $1.500000000e+00, v61  }
0x102: {  	vm1 =	vne.f32 v22, v18;
	vm4 =	veq.f32 v14, v18;
	vm5 =	veq.f32 v15, v18  }
0x103: {  	vm6 =	veq.f32 v17, v18;
	vm7 =	veq.f32 v19, v18;
	v14 =	vmul.f32 v63, v23  }
0x104: {  	vm9 =	veq.f32 v16, v18;
	v11 =	vmul.f32 v9, v12;
	vm8 =	vmor vm4, vm5  }
0x105: {  	v12 =	vmax.f32 v27, v62;
	vm10 =	vmneg vm8;
	v13 =	vmul.f32 v14, v13  }
0x106: {  	vm2 =	vmand vm5, vm2;
	vm8 =	vmor vm8, vm9;
	vm5 =	vmand vm9, vm10  }
0x107: {  	vm15 =	vmor vm8, vm6;
	v14 =	vnsel vm4, $0x0, v13;
	vm4 =	vmneg vm8  }
0x108: {  	[tilespmem:s8+$0x10000] =	vst v14;
	v14 =	vnsel vm2, $0x0, v13;
	vm4 =	vmand vm6, vm4;
	vm2 =	vmneg vm15  }
0x109: {  	vm6 =	vmor vm15, vm7;
	[tilespmem:s8+$0x10080] =	vst v14;
	v14 =	vnsel vm5, $0x0, v13;
	vm5 =	vmand vm7, vm2  }
0x10a: {  	s13 =	simm.s32 $0x100;
	vm2 =	vmor vm6, vm3;
	[tilespmem:s8+$0x10100] =	vst v14;
	v14 =	vnsel vm4, $0x0, v13;
	vm4 =	vmneg vm6  }
0x10b: {  	s14 =	simm.s32 $0x20;
	s15 =	simm.s32 $0x0;
	s0 =	simm.s32 $0x0;
	[tilespmem:s8+$0x10180] =	vst v14;
	v14 =	vnsel vm5, $0x0, v13;
	vm3 =	vmand vm3, vm4;
	vm4 =	vmneg vm2  }
.LBB2_2:
0x10c: {  	s10 =	sand.u32 $0x60, s14;
	s3 =	sand.u32 $0x1C00, s13;
	s2 =	sor.u32 s13, s14;
	[tilespmem:s8+$0x10200] =	vst v14;
	v14 =	vnsel vm3, $0x0, v13;
	vm3 =	vmand vm0, vm4;
	vm0 =	vmor vm0, vm1  }
0x10d: {  	v10 =	vmax.f32 v10, v12;
	s16 =	sor.u32 s10, s3;
	s17 =	sor.u32 $0x2000, s3;
	s5 =	sor.u32 $0x10, s10;
	[tilespmem:s8+$0x10280] =	vst v14;
	v12 =	vnsel vm3, $0x0, v13;
	vm1 =	vmor vm0, vm2  }
0x10e: {  	v11 =	vmul.f32 v11, v9;
	s20 =	sor.u32 $0x2080, s3;
	vm0 =	veq.f32 v0, v10;
	v14 =	vld [tilespmem:s16+$0x0];
	s8 =	sor.u32 s10, s17;
	s17 =	sor.u32 s5, s17;
	[tilespmem:s12+$0x10000] =	vst v12;
	v12 =	vsel vm1, $0x0, v13  }
0x10f: {  	s2 =	sor.u32 $0x380, s2;
	vm2 =	veq.f32 v2, v10;
	vm3 =	veq.f32 v4, v10;
	s10 =	sor.u32 s10, s20;
	s12 =	sor.u32 s5, s20;
	vm1 =	veq.f32 v1, v10;
	v13 =	vld [tilespmem:s17+$0x0];
	[tilespmem:s9+$0x10000] =	vst v12  }
0x110: {  	vm4 =	veq.f32 v6, v10;
	v1 =	vsub.f32 $1.500000000e+00, v11;
	vm9 =	vmor vm0, vm1;
	v12 =	vld [tilespmem:s12+$0x0]  }
0x111: {  	vm7 =	veq.f32 v5, v10;
	vm8 =	veq.f32 v7, v10;
	vm5 =	vmor vm9, vm2;
	v11 =	vld [tilespmem:s8+$0x0]  }
0x112: {  	vm11 =	vne.f32 v8, v10;
	v4 =	vmul.f32 v1, v9;
	vm6 =	vmor vm5, vm3;
	v7 =	vld [tilespmem:s10+$0x0]  }
0x113: {  	vm5 =	vmneg vm5;
	vm12 =	vmor vm6, vm4;
	vm6 =	vmneg vm6;
	v1 =	vld [tilespmem:s16+$0x80]  }
0x114: {  	s0 =	sadd.s32 $0x2, s0;
	v9 =	vmul.f32 v4, v3;
	vm10 =	vmor vm12, vm7;
	vm12 =	vmneg vm12;
	v2 =	vld [tilespmem:s16+$0x100]  }
0x115: {  	p0 =	slt.u32 s0, $0x3E;
	v3 =	vmul.f32 v13, v13;
	vm13 =	vmneg vm10;
	v4 =	vld [tilespmem:s16+$0x180];
	v8 =	vmul.f32 v12, v12  }
0x116: {  	vm14 =	vmor vm8, vm11;
	vm9 =	vmneg vm9;
	v6 =	vld [tilespmem:s16+$0x200];
	v11 =	vmul.f32 v11, v11  }
0x117: {  	vm11 =	vne.f32 v0, v10;
	s8 =	sor.u32 s3, s5;
	v0 =	vmovc v14;
	v5 =	vld [tilespmem:s16+$0x280];
	v7 =	vmul.f32 v7, v7;
	v13 =	vadd.f32 v8, v3  }
0x118: {  	s15 =	sadd.s32 $0x1, s15;
	vm7 =	vmand vm7, vm12;
	vm8 =	vmand vm8, vm13;
	v8 =	vmax.f32 v0, v1;
	v14 =	vld [tilespmem:s8+$0x0]  }
0x119: {  	s3 =	sand.u32 $0x3, s15;
	v3 =	vadd.f32 v7, v11;
	v15 =	vld [tilespmem:s8+$0x80];
	v7 =	vshra.s32 v13, $0x1;
	v11 =	vmul.f32 $5.000000000e-01, v13  }
0x11a: {  	s3 =	sshll.u32 s3, $0x5;
	vm10 =	vmor vm14, vm10;
	v10 =	vmax.f32 v2, v4;
	v16 =	vld [tilespmem:s8+$0x100];
	v12 =	vsub.s32 $0x5F3759DF, v7  }
0x11b: {  	s3 =	sadd.s32 s3, s13;
	v7 =	vshra.s32 v3, $0x1;
	v17 =	vmul.f32 $5.000000000e-01, v3;
	v18 =	vld [tilespmem:s8+$0x180];
	v19 =	vmul.f32 v12, v11  }
0x11c: {  	s5 =	sor.u32 $0x300, s3;
	s3 =	sadd.s32 $0x10, s3;
	v10 =	vmax.f32 v8, v10;
	v20 =	vmax.f32 v6, v5;
	v21 =	vsub.s32 $0x5F3759DF, v7;
	v22 =	vld [tilespmem:s8+$0x200]  }
0x11d: {  	vm4 =	vmand vm4, vm6;
	s12 =	sor.u32 $0x300, s3;
	v7 =	vmul.f32 v21, v17;
	v23 =	vld [tilespmem:s8+$0x280];
	v8 =	vmul.f32 v12, v19  }
0x11e: {  	vm1 =	vmand vm1, vm11;
	vm2 =	vmand vm2, vm9;
	vm3 =	vmand vm3, vm5;
	s9 =	sor.u32 $0x380, s3;
	v19 =	vld [tilespmem:s12+$0x0]  }
0x11f: {  	v24 =	vmul.f32 v21, v7;
	v25 =	vld [tilespmem:s9+$0x0];
	v26 =	vsub.f32 $1.500000000e+00, v8;
	v8 =	vnsel vm0, $0x0, v9  }
0x120: {  	v27 =	vnsel vm1, $0x0, v9;
	v28 =	vnsel vm2, $0x0, v9;
	v29 =	vnsel vm3, $0x0, v9;
	v7 =	vld [tilespmem:s5+$0x0];
	[tilespmem:s4+$0x10000] =	vst v8  }
0x121: {  	v8 =	vld [tilespmem:s2+$0x0];
	v24 =	vsub.f32 $1.500000000e+00, v24;
	v26 =	vmul.f32 v12, v26;
	[tilespmem:s4+$0x10080] =	vst v27;
	v12 =	vnsel vm4, $0x0, v9  }
0x122: {  	v30 =	vsel vm10, $0x0, v9;
	v27 =	vnsel vm7, $0x0, v9;
	[tilespmem:s4+$0x10100] =	vst v28;
	v28 =	vnsel vm8, $0x0, v9  }
0x123: {  	v9 =	vmul.f32 v21, v24;
	v21 =	vmax.f32 v14, v15;
	v11 =	vmul.f32 v26, v11;
	[tilespmem:s4+$0x10180] =	vst v29  }
0x124: {  	v24 =	vmax.f32 v16, v18;
	v29 =	vmax.f32 v22, v23;
	v31 =	vmax.f32 v19, v25;
	[tilespmem:s4+$0x10200] =	vst v12  }
0x125: {  	v12 =	vmax.f32 v21, v24;
	v21 =	vmax.f32 v29, v31;
	v24 =	vmul.f32 v11, v26;
	[tilespmem:s4+$0x10280] =	vst v27;
	s4 =	smov.u32 s16  }
0x126: {  	v11 =	vmul.f32 v9, v17;
	v27 =	vmax.f32 v7, v8;
	v17 =	vmax.f32 v12, v21;
	[tilespmem:s6+$0x10000] =	vst v28;
	s6 =	smov.u32 s5  }
0x127: {  	v12 =	vmax.f32 v20, v27;
	vm2 =	vne.f32 v14, v17;
	v20 =	vsub.f32 $1.500000000e+00, v24;
	[tilespmem:s7+$0x10000] =	vst v30;
	s7 =	smov.u32 s2  }
0x128: {  	vm3 =	veq.f32 v23, v17;
	vm0 =	veq.f32 v19, v17;
	vm1 =	vne.f32 v25, v17  }
0x129: {  	vm4 =	veq.f32 v14, v17;
	vm5 =	veq.f32 v15, v17;
	v14 =	vmul.f32 v20, v26  }
0x12a: {  	vm6 =	veq.f32 v18, v17;
	vm7 =	veq.f32 v22, v17;
	vm8 =	vmor vm4, vm5  }
0x12b: {  	vm9 =	veq.f32 v16, v17;
	vm10 =	vmneg vm8;
	v13 =	vmul.f32 v14, v13  }
0x12c: {  	vm2 =	vmand vm5, vm2;
	vm8 =	vmor vm8, vm9;
	vm5 =	vmand vm9, vm10  }
.Ltmp2:
0x12d: {  	vm9 =	vmor vm8, vm6;
	v14 =	vnsel vm4, $0x0, v13;
	vm4 =	vmneg vm8;
	(pc) =	sbr.rel @p0 .LBB2_2-.Ltmp2, $4  }
0x12e: {  	[tilespmem:s8+$0x10000] =	vst v14;
	v14 =	vnsel vm2, $0x0, v13;
	vm4 =	vmand vm6, vm4;
	vm2 =	vmneg vm9  }
0x12f: {  	vm6 =	vmor vm9, vm7;
	[tilespmem:s8+$0x10080] =	vst v14;
	v14 =	vnsel vm5, $0x0, v13;
	vm5 =	vmand vm7, vm2  }
0x130: {  	vm2 =	vmor vm6, vm3;
	[tilespmem:s8+$0x10100] =	vst v14;
	v14 =	vnsel vm4, $0x0, v13;
	vm4 =	vmneg vm6  }
0x131: {  	s14 =	sadd.s32 $0x20, s14;
	s13 =	sadd.s32 $0x100, s13;
	[tilespmem:s8+$0x10180] =	vst v14;
	v14 =	vnsel vm5, $0x0, v13;
	vm3 =	vmand vm3, vm4;
	vm4 =	vmneg vm2  }
0x132: {  	v15 =	vnsel vm3, $0x0, v13  }
0x133: {  	vm3 =	vmand vm0, vm4;
	vm0 =	vmor vm0, vm1;
	v11 =	vmul.f32 v11, v9  }
0x134: {  	v10 =	vmax.f32 v10, v12;
	v12 =	vnsel vm3, $0x0, v13;
	vm0 =	vmor vm0, vm2  }
0x135: {  	vm1 =	veq.f32 v0, v10;
	vm2 =	veq.f32 v2, v10;
	v11 =	vsub.f32 $1.500000000e+00, v11  }
0x136: {  	vm3 =	veq.f32 v4, v10;
	vm4 =	veq.f32 v6, v10;
	vm6 =	veq.f32 v5, v10  }
0x137: {  	v13 =	vsel vm0, $0x0, v13;
	vm0 =	veq.f32 v1, v10;
	v1 =	vmul.f32 v11, v9  }
0x138: {  	[tilespmem:s8+$0x10200] =	vst v14;
	vm7 =	veq.f32 v7, v10;
	vm9 =	vne.f32 v8, v10;
	vm5 =	vmor vm1, vm0  }
0x139: {  	[tilespmem:s8+$0x10280] =	vst v15;
	vm12 =	vne.f32 v0, v10;
	vm8 =	vmor vm5, vm2;
	v1 =	vmul.f32 v1, v3  }
0x13a: {  	[tilespmem:s12+$0x10000] =	vst v12;
	vm0 =	vmand vm0, vm12;
	vm5 =	vmneg vm5;
	vm10 =	vmor vm8, vm3  }
0x13b: {  	[tilespmem:s9+$0x10000] =	vst v13;
	vm8 =	vmneg vm8;
	vm2 =	vmand vm2, vm5;
	v0 =	vnsel vm1, $0x0, v1  }
0x13c: {  	vm11 =	vmor vm10, vm4;
	vm3 =	vmand vm3, vm8;
	v2 =	vnsel vm2, $0x0, v1;
	[tilespmem:s4+$0x10000] =	vst v0  }
0x13d: {  	vm1 =	vmneg vm10;
	vm2 =	vmneg vm11;
	v0 =	vnsel vm0, $0x0, v1;
	[tilespmem:s4+$0x10100] =	vst v2  }
0x13e: {  	vm0 =	vmor vm11, vm6;
	vm1 =	vmand vm4, vm1;
	[tilespmem:s4+$0x10080] =	vst v0;
	v0 =	vnsel vm3, $0x0, v1  }
0x13f: {  	vm2 =	vmand vm6, vm2;
	vm3 =	vmneg vm0;
	v2 =	vnsel vm1, $0x0, v1;
	[tilespmem:s4+$0x10180] =	vst v0  }
0x140: {  	vm1 =	vmor vm7, vm9;
	vm3 =	vmand vm7, vm3;
	v0 =	vnsel vm2, $0x0, v1;
	[tilespmem:s4+$0x10200] =	vst v2  }
0x141: {  	vm0 =	vmor vm1, vm0;
	v2 =	vnsel vm3, $0x0, v1;
	[tilespmem:s4+$0x10280] =	vst v0  }
0x142: {  	v0 =	vsel vm0, $0x0, v1;
	[tilespmem:s6+$0x10000] =	vst v2  }
0x143: {  	[tilespmem:s7+$0x10000] =	vst v0  }
0x144: {  	s0 =	simm.s32 $0x10000;
	s1 =	rddreg [dreg:$0x8]  }
0x145: {  	[hbm4b:s1+s30] =	stream.strided.scatter [tilespmem:s0], [sflag:$0x5], $0x400, s31, s30, $0x38;
	[tilespmem:$0x18000] =	vst v63  }
0x146: {  	s2 =	simm.s32 $0x10400;
	s12 =	sadd.s32 $0x80, s1  }
0x147: {  	[hbm4b:s12+s30] =	stream.strided.scatter [tilespmem:s2], [sflag:$0x5], $0x400, s31, s30, $0x38;
	[tilespmem:$0x18000] =	vst v63  }
0x148: {  	s14 =	simm.s32 $0x10800;
	s13 =	sadd.s32 $0x100, s1  }
0x149: {  	[hbm4b:s13+s30] =	stream.strided.scatter [tilespmem:s14], [sflag:$0x5], $0x400, s31, s30, $0x38;
	[tilespmem:$0x18000] =	vst v63  }
0x14a: {  	s16 =	simm.s32 $0x10C00;
	s15 =	sadd.s32 $0x180, s1  }
0x14b: {  	[hbm4b:s15+s30] =	stream.strided.scatter [tilespmem:s16], [sflag:$0x5], $0x400, s31, s30, $0x38;
	[tilespmem:$0x18000] =	vst v63  }
0x14c: {  	s20 =	simm.s32 $0x11000;
	s17 =	sadd.s32 $0x200, s1  }
0x14d: {  	[hbm4b:s17+s30] =	stream.strided.scatter [tilespmem:s20], [sflag:$0x5], $0x400, s31, s30, $0x38;
	[tilespmem:$0x18000] =	vst v63  }
0x14e: {  	s22 =	simm.s32 $0x11400;
	s21 =	sadd.s32 $0x280, s1  }
0x14f: {  	[hbm4b:s21+s30] =	stream.strided.scatter [tilespmem:s22], [sflag:$0x5], $0x400, s31, s30, $0x38;
	[tilespmem:$0x18000] =	vst v63  }
0x150: {  	s29 =	simm.s32 $0x11800;
	s25 =	sadd.s32 $0x300, s1  }
0x151: {  	[hbm4b:s25+s30] =	stream.strided.scatter [tilespmem:s29], [sflag:$0x5], $0x400, s31, s30, $0x38;
	[tilespmem:$0x18000] =	vst v63  }
0x152: {  	s1 =	sadd.s32 $0x380, s1;
	s2 =	simm.s32 $0x11C00  }
0x153: {  	[hbm4b:s1+s30] =	stream.strided.scatter [tilespmem:s2], [sflag:$0x5], $0x400, s31, s30, $0x38;
	[tilespmem:$0x18000] =	vst v63  }
0x154: {  	s6 =	simm.s32 $0x0;
	s3 =	rddreg [dreg:$0x9]  }
0x155: {  	[tilespmem:s6], [sflag:$0x1] =	stream.strided.gather [hbm4b:s3+s30], $0x400, s31, s30, $0x38;
	[tilespmem:$0x18000] =	vst v63  }
0x156: {  	s5 =	simm.s32 $0x400;
	s4 =	sadd.s32 $0x80, s3  }
0x157: {  	[tilespmem:s5], [sflag:$0x1] =	stream.strided.gather [hbm4b:s4+s30], $0x400, s31, s30, $0x38;
	[tilespmem:$0x18000] =	vst v63  }
0x158: {  	s8 =	simm.s32 $0x800;
	s7 =	sadd.s32 $0x100, s3  }
0x159: {  	[tilespmem:s8], [sflag:$0x1] =	stream.strided.gather [hbm4b:s7+s30], $0x400, s31, s30, $0x38;
	[tilespmem:$0x18000] =	vst v63  }
0x15a: {  	s10 =	simm.s32 $0xC00;
	s9 =	sadd.s32 $0x180, s3  }
0x15b: {  	[tilespmem:s10], [sflag:$0x1] =	stream.strided.gather [hbm4b:s9+s30], $0x400, s31, s30, $0x38;
	[tilespmem:$0x18000] =	vst v63  }
0x15c: {  	s11 =	sadd.s32 $0x200, s3;
	s12 =	simm.s32 $0x1000  }
0x15d: {  	[tilespmem:s12], [sflag:$0x1] =	stream.strided.gather [hbm4b:s11+s30], $0x400, s31, s30, $0x38;
	[tilespmem:$0x18000] =	vst v63  }
0x15e: {  	s13 =	sadd.s32 $0x280, s3;
	s14 =	simm.s32 $0x1400  }
0x15f: {  	[tilespmem:s14], [sflag:$0x1] =	stream.strided.gather [hbm4b:s13+s30], $0x400, s31, s30, $0x38;
	[tilespmem:$0x18000] =	vst v63  }
0x160: {  	s15 =	sadd.s32 $0x300, s3;
	s16 =	simm.s32 $0x1800  }
0x161: {  	[tilespmem:s16], [sflag:$0x1] =	stream.strided.gather [hbm4b:s15+s30], $0x400, s31, s30, $0x38;
	[tilespmem:$0x18000] =	vst v63  }
0x162: {  	s17 =	sadd.s32 $0x380, s3;
	s20 =	simm.s32 $0x1C00  }
0x163: {  	[tilespmem:s20], [sflag:$0x1] =	stream.strided.gather [hbm4b:s17+s30], $0x400, s31, s30, $0x38;
	[tilespmem:$0x18000] =	vst v63  }
0x164: {  	s21 =	sadd.s32 $0x400000, s3;
	s22 =	simm.s32 $0x2000  }
0x165: {  	[tilespmem:s22], [sflag:$0x1] =	stream.strided.gather [hbm4b:s21+s30], $0x100, s31, s30, $0x38;
	[tilespmem:$0x18000] =	vst v63  }
0x166: {  	s25 =	sadd.s32 $0x80, s21;
	s29 =	simm.s32 $0x2400  }
0x167: {  	[tilespmem:s29], [sflag:$0x1] =	stream.strided.gather [hbm4b:s25+s30], $0x100, s31, s30, $0x38;
	[tilespmem:$0x18000] =	vst v63  }
0x168: {  	s1 =	sadd.s32 $0x100, s21;
	s3 =	simm.s32 $0x2800  }
0x169: {  	[tilespmem:s3], [sflag:$0x1] =	stream.strided.gather [hbm4b:s1+s30], $0x100, s31, s30, $0x38;
	[tilespmem:$0x18000] =	vst v63  }
0x16a: {  	s4 =	sadd.s32 $0x180, s21;
	s5 =	simm.s32 $0x2C00  }
0x16b: {  	[tilespmem:s5], [sflag:$0x1] =	stream.strided.gather [hbm4b:s4+s30], $0x100, s31, s30, $0x38;
	[tilespmem:$0x18000] =	vst v63  }
0x16c: {  	s7 =	sadd.s32 $0x200, s21;
	s8 =	simm.s32 $0x3000  }
0x16d: {  	[tilespmem:s8], [sflag:$0x1] =	stream.strided.gather [hbm4b:s7+s30], $0x100, s31, s30, $0x38;
	[tilespmem:$0x18000] =	vst v63  }
0x16e: {  	s9 =	sadd.s32 $0x280, s21;
	s10 =	simm.s32 $0x3400  }
0x16f: {  	[tilespmem:s10], [sflag:$0x1] =	stream.strided.gather [hbm4b:s9+s30], $0x100, s31, s30, $0x38;
	[tilespmem:$0x18000] =	vst v63  }
0x170: {  	s11 =	sadd.s32 $0x300, s21;
	s12 =	simm.s32 $0x3800  }
0x171: {  	[tilespmem:s12], [sflag:$0x1] =	stream.strided.gather [hbm4b:s11+s30], $0x100, s31, s30, $0x38;
	[tilespmem:$0x18000] =	vst v63  }
0x172: {  	s0 =	sadd.s32 $0x380, s21;
	s13 =	simm.s32 $0x3C00;
	s14 =	simm.s32 $0x2  }
0x173: {  	[tilespmem:s13], [sflag:$0x1] =	stream.strided.gather [hbm4b:s0+s30], $0x100, s31, s30, $0x38;
	[tilespmem:$0x18000] =	vst v63  }
0x174: {  	s16 =	sand.u32 $0x1C00, s6;
	_ =	swait.ge [sflag:s14], $0x2800  }
0x175: {  	s15 =	sand.u32 $0x60, s6;
	s3 =	sor.u32 $0x6000, s16;
	[sflag:s14] =	ssyncset.done $0x0  }
0x176: {  	s4 =	sor.u32 s15, s16;
	s5 =	sor.u32 $0x10, s15;
	[sflag:s14] =	ssyncadd.s32 $0xFFFFD800  }
0x177: {  	s17 =	sor.u32 $0x6080, s16;
	s20 =	sor.u32 s5, s3;
	v0 =	vld [tilespmem:s4+$0x4000]  }
0x178: {  	s21 =	sor.u32 s5, s17;
	v3 =	vld [tilespmem:s20+$0x0]  }
0x179: {  	s3 =	sor.u32 s15, s3;
	v5 =	vld [tilespmem:s21+$0x0]  }
0x17a: {  	s0 =	sor.u32 s15, s17;
	v7 =	vld [tilespmem:s3+$0x0]  }
0x17b: {  	v8 =	vld [tilespmem:s0+$0x0]  }
0x17c: {  	v1 =	vld [tilespmem:s4+$0x4080]  }
0x17d: {  	v2 =	vld [tilespmem:s4+$0x4100]  }
0x17e: {  	v4 =	vld [tilespmem:s4+$0x4180];
	v3 =	vmul.f32 v3, v3;
	v9 =	vmul.f32 v5, v5  }
0x17f: {  	s9 =	sor.u32 s16, s5;
	v6 =	vld [tilespmem:s4+$0x4200]  }
0x180: {  	v14 =	vld [tilespmem:s9+$0x4000];
	v7 =	vmul.f32 v7, v7;
	v8 =	vmul.f32 v8, v8;
	v13 =	vadd.f32 v9, v3  }
0x181: {  	s22 =	sand.u32 $0x3, s6;
	v15 =	vld [tilespmem:s9+$0x4080]  }
0x182: {  	s0 =	sshll.u32 s22, $0x5;
	v16 =	vld [tilespmem:s9+$0x4100];
	v3 =	vadd.f32 v8, v7;
	v7 =	vshra.s32 v13, $0x1;
	v11 =	vmul.f32 $5.000000000e-01, v13  }
0x183: {  	v17 =	vld [tilespmem:s9+$0x4180];
	s0 =	sadd.s32 $0x0, s0;
	v9 =	vsub.s32 $0x5F3759DF, v7  }
0x184: {  	v19 =	vld [tilespmem:s9+$0x4200];
	s25 =	sadd.s32 $0x10, s0;
	v8 =	vmul.f32 v9, v11  }
0x185: {  	v20 =	vld [tilespmem:s9+$0x4280];
	s13 =	sor.u32 $0x300, s25;
	v12 =	vmul.f32 $5.000000000e-01, v3;
	v7 =	vshra.s32 v3, $0x1  }
0x186: {  	s12 =	sor.u32 $0x380, s25;
	v21 =	vld [tilespmem:s13+$0x4000];
	v18 =	vsub.s32 $0x5F3759DF, v7;
	v8 =	vmul.f32 v9, v8  }
0x187: {  	v22 =	vld [tilespmem:s12+$0x4000];
	v7 =	vmul.f32 v18, v12  }
0x188: {  	s29 =	sor.u32 s6, s6;
	s7 =	sor.u32 $0x300, s0;
	v5 =	vld [tilespmem:s4+$0x4280];
	v23 =	vsub.f32 $1.500000000e+00, v8  }
0x189: {  	s8 =	sor.u32 $0x380, s29;
	v10 =	vmul.f32 v18, v7;
	v7 =	vld [tilespmem:s7+$0x4000]  }
0x18a: {  	v24 =	vmax.f32 v0, v1;
	v25 =	vmax.f32 v2, v4;
	v8 =	vld [tilespmem:s8+$0x4000];
	v23 =	vmul.f32 v9, v23  }
0x18b: {  	v56 =	vmax.f32 v14, v15;
	v57 =	vmax.f32 v16, v17;
	v26 =	vsub.f32 $1.500000000e+00, v10  }
0x18c: {  	v58 =	vmax.f32 v19, v20;
	v59 =	vmax.f32 v21, v22;
	v11 =	vmul.f32 v23, v11  }
0x18d: {  	v60 =	vmax.f32 v58, v59;
	v9 =	vmul.f32 v18, v26;
	v18 =	vmax.f32 v56, v57  }
0x18e: {  	v27 =	vmax.f32 v6, v5;
	v18 =	vmax.f32 v18, v60;
	v61 =	vmul.f32 v11, v23  }
0x18f: {  	v10 =	vmax.f32 v24, v25;
	v62 =	vmax.f32 v7, v8;
	vm2 =	vne.f32 v14, v18  }
0x190: {  	vm3 =	veq.f32 v20, v18;
	vm0 =	veq.f32 v21, v18;
	v63 =	vsub.f32 $1.500000000e+00, v61  }
0x191: {  	vm1 =	vne.f32 v22, v18;
	vm4 =	veq.f32 v14, v18;
	vm5 =	veq.f32 v15, v18  }
0x192: {  	vm6 =	veq.f32 v17, v18;
	vm7 =	veq.f32 v19, v18;
	v14 =	vmul.f32 v63, v23  }
0x193: {  	vm13 =	veq.f32 v16, v18;
	v11 =	vmul.f32 v9, v12;
	vm12 =	vmor vm4, vm5  }
0x194: {  	v12 =	vmax.f32 v27, v62;
	vm14 =	vmneg vm12;
	v13 =	vmul.f32 v14, v13  }
0x195: {  	vm2 =	vmand vm5, vm2;
	vm8 =	vmor vm12, vm13;
	vm5 =	vmand vm13, vm14  }
0x196: {  	vm15 =	vmor vm8, vm6;
	v14 =	vnsel vm4, $0x0, v13;
	vm4 =	vmneg vm8  }
0x197: {  	[tilespmem:s9+$0x12000] =	vst v14;
	v14 =	vnsel vm2, $0x0, v13;
	vm4 =	vmand vm6, vm4;
	vm2 =	vmneg vm15  }
0x198: {  	vm6 =	vmor vm15, vm7;
	[tilespmem:s9+$0x12080] =	vst v14;
	v14 =	vnsel vm5, $0x0, v13;
	vm5 =	vmand vm7, vm2  }
0x199: {  	vm2 =	vmor vm6, vm3;
	[tilespmem:s9+$0x12100] =	vst v14;
	v14 =	vnsel vm4, $0x0, v13;
	vm4 =	vmneg vm6  }
0x19a: {  	s15 =	simm.s32 $0x20;
	s14 =	simm.s32 $0x100;
	s0 =	simm.s32 $0x0;
	[tilespmem:s9+$0x12180] =	vst v14;
	v14 =	vnsel vm5, $0x0, v13;
	vm3 =	vmand vm3, vm4;
	vm4 =	vmneg vm2  }
.LBB2_4:
0x19b: {  	s10 =	sand.u32 $0x60, s15;
	s3 =	sand.u32 $0x1C00, s14;
	s2 =	sor.u32 s14, s15;
	[tilespmem:s9+$0x12200] =	vst v14;
	v14 =	vnsel vm3, $0x0, v13;
	vm3 =	vmand vm0, vm4;
	vm0 =	vmor vm0, vm1  }
0x19c: {  	v10 =	vmax.f32 v10, v12;
	s16 =	sor.u32 s10, s3;
	s17 =	sor.u32 $0x6000, s3;
	s5 =	sor.u32 $0x10, s10;
	[tilespmem:s9+$0x12280] =	vst v14;
	v12 =	vnsel vm3, $0x0, v13;
	vm1 =	vmor vm0, vm2  }
0x19d: {  	v11 =	vmul.f32 v11, v9;
	s20 =	sor.u32 $0x6080, s3;
	vm0 =	veq.f32 v0, v10;
	v14 =	vld [tilespmem:s16+$0x4000];
	s9 =	sor.u32 s10, s17;
	s17 =	sor.u32 s5, s17;
	[tilespmem:s13+$0x12000] =	vst v12;
	v12 =	vsel vm1, $0x0, v13  }
0x19e: {  	s2 =	sor.u32 $0x380, s2;
	vm2 =	veq.f32 v2, v10;
	vm3 =	veq.f32 v4, v10;
	s10 =	sor.u32 s10, s20;
	s13 =	sor.u32 s5, s20;
	vm1 =	veq.f32 v1, v10;
	v13 =	vld [tilespmem:s17+$0x0];
	[tilespmem:s12+$0x12000] =	vst v12  }
0x19f: {  	vm4 =	veq.f32 v6, v10;
	v1 =	vsub.f32 $1.500000000e+00, v11;
	vm9 =	vmor vm0, vm1;
	v12 =	vld [tilespmem:s13+$0x0]  }
0x1a0: {  	vm7 =	veq.f32 v5, v10;
	vm8 =	veq.f32 v7, v10;
	vm5 =	vmor vm9, vm2;
	v11 =	vld [tilespmem:s9+$0x0]  }
0x1a1: {  	vm11 =	vne.f32 v8, v10;
	v4 =	vmul.f32 v1, v9;
	vm6 =	vmor vm5, vm3;
	v7 =	vld [tilespmem:s10+$0x0]  }
0x1a2: {  	vm5 =	vmneg vm5;
	vm12 =	vmor vm6, vm4;
	vm6 =	vmneg vm6;
	v1 =	vld [tilespmem:s16+$0x4080]  }
0x1a3: {  	s0 =	sadd.s32 $0x2, s0;
	v9 =	vmul.f32 v4, v3;
	vm10 =	vmor vm12, vm7;
	vm12 =	vmneg vm12;
	v2 =	vld [tilespmem:s16+$0x4100]  }
0x1a4: {  	p0 =	slt.u32 s0, $0x3E;
	v3 =	vmul.f32 v13, v13;
	vm13 =	vmneg vm10;
	v4 =	vld [tilespmem:s16+$0x4180];
	v8 =	vmul.f32 v12, v12  }
0x1a5: {  	vm14 =	vmor vm8, vm11;
	vm9 =	vmneg vm9;
	v6 =	vld [tilespmem:s16+$0x4200];
	v11 =	vmul.f32 v11, v11  }
0x1a6: {  	vm11 =	vne.f32 v0, v10;
	s9 =	sor.u32 s3, s5;
	v0 =	vmovc v14;
	v5 =	vld [tilespmem:s16+$0x4280];
	v7 =	vmul.f32 v7, v7;
	v13 =	vadd.f32 v8, v3  }
0x1a7: {  	s6 =	sadd.s32 $0x1, s6;
	vm7 =	vmand vm7, vm12;
	vm8 =	vmand vm8, vm13;
	v8 =	vmax.f32 v0, v1;
	v14 =	vld [tilespmem:s9+$0x4000]  }
0x1a8: {  	s3 =	sand.u32 $0x3, s6;
	v3 =	vadd.f32 v7, v11;
	v15 =	vld [tilespmem:s9+$0x4080];
	v7 =	vshra.s32 v13, $0x1;
	v11 =	vmul.f32 $5.000000000e-01, v13  }
0x1a9: {  	s3 =	sshll.u32 s3, $0x5;
	vm10 =	vmor vm14, vm10;
	v10 =	vmax.f32 v2, v4;
	v16 =	vld [tilespmem:s9+$0x4100];
	v12 =	vsub.s32 $0x5F3759DF, v7  }
0x1aa: {  	s3 =	sadd.s32 s3, s14;
	v7 =	vshra.s32 v3, $0x1;
	v17 =	vmul.f32 $5.000000000e-01, v3;
	v18 =	vld [tilespmem:s9+$0x4180];
	v19 =	vmul.f32 v12, v11  }
0x1ab: {  	s5 =	sor.u32 $0x300, s3;
	s3 =	sadd.s32 $0x10, s3;
	v10 =	vmax.f32 v8, v10;
	v20 =	vmax.f32 v6, v5;
	v21 =	vsub.s32 $0x5F3759DF, v7;
	v22 =	vld [tilespmem:s9+$0x4200]  }
0x1ac: {  	vm4 =	vmand vm4, vm6;
	s13 =	sor.u32 $0x300, s3;
	v7 =	vmul.f32 v21, v17;
	v23 =	vld [tilespmem:s9+$0x4280];
	v8 =	vmul.f32 v12, v19  }
0x1ad: {  	vm1 =	vmand vm1, vm11;
	vm2 =	vmand vm2, vm9;
	vm3 =	vmand vm3, vm5;
	s12 =	sor.u32 $0x380, s3;
	v19 =	vld [tilespmem:s13+$0x4000]  }
0x1ae: {  	v24 =	vmul.f32 v21, v7;
	v25 =	vld [tilespmem:s12+$0x4000];
	v26 =	vsub.f32 $1.500000000e+00, v8;
	v8 =	vnsel vm0, $0x0, v9  }
0x1af: {  	v27 =	vnsel vm1, $0x0, v9;
	v28 =	vnsel vm2, $0x0, v9;
	v29 =	vnsel vm3, $0x0, v9;
	v7 =	vld [tilespmem:s5+$0x4000];
	[tilespmem:s4+$0x12000] =	vst v8  }
0x1b0: {  	v8 =	vld [tilespmem:s2+$0x4000];
	v24 =	vsub.f32 $1.500000000e+00, v24;
	v26 =	vmul.f32 v12, v26;
	[tilespmem:s4+$0x12080] =	vst v27;
	v12 =	vnsel vm4, $0x0, v9  }
0x1b1: {  	v30 =	vsel vm10, $0x0, v9;
	v27 =	vnsel vm7, $0x0, v9;
	[tilespmem:s4+$0x12100] =	vst v28;
	v28 =	vnsel vm8, $0x0, v9  }
0x1b2: {  	v9 =	vmul.f32 v21, v24;
	v21 =	vmax.f32 v14, v15;
	v11 =	vmul.f32 v26, v11;
	[tilespmem:s4+$0x12180] =	vst v29  }
0x1b3: {  	v24 =	vmax.f32 v16, v18;
	v29 =	vmax.f32 v22, v23;
	v31 =	vmax.f32 v19, v25;
	[tilespmem:s4+$0x12200] =	vst v12  }
0x1b4: {  	v12 =	vmax.f32 v21, v24;
	v21 =	vmax.f32 v29, v31;
	v24 =	vmul.f32 v11, v26;
	[tilespmem:s4+$0x12280] =	vst v27;
	s4 =	smov.u32 s16  }
0x1b5: {  	v11 =	vmul.f32 v9, v17;
	v27 =	vmax.f32 v7, v8;
	v17 =	vmax.f32 v12, v21;
	[tilespmem:s7+$0x12000] =	vst v28;
	s7 =	smov.u32 s5  }
0x1b6: {  	v12 =	vmax.f32 v20, v27;
	vm2 =	vne.f32 v14, v17;
	v20 =	vsub.f32 $1.500000000e+00, v24;
	[tilespmem:s8+$0x12000] =	vst v30;
	s8 =	smov.u32 s2  }
0x1b7: {  	vm3 =	veq.f32 v23, v17;
	vm0 =	veq.f32 v19, v17;
	vm1 =	vne.f32 v25, v17  }
0x1b8: {  	vm4 =	veq.f32 v14, v17;
	vm5 =	veq.f32 v15, v17;
	v14 =	vmul.f32 v20, v26  }
0x1b9: {  	vm6 =	veq.f32 v18, v17;
	vm7 =	veq.f32 v22, v17;
	vm8 =	vmor vm4, vm5  }
0x1ba: {  	vm9 =	veq.f32 v16, v17;
	vm10 =	vmneg vm8;
	v13 =	vmul.f32 v14, v13  }
0x1bb: {  	vm2 =	vmand vm5, vm2;
	vm8 =	vmor vm8, vm9;
	vm5 =	vmand vm9, vm10  }
.Ltmp3:
0x1bc: {  	vm9 =	vmor vm8, vm6;
	v14 =	vnsel vm4, $0x0, v13;
	vm4 =	vmneg vm8;
	(pc) =	sbr.rel @p0 .LBB2_4-.Ltmp3, $4  }
0x1bd: {  	[tilespmem:s9+$0x12000] =	vst v14;
	v14 =	vnsel vm2, $0x0, v13;
	vm4 =	vmand vm6, vm4;
	vm2 =	vmneg vm9  }
0x1be: {  	vm6 =	vmor vm9, vm7;
	[tilespmem:s9+$0x12080] =	vst v14;
	v14 =	vnsel vm5, $0x0, v13;
	vm5 =	vmand vm7, vm2  }
0x1bf: {  	vm2 =	vmor vm6, vm3;
	[tilespmem:s9+$0x12100] =	vst v14;
	v14 =	vnsel vm4, $0x0, v13;
	vm4 =	vmneg vm6  }
0x1c0: {  	s15 =	sadd.s32 $0x20, s15;
	s14 =	sadd.s32 $0x100, s14;
	[tilespmem:s9+$0x12180] =	vst v14;
	v14 =	vnsel vm5, $0x0, v13;
	vm3 =	vmand vm3, vm4;
	vm4 =	vmneg vm2  }
0x1c1: {  	v15 =	vnsel vm3, $0x0, v13  }
0x1c2: {  	vm3 =	vmand vm0, vm4;
	vm0 =	vmor vm0, vm1;
	v11 =	vmul.f32 v11, v9  }
0x1c3: {  	v10 =	vmax.f32 v10, v12;
	v12 =	vnsel vm3, $0x0, v13;
	vm0 =	vmor vm0, vm2  }
0x1c4: {  	vm1 =	veq.f32 v0, v10;
	vm2 =	veq.f32 v2, v10;
	v11 =	vsub.f32 $1.500000000e+00, v11  }
0x1c5: {  	vm3 =	veq.f32 v4, v10;
	vm4 =	veq.f32 v6, v10;
	vm6 =	veq.f32 v5, v10  }
0x1c6: {  	v13 =	vsel vm0, $0x0, v13;
	vm0 =	veq.f32 v1, v10;
	v1 =	vmul.f32 v11, v9  }
0x1c7: {  	[tilespmem:s9+$0x12200] =	vst v14;
	vm7 =	veq.f32 v7, v10;
	vm9 =	vne.f32 v8, v10;
	vm5 =	vmor vm1, vm0  }
0x1c8: {  	[tilespmem:s9+$0x12280] =	vst v15;
	vm12 =	vne.f32 v0, v10;
	vm8 =	vmor vm5, vm2;
	v1 =	vmul.f32 v1, v3  }
0x1c9: {  	[tilespmem:s13+$0x12000] =	vst v12;
	vm0 =	vmand vm0, vm12;
	vm5 =	vmneg vm5;
	vm10 =	vmor vm8, vm3  }
0x1ca: {  	[tilespmem:s12+$0x12000] =	vst v13;
	vm8 =	vmneg vm8;
	vm2 =	vmand vm2, vm5;
	v0 =	vnsel vm1, $0x0, v1  }
0x1cb: {  	vm11 =	vmor vm10, vm4;
	vm3 =	vmand vm3, vm8;
	v2 =	vnsel vm2, $0x0, v1;
	[tilespmem:s4+$0x12000] =	vst v0  }
0x1cc: {  	vm1 =	vmneg vm10;
	vm2 =	vmneg vm11;
	v0 =	vnsel vm0, $0x0, v1;
	[tilespmem:s4+$0x12100] =	vst v2  }
0x1cd: {  	vm0 =	vmor vm11, vm6;
	vm1 =	vmand vm4, vm1;
	[tilespmem:s4+$0x12080] =	vst v0;
	v0 =	vnsel vm3, $0x0, v1  }
0x1ce: {  	vm2 =	vmand vm6, vm2;
	vm3 =	vmneg vm0;
	v2 =	vnsel vm1, $0x0, v1;
	[tilespmem:s4+$0x12180] =	vst v0  }
0x1cf: {  	vm1 =	vmor vm7, vm9;
	vm3 =	vmand vm7, vm3;
	v0 =	vnsel vm2, $0x0, v1;
	[tilespmem:s4+$0x12200] =	vst v2  }
0x1d0: {  	vm0 =	vmor vm1, vm0;
	v2 =	vnsel vm3, $0x0, v1;
	[tilespmem:s4+$0x12280] =	vst v0  }
0x1d1: {  	v0 =	vsel vm0, $0x0, v1;
	[tilespmem:s7+$0x12000] =	vst v2  }
0x1d2: {  	[tilespmem:s8+$0x12000] =	vst v0  }
0x1d3: {  	s0 =	simm.s32 $0x12000;
	s1 =	rddreg [dreg:$0xa]  }
0x1d4: {  	[hbm4b:s1+s30] =	stream.strided.scatter [tilespmem:s0], [sflag:$0x6], $0x400, s31, s30, $0x38;
	[tilespmem:$0x18000] =	vst v63  }
0x1d5: {  	s2 =	simm.s32 $0x12400;
	s12 =	sadd.s32 $0x80, s1  }
0x1d6: {  	[hbm4b:s12+s30] =	stream.strided.scatter [tilespmem:s2], [sflag:$0x6], $0x400, s31, s30, $0x38;
	[tilespmem:$0x18000] =	vst v63  }
0x1d7: {  	s14 =	simm.s32 $0x12800;
	s13 =	sadd.s32 $0x100, s1  }
0x1d8: {  	[hbm4b:s13+s30] =	stream.strided.scatter [tilespmem:s14], [sflag:$0x6], $0x400, s31, s30, $0x38;
	[tilespmem:$0x18000] =	vst v63  }
0x1d9: {  	s16 =	simm.s32 $0x12C00;
	s15 =	sadd.s32 $0x180, s1  }
0x1da: {  	[hbm4b:s15+s30] =	stream.strided.scatter [tilespmem:s16], [sflag:$0x6], $0x400, s31, s30, $0x38;
	[tilespmem:$0x18000] =	vst v63  }
0x1db: {  	s20 =	simm.s32 $0x13000;
	s17 =	sadd.s32 $0x200, s1  }
0x1dc: {  	[hbm4b:s17+s30] =	stream.strided.scatter [tilespmem:s20], [sflag:$0x6], $0x400, s31, s30, $0x38;
	[tilespmem:$0x18000] =	vst v63  }
0x1dd: {  	s22 =	simm.s32 $0x13400;
	s21 =	sadd.s32 $0x280, s1  }
0x1de: {  	[hbm4b:s21+s30] =	stream.strided.scatter [tilespmem:s22], [sflag:$0x6], $0x400, s31, s30, $0x38;
	[tilespmem:$0x18000] =	vst v63  }
0x1df: {  	s29 =	simm.s32 $0x13800;
	s25 =	sadd.s32 $0x300, s1  }
0x1e0: {  	[hbm4b:s25+s30] =	stream.strided.scatter [tilespmem:s29], [sflag:$0x6], $0x400, s31, s30, $0x38;
	[tilespmem:$0x18000] =	vst v63  }
0x1e1: {  	s4 =	simm.s32 $0x13C00;
	s3 =	sadd.s32 $0x380, s1  }
0x1e2: {  	[hbm4b:s3+s30] =	stream.strided.scatter [tilespmem:s4], [sflag:$0x6], $0x400, s31, s30, $0x38;
	[tilespmem:$0x18000] =	vst v63  }
0x1e3: {  	s6 =	simm.s32 $0x4000;
	s5 =	rddreg [dreg:$0xb]  }
0x1e4: {  	[tilespmem:s6], [sflag:$0x2] =	stream.strided.gather [hbm4b:s5+s30], $0x400, s31, s30, $0x38;
	[tilespmem:$0x18000] =	vst v63  }
0x1e5: {  	s8 =	simm.s32 $0x4400;
	s7 =	sadd.s32 $0x80, s5  }
0x1e6: {  	[tilespmem:s8], [sflag:$0x2] =	stream.strided.gather [hbm4b:s7+s30], $0x400, s31, s30, $0x38;
	[tilespmem:$0x18000] =	vst v63  }
0x1e7: {  	s10 =	simm.s32 $0x4800;
	s9 =	sadd.s32 $0x100, s5  }
0x1e8: {  	[tilespmem:s10], [sflag:$0x2] =	stream.strided.gather [hbm4b:s9+s30], $0x400, s31, s30, $0x38;
	[tilespmem:$0x18000] =	vst v63  }
0x1e9: {  	s11 =	sadd.s32 $0x180, s5;
	s12 =	simm.s32 $0x4C00  }
0x1ea: {  	[tilespmem:s12], [sflag:$0x2] =	stream.strided.gather [hbm4b:s11+s30], $0x400, s31, s30, $0x38;
	[tilespmem:$0x18000] =	vst v63  }
0x1eb: {  	s13 =	sadd.s32 $0x200, s5;
	s14 =	simm.s32 $0x5000  }
0x1ec: {  	[tilespmem:s14], [sflag:$0x2] =	stream.strided.gather [hbm4b:s13+s30], $0x400, s31, s30, $0x38;
	[tilespmem:$0x18000] =	vst v63  }
0x1ed: {  	s15 =	sadd.s32 $0x280, s5;
	s16 =	simm.s32 $0x5400  }
0x1ee: {  	[tilespmem:s16], [sflag:$0x2] =	stream.strided.gather [hbm4b:s15+s30], $0x400, s31, s30, $0x38;
	[tilespmem:$0x18000] =	vst v63  }
0x1ef: {  	s17 =	sadd.s32 $0x300, s5;
	s20 =	simm.s32 $0x5800  }
0x1f0: {  	[tilespmem:s20], [sflag:$0x2] =	stream.strided.gather [hbm4b:s17+s30], $0x400, s31, s30, $0x38;
	[tilespmem:$0x18000] =	vst v63  }
0x1f1: {  	s21 =	sadd.s32 $0x380, s5;
	s22 =	simm.s32 $0x5C00  }
0x1f2: {  	[tilespmem:s22], [sflag:$0x2] =	stream.strided.gather [hbm4b:s21+s30], $0x400, s31, s30, $0x38;
	[tilespmem:$0x18000] =	vst v63  }
0x1f3: {  	s25 =	sadd.s32 $0x400000, s5;
	s29 =	simm.s32 $0x6000  }
0x1f4: {  	[tilespmem:s29], [sflag:$0x2] =	stream.strided.gather [hbm4b:s25+s30], $0x100, s31, s30, $0x38;
	[tilespmem:$0x18000] =	vst v63  }
0x1f5: {  	s1 =	sadd.s32 $0x80, s25;
	s3 =	simm.s32 $0x6400  }
0x1f6: {  	[tilespmem:s3], [sflag:$0x2] =	stream.strided.gather [hbm4b:s1+s30], $0x100, s31, s30, $0x38;
	[tilespmem:$0x18000] =	vst v63  }
0x1f7: {  	s4 =	sadd.s32 $0x100, s25;
	s5 =	simm.s32 $0x6800  }
0x1f8: {  	[tilespmem:s5], [sflag:$0x2] =	stream.strided.gather [hbm4b:s4+s30], $0x100, s31, s30, $0x38;
	[tilespmem:$0x18000] =	vst v63  }
0x1f9: {  	s6 =	sadd.s32 $0x180, s25;
	s7 =	simm.s32 $0x6C00  }
0x1fa: {  	[tilespmem:s7], [sflag:$0x2] =	stream.strided.gather [hbm4b:s6+s30], $0x100, s31, s30, $0x38;
	[tilespmem:$0x18000] =	vst v63  }
0x1fb: {  	s8 =	sadd.s32 $0x200, s25;
	s9 =	simm.s32 $0x7000  }
0x1fc: {  	[tilespmem:s9], [sflag:$0x2] =	stream.strided.gather [hbm4b:s8+s30], $0x100, s31, s30, $0x38;
	[tilespmem:$0x18000] =	vst v63  }
0x1fd: {  	s10 =	sadd.s32 $0x280, s25;
	s11 =	simm.s32 $0x7400  }
0x1fe: {  	[tilespmem:s11], [sflag:$0x2] =	stream.strided.gather [hbm4b:s10+s30], $0x100, s31, s30, $0x38;
	[tilespmem:$0x18000] =	vst v63  }
0x1ff: {  	s0 =	sadd.s32 $0x380, s25;
	s12 =	sadd.s32 $0x300, s25;
	s13 =	simm.s32 $0x7800  }
0x200: {  	[tilespmem:s13], [sflag:$0x2] =	stream.strided.gather [hbm4b:s12+s30], $0x100, s31, s30, $0x38;
	[tilespmem:$0x18000] =	vst v63  }
0x201: {  	s14 =	simm.s32 $0x7C00;
	s15 =	simm.s32 $0x3;
	s8 =	simm.s32 $0x0  }
0x202: {  	[tilespmem:s14], [sflag:$0x2] =	stream.strided.gather [hbm4b:s0+s30], $0x100, s31, s30, $0x38;
	[tilespmem:$0x18000] =	vst v63  }
0x203: {  	s16 =	sand.u32 $0x60, s8;
	s17 =	sand.u32 $0x1C00, s8;
	_ =	swait.ge [sflag:s15], $0x2800  }
0x204: {  	s4 =	sor.u32 s16, s17;
	[sflag:s15] =	ssyncset.done $0x0  }
0x205: {  	s3 =	sor.u32 $0xA000, s17;
	s5 =	sor.u32 $0x10, s16;
	[sflag:s15] =	ssyncadd.s32 $0xFFFFD800  }
0x206: {  	s6 =	sor.u32 $0xA080, s17;
	s20 =	sor.u32 s5, s3;
	v0 =	vld [tilespmem:s4+$0x8000]  }
0x207: {  	s21 =	sor.u32 s5, s6;
	v3 =	vld [tilespmem:s20+$0x0]  }
0x208: {  	s3 =	sor.u32 s16, s3;
	v5 =	vld [tilespmem:s21+$0x0]  }
0x209: {  	s0 =	sor.u32 s16, s6;
	v7 =	vld [tilespmem:s3+$0x0]  }
0x20a: {  	v8 =	vld [tilespmem:s0+$0x0]  }
0x20b: {  	v1 =	vld [tilespmem:s4+$0x8080]  }
0x20c: {  	v2 =	vld [tilespmem:s4+$0x8100]  }
0x20d: {  	v4 =	vld [tilespmem:s4+$0x8180];
	v3 =	vmul.f32 v3, v3;
	v9 =	vmul.f32 v5, v5  }
0x20e: {  	s9 =	sor.u32 s17, s5;
	v6 =	vld [tilespmem:s4+$0x8200]  }
0x20f: {  	v14 =	vld [tilespmem:s9+$0x8000];
	v7 =	vmul.f32 v7, v7;
	v8 =	vmul.f32 v8, v8;
	v13 =	vadd.f32 v9, v3  }
0x210: {  	s22 =	sand.u32 $0x3, s8;
	v15 =	vld [tilespmem:s9+$0x8080]  }
0x211: {  	s0 =	sshll.u32 s22, $0x5;
	v16 =	vld [tilespmem:s9+$0x8100];
	v3 =	vadd.f32 v8, v7;
	v7 =	vshra.s32 v13, $0x1;
	v11 =	vmul.f32 $5.000000000e-01, v13  }
0x212: {  	v17 =	vld [tilespmem:s9+$0x8180];
	s0 =	sadd.s32 $0x0, s0;
	v9 =	vsub.s32 $0x5F3759DF, v7  }
0x213: {  	v19 =	vld [tilespmem:s9+$0x8200];
	s25 =	sadd.s32 $0x10, s0;
	v8 =	vmul.f32 v9, v11  }
0x214: {  	v20 =	vld [tilespmem:s9+$0x8280];
	s13 =	sor.u32 $0x300, s25;
	v12 =	vmul.f32 $5.000000000e-01, v3;
	v7 =	vshra.s32 v3, $0x1  }
0x215: {  	s12 =	sor.u32 $0x380, s25;
	v21 =	vld [tilespmem:s13+$0x8000];
	v18 =	vsub.s32 $0x5F3759DF, v7;
	v8 =	vmul.f32 v9, v8  }
0x216: {  	v22 =	vld [tilespmem:s12+$0x8000];
	v7 =	vmul.f32 v18, v12  }
0x217: {  	s29 =	sor.u32 s8, s8;
	s6 =	sor.u32 $0x300, s0;
	v5 =	vld [tilespmem:s4+$0x8280];
	v23 =	vsub.f32 $1.500000000e+00, v8  }
0x218: {  	s7 =	sor.u32 $0x380, s29;
	v10 =	vmul.f32 v18, v7;
	v7 =	vld [tilespmem:s6+$0x8000]  }
0x219: {  	v24 =	vmax.f32 v0, v1;
	v25 =	vmax.f32 v2, v4;
	v8 =	vld [tilespmem:s7+$0x8000];
	v23 =	vmul.f32 v9, v23  }
0x21a: {  	v56 =	vmax.f32 v14, v15;
	v57 =	vmax.f32 v16, v17;
	v26 =	vsub.f32 $1.500000000e+00, v10  }
0x21b: {  	v58 =	vmax.f32 v19, v20;
	v59 =	vmax.f32 v21, v22;
	v11 =	vmul.f32 v23, v11  }
0x21c: {  	v60 =	vmax.f32 v58, v59;
	v9 =	vmul.f32 v18, v26;
	v18 =	vmax.f32 v56, v57  }
0x21d: {  	v27 =	vmax.f32 v6, v5;
	v18 =	vmax.f32 v18, v60;
	v61 =	vmul.f32 v11, v23  }
0x21e: {  	v10 =	vmax.f32 v24, v25;
	v62 =	vmax.f32 v7, v8;
	vm2 =	vne.f32 v14, v18  }
0x21f: {  	vm3 =	veq.f32 v20, v18;
	vm0 =	veq.f32 v21, v18;
	v63 =	vsub.f32 $1.500000000e+00, v61  }
0x220: {  	vm1 =	vne.f32 v22, v18;
	vm4 =	veq.f32 v14, v18;
	vm5 =	veq.f32 v15, v18  }
0x221: {  	vm6 =	veq.f32 v17, v18;
	vm7 =	veq.f32 v19, v18;
	v14 =	vmul.f32 v63, v23  }
0x222: {  	vm13 =	veq.f32 v16, v18;
	v11 =	vmul.f32 v9, v12;
	vm12 =	vmor vm4, vm5  }
0x223: {  	v12 =	vmax.f32 v27, v62;
	vm14 =	vmneg vm12;
	v13 =	vmul.f32 v14, v13  }
0x224: {  	vm2 =	vmand vm5, vm2;
	vm8 =	vmor vm12, vm13;
	vm5 =	vmand vm13, vm14  }
0x225: {  	vm15 =	vmor vm8, vm6;
	v14 =	vnsel vm4, $0x0, v13;
	vm4 =	vmneg vm8  }
0x226: {  	[tilespmem:s9+$0x14000] =	vst v14;
	v14 =	vnsel vm2, $0x0, v13;
	vm4 =	vmand vm6, vm4;
	vm2 =	vmneg vm15  }
0x227: {  	vm6 =	vmor vm15, vm7;
	[tilespmem:s9+$0x14080] =	vst v14;
	v14 =	vnsel vm5, $0x0, v13;
	vm5 =	vmand vm7, vm2  }
0x228: {  	vm2 =	vmor vm6, vm3;
	[tilespmem:s9+$0x14100] =	vst v14;
	v14 =	vnsel vm4, $0x0, v13;
	vm4 =	vmneg vm6  }
0x229: {  	s14 =	simm.s32 $0x100;
	s15 =	simm.s32 $0x20;
	s0 =	simm.s32 $0x0;
	[tilespmem:s9+$0x14180] =	vst v14;
	v14 =	vnsel vm5, $0x0, v13;
	vm3 =	vmand vm3, vm4;
	vm4 =	vmneg vm2  }
.LBB2_6:
0x22a: {  	s10 =	sand.u32 $0x60, s15;
	s3 =	sand.u32 $0x1C00, s14;
	s2 =	sor.u32 s14, s15;
	[tilespmem:s9+$0x14200] =	vst v14;
	v14 =	vnsel vm3, $0x0, v13;
	vm3 =	vmand vm0, vm4;
	vm0 =	vmor vm0, vm1  }
0x22b: {  	v10 =	vmax.f32 v10, v12;
	s16 =	sor.u32 s10, s3;
	s17 =	sor.u32 $0xA000, s3;
	s5 =	sor.u32 $0x10, s10;
	[tilespmem:s9+$0x14280] =	vst v14;
	v12 =	vnsel vm3, $0x0, v13;
	vm1 =	vmor vm0, vm2  }
0x22c: {  	v11 =	vmul.f32 v11, v9;
	s20 =	sor.u32 $0xA080, s3;
	vm0 =	veq.f32 v0, v10;
	v14 =	vld [tilespmem:s16+$0x8000];
	s9 =	sor.u32 s10, s17;
	s17 =	sor.u32 s5, s17;
	[tilespmem:s13+$0x14000] =	vst v12;
	v12 =	vsel vm1, $0x0, v13  }
0x22d: {  	s2 =	sor.u32 $0x380, s2;
	vm2 =	veq.f32 v2, v10;
	vm3 =	veq.f32 v4, v10;
	s10 =	sor.u32 s10, s20;
	s13 =	sor.u32 s5, s20;
	vm1 =	veq.f32 v1, v10;
	v13 =	vld [tilespmem:s17+$0x0];
	[tilespmem:s12+$0x14000] =	vst v12  }
0x22e: {  	vm4 =	veq.f32 v6, v10;
	v1 =	vsub.f32 $1.500000000e+00, v11;
	vm9 =	vmor vm0, vm1;
	v12 =	vld [tilespmem:s13+$0x0]  }
0x22f: {  	vm7 =	veq.f32 v5, v10;
	vm8 =	veq.f32 v7, v10;
	vm5 =	vmor vm9, vm2;
	v11 =	vld [tilespmem:s9+$0x0]  }
0x230: {  	vm11 =	vne.f32 v8, v10;
	v4 =	vmul.f32 v1, v9;
	vm6 =	vmor vm5, vm3;
	v7 =	vld [tilespmem:s10+$0x0]  }
0x231: {  	vm5 =	vmneg vm5;
	vm12 =	vmor vm6, vm4;
	vm6 =	vmneg vm6;
	v1 =	vld [tilespmem:s16+$0x8080]  }
0x232: {  	s0 =	sadd.s32 $0x2, s0;
	v9 =	vmul.f32 v4, v3;
	vm10 =	vmor vm12, vm7;
	vm12 =	vmneg vm12;
	v2 =	vld [tilespmem:s16+$0x8100]  }
0x233: {  	p0 =	slt.u32 s0, $0x3E;
	v3 =	vmul.f32 v13, v13;
	vm13 =	vmneg vm10;
	v4 =	vld [tilespmem:s16+$0x8180];
	v8 =	vmul.f32 v12, v12  }
0x234: {  	vm14 =	vmor vm8, vm11;
	vm9 =	vmneg vm9;
	v6 =	vld [tilespmem:s16+$0x8200];
	v11 =	vmul.f32 v11, v11  }
0x235: {  	vm11 =	vne.f32 v0, v10;
	s9 =	sor.u32 s3, s5;
	v0 =	vmovc v14;
	v5 =	vld [tilespmem:s16+$0x8280];
	v7 =	vmul.f32 v7, v7;
	v13 =	vadd.f32 v8, v3  }
0x236: {  	s8 =	sadd.s32 $0x1, s8;
	vm7 =	vmand vm7, vm12;
	vm8 =	vmand vm8, vm13;
	v8 =	vmax.f32 v0, v1;
	v14 =	vld [tilespmem:s9+$0x8000]  }
0x237: {  	s3 =	sand.u32 $0x3, s8;
	v3 =	vadd.f32 v7, v11;
	v15 =	vld [tilespmem:s9+$0x8080];
	v7 =	vshra.s32 v13, $0x1;
	v11 =	vmul.f32 $5.000000000e-01, v13  }
0x238: {  	s3 =	sshll.u32 s3, $0x5;
	vm10 =	vmor vm14, vm10;
	v10 =	vmax.f32 v2, v4;
	v16 =	vld [tilespmem:s9+$0x8100];
	v12 =	vsub.s32 $0x5F3759DF, v7  }
0x239: {  	s3 =	sadd.s32 s3, s14;
	v7 =	vshra.s32 v3, $0x1;
	v17 =	vmul.f32 $5.000000000e-01, v3;
	v18 =	vld [tilespmem:s9+$0x8180];
	v19 =	vmul.f32 v12, v11  }
0x23a: {  	s5 =	sor.u32 $0x300, s3;
	s3 =	sadd.s32 $0x10, s3;
	v10 =	vmax.f32 v8, v10;
	v20 =	vmax.f32 v6, v5;
	v21 =	vsub.s32 $0x5F3759DF, v7;
	v22 =	vld [tilespmem:s9+$0x8200]  }
0x23b: {  	vm4 =	vmand vm4, vm6;
	s13 =	sor.u32 $0x300, s3;
	v7 =	vmul.f32 v21, v17;
	v23 =	vld [tilespmem:s9+$0x8280];
	v8 =	vmul.f32 v12, v19  }
0x23c: {  	vm1 =	vmand vm1, vm11;
	vm2 =	vmand vm2, vm9;
	vm3 =	vmand vm3, vm5;
	s12 =	sor.u32 $0x380, s3;
	v19 =	vld [tilespmem:s13+$0x8000]  }
0x23d: {  	v24 =	vmul.f32 v21, v7;
	v25 =	vld [tilespmem:s12+$0x8000];
	v26 =	vsub.f32 $1.500000000e+00, v8;
	v8 =	vnsel vm0, $0x0, v9  }
0x23e: {  	v27 =	vnsel vm1, $0x0, v9;
	v28 =	vnsel vm2, $0x0, v9;
	v29 =	vnsel vm3, $0x0, v9;
	v7 =	vld [tilespmem:s5+$0x8000];
	[tilespmem:s4+$0x14000] =	vst v8  }
0x23f: {  	v8 =	vld [tilespmem:s2+$0x8000];
	v24 =	vsub.f32 $1.500000000e+00, v24;
	v26 =	vmul.f32 v12, v26;
	[tilespmem:s4+$0x14080] =	vst v27;
	v12 =	vnsel vm4, $0x0, v9  }
0x240: {  	v30 =	vsel vm10, $0x0, v9;
	v27 =	vnsel vm7, $0x0, v9;
	[tilespmem:s4+$0x14100] =	vst v28;
	v28 =	vnsel vm8, $0x0, v9  }
0x241: {  	v9 =	vmul.f32 v21, v24;
	v21 =	vmax.f32 v14, v15;
	v11 =	vmul.f32 v26, v11;
	[tilespmem:s4+$0x14180] =	vst v29  }
0x242: {  	v24 =	vmax.f32 v16, v18;
	v29 =	vmax.f32 v22, v23;
	v31 =	vmax.f32 v19, v25;
	[tilespmem:s4+$0x14200] =	vst v12  }
0x243: {  	v12 =	vmax.f32 v21, v24;
	v21 =	vmax.f32 v29, v31;
	v24 =	vmul.f32 v11, v26;
	[tilespmem:s4+$0x14280] =	vst v27;
	s4 =	smov.u32 s16  }
0x244: {  	v11 =	vmul.f32 v9, v17;
	v27 =	vmax.f32 v7, v8;
	v17 =	vmax.f32 v12, v21;
	[tilespmem:s6+$0x14000] =	vst v28;
	s6 =	smov.u32 s5  }
0x245: {  	v12 =	vmax.f32 v20, v27;
	vm2 =	vne.f32 v14, v17;
	v20 =	vsub.f32 $1.500000000e+00, v24;
	[tilespmem:s7+$0x14000] =	vst v30;
	s7 =	smov.u32 s2  }
0x246: {  	vm3 =	veq.f32 v23, v17;
	vm0 =	veq.f32 v19, v17;
	vm1 =	vne.f32 v25, v17  }
0x247: {  	vm4 =	veq.f32 v14, v17;
	vm5 =	veq.f32 v15, v17;
	v14 =	vmul.f32 v20, v26  }
0x248: {  	vm6 =	veq.f32 v18, v17;
	vm7 =	veq.f32 v22, v17;
	vm8 =	vmor vm4, vm5  }
0x249: {  	vm9 =	veq.f32 v16, v17;
	vm10 =	vmneg vm8;
	v13 =	vmul.f32 v14, v13  }
0x24a: {  	vm2 =	vmand vm5, vm2;
	vm8 =	vmor vm8, vm9;
	vm5 =	vmand vm9, vm10  }
.Ltmp4:
0x24b: {  	vm9 =	vmor vm8, vm6;
	v14 =	vnsel vm4, $0x0, v13;
	vm4 =	vmneg vm8;
	(pc) =	sbr.rel @p0 .LBB2_6-.Ltmp4, $4  }
0x24c: {  	[tilespmem:s9+$0x14000] =	vst v14;
	v14 =	vnsel vm2, $0x0, v13;
	vm4 =	vmand vm6, vm4;
	vm2 =	vmneg vm9  }
0x24d: {  	vm6 =	vmor vm9, vm7;
	[tilespmem:s9+$0x14080] =	vst v14;
	v14 =	vnsel vm5, $0x0, v13;
	vm5 =	vmand vm7, vm2  }
0x24e: {  	vm2 =	vmor vm6, vm3;
	[tilespmem:s9+$0x14100] =	vst v14;
	v14 =	vnsel vm4, $0x0, v13;
	vm4 =	vmneg vm6  }
0x24f: {  	s15 =	sadd.s32 $0x20, s15;
	s14 =	sadd.s32 $0x100, s14;
	[tilespmem:s9+$0x14180] =	vst v14;
	v14 =	vnsel vm5, $0x0, v13;
	vm3 =	vmand vm3, vm4;
	vm4 =	vmneg vm2  }
0x250: {  	v15 =	vnsel vm3, $0x0, v13  }
0x251: {  	vm3 =	vmand vm0, vm4;
	vm0 =	vmor vm0, vm1;
	v11 =	vmul.f32 v11, v9  }
0x252: {  	v10 =	vmax.f32 v10, v12;
	v12 =	vnsel vm3, $0x0, v13;
	vm0 =	vmor vm0, vm2  }
0x253: {  	vm1 =	veq.f32 v0, v10;
	vm2 =	veq.f32 v2, v10;
	v11 =	vsub.f32 $1.500000000e+00, v11  }
0x254: {  	vm3 =	veq.f32 v4, v10;
	vm4 =	veq.f32 v6, v10;
	vm6 =	veq.f32 v5, v10  }
0x255: {  	v13 =	vsel vm0, $0x0, v13;
	vm0 =	veq.f32 v1, v10;
	v1 =	vmul.f32 v11, v9  }
0x256: {  	[tilespmem:s9+$0x14200] =	vst v14;
	vm7 =	veq.f32 v7, v10;
	vm9 =	vne.f32 v8, v10;
	vm5 =	vmor vm1, vm0  }
0x257: {  	[tilespmem:s9+$0x14280] =	vst v15;
	vm12 =	vne.f32 v0, v10;
	vm8 =	vmor vm5, vm2;
	v1 =	vmul.f32 v1, v3  }
0x258: {  	[tilespmem:s13+$0x14000] =	vst v12;
	vm0 =	vmand vm0, vm12;
	vm5 =	vmneg vm5;
	vm10 =	vmor vm8, vm3  }
0x259: {  	[tilespmem:s12+$0x14000] =	vst v13;
	vm8 =	vmneg vm8;
	vm2 =	vmand vm2, vm5;
	v0 =	vnsel vm1, $0x0, v1  }
0x25a: {  	vm11 =	vmor vm10, vm4;
	vm3 =	vmand vm3, vm8;
	v2 =	vnsel vm2, $0x0, v1;
	[tilespmem:s4+$0x14000] =	vst v0  }
0x25b: {  	vm1 =	vmneg vm10;
	vm2 =	vmneg vm11;
	v0 =	vnsel vm0, $0x0, v1;
	[tilespmem:s4+$0x14100] =	vst v2  }
0x25c: {  	vm0 =	vmor vm11, vm6;
	vm1 =	vmand vm4, vm1;
	[tilespmem:s4+$0x14080] =	vst v0;
	v0 =	vnsel vm3, $0x0, v1  }
0x25d: {  	vm2 =	vmand vm6, vm2;
	vm3 =	vmneg vm0;
	v2 =	vnsel vm1, $0x0, v1;
	[tilespmem:s4+$0x14180] =	vst v0  }
0x25e: {  	vm1 =	vmor vm7, vm9;
	vm3 =	vmand vm7, vm3;
	v0 =	vnsel vm2, $0x0, v1;
	[tilespmem:s4+$0x14200] =	vst v2  }
0x25f: {  	vm0 =	vmor vm1, vm0;
	v2 =	vnsel vm3, $0x0, v1;
	[tilespmem:s4+$0x14280] =	vst v0  }
0x260: {  	v0 =	vsel vm0, $0x0, v1;
	[tilespmem:s6+$0x14000] =	vst v2  }
0x261: {  	[tilespmem:s7+$0x14000] =	vst v0  }
0x262: {  	s0 =	simm.s32 $0x14000;
	s1 =	rddreg [dreg:$0xc]  }
0x263: {  	[hbm4b:s1+s30] =	stream.strided.scatter [tilespmem:s0], [sflag:$0x7], $0x400, s31, s30, $0x38;
	[tilespmem:$0x18000] =	vst v63  }
0x264: {  	s2 =	simm.s32 $0x14400;
	s12 =	sadd.s32 $0x80, s1  }
0x265: {  	[hbm4b:s12+s30] =	stream.strided.scatter [tilespmem:s2], [sflag:$0x7], $0x400, s31, s30, $0x38;
	[tilespmem:$0x18000] =	vst v63  }
0x266: {  	s14 =	simm.s32 $0x14800;
	s13 =	sadd.s32 $0x100, s1  }
0x267: {  	[hbm4b:s13+s30] =	stream.strided.scatter [tilespmem:s14], [sflag:$0x7], $0x400, s31, s30, $0x38;
	[tilespmem:$0x18000] =	vst v63  }
0x268: {  	s16 =	simm.s32 $0x14C00;
	s15 =	sadd.s32 $0x180, s1  }
0x269: {  	[hbm4b:s15+s30] =	stream.strided.scatter [tilespmem:s16], [sflag:$0x7], $0x400, s31, s30, $0x38;
	[tilespmem:$0x18000] =	vst v63  }
0x26a: {  	s20 =	simm.s32 $0x15000;
	s17 =	sadd.s32 $0x200, s1  }
0x26b: {  	[hbm4b:s17+s30] =	stream.strided.scatter [tilespmem:s20], [sflag:$0x7], $0x400, s31, s30, $0x38;
	[tilespmem:$0x18000] =	vst v63  }
0x26c: {  	s22 =	simm.s32 $0x15400;
	s21 =	sadd.s32 $0x280, s1  }
0x26d: {  	[hbm4b:s21+s30] =	stream.strided.scatter [tilespmem:s22], [sflag:$0x7], $0x400, s31, s30, $0x38;
	[tilespmem:$0x18000] =	vst v63  }
0x26e: {  	s29 =	simm.s32 $0x15800;
	s25 =	sadd.s32 $0x300, s1  }
0x26f: {  	[hbm4b:s25+s30] =	stream.strided.scatter [tilespmem:s29], [sflag:$0x7], $0x400, s31, s30, $0x38;
	[tilespmem:$0x18000] =	vst v63  }
0x270: {  	s1 =	sadd.s32 $0x380, s1;
	s2 =	simm.s32 $0x15C00  }
0x271: {  	[hbm4b:s1+s30] =	stream.strided.scatter [tilespmem:s2], [sflag:$0x7], $0x400, s31, s30, $0x38;
	[tilespmem:$0x18000] =	vst v63  }
0x272: {  	s4 =	simm.s32 $0x8000;
	s3 =	rddreg [dreg:$0xd]  }
0x273: {  	[tilespmem:s4], [sflag:$0x3] =	stream.strided.gather [hbm4b:s3+s30], $0x400, s31, s30, $0x38;
	[tilespmem:$0x18000] =	vst v63  }
0x274: {  	s6 =	simm.s32 $0x8400;
	s5 =	sadd.s32 $0x80, s3  }
0x275: {  	[tilespmem:s6], [sflag:$0x3] =	stream.strided.gather [hbm4b:s5+s30], $0x400, s31, s30, $0x38;
	[tilespmem:$0x18000] =	vst v63  }
0x276: {  	s8 =	simm.s32 $0x8800;
	s7 =	sadd.s32 $0x100, s3  }
0x277: {  	[tilespmem:s8], [sflag:$0x3] =	stream.strided.gather [hbm4b:s7+s30], $0x400, s31, s30, $0x38;
	[tilespmem:$0x18000] =	vst v63  }
0x278: {  	s10 =	simm.s32 $0x8C00;
	s9 =	sadd.s32 $0x180, s3  }
0x279: {  	[tilespmem:s10], [sflag:$0x3] =	stream.strided.gather [hbm4b:s9+s30], $0x400, s31, s30, $0x38;
	[tilespmem:$0x18000] =	vst v63  }
0x27a: {  	s11 =	sadd.s32 $0x200, s3;
	s12 =	simm.s32 $0x9000  }
0x27b: {  	[tilespmem:s12], [sflag:$0x3] =	stream.strided.gather [hbm4b:s11+s30], $0x400, s31, s30, $0x38;
	[tilespmem:$0x18000] =	vst v63  }
0x27c: {  	s13 =	sadd.s32 $0x280, s3;
	s14 =	simm.s32 $0x9400  }
0x27d: {  	[tilespmem:s14], [sflag:$0x3] =	stream.strided.gather [hbm4b:s13+s30], $0x400, s31, s30, $0x38;
	[tilespmem:$0x18000] =	vst v63  }
0x27e: {  	s15 =	sadd.s32 $0x300, s3;
	s16 =	simm.s32 $0x9800  }
0x27f: {  	[tilespmem:s16], [sflag:$0x3] =	stream.strided.gather [hbm4b:s15+s30], $0x400, s31, s30, $0x38;
	[tilespmem:$0x18000] =	vst v63  }
0x280: {  	s17 =	sadd.s32 $0x380, s3;
	s20 =	simm.s32 $0x9C00  }
0x281: {  	[tilespmem:s20], [sflag:$0x3] =	stream.strided.gather [hbm4b:s17+s30], $0x400, s31, s30, $0x38;
	[tilespmem:$0x18000] =	vst v63  }
0x282: {  	s21 =	sadd.s32 $0x400000, s3;
	s22 =	simm.s32 $0xA000  }
0x283: {  	[tilespmem:s22], [sflag:$0x3] =	stream.strided.gather [hbm4b:s21+s30], $0x100, s31, s30, $0x38;
	[tilespmem:$0x18000] =	vst v63  }
0x284: {  	s25 =	sadd.s32 $0x80, s21;
	s29 =	simm.s32 $0xA400  }
0x285: {  	[tilespmem:s29], [sflag:$0x3] =	stream.strided.gather [hbm4b:s25+s30], $0x100, s31, s30, $0x38;
	[tilespmem:$0x18000] =	vst v63  }
0x286: {  	s3 =	sadd.s32 $0x100, s21;
	s4 =	simm.s32 $0xA800  }
0x287: {  	[tilespmem:s4], [sflag:$0x3] =	stream.strided.gather [hbm4b:s3+s30], $0x100, s31, s30, $0x38;
	[tilespmem:$0x18000] =	vst v63  }
0x288: {  	s5 =	sadd.s32 $0x180, s21;
	s6 =	simm.s32 $0xAC00  }
0x289: {  	[tilespmem:s6], [sflag:$0x3] =	stream.strided.gather [hbm4b:s5+s30], $0x100, s31, s30, $0x38;
	[tilespmem:$0x18000] =	vst v63  }
0x28a: {  	s7 =	sadd.s32 $0x200, s21;
	s8 =	simm.s32 $0xB000  }
0x28b: {  	[tilespmem:s8], [sflag:$0x3] =	stream.strided.gather [hbm4b:s7+s30], $0x100, s31, s30, $0x38;
	[tilespmem:$0x18000] =	vst v63  }
0x28c: {  	s9 =	sadd.s32 $0x280, s21;
	s10 =	simm.s32 $0xB400  }
0x28d: {  	[tilespmem:s10], [sflag:$0x3] =	stream.strided.gather [hbm4b:s9+s30], $0x100, s31, s30, $0x38;
	[tilespmem:$0x18000] =	vst v63  }
0x28e: {  	s0 =	sadd.s32 $0x380, s21;
	s11 =	sadd.s32 $0x300, s21;
	s12 =	simm.s32 $0xB800  }
0x28f: {  	[tilespmem:s12], [sflag:$0x3] =	stream.strided.gather [hbm4b:s11+s30], $0x100, s31, s30, $0x38;
	[tilespmem:$0x18000] =	vst v63  }
0x290: {  	s13 =	simm.s32 $0xBC00;
	s14 =	simm.s32 $0x4;
	s8 =	simm.s32 $0x0  }
0x291: {  	[tilespmem:s13], [sflag:$0x3] =	stream.strided.gather [hbm4b:s0+s30], $0x100, s31, s30, $0x38;
	[tilespmem:$0x18000] =	vst v63  }
0x292: {  	s15 =	sand.u32 $0x60, s8;
	s16 =	sand.u32 $0x1C00, s8;
	_ =	swait.ge [sflag:s14], $0x2800  }
0x293: {  	s4 =	sor.u32 s15, s16;
	[sflag:s14] =	ssyncset.done $0x0  }
0x294: {  	s3 =	sor.u32 $0xE000, s16;
	s5 =	sor.u32 $0x10, s15;
	[sflag:s14] =	ssyncadd.s32 $0xFFFFD800  }
0x295: {  	s17 =	sor.u32 $0xE080, s16;
	s20 =	sor.u32 s5, s3;
	v0 =	vld [tilespmem:s4+$0xC000]  }
0x296: {  	s21 =	sor.u32 s5, s17;
	v3 =	vld [tilespmem:s20+$0x0]  }
0x297: {  	s3 =	sor.u32 s15, s3;
	v5 =	vld [tilespmem:s21+$0x0]  }
0x298: {  	s0 =	sor.u32 s15, s17;
	v7 =	vld [tilespmem:s3+$0x0]  }
0x299: {  	v8 =	vld [tilespmem:s0+$0x0]  }
0x29a: {  	v2 =	vld [tilespmem:s4+$0xC080]  }
0x29b: {  	v1 =	vld [tilespmem:s4+$0xC100]  }
0x29c: {  	v4 =	vld [tilespmem:s4+$0xC180];
	v3 =	vmul.f32 v3, v3;
	v9 =	vmul.f32 v5, v5  }
0x29d: {  	s9 =	sor.u32 s16, s5;
	v6 =	vld [tilespmem:s4+$0xC200]  }
0x29e: {  	v14 =	vld [tilespmem:s9+$0xC000];
	v7 =	vmul.f32 v7, v7;
	v8 =	vmul.f32 v8, v8;
	v13 =	vadd.f32 v9, v3  }
0x29f: {  	s22 =	sand.u32 $0x3, s8;
	v15 =	vld [tilespmem:s9+$0xC080]  }
0x2a0: {  	s0 =	sshll.u32 s22, $0x5;
	v16 =	vld [tilespmem:s9+$0xC100];
	v3 =	vadd.f32 v8, v7;
	v7 =	vshra.s32 v13, $0x1;
	v11 =	vmul.f32 $5.000000000e-01, v13  }
0x2a1: {  	v17 =	vld [tilespmem:s9+$0xC180];
	s0 =	sadd.s32 $0x0, s0;
	v9 =	vsub.s32 $0x5F3759DF, v7  }
0x2a2: {  	v19 =	vld [tilespmem:s9+$0xC200];
	s25 =	sadd.s32 $0x10, s0;
	v8 =	vmul.f32 v9, v11  }
0x2a3: {  	v20 =	vld [tilespmem:s9+$0xC280];
	s13 =	sor.u32 $0x300, s25;
	v12 =	vmul.f32 $5.000000000e-01, v3;
	v7 =	vshra.s32 v3, $0x1  }
0x2a4: {  	s12 =	sor.u32 $0x380, s25;
	v21 =	vld [tilespmem:s13+$0xC000];
	v18 =	vsub.s32 $0x5F3759DF, v7;
	v8 =	vmul.f32 v9, v8  }
0x2a5: {  	v22 =	vld [tilespmem:s12+$0xC000];
	v7 =	vmul.f32 v18, v12  }
0x2a6: {  	s29 =	sor.u32 s8, s8;
	s6 =	sor.u32 $0x300, s0;
	v5 =	vld [tilespmem:s4+$0xC280];
	v23 =	vsub.f32 $1.500000000e+00, v8  }
0x2a7: {  	s7 =	sor.u32 $0x380, s29;
	v10 =	vmul.f32 v18, v7;
	v7 =	vld [tilespmem:s6+$0xC000]  }
0x2a8: {  	v24 =	vmax.f32 v0, v2;
	v25 =	vmax.f32 v1, v4;
	v8 =	vld [tilespmem:s7+$0xC000];
	v23 =	vmul.f32 v9, v23  }
0x2a9: {  	v56 =	vmax.f32 v14, v15;
	v57 =	vmax.f32 v16, v17;
	v26 =	vsub.f32 $1.500000000e+00, v10  }
0x2aa: {  	v58 =	vmax.f32 v19, v20;
	v59 =	vmax.f32 v21, v22;
	v11 =	vmul.f32 v23, v11  }
0x2ab: {  	v60 =	vmax.f32 v58, v59;
	v9 =	vmul.f32 v18, v26;
	v18 =	vmax.f32 v56, v57  }
0x2ac: {  	v27 =	vmax.f32 v6, v5;
	v18 =	vmax.f32 v18, v60;
	v61 =	vmul.f32 v11, v23  }
0x2ad: {  	v10 =	vmax.f32 v24, v25;
	v62 =	vmax.f32 v7, v8;
	vm2 =	vne.f32 v14, v18  }
0x2ae: {  	vm3 =	veq.f32 v20, v18;
	vm0 =	veq.f32 v21, v18;
	v63 =	vsub.f32 $1.500000000e+00, v61  }
0x2af: {  	vm1 =	vne.f32 v22, v18;
	vm4 =	veq.f32 v14, v18;
	vm5 =	veq.f32 v15, v18  }
0x2b0: {  	vm6 =	veq.f32 v17, v18;
	vm7 =	veq.f32 v19, v18;
	v14 =	vmul.f32 v63, v23  }
0x2b1: {  	vm13 =	veq.f32 v16, v18;
	v11 =	vmul.f32 v9, v12;
	vm12 =	vmor vm4, vm5  }
0x2b2: {  	v12 =	vmax.f32 v27, v62;
	vm14 =	vmneg vm12;
	v13 =	vmul.f32 v14, v13  }
0x2b3: {  	vm2 =	vmand vm5, vm2;
	vm8 =	vmor vm12, vm13;
	vm5 =	vmand vm13, vm14  }
0x2b4: {  	vm15 =	vmor vm8, vm6;
	v14 =	vnsel vm4, $0x0, v13;
	vm4 =	vmneg vm8  }
0x2b5: {  	[tilespmem:s9+$0x16000] =	vst v14;
	v14 =	vnsel vm2, $0x0, v13;
	vm4 =	vmand vm6, vm4;
	vm2 =	vmneg vm15  }
0x2b6: {  	vm6 =	vmor vm15, vm7;
	[tilespmem:s9+$0x16080] =	vst v14;
	v14 =	vnsel vm5, $0x0, v13;
	vm5 =	vmand vm7, vm2  }
0x2b7: {  	vm2 =	vmor vm6, vm3;
	[tilespmem:s9+$0x16100] =	vst v14;
	v14 =	vnsel vm4, $0x0, v13;
	vm4 =	vmneg vm6  }
0x2b8: {  	s15 =	simm.s32 $0x20;
	s14 =	simm.s32 $0x100;
	s0 =	simm.s32 $0x0;
	[tilespmem:s9+$0x16180] =	vst v14;
	v14 =	vnsel vm5, $0x0, v13;
	vm3 =	vmand vm3, vm4;
	vm4 =	vmneg vm2  }
.LBB2_8:
0x2b9: {  	s10 =	sand.u32 $0x60, s15;
	s3 =	sand.u32 $0x1C00, s14;
	s2 =	sor.u32 s14, s15;
	[tilespmem:s9+$0x16200] =	vst v14;
	v14 =	vnsel vm3, $0x0, v13;
	vm3 =	vmand vm0, vm4;
	vm0 =	vmor vm0, vm1  }
0x2ba: {  	v10 =	vmax.f32 v10, v12;
	s16 =	sor.u32 s10, s3;
	s17 =	sor.u32 $0xE000, s3;
	s5 =	sor.u32 $0x10, s10;
	[tilespmem:s9+$0x16280] =	vst v14;
	v12 =	vnsel vm3, $0x0, v13;
	vm1 =	vmor vm0, vm2  }
0x2bb: {  	v11 =	vmul.f32 v11, v9;
	s20 =	sor.u32 $0xE080, s3;
	vm0 =	veq.f32 v0, v10;
	v14 =	vld [tilespmem:s16+$0xC000];
	s9 =	sor.u32 s10, s17;
	s17 =	sor.u32 s5, s17;
	[tilespmem:s13+$0x16000] =	vst v12;
	v12 =	vsel vm1, $0x0, v13  }
0x2bc: {  	s2 =	sor.u32 $0x380, s2;
	vm2 =	veq.f32 v1, v10;
	vm3 =	veq.f32 v4, v10;
	s10 =	sor.u32 s10, s20;
	s13 =	sor.u32 s5, s20;
	vm1 =	veq.f32 v2, v10;
	v13 =	vld [tilespmem:s17+$0x0];
	[tilespmem:s12+$0x16000] =	vst v12  }
0x2bd: {  	vm4 =	veq.f32 v6, v10;
	v1 =	vsub.f32 $1.500000000e+00, v11;
	vm9 =	vmor vm0, vm1;
	v12 =	vld [tilespmem:s13+$0x0]  }
0x2be: {  	vm7 =	veq.f32 v5, v10;
	vm8 =	veq.f32 v7, v10;
	vm5 =	vmor vm9, vm2;
	v11 =	vld [tilespmem:s9+$0x0]  }
0x2bf: {  	vm11 =	vne.f32 v8, v10;
	v4 =	vmul.f32 v1, v9;
	vm6 =	vmor vm5, vm3;
	v7 =	vld [tilespmem:s10+$0x0]  }
0x2c0: {  	vm5 =	vmneg vm5;
	vm12 =	vmor vm6, vm4;
	vm6 =	vmneg vm6;
	v2 =	vld [tilespmem:s16+$0xC080]  }
0x2c1: {  	s0 =	sadd.s32 $0x2, s0;
	v9 =	vmul.f32 v4, v3;
	vm10 =	vmor vm12, vm7;
	vm12 =	vmneg vm12;
	v1 =	vld [tilespmem:s16+$0xC100]  }
0x2c2: {  	p0 =	slt.u32 s0, $0x3E;
	v3 =	vmul.f32 v13, v13;
	vm13 =	vmneg vm10;
	v4 =	vld [tilespmem:s16+$0xC180];
	v8 =	vmul.f32 v12, v12  }
0x2c3: {  	vm14 =	vmor vm8, vm11;
	vm9 =	vmneg vm9;
	v6 =	vld [tilespmem:s16+$0xC200];
	v11 =	vmul.f32 v11, v11  }
0x2c4: {  	vm11 =	vne.f32 v0, v10;
	s9 =	sor.u32 s3, s5;
	v0 =	vmovc v14;
	v5 =	vld [tilespmem:s16+$0xC280];
	v7 =	vmul.f32 v7, v7;
	v13 =	vadd.f32 v8, v3  }
0x2c5: {  	s8 =	sadd.s32 $0x1, s8;
	vm7 =	vmand vm7, vm12;
	vm8 =	vmand vm8, vm13;
	v8 =	vmax.f32 v0, v2;
	v14 =	vld [tilespmem:s9+$0xC000]  }
0x2c6: {  	s3 =	sand.u32 $0x3, s8;
	v3 =	vadd.f32 v7, v11;
	v15 =	vld [tilespmem:s9+$0xC080];
	v7 =	vshra.s32 v13, $0x1;
	v11 =	vmul.f32 $5.000000000e-01, v13  }
0x2c7: {  	s3 =	sshll.u32 s3, $0x5;
	vm10 =	vmor vm14, vm10;
	v10 =	vmax.f32 v1, v4;
	v16 =	vld [tilespmem:s9+$0xC100];
	v12 =	vsub.s32 $0x5F3759DF, v7  }
0x2c8: {  	s3 =	sadd.s32 s3, s14;
	v7 =	vshra.s32 v3, $0x1;
	v17 =	vmul.f32 $5.000000000e-01, v3;
	v18 =	vld [tilespmem:s9+$0xC180];
	v19 =	vmul.f32 v12, v11  }
0x2c9: {  	s5 =	sor.u32 $0x300, s3;
	s3 =	sadd.s32 $0x10, s3;
	v10 =	vmax.f32 v8, v10;
	v20 =	vmax.f32 v6, v5;
	v21 =	vsub.s32 $0x5F3759DF, v7;
	v22 =	vld [tilespmem:s9+$0xC200]  }
0x2ca: {  	vm4 =	vmand vm4, vm6;
	s13 =	sor.u32 $0x300, s3;
	v7 =	vmul.f32 v21, v17;
	v23 =	vld [tilespmem:s9+$0xC280];
	v8 =	vmul.f32 v12, v19  }
0x2cb: {  	vm1 =	vmand vm1, vm11;
	vm2 =	vmand vm2, vm9;
	vm3 =	vmand vm3, vm5;
	s12 =	sor.u32 $0x380, s3;
	v19 =	vld [tilespmem:s13+$0xC000]  }
0x2cc: {  	v24 =	vmul.f32 v21, v7;
	v25 =	vld [tilespmem:s12+$0xC000];
	v26 =	vsub.f32 $1.500000000e+00, v8;
	v8 =	vnsel vm0, $0x0, v9  }
0x2cd: {  	v27 =	vnsel vm1, $0x0, v9;
	v28 =	vnsel vm2, $0x0, v9;
	v29 =	vnsel vm3, $0x0, v9;
	v7 =	vld [tilespmem:s5+$0xC000];
	[tilespmem:s4+$0x16000] =	vst v8  }
0x2ce: {  	v8 =	vld [tilespmem:s2+$0xC000];
	v24 =	vsub.f32 $1.500000000e+00, v24;
	v26 =	vmul.f32 v12, v26;
	[tilespmem:s4+$0x16080] =	vst v27;
	v12 =	vnsel vm4, $0x0, v9  }
0x2cf: {  	v30 =	vsel vm10, $0x0, v9;
	v27 =	vnsel vm7, $0x0, v9;
	[tilespmem:s4+$0x16100] =	vst v28;
	v28 =	vnsel vm8, $0x0, v9  }
0x2d0: {  	v9 =	vmul.f32 v21, v24;
	v21 =	vmax.f32 v14, v15;
	v11 =	vmul.f32 v26, v11;
	[tilespmem:s4+$0x16180] =	vst v29  }
0x2d1: {  	v24 =	vmax.f32 v16, v18;
	v29 =	vmax.f32 v22, v23;
	v31 =	vmax.f32 v19, v25;
	[tilespmem:s4+$0x16200] =	vst v12  }
0x2d2: {  	v12 =	vmax.f32 v21, v24;
	v21 =	vmax.f32 v29, v31;
	v24 =	vmul.f32 v11, v26;
	[tilespmem:s4+$0x16280] =	vst v27;
	s4 =	smov.u32 s16  }
0x2d3: {  	v11 =	vmul.f32 v9, v17;
	v27 =	vmax.f32 v7, v8;
	v17 =	vmax.f32 v12, v21;
	[tilespmem:s6+$0x16000] =	vst v28;
	s6 =	smov.u32 s5  }
0x2d4: {  	v12 =	vmax.f32 v20, v27;
	vm2 =	vne.f32 v14, v17;
	v20 =	vsub.f32 $1.500000000e+00, v24;
	[tilespmem:s7+$0x16000] =	vst v30;
	s7 =	smov.u32 s2  }
0x2d5: {  	vm3 =	veq.f32 v23, v17;
	vm0 =	veq.f32 v19, v17;
	vm1 =	vne.f32 v25, v17  }
0x2d6: {  	vm4 =	veq.f32 v14, v17;
	vm5 =	veq.f32 v15, v17;
	v14 =	vmul.f32 v20, v26  }
0x2d7: {  	vm6 =	veq.f32 v18, v17;
	vm7 =	veq.f32 v22, v17;
	vm8 =	vmor vm4, vm5  }
0x2d8: {  	vm9 =	veq.f32 v16, v17;
	vm10 =	vmneg vm8;
	v13 =	vmul.f32 v14, v13  }
0x2d9: {  	vm2 =	vmand vm5, vm2;
	vm8 =	vmor vm8, vm9;
	vm5 =	vmand vm9, vm10  }
.Ltmp5:
0x2da: {  	vm9 =	vmor vm8, vm6;
	v14 =	vnsel vm4, $0x0, v13;
	vm4 =	vmneg vm8;
	(pc) =	sbr.rel @p0 .LBB2_8-.Ltmp5, $4  }
0x2db: {  	[tilespmem:s9+$0x16000] =	vst v14;
	v14 =	vnsel vm2, $0x0, v13;
	vm4 =	vmand vm6, vm4;
	vm2 =	vmneg vm9  }
0x2dc: {  	vm6 =	vmor vm9, vm7;
	[tilespmem:s9+$0x16080] =	vst v14;
	v14 =	vnsel vm5, $0x0, v13;
	vm5 =	vmand vm7, vm2  }
0x2dd: {  	vm2 =	vmor vm6, vm3;
	[tilespmem:s9+$0x16100] =	vst v14;
	v14 =	vnsel vm4, $0x0, v13;
	vm4 =	vmneg vm6  }
0x2de: {  	s15 =	sadd.s32 $0x20, s15;
	s14 =	sadd.s32 $0x100, s14;
	[tilespmem:s9+$0x16180] =	vst v14;
	v14 =	vnsel vm5, $0x0, v13;
	vm3 =	vmand vm3, vm4;
	vm4 =	vmneg vm2  }
0x2df: {  	v10 =	vmax.f32 v10, v12  }
0x2e0: {  	v53 =	vnsel vm3, $0x0, v13;
	vm13 =	vmand vm0, vm4;
	v11 =	vmul.f32 v11, v9  }
0x2e1: {  	vm14 =	vmor vm0, vm1;
	vm1 =	veq.f32 v2, v10;
	v54 =	vnsel vm13, $0x0, v13  }
0x2e2: {  	vm0 =	vmor vm14, vm2;
	vm2 =	veq.f32 v0, v10;
	v11 =	vsub.f32 $1.500000000e+00, v11  }
0x2e3: {  	vm3 =	veq.f32 v4, v10;
	vm4 =	veq.f32 v6, v10;
	vm6 =	veq.f32 v5, v10  }
0x2e4: {  	vm7 =	veq.f32 v7, v10;
	vm9 =	vne.f32 v8, v10;
	v56 =	vmul.f32 v11, v9  }
0x2e5: {  	[tilespmem:s9+$0x16200] =	vst v14;
	v55 =	vsel vm0, $0x0, v13;
	vm0 =	veq.f32 v1, v10;
	vm5 =	vmor vm2, vm1  }
0x2e6: {  	[tilespmem:s9+$0x16280] =	vst v53;
	vm12 =	vne.f32 v0, v10;
	vm8 =	vmor vm5, vm0;
	v1 =	vmul.f32 v56, v3  }
0x2e7: {  	[tilespmem:s13+$0x16000] =	vst v54;
	vm1 =	vmand vm1, vm12;
	vm5 =	vmneg vm5;
	vm10 =	vmor vm8, vm3  }
0x2e8: {  	[tilespmem:s12+$0x16000] =	vst v55;
	vm8 =	vmneg vm8;
	vm0 =	vmand vm0, vm5;
	v57 =	vnsel vm2, $0x0, v1  }
0x2e9: {  	vm11 =	vmor vm10, vm4;
	vm15 =	vmneg vm10;
	v58 =	vnsel vm1, $0x0, v1;
	[tilespmem:s4+$0x16000] =	vst v57  }
0x2ea: {  	vm3 =	vmand vm3, vm8;
	vm10 =	vmor vm11, vm6;
	v59 =	vnsel vm0, $0x0, v1;
	[tilespmem:s4+$0x16080] =	vst v58  }
0x2eb: {  	vm12 =	vmneg vm11;
	vm2 =	vmand vm4, vm15;
	v60 =	vnsel vm3, $0x0, v1;
	[tilespmem:s4+$0x16100] =	vst v59  }
0x2ec: {  	vm13 =	vmneg vm10;
	vm0 =	vmand vm6, vm12;
	v61 =	vnsel vm2, $0x0, v1;
	[tilespmem:s4+$0x16180] =	vst v60  }
0x2ed: {  	vm14 =	vmor vm7, vm9;
	vm3 =	vmand vm7, vm13;
	v62 =	vnsel vm0, $0x0, v1;
	[tilespmem:s4+$0x16200] =	vst v61  }
0x2ee: {  	vm15 =	vmor vm14, vm10;
	v63 =	vnsel vm3, $0x0, v1;
	[tilespmem:s4+$0x16280] =	vst v62  }
0x2ef: {  	v1 =	vsel vm15, $0x0, v1;
	[tilespmem:s6+$0x16000] =	vst v63  }
0x2f0: {  	[tilespmem:s7+$0x16000] =	vst v1  }
0x2f1: {  	s0 =	simm.s32 $0x16000;
	s1 =	rddreg [dreg:$0xe]  }
0x2f2: {  	[hbm4b:s1+s30] =	stream.strided.scatter [tilespmem:s0], [sflag:$0x8], $0x400, s31, s30, $0x38;
	[tilespmem:$0x18000] =	vst v63  }
0x2f3: {  	s2 =	simm.s32 $0x16400;
	s22 =	sadd.s32 $0x80, s1  }
0x2f4: {  	[hbm4b:s22+s30] =	stream.strided.scatter [tilespmem:s2], [sflag:$0x8], $0x400, s31, s30, $0x38;
	[tilespmem:$0x18000] =	vst v63  }
0x2f5: {  	s29 =	simm.s32 $0x16800;
	s25 =	sadd.s32 $0x100, s1  }
0x2f6: {  	[hbm4b:s25+s30] =	stream.strided.scatter [tilespmem:s29], [sflag:$0x8], $0x400, s31, s30, $0x38;
	[tilespmem:$0x18000] =	vst v63  }
0x2f7: {  	s4 =	simm.s32 $0x16C00;
	s3 =	sadd.s32 $0x180, s1  }
0x2f8: {  	[hbm4b:s3+s30] =	stream.strided.scatter [tilespmem:s4], [sflag:$0x8], $0x400, s31, s30, $0x38;
	[tilespmem:$0x18000] =	vst v63  }
0x2f9: {  	s6 =	simm.s32 $0x17000;
	s5 =	sadd.s32 $0x200, s1  }
0x2fa: {  	[hbm4b:s5+s30] =	stream.strided.scatter [tilespmem:s6], [sflag:$0x8], $0x400, s31, s30, $0x38;
	[tilespmem:$0x18000] =	vst v63  }
0x2fb: {  	s8 =	simm.s32 $0x17400;
	s7 =	sadd.s32 $0x280, s1  }
0x2fc: {  	[hbm4b:s7+s30] =	stream.strided.scatter [tilespmem:s8], [sflag:$0x8], $0x400, s31, s30, $0x38;
	[tilespmem:$0x18000] =	vst v63  }
0x2fd: {  	s10 =	simm.s32 $0x17800;
	s9 =	sadd.s32 $0x300, s1  }
0x2fe: {  	[hbm4b:s9+s30] =	stream.strided.scatter [tilespmem:s10], [sflag:$0x8], $0x400, s31, s30, $0x38;
	[tilespmem:$0x18000] =	vst v63  }
0x2ff: {  	s12 =	simm.s32 $0x17C00;
	s11 =	sadd.s32 $0x380, s1  }
0x300: {  	[hbm4b:s11+s30] =	stream.strided.scatter [tilespmem:s12], [sflag:$0x8], $0x400, s31, s30, $0x38;
	[tilespmem:$0x18000] =	vst v63  }
0x301: {  	s14 =	simm.s32 $0xC000;
	s13 =	rddreg [dreg:$0xf]  }
0x302: {  	[tilespmem:s14], [sflag:$0x4] =	stream.strided.gather [hbm4b:s13+s30], $0x400, s31, s30, $0x38;
	[tilespmem:$0x18000] =	vst v63  }
0x303: {  	s16 =	simm.s32 $0xC400;
	s15 =	sadd.s32 $0x80, s13  }
0x304: {  	[tilespmem:s16], [sflag:$0x4] =	stream.strided.gather [hbm4b:s15+s30], $0x400, s31, s30, $0x38;
	[tilespmem:$0x18000] =	vst v63  }
0x305: {  	s20 =	simm.s32 $0xC800;
	s17 =	sadd.s32 $0x100, s13  }
0x306: {  	[tilespmem:s20], [sflag:$0x4] =	stream.strided.gather [hbm4b:s17+s30], $0x400, s31, s30, $0x38;
	[tilespmem:$0x18000] =	vst v63  }
0x307: {  	s21 =	sadd.s32 $0x180, s13;
	s22 =	simm.s32 $0xCC00  }
0x308: {  	[tilespmem:s22], [sflag:$0x4] =	stream.strided.gather [hbm4b:s21+s30], $0x400, s31, s30, $0x38;
	[tilespmem:$0x18000] =	vst v63  }
0x309: {  	s25 =	sadd.s32 $0x200, s13;
	s29 =	simm.s32 $0xD000  }
0x30a: {  	[tilespmem:s29], [sflag:$0x4] =	stream.strided.gather [hbm4b:s25+s30], $0x400, s31, s30, $0x38;
	[tilespmem:$0x18000] =	vst v63  }
0x30b: {  	s2 =	sadd.s32 $0x280, s13;
	s3 =	simm.s32 $0xD400  }
0x30c: {  	[tilespmem:s3], [sflag:$0x4] =	stream.strided.gather [hbm4b:s2+s30], $0x400, s31, s30, $0x38;
	[tilespmem:$0x18000] =	vst v63  }
0x30d: {  	s4 =	sadd.s32 $0x300, s13;
	s5 =	simm.s32 $0xD800  }
0x30e: {  	[tilespmem:s5], [sflag:$0x4] =	stream.strided.gather [hbm4b:s4+s30], $0x400, s31, s30, $0x38;
	[tilespmem:$0x18000] =	vst v63  }
0x30f: {  	s6 =	sadd.s32 $0x380, s13;
	s7 =	simm.s32 $0xDC00  }
0x310: {  	[tilespmem:s7], [sflag:$0x4] =	stream.strided.gather [hbm4b:s6+s30], $0x400, s31, s30, $0x38;
	[tilespmem:$0x18000] =	vst v63  }
0x311: {  	s8 =	sadd.s32 $0x400000, s13;
	s9 =	simm.s32 $0xE000  }
0x312: {  	[tilespmem:s9], [sflag:$0x4] =	stream.strided.gather [hbm4b:s8+s30], $0x100, s31, s30, $0x38;
	[tilespmem:$0x18000] =	vst v63  }
0x313: {  	s10 =	sadd.s32 $0x80, s8;
	s11 =	simm.s32 $0xE400  }
0x314: {  	[tilespmem:s11], [sflag:$0x4] =	stream.strided.gather [hbm4b:s10+s30], $0x100, s31, s30, $0x38;
	[tilespmem:$0x18000] =	vst v63  }
0x315: {  	s12 =	sadd.s32 $0x100, s8;
	s13 =	simm.s32 $0xE800  }
0x316: {  	[tilespmem:s13], [sflag:$0x4] =	stream.strided.gather [hbm4b:s12+s30], $0x100, s31, s30, $0x38;
	[tilespmem:$0x18000] =	vst v63  }
0x317: {  	s14 =	sadd.s32 $0x180, s8;
	s15 =	simm.s32 $0xEC00  }
0x318: {  	[tilespmem:s15], [sflag:$0x4] =	stream.strided.gather [hbm4b:s14+s30], $0x100, s31, s30, $0x38;
	[tilespmem:$0x18000] =	vst v63  }
0x319: {  	s16 =	sadd.s32 $0x200, s8;
	s17 =	simm.s32 $0xF000  }
0x31a: {  	[tilespmem:s17], [sflag:$0x4] =	stream.strided.gather [hbm4b:s16+s30], $0x100, s31, s30, $0x38;
	[tilespmem:$0x18000] =	vst v63  }
0x31b: {  	s20 =	sadd.s32 $0x280, s8;
	s21 =	simm.s32 $0xF400  }
0x31c: {  	[tilespmem:s21], [sflag:$0x4] =	stream.strided.gather [hbm4b:s20+s30], $0x100, s31, s30, $0x38;
	[tilespmem:$0x18000] =	vst v63  }
0x31d: {  	s22 =	sadd.s32 $0x300, s8;
	s25 =	simm.s32 $0xF800  }
0x31e: {  	[tilespmem:s25], [sflag:$0x4] =	stream.strided.gather [hbm4b:s22+s30], $0x100, s31, s30, $0x38;
	[tilespmem:$0x18000] =	vst v63  }
0x31f: {  	s0 =	sadd.s32 $0x380, s8;
	s29 =	simm.s32 $0xFC00;
	s7 =	simm.s32 $0x1  }
0x320: {  	[tilespmem:s29], [sflag:$0x4] =	stream.strided.gather [hbm4b:s0+s30], $0x100, s31, s30, $0x38;
	[tilespmem:$0x18000] =	vst v63  }
.LBB2_10:
0x321: {  	s2 =	simm.s32 $0x1  }
0x322: {  	_ =	swait.ge [sflag:s2], $0x2800  }
0x323: {  	s13 =	simm.s32 $0x0;
	[sflag:s2] =	ssyncset.done $0x0  }
0x324: {  	s16 =	simm.s32 $0x5;
	s17 =	sand.u32 $0x60, s13;
	[sflag:s2] =	ssyncadd.s32 $0xFFFFD800  }
0x325: {  	s20 =	sand.u32 $0x1C00, s13;
	s1 =	rddreg [dreg:$0x3];
	_ =	swait.ge [sflag:s16], $0x2000  }
0x326: {  	s0 =	sshll.u32 s7, $0x2;
	s6 =	sor.u32 s17, s20;
	[sflag:s16] =	ssyncset.done $0x0  }
0x327: {  	s3 =	sor.u32 $0x2000, s20;
	s5 =	sor.u32 $0x10, s17;
	[sflag:s16] =	ssyncadd.s32 $0xFFFFE000  }
0x328: {  	s10 =	sor.u32 $0x2080, s20;
	s8 =	sadd.s32 s1, s0;
	s12 =	sor.u32 s5, s3;
	v0 =	vld [tilespmem:s6+$0x0]  }
0x329: {  	s15 =	sshll.u32 s7, $0x5;
	s21 =	sor.u32 s5, s10;
	s0 =	sshll.u32 s8, $0x7;
	v3 =	vld [tilespmem:s12+$0x0]  }
0x32a: {  	s2 =	sand.u32 $0x60, s15;
	s3 =	sor.u32 s17, s3;
	s0 =	sand.u32 $0x7F800, s0;
	v5 =	vld [tilespmem:s21+$0x0]  }
0x32b: {  	s9 =	sor.u32 s2, s0;
	s0 =	sor.u32 s17, s10;
	v7 =	vld [tilespmem:s3+$0x0]  }
0x32c: {  	v8 =	vld [tilespmem:s0+$0x0]  }
0x32d: {  	v2 =	vld [tilespmem:s6+$0x80]  }
0x32e: {  	v1 =	vld [tilespmem:s6+$0x100]  }
0x32f: {  	v4 =	vld [tilespmem:s6+$0x180];
	v3 =	vmul.f32 v3, v3;
	v9 =	vmul.f32 v5, v5  }
0x330: {  	s15 =	sor.u32 s20, s5;
	v6 =	vld [tilespmem:s6+$0x200]  }
0x331: {  	v14 =	vld [tilespmem:s15+$0x0];
	v7 =	vmul.f32 v7, v7;
	v8 =	vmul.f32 v8, v8;
	v13 =	vadd.f32 v9, v3  }
0x332: {  	s22 =	sand.u32 $0x3, s13;
	v15 =	vld [tilespmem:s15+$0x80]  }
0x333: {  	s0 =	sshll.u32 s22, $0x5;
	v16 =	vld [tilespmem:s15+$0x100];
	v3 =	vadd.f32 v8, v7;
	v7 =	vshra.s32 v13, $0x1;
	v11 =	vmul.f32 $5.000000000e-01, v13  }
0x334: {  	v17 =	vld [tilespmem:s15+$0x180];
	s0 =	sadd.s32 $0x0, s0;
	v9 =	vsub.s32 $0x5F3759DF, v7  }
0x335: {  	s25 =	smov.u32 s23;
	s4 =	sadd.s32 s23, s9;
	v19 =	vld [tilespmem:s15+$0x200];
	s23 =	sadd.s32 $0x10, s0;
	v8 =	vmul.f32 v9, v11  }
0x336: {  	v20 =	vld [tilespmem:s15+$0x280];
	s17 =	sor.u32 $0x300, s23;
	v12 =	vmul.f32 $5.000000000e-01, v3;
	v7 =	vshra.s32 v3, $0x1  }
0x337: {  	s16 =	sor.u32 $0x380, s23;
	v21 =	vld [tilespmem:s17+$0x0];
	v18 =	vsub.s32 $0x5F3759DF, v7;
	v8 =	vmul.f32 v9, v8  }
0x338: {  	v22 =	vld [tilespmem:s16+$0x0];
	v7 =	vmul.f32 v18, v12  }
0x339: {  	s29 =	sor.u32 s13, s13;
	s12 =	sor.u32 $0x300, s0;
	v5 =	vld [tilespmem:s6+$0x280];
	v23 =	vsub.f32 $1.500000000e+00, v8  }
0x33a: {  	s14 =	sor.u32 $0x380, s29;
	v10 =	vmul.f32 v18, v7;
	v7 =	vld [tilespmem:s12+$0x0]  }
0x33b: {  	v24 =	vmax.f32 v0, v2;
	v25 =	vmax.f32 v1, v4;
	v8 =	vld [tilespmem:s14+$0x0];
	v23 =	vmul.f32 v9, v23  }
0x33c: {  	v56 =	vmax.f32 v14, v15;
	v57 =	vmax.f32 v16, v17;
	v26 =	vsub.f32 $1.500000000e+00, v10  }
0x33d: {  	v58 =	vmax.f32 v19, v20;
	v59 =	vmax.f32 v21, v22;
	v11 =	vmul.f32 v23, v11  }
0x33e: {  	v60 =	vmax.f32 v58, v59;
	v9 =	vmul.f32 v18, v26;
	v18 =	vmax.f32 v56, v57  }
0x33f: {  	v27 =	vmax.f32 v6, v5;
	v18 =	vmax.f32 v18, v60;
	v61 =	vmul.f32 v11, v23  }
0x340: {  	v10 =	vmax.f32 v24, v25;
	v62 =	vmax.f32 v7, v8;
	vm2 =	vne.f32 v14, v18  }
0x341: {  	vm3 =	veq.f32 v20, v18;
	vm0 =	veq.f32 v21, v18;
	v63 =	vsub.f32 $1.500000000e+00, v61  }
0x342: {  	vm1 =	vne.f32 v22, v18;
	vm4 =	veq.f32 v14, v18;
	vm5 =	veq.f32 v15, v18  }
0x343: {  	vm6 =	veq.f32 v17, v18;
	vm7 =	veq.f32 v19, v18;
	v14 =	vmul.f32 v63, v23  }
0x344: {  	vm9 =	veq.f32 v16, v18;
	v11 =	vmul.f32 v9, v12;
	vm8 =	vmor vm4, vm5  }
0x345: {  	v12 =	vmax.f32 v27, v62;
	vm10 =	vmneg vm8;
	v13 =	vmul.f32 v14, v13  }
0x346: {  	vm2 =	vmand vm5, vm2;
	vm8 =	vmor vm8, vm9;
	vm5 =	vmand vm9, vm10  }
0x347: {  	vm15 =	vmor vm8, vm6;
	v14 =	vnsel vm4, $0x0, v13;
	vm4 =	vmneg vm8  }
0x348: {  	[tilespmem:s15+$0x10000] =	vst v14;
	v14 =	vnsel vm2, $0x0, v13;
	vm4 =	vmand vm6, vm4;
	vm2 =	vmneg vm15  }
0x349: {  	vm6 =	vmor vm15, vm7;
	[tilespmem:s15+$0x10080] =	vst v14;
	v14 =	vnsel vm5, $0x0, v13;
	vm5 =	vmand vm7, vm2  }
0x34a: {  	vm2 =	vmor vm6, vm3;
	[tilespmem:s15+$0x10100] =	vst v14;
	v14 =	vnsel vm4, $0x0, v13;
	vm4 =	vmneg vm6  }
0x34b: {  	s20 =	simm.s32 $0x100;
	s21 =	simm.s32 $0x20;
	s0 =	simm.s32 $0x0;
	[tilespmem:s15+$0x10180] =	vst v14;
	v14 =	vnsel vm5, $0x0, v13;
	vm3 =	vmand vm3, vm4;
	vm4 =	vmneg vm2  }
.LBB2_11:
0x34c: {  	s10 =	sand.u32 $0x60, s21;
	s3 =	sand.u32 $0x1C00, s20;
	s2 =	sor.u32 s20, s21;
	[tilespmem:s15+$0x10200] =	vst v14;
	v14 =	vnsel vm3, $0x0, v13;
	vm3 =	vmand vm0, vm4;
	vm0 =	vmor vm0, vm1  }
0x34d: {  	v10 =	vmax.f32 v10, v12;
	s22 =	sor.u32 s10, s3;
	s23 =	sor.u32 $0x2000, s3;
	s5 =	sor.u32 $0x10, s10;
	[tilespmem:s15+$0x10280] =	vst v14;
	v12 =	vnsel vm3, $0x0, v13;
	vm1 =	vmor vm0, vm2  }
0x34e: {  	v11 =	vmul.f32 v11, v9;
	s1 =	sor.u32 $0x2080, s3;
	vm0 =	veq.f32 v0, v10;
	v14 =	vld [tilespmem:s22+$0x0];
	s15 =	sor.u32 s10, s23;
	s23 =	sor.u32 s5, s23;
	[tilespmem:s17+$0x10000] =	vst v12;
	v12 =	vsel vm1, $0x0, v13  }
0x34f: {  	s2 =	sor.u32 $0x380, s2;
	vm2 =	veq.f32 v1, v10;
	vm3 =	veq.f32 v4, v10;
	s10 =	sor.u32 s10, s1;
	s1 =	sor.u32 s5, s1;
	vm1 =	veq.f32 v2, v10;
	v13 =	vld [tilespmem:s23+$0x0];
	[tilespmem:s16+$0x10000] =	vst v12  }
0x350: {  	vm4 =	veq.f32 v6, v10;
	v1 =	vsub.f32 $1.500000000e+00, v11;
	vm9 =	vmor vm0, vm1;
	v12 =	vld [tilespmem:s1+$0x0]  }
0x351: {  	vm7 =	veq.f32 v5, v10;
	vm8 =	veq.f32 v7, v10;
	vm5 =	vmor vm9, vm2;
	v11 =	vld [tilespmem:s15+$0x0]  }
0x352: {  	vm11 =	vne.f32 v8, v10;
	v4 =	vmul.f32 v1, v9;
	vm6 =	vmor vm5, vm3;
	v7 =	vld [tilespmem:s10+$0x0]  }
0x353: {  	vm5 =	vmneg vm5;
	vm12 =	vmor vm6, vm4;
	vm6 =	vmneg vm6;
	v2 =	vld [tilespmem:s22+$0x80]  }
0x354: {  	s0 =	sadd.s32 $0x2, s0;
	v9 =	vmul.f32 v4, v3;
	vm10 =	vmor vm12, vm7;
	vm12 =	vmneg vm12;
	v1 =	vld [tilespmem:s22+$0x100]  }
0x355: {  	p0 =	slt.u32 s0, $0x3E;
	v3 =	vmul.f32 v13, v13;
	vm13 =	vmneg vm10;
	v4 =	vld [tilespmem:s22+$0x180];
	v8 =	vmul.f32 v12, v12  }
0x356: {  	vm14 =	vmor vm8, vm11;
	vm9 =	vmneg vm9;
	v6 =	vld [tilespmem:s22+$0x200];
	v11 =	vmul.f32 v11, v11  }
0x357: {  	vm11 =	vne.f32 v0, v10;
	s15 =	sor.u32 s3, s5;
	v0 =	vmovc v14;
	v5 =	vld [tilespmem:s22+$0x280];
	v7 =	vmul.f32 v7, v7;
	v13 =	vadd.f32 v8, v3  }
0x358: {  	s13 =	sadd.s32 $0x1, s13;
	vm7 =	vmand vm7, vm12;
	vm8 =	vmand vm8, vm13;
	v8 =	vmax.f32 v0, v2;
	v14 =	vld [tilespmem:s15+$0x0]  }
0x359: {  	s1 =	sand.u32 $0x3, s13;
	v3 =	vadd.f32 v7, v11;
	v15 =	vld [tilespmem:s15+$0x80];
	v7 =	vshra.s32 v13, $0x1;
	v11 =	vmul.f32 $5.000000000e-01, v13  }
0x35a: {  	s1 =	sshll.u32 s1, $0x5;
	vm10 =	vmor vm14, vm10;
	v10 =	vmax.f32 v1, v4;
	v16 =	vld [tilespmem:s15+$0x100];
	v12 =	vsub.s32 $0x5F3759DF, v7  }
0x35b: {  	s1 =	sadd.s32 s1, s20;
	v7 =	vshra.s32 v3, $0x1;
	v17 =	vmul.f32 $5.000000000e-01, v3;
	v18 =	vld [tilespmem:s15+$0x180];
	v19 =	vmul.f32 v12, v11  }
0x35c: {  	s3 =	sor.u32 $0x300, s1;
	s1 =	sadd.s32 $0x10, s1;
	v10 =	vmax.f32 v8, v10;
	v20 =	vmax.f32 v6, v5;
	v21 =	vsub.s32 $0x5F3759DF, v7;
	v22 =	vld [tilespmem:s15+$0x200]  }
0x35d: {  	vm4 =	vmand vm4, vm6;
	s17 =	sor.u32 $0x300, s1;
	v7 =	vmul.f32 v21, v17;
	v23 =	vld [tilespmem:s15+$0x280];
	v8 =	vmul.f32 v12, v19  }
0x35e: {  	vm1 =	vmand vm1, vm11;
	vm2 =	vmand vm2, vm9;
	vm3 =	vmand vm3, vm5;
	s16 =	sor.u32 $0x380, s1;
	v19 =	vld [tilespmem:s17+$0x0]  }
0x35f: {  	v24 =	vmul.f32 v21, v7;
	v25 =	vld [tilespmem:s16+$0x0];
	v26 =	vsub.f32 $1.500000000e+00, v8;
	v8 =	vnsel vm0, $0x0, v9  }
0x360: {  	v27 =	vnsel vm1, $0x0, v9;
	v28 =	vnsel vm2, $0x0, v9;
	v29 =	vnsel vm3, $0x0, v9;
	v7 =	vld [tilespmem:s3+$0x0];
	[tilespmem:s6+$0x10000] =	vst v8  }
0x361: {  	v8 =	vld [tilespmem:s2+$0x0];
	v24 =	vsub.f32 $1.500000000e+00, v24;
	v26 =	vmul.f32 v12, v26;
	[tilespmem:s6+$0x10080] =	vst v27;
	v12 =	vnsel vm4, $0x0, v9  }
0x362: {  	v30 =	vsel vm10, $0x0, v9;
	v27 =	vnsel vm7, $0x0, v9;
	[tilespmem:s6+$0x10100] =	vst v28;
	v28 =	vnsel vm8, $0x0, v9  }
0x363: {  	v9 =	vmul.f32 v21, v24;
	v21 =	vmax.f32 v14, v15;
	v11 =	vmul.f32 v26, v11;
	[tilespmem:s6+$0x10180] =	vst v29  }
0x364: {  	v24 =	vmax.f32 v16, v18;
	v29 =	vmax.f32 v22, v23;
	v31 =	vmax.f32 v19, v25;
	[tilespmem:s6+$0x10200] =	vst v12  }
0x365: {  	v12 =	vmax.f32 v21, v24;
	v21 =	vmax.f32 v29, v31;
	v24 =	vmul.f32 v11, v26;
	[tilespmem:s6+$0x10280] =	vst v27;
	s6 =	smov.u32 s22  }
0x366: {  	v11 =	vmul.f32 v9, v17;
	v27 =	vmax.f32 v7, v8;
	v17 =	vmax.f32 v12, v21;
	[tilespmem:s12+$0x10000] =	vst v28;
	s12 =	smov.u32 s3  }
0x367: {  	v12 =	vmax.f32 v20, v27;
	vm2 =	vne.f32 v14, v17;
	v20 =	vsub.f32 $1.500000000e+00, v24;
	[tilespmem:s14+$0x10000] =	vst v30;
	s14 =	smov.u32 s2  }
0x368: {  	vm3 =	veq.f32 v23, v17;
	vm0 =	veq.f32 v19, v17;
	vm1 =	vne.f32 v25, v17  }
0x369: {  	vm4 =	veq.f32 v14, v17;
	vm5 =	veq.f32 v15, v17;
	v14 =	vmul.f32 v20, v26  }
0x36a: {  	vm6 =	veq.f32 v18, v17;
	vm7 =	veq.f32 v22, v17;
	vm8 =	vmor vm4, vm5  }
0x36b: {  	vm9 =	veq.f32 v16, v17;
	vm10 =	vmneg vm8;
	v13 =	vmul.f32 v14, v13  }
0x36c: {  	vm2 =	vmand vm5, vm2;
	vm8 =	vmor vm8, vm9;
	vm5 =	vmand vm9, vm10  }
.Ltmp6:
0x36d: {  	vm9 =	vmor vm8, vm6;
	v14 =	vnsel vm4, $0x0, v13;
	vm4 =	vmneg vm8;
	(pc) =	sbr.rel @p0 .LBB2_11-.Ltmp6, $4  }
0x36e: {  	[tilespmem:s15+$0x10000] =	vst v14;
	v14 =	vnsel vm2, $0x0, v13;
	vm4 =	vmand vm6, vm4;
	vm2 =	vmneg vm9  }
0x36f: {  	vm6 =	vmor vm9, vm7;
	[tilespmem:s15+$0x10080] =	vst v14;
	v14 =	vnsel vm5, $0x0, v13;
	vm5 =	vmand vm7, vm2  }
0x370: {  	vm2 =	vmor vm6, vm3;
	[tilespmem:s15+$0x10100] =	vst v14;
	v14 =	vnsel vm4, $0x0, v13;
	vm4 =	vmneg vm6  }
0x371: {  	s21 =	sadd.s32 $0x20, s21;
	s20 =	sadd.s32 $0x100, s20;
	[tilespmem:s15+$0x10180] =	vst v14;
	v14 =	vnsel vm5, $0x0, v13;
	vm3 =	vmand vm3, vm4;
	vm4 =	vmneg vm2  }
0x372: {  	v10 =	vmax.f32 v10, v12  }
0x373: {  	v12 =	vnsel vm3, $0x0, v13;
	vm3 =	vmand vm0, vm4;
	v11 =	vmul.f32 v11, v9  }
0x374: {  	vm0 =	vmor vm0, vm1;
	vm1 =	veq.f32 v2, v10;
	v2 =	vnsel vm3, $0x0, v13  }
0x375: {  	vm0 =	vmor vm0, vm2;
	vm2 =	veq.f32 v0, v10;
	v11 =	vsub.f32 $1.500000000e+00, v11  }
0x376: {  	vm3 =	veq.f32 v4, v10;
	vm4 =	veq.f32 v6, v10;
	vm6 =	veq.f32 v5, v10  }
0x377: {  	v13 =	vsel vm0, $0x0, v13;
	vm0 =	veq.f32 v1, v10;
	v1 =	vmul.f32 v11, v9  }
0x378: {  	[tilespmem:s15+$0x10200] =	vst v14;
	vm7 =	veq.f32 v7, v10;
	vm9 =	vne.f32 v8, v10;
	vm5 =	vmor vm2, vm1  }
0x379: {  	[tilespmem:s15+$0x10280] =	vst v12;
	vm12 =	vne.f32 v0, v10;
	vm8 =	vmor vm5, vm0;
	v1 =	vmul.f32 v1, v3  }
0x37a: {  	[tilespmem:s17+$0x10000] =	vst v2;
	vm1 =	vmand vm1, vm12;
	vm5 =	vmneg vm5;
	vm10 =	vmor vm8, vm3  }
0x37b: {  	[tilespmem:s16+$0x10000] =	vst v13;
	vm8 =	vmneg vm8;
	vm0 =	vmand vm0, vm5;
	v0 =	vnsel vm2, $0x0, v1  }
0x37c: {  	vm11 =	vmor vm10, vm4;
	vm3 =	vmand vm3, vm8;
	v2 =	vnsel vm0, $0x0, v1;
	[tilespmem:s6+$0x10000] =	vst v0  }
0x37d: {  	vm2 =	vmneg vm10;
	vm0 =	vmneg vm11;
	v0 =	vnsel vm1, $0x0, v1;
	[tilespmem:s6+$0x10100] =	vst v2  }
0x37e: {  	vm1 =	vmor vm11, vm6;
	vm2 =	vmand vm4, vm2;
	[tilespmem:s6+$0x10080] =	vst v0;
	v0 =	vnsel vm3, $0x0, v1  }
0x37f: {  	vm0 =	vmand vm6, vm0;
	vm3 =	vmneg vm1;
	v2 =	vnsel vm2, $0x0, v1;
	[tilespmem:s6+$0x10180] =	vst v0  }
0x380: {  	vm2 =	vmor vm7, vm9;
	vm3 =	vmand vm7, vm3;
	v0 =	vnsel vm0, $0x0, v1;
	[tilespmem:s6+$0x10200] =	vst v2  }
0x381: {  	vm0 =	vmor vm2, vm1;
	v2 =	vnsel vm3, $0x0, v1;
	[tilespmem:s6+$0x10280] =	vst v0  }
0x382: {  	v0 =	vsel vm0, $0x0, v1;
	[tilespmem:s12+$0x10000] =	vst v2  }
0x383: {  	s0 =	simm.s32 $0x10000;
	s10 =	sadd.s32 $0x80, s4;
	[tilespmem:s14+$0x10000] =	vst v0  }
0x384: {  	[hbm4b:s4+s30] =	stream.strided.scatter [tilespmem:s0], [sflag:$0x5], $0x400, s31, s30, $0x38;
	[tilespmem:$0x18000] =	vst v63  }
0x385: {  	s1 =	simm.s32 $0x10400;
	s11 =	sadd.s32 $0x100, s4;
	s13 =	sadd.s32 $0x180, s4  }
0x386: {  	[hbm4b:s10+s30] =	stream.strided.scatter [tilespmem:s1], [sflag:$0x5], $0x400, s31, s30, $0x38;
	[tilespmem:$0x18000] =	vst v63  }
0x387: {  	s20 =	simm.s32 $0x11400;
	s21 =	sadd.s32 $0x300, s4;
	s12 =	simm.s32 $0x10800  }
0x388: {  	[hbm4b:s11+s30] =	stream.strided.scatter [tilespmem:s12], [sflag:$0x5], $0x400, s31, s30, $0x38;
	[tilespmem:$0x18000] =	vst v63  }
0x389: {  	s22 =	simm.s32 $0x11800;
	p0 =	seq.s32 s7, $0x1F;
	s14 =	simm.s32 $0x10C00  }
0x38a: {  	[hbm4b:s13+s30] =	stream.strided.scatter [tilespmem:s14], [sflag:$0x5], $0x400, s31, s30, $0x38;
	[tilespmem:$0x18000] =	vst v63  }
0x38b: {  	s15 =	sadd.s32 $0x200, s4;
	s16 =	simm.s32 $0x11000;
	s0 =	sadd.s32 @!p0 $0x4, s8  }
0x38c: {  	[hbm4b:s15+s30] =	stream.strided.scatter [tilespmem:s16], [sflag:$0x5], $0x400, s31, s30, $0x38;
	[tilespmem:$0x18000] =	vst v63  }
0x38d: {  	s23 =	sadd.s32 $0x380, s4;
	s17 =	sadd.s32 $0x280, s4;
	s2 =	sshll.u32 @!p0 s0, $0x3  }
0x38e: {  	[hbm4b:s17+s30] =	stream.strided.scatter [tilespmem:s20], [sflag:$0x5], $0x400, s31, s30, $0x38;
	[tilespmem:$0x18000] =	vst v63  }
0x38f: {  	s29 =	simm.s32 $0x11C00;
	s0 =	sshll.u32 @!p0 s0, $0x7;
	s6 =	sand.u32 @!p0 $0x60, s2  }
0x390: {  	[hbm4b:s21+s30] =	stream.strided.scatter [tilespmem:s22], [sflag:$0x5], $0x400, s31, s30, $0x38;
	[tilespmem:$0x18000] =	vst v63  }
0x391: {  	s3 =	simm.s32 @!p0 $0x400000;
	s4 =	sand.u32 @!p0 $0xFFFF800, s0;
	s0 =	sadd.s32 @!p0 s24, s6  }
0x392: {  	[hbm4b:s23+s30] =	stream.strided.scatter [tilespmem:s29], [sflag:$0x5], $0x400, s31, s30, $0x38;
	[tilespmem:$0x18000] =	vst v63  }
0x393: {  	s5 =	simm.s32 @!p0 $0x0;
	s2 =	simm.s32 @!p0 $0x80;
	s0 =	sadd.s32 @!p0 s4, s0  }
0x394: {  	[tilespmem:s5], [sflag:$0x1] =	stream.strided.gather @!p0 [hbm4b:s0+s2], $0x400, s3, s2, $0x38;
	[tilespmem:$0x18000] =	vst v63  }
0x395: {  	s10 =	simm.s32 @!p0 $0x400;
	s5 =	sadd.s32 @!p0 $0x80, s0  }
0x396: {  	[tilespmem:s10], [sflag:$0x1] =	stream.strided.gather @!p0 [hbm4b:s5+s2], $0x400, s3, s2, $0x38;
	[tilespmem:$0x18000] =	vst v63  }
0x397: {  	s5 =	sadd.s32 @!p0 $0x100, s0;
	s10 =	simm.s32 @!p0 $0x800  }
0x398: {  	[tilespmem:s10], [sflag:$0x1] =	stream.strided.gather @!p0 [hbm4b:s5+s2], $0x400, s3, s2, $0x38;
	[tilespmem:$0x18000] =	vst v63  }
0x399: {  	s5 =	sadd.s32 @!p0 $0x180, s0;
	s10 =	simm.s32 @!p0 $0xC00  }
0x39a: {  	[tilespmem:s10], [sflag:$0x1] =	stream.strided.gather @!p0 [hbm4b:s5+s2], $0x400, s3, s2, $0x38;
	[tilespmem:$0x18000] =	vst v63  }
0x39b: {  	s5 =	sadd.s32 @!p0 $0x200, s0;
	s10 =	simm.s32 @!p0 $0x1000  }
0x39c: {  	[tilespmem:s10], [sflag:$0x1] =	stream.strided.gather @!p0 [hbm4b:s5+s2], $0x400, s3, s2, $0x38;
	[tilespmem:$0x18000] =	vst v63  }
0x39d: {  	s5 =	sadd.s32 @!p0 $0x280, s0;
	s10 =	simm.s32 @!p0 $0x1400  }
0x39e: {  	[tilespmem:s10], [sflag:$0x1] =	stream.strided.gather @!p0 [hbm4b:s5+s2], $0x400, s3, s2, $0x38;
	[tilespmem:$0x18000] =	vst v63  }
0x39f: {  	s5 =	sadd.s32 @!p0 $0x300, s0;
	s10 =	simm.s32 @!p0 $0x1800  }
0x3a0: {  	[tilespmem:s10], [sflag:$0x1] =	stream.strided.gather @!p0 [hbm4b:s5+s2], $0x400, s3, s2, $0x38;
	[tilespmem:$0x18000] =	vst v63  }
0x3a1: {  	s5 =	sadd.s32 @!p0 $0x380, s0;
	s10 =	simm.s32 @!p0 $0x1C00  }
0x3a2: {  	[tilespmem:s10], [sflag:$0x1] =	stream.strided.gather @!p0 [hbm4b:s5+s2], $0x400, s3, s2, $0x38;
	[tilespmem:$0x18000] =	vst v63  }
0x3a3: {  	s0 =	sadd.s32 @!p0 $0x400000, s0;
	s5 =	simm.s32 @!p0 $0x2000  }
0x3a4: {  	[tilespmem:s5], [sflag:$0x1] =	stream.strided.gather @!p0 [hbm4b:s0+s2], $0x100, s3, s2, $0x38;
	[tilespmem:$0x18000] =	vst v63  }
0x3a5: {  	s10 =	simm.s32 @!p0 $0x2400;
	s5 =	sadd.s32 @!p0 $0x80, s0  }
0x3a6: {  	[tilespmem:s10], [sflag:$0x1] =	stream.strided.gather @!p0 [hbm4b:s5+s2], $0x100, s3, s2, $0x38;
	[tilespmem:$0x18000] =	vst v63  }
0x3a7: {  	s5 =	sadd.s32 @!p0 $0x100, s0;
	s10 =	simm.s32 @!p0 $0x2800  }
0x3a8: {  	[tilespmem:s10], [sflag:$0x1] =	stream.strided.gather @!p0 [hbm4b:s5+s2], $0x100, s3, s2, $0x38;
	[tilespmem:$0x18000] =	vst v63  }
0x3a9: {  	s5 =	sadd.s32 @!p0 $0x180, s0;
	s10 =	simm.s32 @!p0 $0x2C00  }
0x3aa: {  	[tilespmem:s10], [sflag:$0x1] =	stream.strided.gather @!p0 [hbm4b:s5+s2], $0x100, s3, s2, $0x38;
	[tilespmem:$0x18000] =	vst v63  }
0x3ab: {  	s5 =	sadd.s32 @!p0 $0x200, s0;
	s10 =	simm.s32 @!p0 $0x3000  }
0x3ac: {  	[tilespmem:s10], [sflag:$0x1] =	stream.strided.gather @!p0 [hbm4b:s5+s2], $0x100, s3, s2, $0x38;
	[tilespmem:$0x18000] =	vst v63  }
0x3ad: {  	s5 =	sadd.s32 @!p0 $0x280, s0;
	s10 =	simm.s32 @!p0 $0x3400  }
0x3ae: {  	[tilespmem:s10], [sflag:$0x1] =	stream.strided.gather @!p0 [hbm4b:s5+s2], $0x100, s3, s2, $0x38;
	[tilespmem:$0x18000] =	vst v63  }
0x3af: {  	s5 =	sadd.s32 @!p0 $0x300, s0;
	s10 =	simm.s32 @!p0 $0x3800  }
0x3b0: {  	[tilespmem:s10], [sflag:$0x1] =	stream.strided.gather @!p0 [hbm4b:s5+s2], $0x100, s3, s2, $0x38;
	[tilespmem:$0x18000] =	vst v63  }
0x3b1: {  	s0 =	sadd.s32 @!p0 $0x380, s0;
	s5 =	simm.s32 @!p0 $0x3C00  }
0x3b2: {  	[tilespmem:s5], [sflag:$0x1] =	stream.strided.gather @!p0 [hbm4b:s0+s2], $0x100, s3, s2, $0x38;
	[tilespmem:$0x18000] =	vst v63  }
0x3b3: {  	s2 =	simm.s32 $0x2  }
0x3b4: {  	_ =	swait.ge [sflag:s2], $0x2800  }
0x3b5: {  	[sflag:s2] =	ssyncset.done $0x0  }
0x3b6: {  	s15 =	simm.s32 $0x0;
	s3 =	simm.s32 $0x6;
	[sflag:s2] =	ssyncadd.s32 $0xFFFFD800  }
0x3b7: {  	s11 =	sand.u32 $0x1C00, s15;
	_ =	swait.ge [sflag:s3], $0x2000  }
0x3b8: {  	s13 =	sor.u32 $0x6000, s11;
	s5 =	sand.u32 $0x60, s15;
	[sflag:s3] =	ssyncset.done $0x0  }
0x3b9: {  	s14 =	sor.u32 s5, s11;
	s16 =	sor.u32 $0x10, s5;
	[sflag:s3] =	ssyncadd.s32 $0xFFFFE000  }
0x3ba: {  	s17 =	sor.u32 $0x6080, s11;
	s20 =	sor.u32 s16, s13;
	v0 =	vld [tilespmem:s14+$0x4000]  }
0x3bb: {  	s21 =	sor.u32 s16, s17;
	v3 =	vld [tilespmem:s20+$0x0]  }
0x3bc: {  	s2 =	sor.u32 s5, s13;
	v5 =	vld [tilespmem:s21+$0x0]  }
0x3bd: {  	s0 =	sor.u32 s5, s17;
	v7 =	vld [tilespmem:s2+$0x0]  }
0x3be: {  	v8 =	vld [tilespmem:s0+$0x0]  }
0x3bf: {  	v2 =	vld [tilespmem:s14+$0x4080]  }
0x3c0: {  	v1 =	vld [tilespmem:s14+$0x4100]  }
0x3c1: {  	v4 =	vld [tilespmem:s14+$0x4180];
	v3 =	vmul.f32 v3, v3;
	v9 =	vmul.f32 v5, v5  }
0x3c2: {  	s17 =	sor.u32 s11, s16;
	v6 =	vld [tilespmem:s14+$0x4200]  }
0x3c3: {  	v14 =	vld [tilespmem:s17+$0x4000];
	v7 =	vmul.f32 v7, v7;
	v8 =	vmul.f32 v8, v8;
	v13 =	vadd.f32 v9, v3  }
0x3c4: {  	s22 =	sand.u32 $0x3, s15;
	v15 =	vld [tilespmem:s17+$0x4080]  }
0x3c5: {  	s0 =	sshll.u32 s22, $0x5;
	v16 =	vld [tilespmem:s17+$0x4100];
	v3 =	vadd.f32 v8, v7;
	v7 =	vshra.s32 v13, $0x1;
	v11 =	vmul.f32 $5.000000000e-01, v13  }
0x3c6: {  	v17 =	vld [tilespmem:s17+$0x4180];
	s23 =	sadd.s32 $0x0, s0;
	v9 =	vsub.s32 $0x5F3759DF, v7  }
0x3c7: {  	v19 =	vld [tilespmem:s17+$0x4200];
	s0 =	sadd.s32 $0x10, s23;
	v8 =	vmul.f32 v9, v11  }
0x3c8: {  	v20 =	vld [tilespmem:s17+$0x4280];
	s21 =	sor.u32 $0x300, s0;
	v12 =	vmul.f32 $5.000000000e-01, v3;
	v7 =	vshra.s32 v3, $0x1  }
0x3c9: {  	s0 =	sor.u32 $0x380, s0;
	v21 =	vld [tilespmem:s21+$0x4000];
	v18 =	vsub.s32 $0x5F3759DF, v7;
	v8 =	vmul.f32 v9, v8  }
0x3ca: {  	v22 =	vld [tilespmem:s0+$0x4000];
	v7 =	vmul.f32 v18, v12  }
0x3cb: {  	s29 =	sor.u32 s15, s15;
	s16 =	sor.u32 $0x300, s23;
	v5 =	vld [tilespmem:s14+$0x4280];
	v23 =	vsub.f32 $1.500000000e+00, v8  }
0x3cc: {  	s13 =	sor.u32 $0x380, s29;
	v10 =	vmul.f32 v18, v7;
	v7 =	vld [tilespmem:s16+$0x4000]  }
0x3cd: {  	v24 =	vmax.f32 v0, v2;
	v25 =	vmax.f32 v1, v4;
	v8 =	vld [tilespmem:s13+$0x4000];
	v23 =	vmul.f32 v9, v23  }
0x3ce: {  	v56 =	vmax.f32 v14, v15;
	v57 =	vmax.f32 v16, v17;
	v26 =	vsub.f32 $1.500000000e+00, v10  }
0x3cf: {  	v58 =	vmax.f32 v19, v20;
	v59 =	vmax.f32 v21, v22;
	v11 =	vmul.f32 v23, v11  }
0x3d0: {  	v60 =	vmax.f32 v58, v59;
	v9 =	vmul.f32 v18, v26;
	v18 =	vmax.f32 v56, v57  }
0x3d1: {  	v27 =	vmax.f32 v6, v5;
	v18 =	vmax.f32 v18, v60;
	v61 =	vmul.f32 v11, v23  }
0x3d2: {  	v10 =	vmax.f32 v24, v25;
	v62 =	vmax.f32 v7, v8;
	vm2 =	vne.f32 v14, v18  }
0x3d3: {  	vm3 =	veq.f32 v20, v18;
	vm0 =	veq.f32 v21, v18;
	v63 =	vsub.f32 $1.500000000e+00, v61  }
0x3d4: {  	vm1 =	vne.f32 v22, v18;
	vm4 =	veq.f32 v14, v18;
	vm5 =	veq.f32 v15, v18  }
0x3d5: {  	vm6 =	veq.f32 v17, v18;
	vm7 =	veq.f32 v19, v18;
	v14 =	vmul.f32 v63, v23  }
0x3d6: {  	vm13 =	veq.f32 v16, v18;
	v11 =	vmul.f32 v9, v12;
	vm12 =	vmor vm4, vm5  }
0x3d7: {  	v12 =	vmax.f32 v27, v62;
	vm14 =	vmneg vm12;
	v13 =	vmul.f32 v14, v13  }
0x3d8: {  	vm2 =	vmand vm5, vm2;
	vm8 =	vmor vm12, vm13;
	vm5 =	vmand vm13, vm14  }
0x3d9: {  	vm15 =	vmor vm8, vm6;
	v14 =	vnsel vm4, $0x0, v13;
	vm4 =	vmneg vm8  }
0x3da: {  	[tilespmem:s17+$0x12000] =	vst v14;
	v14 =	vnsel vm2, $0x0, v13;
	vm4 =	vmand vm6, vm4;
	vm2 =	vmneg vm15  }
0x3db: {  	vm6 =	vmor vm15, vm7;
	[tilespmem:s17+$0x12080] =	vst v14;
	v14 =	vnsel vm5, $0x0, v13;
	vm5 =	vmand vm7, vm2  }
0x3dc: {  	s12 =	sadd.s32 s9, s18;
	vm2 =	vmor vm6, vm3;
	[tilespmem:s17+$0x12100] =	vst v14;
	v14 =	vnsel vm4, $0x0, v13;
	vm4 =	vmneg vm6  }
0x3dd: {  	s20 =	simm.s32 $0x0;
	s22 =	simm.s32 $0x100;
	s23 =	simm.s32 $0x20;
	[tilespmem:s17+$0x12180] =	vst v14;
	v14 =	vnsel vm5, $0x0, v13;
	vm3 =	vmand vm3, vm4;
	vm4 =	vmneg vm2  }
.LBB2_13:
0x3de: {  	s1 =	sand.u32 $0x60, s23;
	s5 =	sand.u32 $0x1C00, s22;
	s3 =	sor.u32 s22, s23;
	[tilespmem:s17+$0x12200] =	vst v14;
	v14 =	vnsel vm3, $0x0, v13;
	vm3 =	vmand vm0, vm4;
	vm0 =	vmor vm0, vm1  }
0x3df: {  	v10 =	vmax.f32 v10, v12;
	s2 =	sor.u32 s1, s5;
	s29 =	sor.u32 $0x6000, s5;
	s10 =	sor.u32 $0x10, s1;
	[tilespmem:s17+$0x12280] =	vst v14;
	v12 =	vnsel vm3, $0x0, v13;
	vm1 =	vmor vm0, vm2  }
0x3e0: {  	v11 =	vmul.f32 v11, v9;
	s11 =	sor.u32 $0x6080, s5;
	vm0 =	veq.f32 v0, v10;
	v14 =	vld [tilespmem:s2+$0x4000];
	s17 =	sor.u32 s1, s29;
	s29 =	sor.u32 s10, s29;
	[tilespmem:s21+$0x12000] =	vst v12;
	v12 =	vsel vm1, $0x0, v13  }
0x3e1: {  	s3 =	sor.u32 $0x380, s3;
	vm2 =	veq.f32 v1, v10;
	vm3 =	veq.f32 v4, v10;
	s1 =	sor.u32 s1, s11;
	s11 =	sor.u32 s10, s11;
	vm1 =	veq.f32 v2, v10;
	v13 =	vld [tilespmem:s29+$0x0];
	[tilespmem:s0+$0x12000] =	vst v12  }
0x3e2: {  	vm4 =	veq.f32 v6, v10;
	v1 =	vsub.f32 $1.500000000e+00, v11;
	vm9 =	vmor vm0, vm1;
	v12 =	vld [tilespmem:s11+$0x0]  }
0x3e3: {  	vm7 =	veq.f32 v5, v10;
	vm8 =	veq.f32 v7, v10;
	vm5 =	vmor vm9, vm2;
	v11 =	vld [tilespmem:s17+$0x0]  }
0x3e4: {  	vm11 =	vne.f32 v8, v10;
	v4 =	vmul.f32 v1, v9;
	vm6 =	vmor vm5, vm3;
	v7 =	vld [tilespmem:s1+$0x0]  }
0x3e5: {  	vm5 =	vmneg vm5;
	vm12 =	vmor vm6, vm4;
	vm6 =	vmneg vm6;
	v2 =	vld [tilespmem:s2+$0x4080]  }
0x3e6: {  	s20 =	sadd.s32 $0x2, s20;
	v9 =	vmul.f32 v4, v3;
	vm10 =	vmor vm12, vm7;
	vm12 =	vmneg vm12;
	v1 =	vld [tilespmem:s2+$0x4100]  }
0x3e7: {  	p1 =	slt.u32 s20, $0x3E;
	v3 =	vmul.f32 v13, v13;
	vm13 =	vmneg vm10;
	v4 =	vld [tilespmem:s2+$0x4180];
	v8 =	vmul.f32 v12, v12  }
0x3e8: {  	vm14 =	vmor vm8, vm11;
	vm9 =	vmneg vm9;
	v6 =	vld [tilespmem:s2+$0x4200];
	v11 =	vmul.f32 v11, v11  }
0x3e9: {  	vm11 =	vne.f32 v0, v10;
	s17 =	sor.u32 s5, s10;
	v0 =	vmovc v14;
	v5 =	vld [tilespmem:s2+$0x4280];
	v7 =	vmul.f32 v7, v7;
	v13 =	vadd.f32 v8, v3  }
0x3ea: {  	s15 =	sadd.s32 $0x1, s15;
	vm7 =	vmand vm7, vm12;
	vm8 =	vmand vm8, vm13;
	v8 =	vmax.f32 v0, v2;
	v14 =	vld [tilespmem:s17+$0x4000]  }
0x3eb: {  	s0 =	sand.u32 $0x3, s15;
	v3 =	vadd.f32 v7, v11;
	v15 =	vld [tilespmem:s17+$0x4080];
	v7 =	vshra.s32 v13, $0x1;
	v11 =	vmul.f32 $5.000000000e-01, v13  }
0x3ec: {  	s0 =	sshll.u32 s0, $0x5;
	vm10 =	vmor vm14, vm10;
	v10 =	vmax.f32 v1, v4;
	v16 =	vld [tilespmem:s17+$0x4100];
	v12 =	vsub.s32 $0x5F3759DF, v7  }
0x3ed: {  	s0 =	sadd.s32 s0, s22;
	v7 =	vshra.s32 v3, $0x1;
	v17 =	vmul.f32 $5.000000000e-01, v3;
	v18 =	vld [tilespmem:s17+$0x4180];
	v19 =	vmul.f32 v12, v11  }
0x3ee: {  	s1 =	sor.u32 $0x300, s0;
	s0 =	sadd.s32 $0x10, s0;
	v10 =	vmax.f32 v8, v10;
	v20 =	vmax.f32 v6, v5;
	v21 =	vsub.s32 $0x5F3759DF, v7;
	v22 =	vld [tilespmem:s17+$0x4200]  }
0x3ef: {  	s21 =	sor.u32 $0x300, s0;
	vm4 =	vmand vm4, vm6;
	v7 =	vmul.f32 v21, v17;
	v23 =	vld [tilespmem:s17+$0x4280];
	v8 =	vmul.f32 v12, v19  }
0x3f0: {  	vm1 =	vmand vm1, vm11;
	vm2 =	vmand vm2, vm9;
	vm3 =	vmand vm3, vm5;
	s0 =	sor.u32 $0x380, s0;
	v19 =	vld [tilespmem:s21+$0x4000]  }
0x3f1: {  	v24 =	vmul.f32 v21, v7;
	v25 =	vld [tilespmem:s0+$0x4000];
	v26 =	vsub.f32 $1.500000000e+00, v8;
	v8 =	vnsel vm0, $0x0, v9  }
0x3f2: {  	v27 =	vnsel vm1, $0x0, v9;
	v28 =	vnsel vm2, $0x0, v9;
	v29 =	vnsel vm3, $0x0, v9;
	v7 =	vld [tilespmem:s1+$0x4000];
	[tilespmem:s14+$0x12000] =	vst v8  }
0x3f3: {  	v8 =	vld [tilespmem:s3+$0x4000];
	v24 =	vsub.f32 $1.500000000e+00, v24;
	v26 =	vmul.f32 v12, v26;
	[tilespmem:s14+$0x12080] =	vst v27;
	v12 =	vnsel vm4, $0x0, v9  }
0x3f4: {  	v30 =	vsel vm10, $0x0, v9;
	v27 =	vnsel vm7, $0x0, v9;
	[tilespmem:s14+$0x12100] =	vst v28;
	v28 =	vnsel vm8, $0x0, v9  }
0x3f5: {  	v9 =	vmul.f32 v21, v24;
	v21 =	vmax.f32 v14, v15;
	v11 =	vmul.f32 v26, v11;
	[tilespmem:s14+$0x12180] =	vst v29  }
0x3f6: {  	v24 =	vmax.f32 v16, v18;
	v29 =	vmax.f32 v22, v23;
	v31 =	vmax.f32 v19, v25;
	[tilespmem:s14+$0x12200] =	vst v12  }
0x3f7: {  	v12 =	vmax.f32 v21, v24;
	v21 =	vmax.f32 v29, v31;
	v24 =	vmul.f32 v11, v26;
	[tilespmem:s14+$0x12280] =	vst v27;
	s14 =	smov.u32 s2  }
0x3f8: {  	v11 =	vmul.f32 v9, v17;
	v27 =	vmax.f32 v7, v8;
	v17 =	vmax.f32 v12, v21;
	[tilespmem:s16+$0x12000] =	vst v28;
	s16 =	smov.u32 s1  }
0x3f9: {  	v12 =	vmax.f32 v20, v27;
	vm2 =	vne.f32 v14, v17;
	v20 =	vsub.f32 $1.500000000e+00, v24;
	[tilespmem:s13+$0x12000] =	vst v30;
	s13 =	smov.u32 s3  }
0x3fa: {  	vm3 =	veq.f32 v23, v17;
	vm0 =	veq.f32 v19, v17;
	vm1 =	vne.f32 v25, v17  }
0x3fb: {  	vm4 =	veq.f32 v14, v17;
	vm5 =	veq.f32 v15, v17;
	v14 =	vmul.f32 v20, v26  }
0x3fc: {  	vm6 =	veq.f32 v18, v17;
	vm7 =	veq.f32 v22, v17;
	vm8 =	vmor vm4, vm5  }
0x3fd: {  	vm9 =	veq.f32 v16, v17;
	vm10 =	vmneg vm8;
	v13 =	vmul.f32 v14, v13  }
0x3fe: {  	vm2 =	vmand vm5, vm2;
	vm8 =	vmor vm8, vm9;
	vm5 =	vmand vm9, vm10  }
.Ltmp7:
0x3ff: {  	vm9 =	vmor vm8, vm6;
	v14 =	vnsel vm4, $0x0, v13;
	vm4 =	vmneg vm8;
	(pc) =	sbr.rel @p1 .LBB2_13-.Ltmp7, $4  }
0x400: {  	[tilespmem:s17+$0x12000] =	vst v14;
	v14 =	vnsel vm2, $0x0, v13;
	vm4 =	vmand vm6, vm4;
	vm2 =	vmneg vm9  }
0x401: {  	vm6 =	vmor vm9, vm7;
	[tilespmem:s17+$0x12080] =	vst v14;
	v14 =	vnsel vm5, $0x0, v13;
	vm5 =	vmand vm7, vm2  }
0x402: {  	vm2 =	vmor vm6, vm3;
	[tilespmem:s17+$0x12100] =	vst v14;
	v14 =	vnsel vm4, $0x0, v13;
	vm4 =	vmneg vm6  }
0x403: {  	s23 =	sadd.s32 $0x20, s23;
	s22 =	sadd.s32 $0x100, s22;
	[tilespmem:s17+$0x12180] =	vst v14;
	v14 =	vnsel vm5, $0x0, v13;
	vm3 =	vmand vm3, vm4;
	vm4 =	vmneg vm2  }
0x404: {  	v10 =	vmax.f32 v10, v12  }
0x405: {  	v12 =	vnsel vm3, $0x0, v13;
	vm3 =	vmand vm0, vm4;
	v11 =	vmul.f32 v11, v9  }
0x406: {  	vm0 =	vmor vm0, vm1;
	vm1 =	veq.f32 v2, v10;
	v2 =	vnsel vm3, $0x0, v13  }
0x407: {  	vm0 =	vmor vm0, vm2;
	vm2 =	veq.f32 v0, v10;
	v11 =	vsub.f32 $1.500000000e+00, v11  }
0x408: {  	vm3 =	veq.f32 v4, v10;
	vm4 =	veq.f32 v6, v10;
	vm6 =	veq.f32 v5, v10  }
0x409: {  	v13 =	vsel vm0, $0x0, v13;
	vm0 =	veq.f32 v1, v10;
	v1 =	vmul.f32 v11, v9  }
0x40a: {  	[tilespmem:s17+$0x12200] =	vst v14;
	vm7 =	veq.f32 v7, v10;
	vm9 =	vne.f32 v8, v10;
	vm5 =	vmor vm2, vm1  }
0x40b: {  	[tilespmem:s17+$0x12280] =	vst v12;
	vm12 =	vne.f32 v0, v10;
	vm8 =	vmor vm5, vm0;
	v1 =	vmul.f32 v1, v3  }
0x40c: {  	[tilespmem:s21+$0x12000] =	vst v2;
	vm1 =	vmand vm1, vm12;
	vm5 =	vmneg vm5;
	vm10 =	vmor vm8, vm3  }
0x40d: {  	[tilespmem:s0+$0x12000] =	vst v13;
	vm8 =	vmneg vm8;
	vm0 =	vmand vm0, vm5;
	v0 =	vnsel vm2, $0x0, v1  }
0x40e: {  	vm11 =	vmor vm10, vm4;
	vm3 =	vmand vm3, vm8;
	v2 =	vnsel vm0, $0x0, v1;
	[tilespmem:s14+$0x12000] =	vst v0  }
0x40f: {  	vm2 =	vmneg vm10;
	vm0 =	vmneg vm11;
	v0 =	vnsel vm1, $0x0, v1;
	[tilespmem:s14+$0x12100] =	vst v2  }
0x410: {  	vm1 =	vmor vm11, vm6;
	vm2 =	vmand vm4, vm2;
	[tilespmem:s14+$0x12080] =	vst v0;
	v0 =	vnsel vm3, $0x0, v1  }
0x411: {  	vm0 =	vmand vm6, vm0;
	vm3 =	vmneg vm1;
	v2 =	vnsel vm2, $0x0, v1;
	[tilespmem:s14+$0x12180] =	vst v0  }
0x412: {  	vm2 =	vmor vm7, vm9;
	vm3 =	vmand vm7, vm3;
	v0 =	vnsel vm0, $0x0, v1;
	[tilespmem:s14+$0x12200] =	vst v2  }
0x413: {  	vm0 =	vmor vm2, vm1;
	v2 =	vnsel vm3, $0x0, v1;
	[tilespmem:s14+$0x12280] =	vst v0  }
0x414: {  	v0 =	vsel vm0, $0x0, v1;
	[tilespmem:s16+$0x12000] =	vst v2  }
0x415: {  	s17 =	simm.s32 $0x12000;
	[tilespmem:s13+$0x12000] =	vst v0  }
0x416: {  	[hbm4b:s12+s30] =	stream.strided.scatter [tilespmem:s17], [sflag:$0x6], $0x400, s31, s30, $0x38;
	[tilespmem:$0x18000] =	vst v63  }
0x417: {  	s20 =	sadd.s32 $0x80, s12;
	s1 =	simm.s32 $0x12400  }
0x418: {  	[hbm4b:s20+s30] =	stream.strided.scatter [tilespmem:s1], [sflag:$0x6], $0x400, s31, s30, $0x38;
	[tilespmem:$0x18000] =	vst v63  }
0x419: {  	s22 =	simm.s32 $0x12800;
	s21 =	sadd.s32 $0x100, s12  }
0x41a: {  	[hbm4b:s21+s30] =	stream.strided.scatter [tilespmem:s22], [sflag:$0x6], $0x400, s31, s30, $0x38;
	[tilespmem:$0x18000] =	vst v63  }
0x41b: {  	s23 =	sadd.s32 $0x180, s12;
	s29 =	simm.s32 $0x12C00  }
0x41c: {  	[hbm4b:s23+s30] =	stream.strided.scatter [tilespmem:s29], [sflag:$0x6], $0x400, s31, s30, $0x38;
	[tilespmem:$0x18000] =	vst v63  }
0x41d: {  	s2 =	simm.s32 $0x13000;
	s1 =	sadd.s32 $0x200, s12  }
0x41e: {  	[hbm4b:s1+s30] =	stream.strided.scatter [tilespmem:s2], [sflag:$0x6], $0x400, s31, s30, $0x38;
	[tilespmem:$0x18000] =	vst v63  }
0x41f: {  	s3 =	sadd.s32 $0x280, s12;
	s5 =	simm.s32 $0x13400  }
0x420: {  	[hbm4b:s3+s30] =	stream.strided.scatter [tilespmem:s5], [sflag:$0x6], $0x400, s31, s30, $0x38;
	[tilespmem:$0x18000] =	vst v63  }
0x421: {  	s10 =	sadd.s32 $0x300, s12;
	s11 =	simm.s32 $0x13800;
	s0 =	sor.u32 @!p0 s6, s4  }
0x422: {  	[hbm4b:s10+s30] =	stream.strided.scatter [tilespmem:s11], [sflag:$0x6], $0x400, s31, s30, $0x38;
	[tilespmem:$0x18000] =	vst v63  }
0x423: {  	s0 =	sadd.s32 @!p0 s0, s19;
	s13 =	simm.s32 $0x13C00;
	s12 =	sadd.s32 $0x380, s12  }
0x424: {  	[hbm4b:s12+s30] =	stream.strided.scatter [tilespmem:s13], [sflag:$0x6], $0x400, s31, s30, $0x38;
	[tilespmem:$0x18000] =	vst v63  }
0x425: {  	s1 =	simm.s32 @!p0 $0x80;
	s2 =	simm.s32 @!p0 $0x400000;
	s3 =	simm.s32 @!p0 $0x4000  }
0x426: {  	[tilespmem:s3], [sflag:$0x2] =	stream.strided.gather @!p0 [hbm4b:s0+s1], $0x400, s2, s1, $0x38;
	[tilespmem:$0x18000] =	vst v63  }
0x427: {  	s4 =	simm.s32 @!p0 $0x4400;
	s3 =	sadd.s32 @!p0 $0x80, s0  }
0x428: {  	[tilespmem:s4], [sflag:$0x2] =	stream.strided.gather @!p0 [hbm4b:s3+s1], $0x400, s2, s1, $0x38;
	[tilespmem:$0x18000] =	vst v63  }
0x429: {  	s3 =	sadd.s32 @!p0 $0x100, s0;
	s4 =	simm.s32 @!p0 $0x4800  }
0x42a: {  	[tilespmem:s4], [sflag:$0x2] =	stream.strided.gather @!p0 [hbm4b:s3+s1], $0x400, s2, s1, $0x38;
	[tilespmem:$0x18000] =	vst v63  }
0x42b: {  	s3 =	sadd.s32 @!p0 $0x180, s0;
	s4 =	simm.s32 @!p0 $0x4C00  }
0x42c: {  	[tilespmem:s4], [sflag:$0x2] =	stream.strided.gather @!p0 [hbm4b:s3+s1], $0x400, s2, s1, $0x38;
	[tilespmem:$0x18000] =	vst v63  }
0x42d: {  	s3 =	sadd.s32 @!p0 $0x200, s0;
	s4 =	simm.s32 @!p0 $0x5000  }
0x42e: {  	[tilespmem:s4], [sflag:$0x2] =	stream.strided.gather @!p0 [hbm4b:s3+s1], $0x400, s2, s1, $0x38;
	[tilespmem:$0x18000] =	vst v63  }
0x42f: {  	s3 =	sadd.s32 @!p0 $0x280, s0;
	s4 =	simm.s32 @!p0 $0x5400  }
0x430: {  	[tilespmem:s4], [sflag:$0x2] =	stream.strided.gather @!p0 [hbm4b:s3+s1], $0x400, s2, s1, $0x38;
	[tilespmem:$0x18000] =	vst v63  }
0x431: {  	s3 =	sadd.s32 @!p0 $0x300, s0;
	s4 =	simm.s32 @!p0 $0x5800  }
0x432: {  	[tilespmem:s4], [sflag:$0x2] =	stream.strided.gather @!p0 [hbm4b:s3+s1], $0x400, s2, s1, $0x38;
	[tilespmem:$0x18000] =	vst v63  }
0x433: {  	s3 =	sadd.s32 @!p0 $0x380, s0;
	s4 =	simm.s32 @!p0 $0x5C00  }
0x434: {  	[tilespmem:s4], [sflag:$0x2] =	stream.strided.gather @!p0 [hbm4b:s3+s1], $0x400, s2, s1, $0x38;
	[tilespmem:$0x18000] =	vst v63  }
0x435: {  	s0 =	sadd.s32 @!p0 $0x400000, s0;
	s3 =	simm.s32 @!p0 $0x6000  }
0x436: {  	[tilespmem:s3], [sflag:$0x2] =	stream.strided.gather @!p0 [hbm4b:s0+s1], $0x100, s2, s1, $0x38;
	[tilespmem:$0x18000] =	vst v63  }
0x437: {  	s4 =	simm.s32 @!p0 $0x6400;
	s3 =	sadd.s32 @!p0 $0x80, s0  }
0x438: {  	[tilespmem:s4], [sflag:$0x2] =	stream.strided.gather @!p0 [hbm4b:s3+s1], $0x100, s2, s1, $0x38;
	[tilespmem:$0x18000] =	vst v63  }
0x439: {  	s3 =	sadd.s32 @!p0 $0x100, s0;
	s4 =	simm.s32 @!p0 $0x6800  }
0x43a: {  	[tilespmem:s4], [sflag:$0x2] =	stream.strided.gather @!p0 [hbm4b:s3+s1], $0x100, s2, s1, $0x38;
	[tilespmem:$0x18000] =	vst v63  }
0x43b: {  	s3 =	sadd.s32 @!p0 $0x180, s0;
	s4 =	simm.s32 @!p0 $0x6C00  }
0x43c: {  	[tilespmem:s4], [sflag:$0x2] =	stream.strided.gather @!p0 [hbm4b:s3+s1], $0x100, s2, s1, $0x38;
	[tilespmem:$0x18000] =	vst v63  }
0x43d: {  	s3 =	sadd.s32 @!p0 $0x200, s0;
	s4 =	simm.s32 @!p0 $0x7000  }
0x43e: {  	[tilespmem:s4], [sflag:$0x2] =	stream.strided.gather @!p0 [hbm4b:s3+s1], $0x100, s2, s1, $0x38;
	[tilespmem:$0x18000] =	vst v63  }
0x43f: {  	s3 =	sadd.s32 @!p0 $0x280, s0;
	s4 =	simm.s32 @!p0 $0x7400  }
0x440: {  	[tilespmem:s4], [sflag:$0x2] =	stream.strided.gather @!p0 [hbm4b:s3+s1], $0x100, s2, s1, $0x38;
	[tilespmem:$0x18000] =	vst v63  }
0x441: {  	s3 =	sadd.s32 @!p0 $0x300, s0;
	s4 =	simm.s32 @!p0 $0x7800  }
0x442: {  	[tilespmem:s4], [sflag:$0x2] =	stream.strided.gather @!p0 [hbm4b:s3+s1], $0x100, s2, s1, $0x38;
	[tilespmem:$0x18000] =	vst v63  }
0x443: {  	s14 =	simm.s32 $0x3;
	s0 =	sadd.s32 @!p0 $0x380, s0;
	s3 =	simm.s32 @!p0 $0x7C00  }
0x444: {  	[tilespmem:s3], [sflag:$0x2] =	stream.strided.gather @!p0 [hbm4b:s0+s1], $0x100, s2, s1, $0x38;
	[tilespmem:$0x18000] =	vst v63  }
0x445: {  	_ =	swait.ge [sflag:s14], $0x2800  }
0x446: {  	[sflag:s14] =	ssyncset.done $0x0  }
0x447: {  	[sflag:s14] =	ssyncadd.s32 $0xFFFFD800;
	s14 =	simm.s32 $0x0  }
0x448: {  	_ =	swait.ge [sflag:s26], $0x2000;
	s15 =	sand.u32 $0x60, s14;
	s16 =	sand.u32 $0x1C00, s14  }
0x449: {  	[sflag:s26] =	ssyncset.done $0x0;
	s6 =	sor.u32 s15, s16  }
0x44a: {  	s17 =	sor.u32 $0xA000, s16;
	s20 =	sor.u32 $0x10, s15;
	[sflag:s26] =	ssyncadd.s32 $0xFFFFE000  }
0x44b: {  	s5 =	sor.u32 $0xA080, s16;
	s10 =	sor.u32 s20, s17;
	v0 =	vld [tilespmem:s6+$0x8000]  }
0x44c: {  	s21 =	sor.u32 s20, s5;
	v3 =	vld [tilespmem:s10+$0x0]  }
0x44d: {  	s2 =	sor.u32 s15, s17;
	v5 =	vld [tilespmem:s21+$0x0]  }
0x44e: {  	s0 =	sor.u32 s15, s5;
	v7 =	vld [tilespmem:s2+$0x0]  }
0x44f: {  	v8 =	vld [tilespmem:s0+$0x0]  }
0x450: {  	v2 =	vld [tilespmem:s6+$0x8080]  }
0x451: {  	v1 =	vld [tilespmem:s6+$0x8100]  }
0x452: {  	v4 =	vld [tilespmem:s6+$0x8180];
	v3 =	vmul.f32 v3, v3;
	v9 =	vmul.f32 v5, v5  }
0x453: {  	s15 =	sor.u32 s16, s20;
	v6 =	vld [tilespmem:s6+$0x8200]  }
0x454: {  	v14 =	vld [tilespmem:s15+$0x8000];
	v7 =	vmul.f32 v7, v7;
	v8 =	vmul.f32 v8, v8;
	v13 =	vadd.f32 v9, v3  }
0x455: {  	s22 =	sand.u32 $0x3, s14;
	v15 =	vld [tilespmem:s15+$0x8080]  }
0x456: {  	s9 =	sor.u32 $0x10, s9;
	s0 =	sshll.u32 s22, $0x5;
	v16 =	vld [tilespmem:s15+$0x8100];
	v3 =	vadd.f32 v8, v7;
	v7 =	vshra.s32 v13, $0x1;
	v11 =	vmul.f32 $5.000000000e-01, v13  }
0x457: {  	s23 =	smov.u32 s25;
	s4 =	sadd.s32 s25, s9;
	v17 =	vld [tilespmem:s15+$0x8180];
	s25 =	sadd.s32 $0x0, s0;
	v9 =	vsub.s32 $0x5F3759DF, v7  }
0x458: {  	v19 =	vld [tilespmem:s15+$0x8200];
	s0 =	sadd.s32 $0x10, s25;
	v8 =	vmul.f32 v9, v11  }
0x459: {  	v20 =	vld [tilespmem:s15+$0x8280];
	s17 =	sor.u32 $0x300, s0;
	v12 =	vmul.f32 $5.000000000e-01, v3;
	v7 =	vshra.s32 v3, $0x1  }
0x45a: {  	s0 =	sor.u32 $0x380, s0;
	v21 =	vld [tilespmem:s17+$0x8000];
	v18 =	vsub.s32 $0x5F3759DF, v7;
	v8 =	vmul.f32 v9, v8  }
0x45b: {  	v22 =	vld [tilespmem:s0+$0x8000];
	v7 =	vmul.f32 v18, v12  }
0x45c: {  	s29 =	sor.u32 s14, s14;
	s12 =	sor.u32 $0x300, s25;
	v5 =	vld [tilespmem:s6+$0x8280];
	v23 =	vsub.f32 $1.500000000e+00, v8  }
0x45d: {  	s13 =	sor.u32 $0x380, s29;
	v10 =	vmul.f32 v18, v7;
	v7 =	vld [tilespmem:s12+$0x8000]  }
0x45e: {  	v24 =	vmax.f32 v0, v2;
	v25 =	vmax.f32 v1, v4;
	v8 =	vld [tilespmem:s13+$0x8000];
	v23 =	vmul.f32 v9, v23  }
0x45f: {  	v56 =	vmax.f32 v14, v15;
	v57 =	vmax.f32 v16, v17;
	v26 =	vsub.f32 $1.500000000e+00, v10  }
0x460: {  	v58 =	vmax.f32 v19, v20;
	v59 =	vmax.f32 v21, v22;
	v11 =	vmul.f32 v23, v11  }
0x461: {  	v60 =	vmax.f32 v58, v59;
	v9 =	vmul.f32 v18, v26;
	v18 =	vmax.f32 v56, v57  }
0x462: {  	v27 =	vmax.f32 v6, v5;
	v18 =	vmax.f32 v18, v60;
	v61 =	vmul.f32 v11, v23  }
0x463: {  	v10 =	vmax.f32 v24, v25;
	v62 =	vmax.f32 v7, v8;
	vm2 =	vne.f32 v14, v18  }
0x464: {  	vm3 =	veq.f32 v20, v18;
	vm0 =	veq.f32 v21, v18;
	v63 =	vsub.f32 $1.500000000e+00, v61  }
0x465: {  	vm1 =	vne.f32 v22, v18;
	vm4 =	veq.f32 v14, v18;
	vm5 =	veq.f32 v15, v18  }
0x466: {  	vm6 =	veq.f32 v17, v18;
	vm7 =	veq.f32 v19, v18;
	v14 =	vmul.f32 v63, v23  }
0x467: {  	vm13 =	veq.f32 v16, v18;
	v11 =	vmul.f32 v9, v12;
	vm12 =	vmor vm4, vm5  }
0x468: {  	v12 =	vmax.f32 v27, v62;
	vm14 =	vmneg vm12;
	v13 =	vmul.f32 v14, v13  }
0x469: {  	vm2 =	vmand vm5, vm2;
	vm8 =	vmor vm12, vm13;
	vm5 =	vmand vm13, vm14  }
0x46a: {  	vm15 =	vmor vm8, vm6;
	v14 =	vnsel vm4, $0x0, v13;
	vm4 =	vmneg vm8  }
0x46b: {  	[tilespmem:s15+$0x14000] =	vst v14;
	v14 =	vnsel vm2, $0x0, v13;
	vm4 =	vmand vm6, vm4;
	vm2 =	vmneg vm15  }
0x46c: {  	vm6 =	vmor vm15, vm7;
	[tilespmem:s15+$0x14080] =	vst v14;
	v14 =	vnsel vm5, $0x0, v13;
	vm5 =	vmand vm7, vm2  }
0x46d: {  	vm2 =	vmor vm6, vm3;
	[tilespmem:s15+$0x14100] =	vst v14;
	v14 =	vnsel vm4, $0x0, v13;
	vm4 =	vmneg vm6  }
0x46e: {  	s16 =	simm.s32 $0x0;
	s20 =	simm.s32 $0x100;
	s21 =	simm.s32 $0x20;
	[tilespmem:s15+$0x14180] =	vst v14;
	v14 =	vnsel vm5, $0x0, v13;
	vm3 =	vmand vm3, vm4;
	vm4 =	vmneg vm2  }
.LBB2_15:
0x46f: {  	s1 =	sand.u32 $0x60, s21;
	s5 =	sand.u32 $0x1C00, s20;
	s3 =	sor.u32 s20, s21;
	[tilespmem:s15+$0x14200] =	vst v14;
	v14 =	vnsel vm3, $0x0, v13;
	vm3 =	vmand vm0, vm4;
	vm0 =	vmor vm0, vm1  }
0x470: {  	v10 =	vmax.f32 v10, v12;
	s2 =	sor.u32 s1, s5;
	s11 =	sor.u32 $0xA000, s5;
	s10 =	sor.u32 $0x10, s1;
	[tilespmem:s15+$0x14280] =	vst v14;
	v12 =	vnsel vm3, $0x0, v13;
	vm1 =	vmor vm0, vm2  }
0x471: {  	v11 =	vmul.f32 v11, v9;
	s22 =	sor.u32 $0xA080, s5;
	vm0 =	veq.f32 v0, v10;
	v14 =	vld [tilespmem:s2+$0x8000];
	s15 =	sor.u32 s1, s11;
	s11 =	sor.u32 s10, s11;
	[tilespmem:s17+$0x14000] =	vst v12;
	v12 =	vsel vm1, $0x0, v13  }
0x472: {  	s3 =	sor.u32 $0x380, s3;
	vm2 =	veq.f32 v1, v10;
	vm3 =	veq.f32 v4, v10;
	s1 =	sor.u32 s1, s22;
	vm1 =	veq.f32 v2, v10;
	v13 =	vld [tilespmem:s11+$0x0];
	s11 =	sor.u32 s10, s22;
	[tilespmem:s0+$0x14000] =	vst v12  }
0x473: {  	vm4 =	veq.f32 v6, v10;
	v1 =	vsub.f32 $1.500000000e+00, v11;
	vm9 =	vmor vm0, vm1;
	v12 =	vld [tilespmem:s11+$0x0]  }
0x474: {  	vm7 =	veq.f32 v5, v10;
	vm8 =	veq.f32 v7, v10;
	vm5 =	vmor vm9, vm2;
	v11 =	vld [tilespmem:s15+$0x0]  }
0x475: {  	vm11 =	vne.f32 v8, v10;
	v4 =	vmul.f32 v1, v9;
	vm6 =	vmor vm5, vm3;
	v7 =	vld [tilespmem:s1+$0x0]  }
0x476: {  	vm5 =	vmneg vm5;
	vm12 =	vmor vm6, vm4;
	vm6 =	vmneg vm6;
	v2 =	vld [tilespmem:s2+$0x8080]  }
0x477: {  	s16 =	sadd.s32 $0x2, s16;
	v9 =	vmul.f32 v4, v3;
	vm10 =	vmor vm12, vm7;
	vm12 =	vmneg vm12;
	v1 =	vld [tilespmem:s2+$0x8100]  }
0x478: {  	p1 =	slt.u32 s16, $0x3E;
	v3 =	vmul.f32 v13, v13;
	vm13 =	vmneg vm10;
	v4 =	vld [tilespmem:s2+$0x8180];
	v8 =	vmul.f32 v12, v12  }
0x479: {  	vm14 =	vmor vm8, vm11;
	vm9 =	vmneg vm9;
	v6 =	vld [tilespmem:s2+$0x8200];
	v11 =	vmul.f32 v11, v11  }
0x47a: {  	vm11 =	vne.f32 v0, v10;
	s15 =	sor.u32 s5, s10;
	v0 =	vmovc v14;
	v5 =	vld [tilespmem:s2+$0x8280];
	v7 =	vmul.f32 v7, v7;
	v13 =	vadd.f32 v8, v3  }
0x47b: {  	s14 =	sadd.s32 $0x1, s14;
	vm7 =	vmand vm7, vm12;
	vm8 =	vmand vm8, vm13;
	v8 =	vmax.f32 v0, v2;
	v14 =	vld [tilespmem:s15+$0x8000]  }
0x47c: {  	s0 =	sand.u32 $0x3, s14;
	v3 =	vadd.f32 v7, v11;
	v15 =	vld [tilespmem:s15+$0x8080];
	v7 =	vshra.s32 v13, $0x1;
	v11 =	vmul.f32 $5.000000000e-01, v13  }
0x47d: {  	s0 =	sshll.u32 s0, $0x5;
	vm10 =	vmor vm14, vm10;
	v10 =	vmax.f32 v1, v4;
	v16 =	vld [tilespmem:s15+$0x8100];
	v12 =	vsub.s32 $0x5F3759DF, v7  }
0x47e: {  	s0 =	sadd.s32 s0, s20;
	v7 =	vshra.s32 v3, $0x1;
	v17 =	vmul.f32 $5.000000000e-01, v3;
	v18 =	vld [tilespmem:s15+$0x8180];
	v19 =	vmul.f32 v12, v11  }
0x47f: {  	s1 =	sor.u32 $0x300, s0;
	s0 =	sadd.s32 $0x10, s0;
	v10 =	vmax.f32 v8, v10;
	v20 =	vmax.f32 v6, v5;
	v21 =	vsub.s32 $0x5F3759DF, v7;
	v22 =	vld [tilespmem:s15+$0x8200]  }
0x480: {  	s17 =	sor.u32 $0x300, s0;
	vm4 =	vmand vm4, vm6;
	v7 =	vmul.f32 v21, v17;
	v23 =	vld [tilespmem:s15+$0x8280];
	v8 =	vmul.f32 v12, v19  }
0x481: {  	vm1 =	vmand vm1, vm11;
	vm2 =	vmand vm2, vm9;
	vm3 =	vmand vm3, vm5;
	s0 =	sor.u32 $0x380, s0;
	v19 =	vld [tilespmem:s17+$0x8000]  }
0x482: {  	v24 =	vmul.f32 v21, v7;
	v25 =	vld [tilespmem:s0+$0x8000];
	v26 =	vsub.f32 $1.500000000e+00, v8;
	v8 =	vnsel vm0, $0x0, v9  }
0x483: {  	v27 =	vnsel vm1, $0x0, v9;
	v28 =	vnsel vm2, $0x0, v9;
	v29 =	vnsel vm3, $0x0, v9;
	v7 =	vld [tilespmem:s1+$0x8000];
	[tilespmem:s6+$0x14000] =	vst v8  }
0x484: {  	v8 =	vld [tilespmem:s3+$0x8000];
	v24 =	vsub.f32 $1.500000000e+00, v24;
	v26 =	vmul.f32 v12, v26;
	[tilespmem:s6+$0x14080] =	vst v27;
	v12 =	vnsel vm4, $0x0, v9  }
0x485: {  	v30 =	vsel vm10, $0x0, v9;
	v27 =	vnsel vm7, $0x0, v9;
	[tilespmem:s6+$0x14100] =	vst v28;
	v28 =	vnsel vm8, $0x0, v9  }
0x486: {  	v9 =	vmul.f32 v21, v24;
	v21 =	vmax.f32 v14, v15;
	v11 =	vmul.f32 v26, v11;
	[tilespmem:s6+$0x14180] =	vst v29  }
0x487: {  	v24 =	vmax.f32 v16, v18;
	v29 =	vmax.f32 v22, v23;
	v31 =	vmax.f32 v19, v25;
	[tilespmem:s6+$0x14200] =	vst v12  }
0x488: {  	v12 =	vmax.f32 v21, v24;
	v21 =	vmax.f32 v29, v31;
	v24 =	vmul.f32 v11, v26;
	[tilespmem:s6+$0x14280] =	vst v27;
	s6 =	smov.u32 s2  }
0x489: {  	v11 =	vmul.f32 v9, v17;
	v27 =	vmax.f32 v7, v8;
	v17 =	vmax.f32 v12, v21;
	[tilespmem:s12+$0x14000] =	vst v28;
	s12 =	smov.u32 s1  }
0x48a: {  	v12 =	vmax.f32 v20, v27;
	vm2 =	vne.f32 v14, v17;
	v20 =	vsub.f32 $1.500000000e+00, v24;
	[tilespmem:s13+$0x14000] =	vst v30;
	s13 =	smov.u32 s3  }
0x48b: {  	vm3 =	veq.f32 v23, v17;
	vm0 =	veq.f32 v19, v17;
	vm1 =	vne.f32 v25, v17  }
0x48c: {  	vm4 =	veq.f32 v14, v17;
	vm5 =	veq.f32 v15, v17;
	v14 =	vmul.f32 v20, v26  }
0x48d: {  	vm6 =	veq.f32 v18, v17;
	vm7 =	veq.f32 v22, v17;
	vm8 =	vmor vm4, vm5  }
0x48e: {  	vm9 =	veq.f32 v16, v17;
	vm10 =	vmneg vm8;
	v13 =	vmul.f32 v14, v13  }
0x48f: {  	vm2 =	vmand vm5, vm2;
	vm8 =	vmor vm8, vm9;
	vm5 =	vmand vm9, vm10  }
.Ltmp8:
0x490: {  	vm9 =	vmor vm8, vm6;
	v14 =	vnsel vm4, $0x0, v13;
	vm4 =	vmneg vm8;
	(pc) =	sbr.rel @p1 .LBB2_15-.Ltmp8, $4  }
0x491: {  	[tilespmem:s15+$0x14000] =	vst v14;
	v14 =	vnsel vm2, $0x0, v13;
	vm4 =	vmand vm6, vm4;
	vm2 =	vmneg vm9  }
0x492: {  	vm6 =	vmor vm9, vm7;
	[tilespmem:s15+$0x14080] =	vst v14;
	v14 =	vnsel vm5, $0x0, v13;
	vm5 =	vmand vm7, vm2  }
0x493: {  	vm2 =	vmor vm6, vm3;
	[tilespmem:s15+$0x14100] =	vst v14;
	v14 =	vnsel vm4, $0x0, v13;
	vm4 =	vmneg vm6  }
0x494: {  	s21 =	sadd.s32 $0x20, s21;
	s20 =	sadd.s32 $0x100, s20;
	[tilespmem:s15+$0x14180] =	vst v14;
	v14 =	vnsel vm5, $0x0, v13;
	vm3 =	vmand vm3, vm4;
	vm4 =	vmneg vm2  }
0x495: {  	v10 =	vmax.f32 v10, v12  }
0x496: {  	v12 =	vnsel vm3, $0x0, v13;
	vm3 =	vmand vm0, vm4;
	v11 =	vmul.f32 v11, v9  }
0x497: {  	vm0 =	vmor vm0, vm1;
	vm1 =	veq.f32 v2, v10;
	v2 =	vnsel vm3, $0x0, v13  }
0x498: {  	vm0 =	vmor vm0, vm2;
	vm2 =	veq.f32 v0, v10;
	v11 =	vsub.f32 $1.500000000e+00, v11  }
0x499: {  	vm3 =	veq.f32 v4, v10;
	vm4 =	veq.f32 v6, v10;
	vm6 =	veq.f32 v5, v10  }
0x49a: {  	v13 =	vsel vm0, $0x0, v13;
	vm0 =	veq.f32 v1, v10;
	v1 =	vmul.f32 v11, v9  }
0x49b: {  	[tilespmem:s15+$0x14200] =	vst v14;
	vm7 =	veq.f32 v7, v10;
	vm9 =	vne.f32 v8, v10;
	vm5 =	vmor vm2, vm1  }
0x49c: {  	[tilespmem:s15+$0x14280] =	vst v12;
	vm12 =	vne.f32 v0, v10;
	vm8 =	vmor vm5, vm0;
	v1 =	vmul.f32 v1, v3  }
0x49d: {  	[tilespmem:s17+$0x14000] =	vst v2;
	vm1 =	vmand vm1, vm12;
	vm5 =	vmneg vm5;
	vm10 =	vmor vm8, vm3  }
0x49e: {  	[tilespmem:s0+$0x14000] =	vst v13;
	vm8 =	vmneg vm8;
	vm0 =	vmand vm0, vm5;
	v0 =	vnsel vm2, $0x0, v1  }
0x49f: {  	vm11 =	vmor vm10, vm4;
	vm3 =	vmand vm3, vm8;
	v2 =	vnsel vm0, $0x0, v1;
	[tilespmem:s6+$0x14000] =	vst v0  }
0x4a0: {  	vm2 =	vmneg vm10;
	vm0 =	vmneg vm11;
	v0 =	vnsel vm1, $0x0, v1;
	[tilespmem:s6+$0x14100] =	vst v2  }
0x4a1: {  	vm1 =	vmor vm11, vm6;
	vm2 =	vmand vm4, vm2;
	[tilespmem:s6+$0x14080] =	vst v0;
	v0 =	vnsel vm3, $0x0, v1  }
0x4a2: {  	vm0 =	vmand vm6, vm0;
	vm3 =	vmneg vm1;
	v2 =	vnsel vm2, $0x0, v1;
	[tilespmem:s6+$0x14180] =	vst v0  }
0x4a3: {  	vm2 =	vmor vm7, vm9;
	vm3 =	vmand vm7, vm3;
	v0 =	vnsel vm0, $0x0, v1;
	[tilespmem:s6+$0x14200] =	vst v2  }
0x4a4: {  	vm0 =	vmor vm2, vm1;
	v2 =	vnsel vm3, $0x0, v1;
	[tilespmem:s6+$0x14280] =	vst v0  }
0x4a5: {  	v0 =	vsel vm0, $0x0, v1;
	[tilespmem:s12+$0x14000] =	vst v2  }
0x4a6: {  	s17 =	simm.s32 $0x14000;
	[tilespmem:s13+$0x14000] =	vst v0  }
0x4a7: {  	[hbm4b:s4+s30] =	stream.strided.scatter [tilespmem:s17], [sflag:$0x7], $0x400, s31, s30, $0x38;
	[tilespmem:$0x18000] =	vst v63  }
0x4a8: {  	s20 =	sadd.s32 $0x80, s4;
	s1 =	simm.s32 $0x14400;
	s21 =	sadd.s32 $0x100, s4  }
0x4a9: {  	[hbm4b:s20+s30] =	stream.strided.scatter [tilespmem:s1], [sflag:$0x7], $0x400, s31, s30, $0x38;
	[tilespmem:$0x18000] =	vst v63  }
0x4aa: {  	s22 =	simm.s32 $0x14800;
	s25 =	sadd.s32 $0x180, s4;
	s29 =	simm.s32 $0x14C00  }
0x4ab: {  	[hbm4b:s21+s30] =	stream.strided.scatter [tilespmem:s22], [sflag:$0x7], $0x400, s31, s30, $0x38;
	[tilespmem:$0x18000] =	vst v63  }
0x4ac: {  	s2 =	simm.s32 $0x15000;
	s3 =	sadd.s32 $0x280, s4;
	s5 =	simm.s32 $0x15400  }
0x4ad: {  	[hbm4b:s25+s30] =	stream.strided.scatter [tilespmem:s29], [sflag:$0x7], $0x400, s31, s30, $0x38;
	[tilespmem:$0x18000] =	vst v63  }
0x4ae: {  	s10 =	simm.s32 $0x15800;
	s0 =	sadd.s32 @!p0 $0x6, s8;
	s1 =	sadd.s32 $0x200, s4  }
0x4af: {  	[hbm4b:s1+s30] =	stream.strided.scatter [tilespmem:s2], [sflag:$0x7], $0x400, s31, s30, $0x38;
	[tilespmem:$0x18000] =	vst v63  }
0x4b0: {  	s11 =	sadd.s32 $0x380, s4;
	s6 =	sadd.s32 $0x300, s4;
	s1 =	sshll.u32 @!p0 s0, $0x3  }
0x4b1: {  	[hbm4b:s3+s30] =	stream.strided.scatter [tilespmem:s5], [sflag:$0x7], $0x400, s31, s30, $0x38;
	[tilespmem:$0x18000] =	vst v63  }
0x4b2: {  	s12 =	simm.s32 $0x15C00;
	s0 =	sshll.u32 @!p0 s0, $0x7;
	s1 =	sand.u32 @!p0 $0x70, s1  }
0x4b3: {  	[hbm4b:s6+s30] =	stream.strided.scatter [tilespmem:s10], [sflag:$0x7], $0x400, s31, s30, $0x38;
	[tilespmem:$0x18000] =	vst v63  }
0x4b4: {  	s2 =	simm.s32 @!p0 $0x400000;
	s0 =	sand.u32 @!p0 $0xFFFF800, s0;
	s1 =	sadd.s32 @!p0 s24, s1  }
0x4b5: {  	[hbm4b:s11+s30] =	stream.strided.scatter [tilespmem:s12], [sflag:$0x7], $0x400, s31, s30, $0x38;
	[tilespmem:$0x18000] =	vst v63  }
0x4b6: {  	s3 =	simm.s32 @!p0 $0x8000;
	s0 =	sadd.s32 @!p0 s0, s1;
	s1 =	simm.s32 @!p0 $0x80  }
0x4b7: {  	[tilespmem:s3], [sflag:$0x3] =	stream.strided.gather @!p0 [hbm4b:s0+s1], $0x400, s2, s1, $0x38;
	[tilespmem:$0x18000] =	vst v63  }
0x4b8: {  	s4 =	simm.s32 @!p0 $0x8400;
	s3 =	sadd.s32 @!p0 $0x80, s0  }
0x4b9: {  	[tilespmem:s4], [sflag:$0x3] =	stream.strided.gather @!p0 [hbm4b:s3+s1], $0x400, s2, s1, $0x38;
	[tilespmem:$0x18000] =	vst v63  }
0x4ba: {  	s3 =	sadd.s32 @!p0 $0x100, s0;
	s4 =	simm.s32 @!p0 $0x8800  }
0x4bb: {  	[tilespmem:s4], [sflag:$0x3] =	stream.strided.gather @!p0 [hbm4b:s3+s1], $0x400, s2, s1, $0x38;
	[tilespmem:$0x18000] =	vst v63  }
0x4bc: {  	s3 =	sadd.s32 @!p0 $0x180, s0;
	s4 =	simm.s32 @!p0 $0x8C00  }
0x4bd: {  	[tilespmem:s4], [sflag:$0x3] =	stream.strided.gather @!p0 [hbm4b:s3+s1], $0x400, s2, s1, $0x38;
	[tilespmem:$0x18000] =	vst v63  }
0x4be: {  	s3 =	sadd.s32 @!p0 $0x200, s0;
	s4 =	simm.s32 @!p0 $0x9000  }
0x4bf: {  	[tilespmem:s4], [sflag:$0x3] =	stream.strided.gather @!p0 [hbm4b:s3+s1], $0x400, s2, s1, $0x38;
	[tilespmem:$0x18000] =	vst v63  }
0x4c0: {  	s3 =	sadd.s32 @!p0 $0x280, s0;
	s4 =	simm.s32 @!p0 $0x9400  }
0x4c1: {  	[tilespmem:s4], [sflag:$0x3] =	stream.strided.gather @!p0 [hbm4b:s3+s1], $0x400, s2, s1, $0x38;
	[tilespmem:$0x18000] =	vst v63  }
0x4c2: {  	s3 =	sadd.s32 @!p0 $0x300, s0;
	s4 =	simm.s32 @!p0 $0x9800  }
0x4c3: {  	[tilespmem:s4], [sflag:$0x3] =	stream.strided.gather @!p0 [hbm4b:s3+s1], $0x400, s2, s1, $0x38;
	[tilespmem:$0x18000] =	vst v63  }
0x4c4: {  	s3 =	sadd.s32 @!p0 $0x380, s0;
	s4 =	simm.s32 @!p0 $0x9C00  }
0x4c5: {  	[tilespmem:s4], [sflag:$0x3] =	stream.strided.gather @!p0 [hbm4b:s3+s1], $0x400, s2, s1, $0x38;
	[tilespmem:$0x18000] =	vst v63  }
0x4c6: {  	s0 =	sadd.s32 @!p0 $0x400000, s0;
	s3 =	simm.s32 @!p0 $0xA000  }
0x4c7: {  	[tilespmem:s3], [sflag:$0x3] =	stream.strided.gather @!p0 [hbm4b:s0+s1], $0x100, s2, s1, $0x38;
	[tilespmem:$0x18000] =	vst v63  }
0x4c8: {  	s4 =	simm.s32 @!p0 $0xA400;
	s3 =	sadd.s32 @!p0 $0x80, s0  }
0x4c9: {  	[tilespmem:s4], [sflag:$0x3] =	stream.strided.gather @!p0 [hbm4b:s3+s1], $0x100, s2, s1, $0x38;
	[tilespmem:$0x18000] =	vst v63  }
0x4ca: {  	s3 =	sadd.s32 @!p0 $0x100, s0;
	s4 =	simm.s32 @!p0 $0xA800  }
0x4cb: {  	[tilespmem:s4], [sflag:$0x3] =	stream.strided.gather @!p0 [hbm4b:s3+s1], $0x100, s2, s1, $0x38;
	[tilespmem:$0x18000] =	vst v63  }
0x4cc: {  	s3 =	sadd.s32 @!p0 $0x180, s0;
	s4 =	simm.s32 @!p0 $0xAC00  }
0x4cd: {  	[tilespmem:s4], [sflag:$0x3] =	stream.strided.gather @!p0 [hbm4b:s3+s1], $0x100, s2, s1, $0x38;
	[tilespmem:$0x18000] =	vst v63  }
0x4ce: {  	s3 =	sadd.s32 @!p0 $0x200, s0;
	s4 =	simm.s32 @!p0 $0xB000  }
0x4cf: {  	[tilespmem:s4], [sflag:$0x3] =	stream.strided.gather @!p0 [hbm4b:s3+s1], $0x100, s2, s1, $0x38;
	[tilespmem:$0x18000] =	vst v63  }
0x4d0: {  	s3 =	sadd.s32 @!p0 $0x280, s0;
	s4 =	simm.s32 @!p0 $0xB400  }
0x4d1: {  	[tilespmem:s4], [sflag:$0x3] =	stream.strided.gather @!p0 [hbm4b:s3+s1], $0x100, s2, s1, $0x38;
	[tilespmem:$0x18000] =	vst v63  }
0x4d2: {  	s3 =	sadd.s32 @!p0 $0x300, s0;
	s4 =	simm.s32 @!p0 $0xB800  }
0x4d3: {  	[tilespmem:s4], [sflag:$0x3] =	stream.strided.gather @!p0 [hbm4b:s3+s1], $0x100, s2, s1, $0x38;
	[tilespmem:$0x18000] =	vst v63  }
0x4d4: {  	s13 =	simm.s32 $0x4;
	s0 =	sadd.s32 @!p0 $0x380, s0;
	s3 =	simm.s32 @!p0 $0xBC00  }
0x4d5: {  	[tilespmem:s3], [sflag:$0x3] =	stream.strided.gather @!p0 [hbm4b:s0+s1], $0x100, s2, s1, $0x38;
	[tilespmem:$0x18000] =	vst v63  }
0x4d6: {  	_ =	swait.ge [sflag:s13], $0x2800  }
0x4d7: {  	[sflag:s13] =	ssyncset.done $0x0  }
0x4d8: {  	[sflag:s13] =	ssyncadd.s32 $0xFFFFD800;
	s13 =	simm.s32 $0x0  }
0x4d9: {  	_ =	swait.ge [sflag:s28], $0x2000;
	s14 =	sand.u32 $0x60, s13;
	s15 =	sand.u32 $0x1C00, s13  }
0x4da: {  	[sflag:s28] =	ssyncset.done $0x0;
	s6 =	sor.u32 s14, s15  }
0x4db: {  	s16 =	sor.u32 $0xE000, s15;
	s17 =	sor.u32 $0x10, s14;
	[sflag:s28] =	ssyncadd.s32 $0xFFFFE000  }
0x4dc: {  	s5 =	sor.u32 $0xE080, s15;
	s20 =	sor.u32 s17, s16;
	v0 =	vld [tilespmem:s6+$0xC000]  }
0x4dd: {  	s21 =	sor.u32 s17, s5;
	v3 =	vld [tilespmem:s20+$0x0]  }
0x4de: {  	s2 =	sor.u32 s14, s16;
	v5 =	vld [tilespmem:s21+$0x0]  }
0x4df: {  	s0 =	sor.u32 s14, s5;
	v7 =	vld [tilespmem:s2+$0x0]  }
0x4e0: {  	v8 =	vld [tilespmem:s0+$0x0]  }
0x4e1: {  	v2 =	vld [tilespmem:s6+$0xC080]  }
0x4e2: {  	v1 =	vld [tilespmem:s6+$0xC100]  }
0x4e3: {  	v4 =	vld [tilespmem:s6+$0xC180];
	v3 =	vmul.f32 v3, v3;
	v9 =	vmul.f32 v5, v5  }
0x4e4: {  	s14 =	sor.u32 s15, s17;
	v6 =	vld [tilespmem:s6+$0xC200]  }
0x4e5: {  	v14 =	vld [tilespmem:s14+$0xC000];
	v7 =	vmul.f32 v7, v7;
	v8 =	vmul.f32 v8, v8;
	v13 =	vadd.f32 v9, v3  }
0x4e6: {  	s22 =	sand.u32 $0x3, s13;
	v15 =	vld [tilespmem:s14+$0xC080]  }
0x4e7: {  	s0 =	sshll.u32 s22, $0x5;
	v16 =	vld [tilespmem:s14+$0xC100];
	v3 =	vadd.f32 v8, v7;
	v7 =	vshra.s32 v13, $0x1;
	v11 =	vmul.f32 $5.000000000e-01, v13  }
0x4e8: {  	v17 =	vld [tilespmem:s14+$0xC180];
	s25 =	sadd.s32 $0x0, s0;
	v9 =	vsub.s32 $0x5F3759DF, v7  }
0x4e9: {  	v19 =	vld [tilespmem:s14+$0xC200];
	s0 =	sadd.s32 $0x10, s25;
	v8 =	vmul.f32 v9, v11  }
0x4ea: {  	v20 =	vld [tilespmem:s14+$0xC280];
	s16 =	sor.u32 $0x300, s0;
	v12 =	vmul.f32 $5.000000000e-01, v3;
	v7 =	vshra.s32 v3, $0x1  }
0x4eb: {  	s0 =	sor.u32 $0x380, s0;
	v21 =	vld [tilespmem:s16+$0xC000];
	v18 =	vsub.s32 $0x5F3759DF, v7;
	v8 =	vmul.f32 v9, v8  }
0x4ec: {  	v22 =	vld [tilespmem:s0+$0xC000];
	v7 =	vmul.f32 v18, v12  }
0x4ed: {  	s4 =	sadd.s32 s9, s18;
	s29 =	sor.u32 s13, s13;
	s9 =	sor.u32 $0x300, s25;
	v5 =	vld [tilespmem:s6+$0xC280];
	v23 =	vsub.f32 $1.500000000e+00, v8  }
0x4ee: {  	s12 =	sor.u32 $0x380, s29;
	v10 =	vmul.f32 v18, v7;
	v7 =	vld [tilespmem:s9+$0xC000]  }
0x4ef: {  	v24 =	vmax.f32 v0, v2;
	v25 =	vmax.f32 v1, v4;
	v8 =	vld [tilespmem:s12+$0xC000];
	v23 =	vmul.f32 v9, v23  }
0x4f0: {  	v56 =	vmax.f32 v14, v15;
	v57 =	vmax.f32 v16, v17;
	v26 =	vsub.f32 $1.500000000e+00, v10  }
0x4f1: {  	v58 =	vmax.f32 v19, v20;
	v59 =	vmax.f32 v21, v22;
	v11 =	vmul.f32 v23, v11  }
0x4f2: {  	v60 =	vmax.f32 v58, v59;
	v9 =	vmul.f32 v18, v26;
	v18 =	vmax.f32 v56, v57  }
0x4f3: {  	v27 =	vmax.f32 v6, v5;
	v18 =	vmax.f32 v18, v60;
	v61 =	vmul.f32 v11, v23  }
0x4f4: {  	v10 =	vmax.f32 v24, v25;
	v62 =	vmax.f32 v7, v8;
	vm2 =	vne.f32 v14, v18  }
0x4f5: {  	vm3 =	veq.f32 v20, v18;
	vm0 =	veq.f32 v21, v18;
	v63 =	vsub.f32 $1.500000000e+00, v61  }
0x4f6: {  	vm1 =	vne.f32 v22, v18;
	vm4 =	veq.f32 v14, v18;
	vm5 =	veq.f32 v15, v18  }
0x4f7: {  	vm6 =	veq.f32 v17, v18;
	vm7 =	veq.f32 v19, v18;
	v14 =	vmul.f32 v63, v23  }
0x4f8: {  	vm13 =	veq.f32 v16, v18;
	v11 =	vmul.f32 v9, v12;
	vm12 =	vmor vm4, vm5  }
0x4f9: {  	v12 =	vmax.f32 v27, v62;
	vm14 =	vmneg vm12;
	v13 =	vmul.f32 v14, v13  }
0x4fa: {  	vm2 =	vmand vm5, vm2;
	vm8 =	vmor vm12, vm13;
	vm5 =	vmand vm13, vm14  }
0x4fb: {  	vm15 =	vmor vm8, vm6;
	v14 =	vnsel vm4, $0x0, v13;
	vm4 =	vmneg vm8  }
0x4fc: {  	[tilespmem:s14+$0x16000] =	vst v14;
	v14 =	vnsel vm2, $0x0, v13;
	vm4 =	vmand vm6, vm4;
	vm2 =	vmneg vm15  }
0x4fd: {  	vm6 =	vmor vm15, vm7;
	[tilespmem:s14+$0x16080] =	vst v14;
	v14 =	vnsel vm5, $0x0, v13;
	vm5 =	vmand vm7, vm2  }
0x4fe: {  	vm2 =	vmor vm6, vm3;
	[tilespmem:s14+$0x16100] =	vst v14;
	v14 =	vnsel vm4, $0x0, v13;
	vm4 =	vmneg vm6  }
0x4ff: {  	s15 =	simm.s32 $0x0;
	s17 =	simm.s32 $0x100;
	s20 =	simm.s32 $0x20;
	[tilespmem:s14+$0x16180] =	vst v14;
	v14 =	vnsel vm5, $0x0, v13;
	vm3 =	vmand vm3, vm4;
	vm4 =	vmneg vm2  }
.LBB2_17:
0x500: {  	s1 =	sand.u32 $0x60, s20;
	s5 =	sand.u32 $0x1C00, s17;
	s3 =	sor.u32 s17, s20;
	[tilespmem:s14+$0x16200] =	vst v14;
	v14 =	vnsel vm3, $0x0, v13;
	vm3 =	vmand vm0, vm4;
	vm0 =	vmor vm0, vm1  }
0x501: {  	v10 =	vmax.f32 v10, v12;
	s2 =	sor.u32 s1, s5;
	s11 =	sor.u32 $0xE000, s5;
	s10 =	sor.u32 $0x10, s1;
	[tilespmem:s14+$0x16280] =	vst v14;
	v12 =	vnsel vm3, $0x0, v13;
	vm1 =	vmor vm0, vm2  }
0x502: {  	v11 =	vmul.f32 v11, v9;
	s21 =	sor.u32 $0xE080, s5;
	vm0 =	veq.f32 v0, v10;
	v14 =	vld [tilespmem:s2+$0xC000];
	s14 =	sor.u32 s1, s11;
	s11 =	sor.u32 s10, s11;
	[tilespmem:s16+$0x16000] =	vst v12;
	v12 =	vsel vm1, $0x0, v13  }
0x503: {  	s3 =	sor.u32 $0x380, s3;
	vm2 =	veq.f32 v1, v10;
	vm3 =	veq.f32 v4, v10;
	s1 =	sor.u32 s1, s21;
	vm1 =	veq.f32 v2, v10;
	v13 =	vld [tilespmem:s11+$0x0];
	s11 =	sor.u32 s10, s21;
	[tilespmem:s0+$0x16000] =	vst v12  }
0x504: {  	vm4 =	veq.f32 v6, v10;
	v1 =	vsub.f32 $1.500000000e+00, v11;
	vm9 =	vmor vm0, vm1;
	v12 =	vld [tilespmem:s11+$0x0]  }
0x505: {  	vm7 =	veq.f32 v5, v10;
	vm8 =	veq.f32 v7, v10;
	vm5 =	vmor vm9, vm2;
	v11 =	vld [tilespmem:s14+$0x0]  }
0x506: {  	vm11 =	vne.f32 v8, v10;
	v4 =	vmul.f32 v1, v9;
	vm6 =	vmor vm5, vm3;
	v7 =	vld [tilespmem:s1+$0x0]  }
0x507: {  	vm5 =	vmneg vm5;
	vm12 =	vmor vm6, vm4;
	vm6 =	vmneg vm6;
	v2 =	vld [tilespmem:s2+$0xC080]  }
0x508: {  	s15 =	sadd.s32 $0x2, s15;
	v9 =	vmul.f32 v4, v3;
	vm10 =	vmor vm12, vm7;
	vm12 =	vmneg vm12;
	v1 =	vld [tilespmem:s2+$0xC100]  }
0x509: {  	p1 =	slt.u32 s15, $0x3E;
	v3 =	vmul.f32 v13, v13;
	vm13 =	vmneg vm10;
	v4 =	vld [tilespmem:s2+$0xC180];
	v8 =	vmul.f32 v12, v12  }
0x50a: {  	vm14 =	vmor vm8, vm11;
	vm9 =	vmneg vm9;
	v6 =	vld [tilespmem:s2+$0xC200];
	v11 =	vmul.f32 v11, v11  }
0x50b: {  	vm11 =	vne.f32 v0, v10;
	s14 =	sor.u32 s5, s10;
	v0 =	vmovc v14;
	v5 =	vld [tilespmem:s2+$0xC280];
	v7 =	vmul.f32 v7, v7;
	v13 =	vadd.f32 v8, v3  }
0x50c: {  	s13 =	sadd.s32 $0x1, s13;
	vm7 =	vmand vm7, vm12;
	vm8 =	vmand vm8, vm13;
	v8 =	vmax.f32 v0, v2;
	v14 =	vld [tilespmem:s14+$0xC000]  }
0x50d: {  	s0 =	sand.u32 $0x3, s13;
	v3 =	vadd.f32 v7, v11;
	v15 =	vld [tilespmem:s14+$0xC080];
	v7 =	vshra.s32 v13, $0x1;
	v11 =	vmul.f32 $5.000000000e-01, v13  }
0x50e: {  	s0 =	sshll.u32 s0, $0x5;
	vm10 =	vmor vm14, vm10;
	v10 =	vmax.f32 v1, v4;
	v16 =	vld [tilespmem:s14+$0xC100];
	v12 =	vsub.s32 $0x5F3759DF, v7  }
0x50f: {  	s0 =	sadd.s32 s0, s17;
	v7 =	vshra.s32 v3, $0x1;
	v17 =	vmul.f32 $5.000000000e-01, v3;
	v18 =	vld [tilespmem:s14+$0xC180];
	v19 =	vmul.f32 v12, v11  }
0x510: {  	s1 =	sor.u32 $0x300, s0;
	s0 =	sadd.s32 $0x10, s0;
	v10 =	vmax.f32 v8, v10;
	v20 =	vmax.f32 v6, v5;
	v21 =	vsub.s32 $0x5F3759DF, v7;
	v22 =	vld [tilespmem:s14+$0xC200]  }
0x511: {  	s16 =	sor.u32 $0x300, s0;
	vm4 =	vmand vm4, vm6;
	v7 =	vmul.f32 v21, v17;
	v23 =	vld [tilespmem:s14+$0xC280];
	v8 =	vmul.f32 v12, v19  }
0x512: {  	vm1 =	vmand vm1, vm11;
	vm2 =	vmand vm2, vm9;
	vm3 =	vmand vm3, vm5;
	s0 =	sor.u32 $0x380, s0;
	v19 =	vld [tilespmem:s16+$0xC000]  }
0x513: {  	v24 =	vmul.f32 v21, v7;
	v25 =	vld [tilespmem:s0+$0xC000];
	v26 =	vsub.f32 $1.500000000e+00, v8;
	v8 =	vnsel vm0, $0x0, v9  }
0x514: {  	v27 =	vnsel vm1, $0x0, v9;
	v28 =	vnsel vm2, $0x0, v9;
	v29 =	vnsel vm3, $0x0, v9;
	v7 =	vld [tilespmem:s1+$0xC000];
	[tilespmem:s6+$0x16000] =	vst v8  }
0x515: {  	v8 =	vld [tilespmem:s3+$0xC000];
	v24 =	vsub.f32 $1.500000000e+00, v24;
	v26 =	vmul.f32 v12, v26;
	[tilespmem:s6+$0x16080] =	vst v27;
	v12 =	vnsel vm4, $0x0, v9  }
0x516: {  	v30 =	vsel vm10, $0x0, v9;
	v27 =	vnsel vm7, $0x0, v9;
	[tilespmem:s6+$0x16100] =	vst v28;
	v28 =	vnsel vm8, $0x0, v9  }
0x517: {  	v9 =	vmul.f32 v21, v24;
	v21 =	vmax.f32 v14, v15;
	v11 =	vmul.f32 v26, v11;
	[tilespmem:s6+$0x16180] =	vst v29  }
0x518: {  	v24 =	vmax.f32 v16, v18;
	v29 =	vmax.f32 v22, v23;
	v31 =	vmax.f32 v19, v25;
	[tilespmem:s6+$0x16200] =	vst v12  }
0x519: {  	v12 =	vmax.f32 v21, v24;
	v21 =	vmax.f32 v29, v31;
	v24 =	vmul.f32 v11, v26;
	[tilespmem:s6+$0x16280] =	vst v27;
	s6 =	smov.u32 s2  }
0x51a: {  	v11 =	vmul.f32 v9, v17;
	v27 =	vmax.f32 v7, v8;
	v17 =	vmax.f32 v12, v21;
	[tilespmem:s9+$0x16000] =	vst v28;
	s9 =	smov.u32 s1  }
0x51b: {  	v12 =	vmax.f32 v20, v27;
	vm2 =	vne.f32 v14, v17;
	v20 =	vsub.f32 $1.500000000e+00, v24;
	[tilespmem:s12+$0x16000] =	vst v30;
	s12 =	smov.u32 s3  }
0x51c: {  	vm3 =	veq.f32 v23, v17;
	vm0 =	veq.f32 v19, v17;
	vm1 =	vne.f32 v25, v17  }
0x51d: {  	vm4 =	veq.f32 v14, v17;
	vm5 =	veq.f32 v15, v17;
	v14 =	vmul.f32 v20, v26  }
0x51e: {  	vm6 =	veq.f32 v18, v17;
	vm7 =	veq.f32 v22, v17;
	vm8 =	vmor vm4, vm5  }
0x51f: {  	vm9 =	veq.f32 v16, v17;
	vm10 =	vmneg vm8;
	v13 =	vmul.f32 v14, v13  }
0x520: {  	vm2 =	vmand vm5, vm2;
	vm8 =	vmor vm8, vm9;
	vm5 =	vmand vm9, vm10  }
.Ltmp9:
0x521: {  	vm9 =	vmor vm8, vm6;
	v14 =	vnsel vm4, $0x0, v13;
	vm4 =	vmneg vm8;
	(pc) =	sbr.rel @p1 .LBB2_17-.Ltmp9, $4  }
0x522: {  	[tilespmem:s14+$0x16000] =	vst v14;
	v14 =	vnsel vm2, $0x0, v13;
	vm4 =	vmand vm6, vm4;
	vm2 =	vmneg vm9  }
0x523: {  	vm6 =	vmor vm9, vm7;
	[tilespmem:s14+$0x16080] =	vst v14;
	v14 =	vnsel vm5, $0x0, v13;
	vm5 =	vmand vm7, vm2  }
0x524: {  	vm2 =	vmor vm6, vm3;
	[tilespmem:s14+$0x16100] =	vst v14;
	v14 =	vnsel vm4, $0x0, v13;
	vm4 =	vmneg vm6  }
0x525: {  	s20 =	sadd.s32 $0x20, s20;
	s17 =	sadd.s32 $0x100, s17;
	[tilespmem:s14+$0x16180] =	vst v14;
	v14 =	vnsel vm5, $0x0, v13;
	vm3 =	vmand vm3, vm4;
	vm4 =	vmneg vm2  }
0x526: {  	v10 =	vmax.f32 v10, v12  }
0x527: {  	v52 =	vnsel vm3, $0x0, v13;
	vm13 =	vmand vm0, vm4;
	v11 =	vmul.f32 v11, v9  }
0x528: {  	vm14 =	vmor vm0, vm1;
	vm1 =	veq.f32 v2, v10;
	v53 =	vnsel vm13, $0x0, v13  }
0x529: {  	vm0 =	vmor vm14, vm2;
	vm2 =	veq.f32 v0, v10;
	v11 =	vsub.f32 $1.500000000e+00, v11  }
0x52a: {  	vm3 =	veq.f32 v4, v10;
	vm4 =	veq.f32 v6, v10;
	vm6 =	veq.f32 v5, v10  }
0x52b: {  	vm7 =	veq.f32 v7, v10;
	vm9 =	vne.f32 v8, v10;
	v55 =	vmul.f32 v11, v9  }
0x52c: {  	[tilespmem:s14+$0x16200] =	vst v14;
	v54 =	vsel vm0, $0x0, v13;
	vm0 =	veq.f32 v1, v10;
	vm5 =	vmor vm2, vm1  }
0x52d: {  	[tilespmem:s14+$0x16280] =	vst v52;
	vm12 =	vne.f32 v0, v10;
	vm8 =	vmor vm5, vm0;
	v1 =	vmul.f32 v55, v3  }
0x52e: {  	[tilespmem:s16+$0x16000] =	vst v53;
	vm1 =	vmand vm1, vm12;
	vm5 =	vmneg vm5;
	vm10 =	vmor vm8, vm3  }
0x52f: {  	[tilespmem:s0+$0x16000] =	vst v54;
	vm8 =	vmneg vm8;
	vm0 =	vmand vm0, vm5;
	v56 =	vnsel vm2, $0x0, v1  }
0x530: {  	vm11 =	vmor vm10, vm4;
	vm15 =	vmneg vm10;
	v57 =	vnsel vm1, $0x0, v1;
	[tilespmem:s6+$0x16000] =	vst v56  }
0x531: {  	vm3 =	vmand vm3, vm8;
	vm10 =	vmor vm11, vm6;
	v58 =	vnsel vm0, $0x0, v1;
	[tilespmem:s6+$0x16080] =	vst v57  }
0x532: {  	vm12 =	vmneg vm11;
	vm2 =	vmand vm4, vm15;
	v59 =	vnsel vm3, $0x0, v1;
	[tilespmem:s6+$0x16100] =	vst v58  }
0x533: {  	vm13 =	vmneg vm10;
	vm0 =	vmand vm6, vm12;
	v60 =	vnsel vm2, $0x0, v1;
	[tilespmem:s6+$0x16180] =	vst v59  }
0x534: {  	vm14 =	vmor vm7, vm9;
	vm3 =	vmand vm7, vm13;
	v61 =	vnsel vm0, $0x0, v1;
	[tilespmem:s6+$0x16200] =	vst v60  }
0x535: {  	vm15 =	vmor vm14, vm10;
	v62 =	vnsel vm3, $0x0, v1;
	[tilespmem:s6+$0x16280] =	vst v61  }
0x536: {  	v63 =	vsel vm15, $0x0, v1;
	[tilespmem:s9+$0x16000] =	vst v62  }
0x537: {  	s9 =	simm.s32 $0x16000;
	[tilespmem:s12+$0x16000] =	vst v63  }
0x538: {  	[hbm4b:s4+s30] =	stream.strided.scatter [tilespmem:s9], [sflag:$0x8], $0x400, s31, s30, $0x38;
	[tilespmem:$0x18000] =	vst v63  }
0x539: {  	s10 =	sadd.s32 $0x80, s4;
	s1 =	simm.s32 $0x16400  }
0x53a: {  	[hbm4b:s10+s30] =	stream.strided.scatter [tilespmem:s1], [sflag:$0x8], $0x400, s31, s30, $0x38;
	[tilespmem:$0x18000] =	vst v63  }
0x53b: {  	s11 =	sadd.s32 $0x100, s4;
	s12 =	simm.s32 $0x16800  }
0x53c: {  	[hbm4b:s11+s30] =	stream.strided.scatter [tilespmem:s12], [sflag:$0x8], $0x400, s31, s30, $0x38;
	[tilespmem:$0x18000] =	vst v63  }
0x53d: {  	s13 =	sadd.s32 $0x180, s4;
	s14 =	simm.s32 $0x16C00  }
0x53e: {  	[hbm4b:s13+s30] =	stream.strided.scatter [tilespmem:s14], [sflag:$0x8], $0x400, s31, s30, $0x38;
	[tilespmem:$0x18000] =	vst v63  }
0x53f: {  	s15 =	sadd.s32 $0x200, s4;
	s16 =	simm.s32 $0x17000  }
0x540: {  	[hbm4b:s15+s30] =	stream.strided.scatter [tilespmem:s16], [sflag:$0x8], $0x400, s31, s30, $0x38;
	[tilespmem:$0x18000] =	vst v63  }
0x541: {  	s17 =	sadd.s32 $0x280, s4;
	s20 =	simm.s32 $0x17400  }
0x542: {  	[hbm4b:s17+s30] =	stream.strided.scatter [tilespmem:s20], [sflag:$0x8], $0x400, s31, s30, $0x38;
	[tilespmem:$0x18000] =	vst v63  }
.Ltmp10:
0x543: {  	_ = 	snop;
	(pc) =	sbr.rel @p0 .LBB2_20-.Ltmp10, $4  }
0x544: {  	s21 =	sadd.s32 $0x300, s4;
	s22 =	simm.s32 $0x17800  }
0x545: {  	[hbm4b:s21+s30] =	stream.strided.scatter [tilespmem:s22], [sflag:$0x8], $0x400, s31, s30, $0x38;
	[tilespmem:$0x18000] =	vst v63  }
0x546: {  	s25 =	sadd.s32 $0x380, s4;
	s29 =	simm.s32 $0x17C00  }
0x547: {  	[hbm4b:s25+s30] =	stream.strided.scatter [tilespmem:s29], [sflag:$0x8], $0x400, s31, s30, $0x38;
	[tilespmem:$0x18000] =	vst v63  }
0x548: {  	s0 =	sadd.s32 $0x6, s8  }
0x549: {  	s1 =	sshll.u32 s0, $0x7;
	s0 =	sshll.u32 s0, $0x3  }
0x54a: {  	s1 =	sand.u32 $0xFFFF800, s1;
	s0 =	sand.u32 $0x70, s0  }
0x54b: {  	s0 =	sor.u32 s0, s1  }
0x54c: {  	s15 =	simm.s32 $0xC000;
	s0 =	sadd.s32 s0, s19  }
0x54d: {  	[tilespmem:s15], [sflag:$0x4] =	stream.strided.gather [hbm4b:s0+s30], $0x400, s31, s30, $0x38;
	[tilespmem:$0x18000] =	vst v63  }
0x54e: {  	s2 =	simm.s32 $0xC400;
	s16 =	sadd.s32 $0x80, s0  }
0x54f: {  	[tilespmem:s2], [sflag:$0x4] =	stream.strided.gather [hbm4b:s16+s30], $0x400, s31, s30, $0x38;
	[tilespmem:$0x18000] =	vst v63  }
0x550: {  	s20 =	simm.s32 $0xC800;
	s17 =	sadd.s32 $0x100, s0  }
0x551: {  	[tilespmem:s20], [sflag:$0x4] =	stream.strided.gather [hbm4b:s17+s30], $0x400, s31, s30, $0x38;
	[tilespmem:$0x18000] =	vst v63  }
0x552: {  	s22 =	simm.s32 $0xCC00;
	s21 =	sadd.s32 $0x180, s0  }
0x553: {  	[tilespmem:s22], [sflag:$0x4] =	stream.strided.gather [hbm4b:s21+s30], $0x400, s31, s30, $0x38;
	[tilespmem:$0x18000] =	vst v63  }
0x554: {  	s29 =	simm.s32 $0xD000;
	s25 =	sadd.s32 $0x200, s0  }
0x555: {  	[tilespmem:s29], [sflag:$0x4] =	stream.strided.gather [hbm4b:s25+s30], $0x400, s31, s30, $0x38;
	[tilespmem:$0x18000] =	vst v63  }
0x556: {  	s3 =	simm.s32 $0xD400;
	s2 =	sadd.s32 $0x280, s0  }
0x557: {  	[tilespmem:s3], [sflag:$0x4] =	stream.strided.gather [hbm4b:s2+s30], $0x400, s31, s30, $0x38;
	[tilespmem:$0x18000] =	vst v63  }
0x558: {  	s5 =	simm.s32 $0xD800;
	s4 =	sadd.s32 $0x300, s0  }
0x559: {  	[tilespmem:s5], [sflag:$0x4] =	stream.strided.gather [hbm4b:s4+s30], $0x400, s31, s30, $0x38;
	[tilespmem:$0x18000] =	vst v63  }
0x55a: {  	s8 =	simm.s32 $0xDC00;
	s6 =	sadd.s32 $0x380, s0  }
0x55b: {  	[tilespmem:s8], [sflag:$0x4] =	stream.strided.gather [hbm4b:s6+s30], $0x400, s31, s30, $0x38;
	[tilespmem:$0x18000] =	vst v63  }
0x55c: {  	s9 =	simm.s32 $0xE000;
	s0 =	sadd.s32 $0x400000, s0  }
0x55d: {  	[tilespmem:s9], [sflag:$0x4] =	stream.strided.gather [hbm4b:s0+s30], $0x100, s31, s30, $0x38;
	[tilespmem:$0x18000] =	vst v63  }
0x55e: {  	s11 =	simm.s32 $0xE400;
	s10 =	sadd.s32 $0x80, s0  }
0x55f: {  	[tilespmem:s11], [sflag:$0x4] =	stream.strided.gather [hbm4b:s10+s30], $0x100, s31, s30, $0x38;
	[tilespmem:$0x18000] =	vst v63  }
0x560: {  	s13 =	simm.s32 $0xE800;
	s12 =	sadd.s32 $0x100, s0  }
0x561: {  	[tilespmem:s13], [sflag:$0x4] =	stream.strided.gather [hbm4b:s12+s30], $0x100, s31, s30, $0x38;
	[tilespmem:$0x18000] =	vst v63  }
0x562: {  	s15 =	simm.s32 $0xEC00;
	s14 =	sadd.s32 $0x180, s0  }
0x563: {  	[tilespmem:s15], [sflag:$0x4] =	stream.strided.gather [hbm4b:s14+s30], $0x100, s31, s30, $0x38;
	[tilespmem:$0x18000] =	vst v63  }
0x564: {  	s16 =	sadd.s32 $0x200, s0;
	s17 =	simm.s32 $0xF000  }
0x565: {  	[tilespmem:s17], [sflag:$0x4] =	stream.strided.gather [hbm4b:s16+s30], $0x100, s31, s30, $0x38;
	[tilespmem:$0x18000] =	vst v63  }
0x566: {  	s20 =	sadd.s32 $0x280, s0;
	s21 =	simm.s32 $0xF400  }
0x567: {  	[tilespmem:s21], [sflag:$0x4] =	stream.strided.gather [hbm4b:s20+s30], $0x100, s31, s30, $0x38;
	[tilespmem:$0x18000] =	vst v63  }
.Ltmp11:
0x568: {  	_ = 	snop;
	(pc) =	sbr.rel .LBB2_10-.Ltmp11, $4  }
0x569: {  	s22 =	sadd.s32 $0x300, s0;
	s25 =	simm.s32 $0xF800  }
0x56a: {  	[tilespmem:s25], [sflag:$0x4] =	stream.strided.gather [hbm4b:s22+s30], $0x100, s31, s30, $0x38;
	[tilespmem:$0x18000] =	vst v63  }
0x56b: {  	s7 =	sadd.s32 $0x1, s7;
	s29 =	simm.s32 $0xFC00;
	s0 =	sadd.s32 $0x380, s0  }
0x56c: {  	[tilespmem:s29], [sflag:$0x4] =	stream.strided.gather [hbm4b:s0+s30], $0x100, s31, s30, $0x38;
	[tilespmem:$0x18000] =	vst v63  }
.LBB2_21:
0x56d: {  	_ =	sfence.sel $0x180000  }
0x56e: {  	[bflag:$0x0] =	sbarrier.arrive $0xFFFF  }
0x56f: {  	_ =	strace $0x90000047  }
0x570: {  	s0 =	stileid.u32;
	[bflag:$0x2] =	sbarrier.arrive $0xFFFF  }
0x571: {  	p0 =	sne.s32 s0, $0x0;
	s0 =	rddreg [dreg:$0x2]  }
0x572: {  	s0 =	sadd.s32 @!p0 $0x100000, s0  }
0x573: {  	[sflag:s0] =	ssyncadd.tile.s32 @!p0 $0x1;
	_ =	shalt  }
.Lfunc_end2:
_tile_overlayer_lowered:
.L_overlay_start_2:
0x574: {  	(tag) =	ssettag $0x2  }
0x575: {  	s0 =	rddreg [dreg:$0x0];
	s2 =	stileid.u32  }
0x576: {  	s1 =	rddreg [dreg:$0x1];
	p0 =	sne.s32 s2, $0x0  }
0x577: {  	s3 =	rddreg [dreg:$0x2];
	[bflag:$0x3] =	sbarrier.arrive $0xFFFF;
	s2 =	simm.s32 @!p0 $0x1C09  }
0x578: {  	[timem:s3], [sflag:s2] =	dma.local @!p0 [hbm:s0], s1  }
0x579: {  	s0 =	simm.s32 @!p0 $0x9  }
0x57a: {  	_ =	swait.ge @!p0 [sflag:s0], s1  }
0x57b: {  	s1 =	ssub.s32 @!p0 $0x0, s1;
	[sflag:s0] =	ssyncset.done @!p0 $0x0  }
0x57c: {  	[sflag:s0] =	ssyncadd.s32 @!p0 s1  }
0x57d: {  	[bflag:$0x3] =	sbarrier.arrive $0xFFFF  }
0x57e: {  	_ =	shalt  }

</sc_bundles>
